<compile_context>
chip_gen: v7x
topology: tpu7x:2x2x1
jax: 0.10.2.dev20260603
libtpu: 0.0.44.dev20260713+nightly
codegen_flags: <defaults>
</compile_context>

<pallas_src>
import functools

import jax
import jax.numpy as jnp
from jax import lax
from jax.experimental import pallas as pl
from jax.experimental.pallas import tpu as pltpu
from jax.experimental.pallas import tpu_sc as plsc

N_PAD = 10240
E_PAD = 327680
NB = 1024
GRID = N_PAD // NB
NW = 32
EDGES_PER_W = E_PAD // NW
CHUNK = 128
CHUNKS_PER_W = EDGES_PER_W // CHUNK
ROWS_PER_TILE = N_PAD // 16
H = 128
G = 128

_MESH = plsc.VectorSubcoreMesh(core_axis_name="c", subcore_axis_name="s")



@functools.partial(
    pl.kernel,
    out_type=jax.ShapeDtypeStruct((NW, N_PAD), jnp.float32),
    mesh=_MESH,
    scratch_types=[
        pltpu.VMEM((EDGES_PER_W,), jnp.int32),
        pltpu.VMEM((N_PAD,), jnp.float32),
    ],
    compiler_params=pltpu.CompilerParams(needs_layout_passes=False),
)
def _sc_degree(dst_hbm, out_hbm, dst_v, deg_v):
    w = lax.axis_index("c") * 16 + lax.axis_index("s")
    base = pl.multiple_of(w * EDGES_PER_W, 8)
    pltpu.sync_copy(dst_hbm.at[pl.ds(base, EDGES_PER_W)], dst_v)

    zeros16 = jnp.zeros((16,), jnp.float32)

    def zero_body(i, _):
        deg_v[pl.ds(i * 16, 16)] = zeros16
        return 0

    lax.fori_loop(0, N_PAD // 16, zero_body, 0)

    ones16 = jnp.ones((16,), jnp.float32)

    def hist_body(i, _):
        d = dst_v[pl.ds(i * 16, 16)]
        plsc.addupdate_scatter(deg_v, [d], ones16)
        return 0

    lax.fori_loop(0, EDGES_PER_W // 16, hist_body, 0)
    pltpu.sync_copy(deg_v, out_hbm.at[w])


@functools.partial(
    pl.kernel,
    out_type=jax.ShapeDtypeStruct((2, N_PAD, H), jnp.float32),
    mesh=_MESH,
    scratch_types=[
        pltpu.VMEM_SHARED((N_PAD, H), jnp.float32),
        pltpu.VMEM((EDGES_PER_W,), jnp.int32),
        pltpu.VMEM((CHUNK,), jnp.int32),
        pltpu.VMEM((CHUNK,), jnp.int32),
        pltpu.VMEM((CHUNK,), jnp.int32),
        pltpu.VMEM((CHUNK,), jnp.int32),
        pltpu.VMEM((CHUNK, H), jnp.float32),
        pltpu.VMEM((CHUNK, H), jnp.float32),
        pltpu.SemaphoreType.DMA,
        pltpu.SemaphoreType.DMA,
        pltpu.SemaphoreType.DMA,
        pltpu.SemaphoreType.DMA,
    ],
)
def _sc_agg(y_hbm, pk_hbm, zb_hbm, out_hbm,
            agg_sh, pk_v, sb0, db0, sb1, db1, rows0, rows1, g0, g1, s0, s1):
    c = lax.axis_index("c")
    s = lax.axis_index("s")
    w = c * 16 + s

    pltpu.sync_copy(pk_hbm.at[pl.ds(w * EDGES_PER_W, EDGES_PER_W)], pk_v)
    pltpu.sync_copy(zb_hbm, agg_sh.at[pl.ds(s * ROWS_PER_TILE, ROWS_PER_TILE)])
    plsc.subcore_barrier()

    def unpack(i, sb, db):
        for k in range(CHUNK // 16):
            v = pk_v[pl.ds(i * CHUNK + k * 16, 16)]
            sb[pl.ds(k * 16, 16)] = lax.bitwise_and(v, 0xFFFF)
            db[pl.ds(k * 16, 16)] = lax.shift_right_logical(v, 16)

    def g_start(sb, buf, sem):
        pltpu.async_copy(y_hbm.at[sb], buf, sem)

    def g_wait(sb, buf, sem):
        pltpu.make_async_copy(y_hbm.at[sb], buf, sem).wait()

    def s_start(db, buf, sem):
        pltpu.async_copy(buf, agg_sh.at[db], sem, add=True)

    def s_wait(db, buf, sem):
        pltpu.make_async_copy(buf, agg_sh.at[db], sem).wait()

    unpack(0, sb0, db0)
    g_start(sb0, rows0, g0)
    unpack(1, sb1, db1)
    g_start(sb1, rows1, g1)
    g_wait(sb0, rows0, g0)
    s_start(db0, rows0, s0)

    def body(j, _):
        a = 2 * j + 1
        g_wait(sb1, rows1, g1)
        s_start(db1, rows1, s1)
        s_wait(db0, rows0, s0)
        unpack(a + 1, sb0, db0)
        g_start(sb0, rows0, g0)
        g_wait(sb0, rows0, g0)
        s_start(db0, rows0, s0)
        s_wait(db1, rows1, s1)
        unpack(a + 2, sb1, db1)
        g_start(sb1, rows1, g1)
        return 0

    lax.fori_loop(0, (CHUNKS_PER_W - 2) // 2, body, 0)

    g_wait(sb1, rows1, g1)
    s_start(db1, rows1, s1)
    s_wait(db0, rows0, s0)
    s_wait(db1, rows1, s1)

    plsc.subcore_barrier()
    r0 = s * ROWS_PER_TILE
    pltpu.sync_copy(agg_sh.at[pl.ds(r0, ROWS_PER_TILE)],
                    out_hbm.at[c, pl.ds(r0, ROWS_PER_TILE)])



def _dinv_of(degp_blk):
    return lax.rsqrt(1.0 + jnp.sum(degp_blk, axis=0))


def _tc_pre_body(x_ref, w_ref, degp_ref, y_ref):
    dinv = _dinv_of(degp_ref[...])
    xw = jnp.dot(x_ref[...], w_ref[...], preferred_element_type=jnp.float32)
    y_ref[...] = xw * dinv[:, None]


def _tc_mid_body(y_ref, p_ref, b_ref, degp_ref, w_ref, o_ref):
    dinv = _dinv_of(degp_ref[...])
    agg = y_ref[...] + p_ref[0] + p_ref[1]
    h = jnp.maximum(agg * dinv[:, None] + b_ref[...], 0.0)
    hw = jnp.dot(h, w_ref[...], preferred_element_type=jnp.float32)
    o_ref[...] = hw * dinv[:, None]


def _tc_last_body(y_ref, p_ref, b_ref, degp_ref, batch_ref, wl_ref, bl_ref,
                  o_ref, sums_acc, cnt_acc):
    i = pl.program_id(0)

    @pl.when(i == 0)
    def _():
        sums_acc[...] = jnp.zeros_like(sums_acc)
        cnt_acc[...] = jnp.zeros_like(cnt_acc)

    dinv = _dinv_of(degp_ref[...])
    agg = y_ref[...] + p_ref[0] + p_ref[1]
    h = jnp.maximum(agg * dinv[:, None] + b_ref[...], 0.0)

    gid = lax.broadcasted_iota(jnp.int32, (G, NB), 0)
    m = (batch_ref[...] == gid).astype(jnp.float32)
    sums_acc[...] += jnp.dot(m, h, preferred_element_type=jnp.float32)
    cnt_acc[...] += jnp.sum(m, axis=1, keepdims=True)

    @pl.when(i == GRID - 1)
    def _():
        pooled = sums_acc[...] / jnp.maximum(cnt_acc[...], 1.0)
        o_ref[...] = jnp.dot(pooled, wl_ref[...],
                             preferred_element_type=jnp.float32) + bl_ref[...]


_row_spec = pl.BlockSpec((NB, H), lambda i: (i, 0))
_p_spec = pl.BlockSpec((2, NB, H), lambda i: (0, i, 0))
_w_spec = pl.BlockSpec((H, H), lambda i: (0, 0))
_b_spec = pl.BlockSpec((1, H), lambda i: (0, 0))
_degp_spec = pl.BlockSpec((NW, NB), lambda i: (0, i))
_batch_spec = pl.BlockSpec((1, NB), lambda i: (0, i))

_tc_pre = pl.pallas_call(
    _tc_pre_body,
    grid=(GRID,),
    in_specs=[_row_spec, _w_spec, _degp_spec],
    out_specs=_row_spec,
    out_shape=jax.ShapeDtypeStruct((N_PAD, H), jnp.float32),
)

_tc_mid = pl.pallas_call(
    _tc_mid_body,
    grid=(GRID,),
    in_specs=[_row_spec, _p_spec, _b_spec, _degp_spec, _w_spec],
    out_specs=_row_spec,
    out_shape=jax.ShapeDtypeStruct((N_PAD, H), jnp.float32),
)

_tc_last = pl.pallas_call(
    _tc_last_body,
    grid=(GRID,),
    in_specs=[_row_spec, _p_spec, _b_spec, _degp_spec, _batch_spec,
              _w_spec, _b_spec],
    out_specs=pl.BlockSpec((G, H), lambda i: (0, 0)),
    out_shape=jax.ShapeDtypeStruct((G, H), jnp.float32),
    scratch_shapes=[pltpu.VMEM((G, H), jnp.float32),
                    pltpu.VMEM((G, 1), jnp.float32)],
)



def kernel(x, edge_index, batch, W1, b1, W2, b2, W3, b3, Wl, bl):
    n, f_in = x.shape
    e = edge_index.shape[1]
    c_out = Wl.shape[1]

    pad_node = n + jnp.arange(E_PAD - e, dtype=jnp.int32) % (N_PAD - n)
    src = jnp.concatenate([edge_index[0], pad_node])
    dst = jnp.concatenate([edge_index[1], pad_node])

    x_pad = jnp.pad(x, ((0, N_PAD - n), (0, 0)))
    batch2d = jnp.pad(batch, (0, N_PAD - n),
                      constant_values=G).reshape(1, N_PAD)
    wl_pad = jnp.pad(Wl, ((0, 0), (0, H - c_out)))
    bl_pad = jnp.pad(bl, (0, H - c_out)).reshape(1, H)
    zb = jnp.zeros((ROWS_PER_TILE, H), jnp.float32)

    pk = jnp.bitwise_or(src, jnp.left_shift(dst, 16))

    degp = _sc_degree(dst)

    y1 = _tc_pre(x_pad, W1, degp)
    p1 = _sc_agg(y1, pk, zb)
    y2 = _tc_mid(y1, p1, b1.reshape(1, H), degp, W2)
    p2 = _sc_agg(y2, pk, zb)
    y3 = _tc_mid(y2, p2, b2.reshape(1, H), degp, W3)
    p3 = _sc_agg(y3, pk, zb)
    out = _tc_last(y3, p3, b3.reshape(1, H), degp, batch2d, wl_pad, bl_pad)
    return out[:, :c_out]

# --- scband reference (transcript-rebuilt; emitter-appended) ---
"""Pipeline reference for scband-gcn-10642928960106 (READ-ONLY COPY).

The authoritative reference and input builder live on the scoring server;
editing this copy changes nothing except your own understanding.
"""

import jax, jax.numpy as jnp
import numpy as np

N = 10000
E = 320000
F_IN = 128
H = 128
C = 10
G = 128


def setup_inputs(seed: int = 0) -> dict:
    key = jax.random.key(seed)
    ks = jax.random.split(key, 12)
    x = jax.random.normal(ks[0], (N, F_IN), dtype=jnp.float32)
    edge_index = jax.random.randint(ks[1], (2, E), 0, N, dtype=jnp.int32)
    batch = jnp.sort(jax.random.randint(ks[2], (N,), 0, G, dtype=jnp.int32))
    W1 = jax.random.normal(ks[3], (F_IN, H), dtype=jnp.float32) * 0.05
    b1 = jnp.zeros((H,), dtype=jnp.float32)
    W2 = jax.random.normal(ks[4], (H, H), dtype=jnp.float32) * 0.05
    b2 = jnp.zeros((H,), dtype=jnp.float32)
    W3 = jax.random.normal(ks[5], (H, H), dtype=jnp.float32) * 0.05
    b3 = jnp.zeros((H,), dtype=jnp.float32)
    Wl = jax.random.normal(ks[6], (H, C), dtype=jnp.float32) * 0.05
    bl = jnp.zeros((C,), dtype=jnp.float32)
    return {"x": x, "edge_index": edge_index, "batch": batch,
            "W1": W1, "b1": b1, "W2": W2, "b2": b2, "W3": W3, "b3": b3,
            "Wl": Wl, "bl": bl}


def _gcn_layer(x, src, dst, W, b):
    # GCNConv: D^{-1/2} (A + I) D^{-1/2} X W + b  (add_self_loops, symmetric norm)
    n = x.shape[0]
    xw = x @ W
    loop = jnp.arange(n, dtype=src.dtype)
    s = jnp.concatenate([src, loop])
    d = jnp.concatenate([dst, loop])
    ones = jnp.ones(s.shape[0], dtype=x.dtype)
    deg = jax.ops.segment_sum(ones, d, num_segments=n)
    dinv = jnp.where(deg > 0, jax.lax.rsqrt(deg), 0.0)
    norm = dinv[s] * dinv[d]
    msg = xw[s] * norm[:, None]
    out = jax.ops.segment_sum(msg, d, num_segments=n)
    return out + b


def reference(x, edge_index, batch, W1, b1, W2, b2, W3, b3, Wl, bl):
    src = edge_index[0]
    dst = edge_index[1]
    h = jax.nn.relu(_gcn_layer(x, src, dst, W1, b1))
    h = jax.nn.relu(_gcn_layer(h, src, dst, W2, b2))
    h = jax.nn.relu(_gcn_layer(h, src, dst, W3, b3))
    # global_mean_pool over graph ids
    sums = jax.ops.segment_sum(h, batch, num_segments=G)
    cnt = jax.ops.segment_sum(jnp.ones((h.shape[0],), dtype=h.dtype), batch, num_segments=G)
    pooled = sums / jnp.maximum(cnt, 1.0)[:, None]
    # dropout is identity in eval mode
    return pooled @ Wl + bl

if __name__ == "__main__":
    import jax
    _d = setup_inputs()
    print(jax.jit(kernel)(*tuple(_d.values())))

</pallas_src>

<mosaic_0001>
#map = affine_map<(d0, d1) -> (0, 0)>
#map1 = affine_map<(d0, d1) -> (0)>
#map2 = affine_map<(d0, d1) -> (0, 0, 0)>
module attributes {stable_mosaic.version = 14 : i64} {
  func.func @_sc_agg(%arg0: i32, %arg1: i32, %arg2: memref<10240x128xf32, #tpu.memory_space<hbm>>, %arg3: memref<327680xi32, #tpu.memory_space<hbm>>, %arg4: memref<640x128xf32, #tpu.memory_space<hbm>>, %arg5: memref<2x10240x128xf32, #tpu.memory_space<hbm>>, %arg6: memref<10240x128xf32, #tpu.memory_space<vmem_shared>>, %arg7: memref<10240xi32, #tpu.memory_space<vmem>>, %arg8: memref<128xi32, #tpu.memory_space<vmem>>, %arg9: memref<128xi32, #tpu.memory_space<vmem>>, %arg10: memref<128xi32, #tpu.memory_space<vmem>>, %arg11: memref<128xi32, #tpu.memory_space<vmem>>, %arg12: memref<128x128xf32, #tpu.memory_space<vmem>>, %arg13: memref<128x128xf32, #tpu.memory_space<vmem>>, %arg14: memref<!tpu.dma_semaphore, #tpu.memory_space<semaphore_mem>>, %arg15: memref<!tpu.dma_semaphore, #tpu.memory_space<semaphore_mem>>, %arg16: memref<!tpu.dma_semaphore, #tpu.memory_space<semaphore_mem>>, %arg17: memref<!tpu.dma_semaphore, #tpu.memory_space<semaphore_mem>>) attributes {dimension_semantics = [#tpu.dimension_semantics<core_parallel>, #tpu.dimension_semantics<subcore_parallel>], iteration_bounds = array<i64: 2, 16>, scalar_prefetch = 0 : i64, scratch_operands = 12 : i64, tpu.core_type = #tpu.core_type<sc_vector_subcore>, window_params = [{transform_indices = #map}, {transform_indices = #map1}, {transform_indices = #map}, {transform_indices = #map2}]} {
    %mul3A = arith.constant 16 : i32
    %mul3A_0 = arith.muli %arg0, %mul3A : i32
    %add3A = arith.addi %mul3A_0, %arg1 : i32
    %mul3A_1 = arith.constant 10240 : i32
    %mul3A_2 = arith.muli %add3A, %mul3A_1 : i32
    "tpu.region"() ({
      %run_scoped3A = tpu.sem_alloc : memref<!tpu.dma_semaphore, #tpu.memory_space<semaphore_mem>>
      %dma_start3A_304 = tpu.memref_slice %arg3[%mul3A_2] : memref<327680xi32, #tpu.memory_space<hbm>> -> memref<10240xi32, #tpu.memory_space<hbm>>
      %dma_start3A_305 = tpu.memref_slice %arg3[%mul3A_2] : memref<327680xi32, #tpu.memory_space<hbm>> -> memref<10240xi32, #tpu.memory_space<hbm>>
      tpu.enqueue_dma source(%dma_start3A_305 : memref<10240xi32, #tpu.memory_space<hbm>>) target(%arg7 : memref<10240xi32, #tpu.memory_space<vmem>>) target_semaphore(%run_scoped3A : memref<!tpu.dma_semaphore, #tpu.memory_space<semaphore_mem>>)
      %dma_wait3A_306 = tpu.memref_slice %arg3[%mul3A_2] : memref<327680xi32, #tpu.memory_space<hbm>> -> memref<10240xi32, #tpu.memory_space<hbm>>
      %dma_wait3A_307 = tpu.memref_slice %arg3[%mul3A_2] : memref<327680xi32, #tpu.memory_space<hbm>> -> memref<10240xi32, #tpu.memory_space<hbm>>
      tpu.wait_dma2 semaphore(%run_scoped3A : memref<!tpu.dma_semaphore, #tpu.memory_space<semaphore_mem>>) src(%dma_wait3A_307 : memref<10240xi32, #tpu.memory_space<hbm>>) dst(%arg7 : memref<10240xi32, #tpu.memory_space<vmem>>)
      tpu.yield
    }) : () -> ()
    %mul3A_3 = arith.constant 640 : i32
    %mul3A_4 = arith.muli %arg1, %mul3A_3 : i32
    "tpu.region"() ({
      %run_scoped3A = tpu.sem_alloc : memref<!tpu.dma_semaphore, #tpu.memory_space<semaphore_mem>>
      %dma_start3A_304 = arith.constant 0 : i32
      %dma_start3A_305 = tpu.memref_slice %arg6[%mul3A_4, %dma_start3A_304] : memref<10240x128xf32, #tpu.memory_space<vmem_shared>> -> memref<640x128xf32, #tpu.memory_space<vmem_shared>>
      tpu.enqueue_dma source(%arg4 : memref<640x128xf32, #tpu.memory_space<hbm>>) target(%dma_start3A_305 : memref<640x128xf32, #tpu.memory_space<vmem_shared>>) target_semaphore(%run_scoped3A : memref<!tpu.dma_semaphore, #tpu.memory_space<semaphore_mem>>)
      %dma_wait3A_306 = arith.constant 0 : i32
      %dma_wait3A_307 = tpu.memref_slice %arg6[%mul3A_4, %dma_wait3A_306] : memref<10240x128xf32, #tpu.memory_space<vmem_shared>> -> memref<640x128xf32, #tpu.memory_space<vmem_shared>>
      tpu.wait_dma2 semaphore(%run_scoped3A : memref<!tpu.dma_semaphore, #tpu.memory_space<semaphore_mem>>) src(%arg4 : memref<640x128xf32, #tpu.memory_space<hbm>>) dst(%dma_wait3A_307 : memref<640x128xf32, #tpu.memory_space<vmem_shared>>)
      tpu.yield
    }) : () -> ()
    %barrier3A = arith.constant 0 : index
    tpu.barrier barrier_id(%barrier3A)
    %get3A = arith.constant 0 : index
    %get3A_5 = tpu.vector_load %arg7[%get3A] {strides = array<i32>} : memref<10240xi32, #tpu.memory_space<vmem>>, vector<16xi32>,
    %get3A_6 = vector.shape_cast %get3A_5 : vector<16xi32> to vector<16xi32>
    %and3A = arith.constant 65535 : i32
    %and3A_7 = vector.broadcast %and3A : i32 to vector<16xi32>
    %and3A_8 = arith.andi %get3A_6, %and3A_7 : vector<16xi32>
    %swap3A = arith.constant 0 : index
    %swap3A_9 = tpu.vector_load %arg8[%swap3A] {strides = array<i32>} : memref<128xi32, #tpu.memory_space<vmem>>, vector<16xi32>,
    %swap3A_10 = vector.shape_cast %swap3A_9 : vector<16xi32> to vector<16xi32>
    %swap3A_11 = vector.shape_cast %and3A_8 : vector<16xi32> to vector<16xi32>
    tpu.vector_store %arg8[%swap3A], %swap3A_11 {strides = array<i32>} : memref<128xi32, #tpu.memory_space<vmem>>, vector<16xi32>,
    %shift_right_logical3A = arith.constant 16 : i32
    %shift_right_logical3A_12 = vector.broadcast %shift_right_logical3A : i32 to vector<16xi32>
    %shift_right_logical3A_13 = arith.shrui %get3A_6, %shift_right_logical3A_12 : vector<16xi32>
    %swap3A_14 = arith.constant 0 : index
    %swap3A_15 = tpu.vector_load %arg9[%swap3A_14] {strides = array<i32>} : memref<128xi32, #tpu.memory_space<vmem>>, vector<16xi32>,
    %swap3A_16 = vector.shape_cast %swap3A_15 : vector<16xi32> to vector<16xi32>
    %swap3A_17 = vector.shape_cast %shift_right_logical3A_13 : vector<16xi32> to vector<16xi32>
    tpu.vector_store %arg9[%swap3A_14], %swap3A_17 {strides = array<i32>} : memref<128xi32, #tpu.memory_space<vmem>>, vector<16xi32>,
    %get3A_18 = arith.constant 16 : index
    %get3A_19 = tpu.vector_load %arg7[%get3A_18] {strides = array<i32>} : memref<10240xi32, #tpu.memory_space<vmem>>, vector<16xi32>,
    %get3A_20 = vector.shape_cast %get3A_19 : vector<16xi32> to vector<16xi32>
    %and3A_21 = arith.constant 65535 : i32
    %and3A_22 = vector.broadcast %and3A_21 : i32 to vector<16xi32>
    %and3A_23 = arith.andi %get3A_20, %and3A_22 : vector<16xi32>
    %swap3A_24 = arith.constant 16 : index
    %swap3A_25 = tpu.vector_load %arg8[%swap3A_24] {strides = array<i32>} : memref<128xi32, #tpu.memory_space<vmem>>, vector<16xi32>,
    %swap3A_26 = vector.shape_cast %swap3A_25 : vector<16xi32> to vector<16xi32>
    %swap3A_27 = vector.shape_cast %and3A_23 : vector<16xi32> to vector<16xi32>
    tpu.vector_store %arg8[%swap3A_24], %swap3A_27 {strides = array<i32>} : memref<128xi32, #tpu.memory_space<vmem>>, vector<16xi32>,
    %shift_right_logical3A_28 = arith.constant 16 : i32
    %shift_right_logical3A_29 = vector.broadcast %shift_right_logical3A_28 : i32 to vector<16xi32>
    %shift_right_logical3A_30 = arith.shrui %get3A_20, %shift_right_logical3A_29 : vector<16xi32>
    %swap3A_31 = arith.constant 16 : index
    %swap3A_32 = tpu.vector_load %arg9[%swap3A_31] {strides = array<i32>} : memref<128xi32, #tpu.memory_space<vmem>>, vector<16xi32>,
    %swap3A_33 = vector.shape_cast %swap3A_32 : vector<16xi32> to vector<16xi32>
    %swap3A_34 = vector.shape_cast %shift_right_logical3A_30 : vector<16xi32> to vector<16xi32>
    tpu.vector_store %arg9[%swap3A_31], %swap3A_34 {strides = array<i32>} : memref<128xi32, #tpu.memory_space<vmem>>, vector<16xi32>,
    %get3A_35 = arith.constant 32 : index
    %get3A_36 = tpu.vector_load %arg7[%get3A_35] {strides = array<i32>} : memref<10240xi32, #tpu.memory_space<vmem>>, vector<16xi32>,
    %get3A_37 = vector.shape_cast %get3A_36 : vector<16xi32> to vector<16xi32>
    %and3A_38 = arith.constant 65535 : i32
    %and3A_39 = vector.broadcast %and3A_38 : i32 to vector<16xi32>
    %and3A_40 = arith.andi %get3A_37, %and3A_39 : vector<16xi32>
    %swap3A_41 = arith.constant 32 : index
    %swap3A_42 = tpu.vector_load %arg8[%swap3A_41] {strides = array<i32>} : memref<128xi32, #tpu.memory_space<vmem>>, vector<16xi32>,
    %swap3A_43 = vector.shape_cast %swap3A_42 : vector<16xi32> to vector<16xi32>
    %swap3A_44 = vector.shape_cast %and3A_40 : vector<16xi32> to vector<16xi32>
    tpu.vector_store %arg8[%swap3A_41], %swap3A_44 {strides = array<i32>} : memref<128xi32, #tpu.memory_space<vmem>>, vector<16xi32>,
    %shift_right_logical3A_45 = arith.constant 16 : i32
    %shift_right_logical3A_46 = vector.broadcast %shift_right_logical3A_45 : i32 to vector<16xi32>
    %shift_right_logical3A_47 = arith.shrui %get3A_37, %shift_right_logical3A_46 : vector<16xi32>
    %swap3A_48 = arith.constant 32 : index
    %swap3A_49 = tpu.vector_load %arg9[%swap3A_48] {strides = array<i32>} : memref<128xi32, #tpu.memory_space<vmem>>, vector<16xi32>,
    %swap3A_50 = vector.shape_cast %swap3A_49 : vector<16xi32> to vector<16xi32>
    %swap3A_51 = vector.shape_cast %shift_right_logical3A_47 : vector<16xi32> to vector<16xi32>
    tpu.vector_store %arg9[%swap3A_48], %swap3A_51 {strides = array<i32>} : memref<128xi32, #tpu.memory_space<vmem>>, vector<16xi32>,
    %get3A_52 = arith.constant 48 : index
    %get3A_53 = tpu.vector_load %arg7[%get3A_52] {strides = array<i32>} : memref<10240xi32, #tpu.memory_space<vmem>>, vector<16xi32>,
    %get3A_54 = vector.shape_cast %get3A_53 : vector<16xi32> to vector<16xi32>
    %and3A_55 = arith.constant 65535 : i32
    %and3A_56 = vector.broadcast %and3A_55 : i32 to vector<16xi32>
    %and3A_57 = arith.andi %get3A_54, %and3A_56 : vector<16xi32>
    %swap3A_58 = arith.constant 48 : index
    %swap3A_59 = tpu.vector_load %arg8[%swap3A_58] {strides = array<i32>} : memref<128xi32, #tpu.memory_space<vmem>>, vector<16xi32>,
    %swap3A_60 = vector.shape_cast %swap3A_59 : vector<16xi32> to vector<16xi32>
    %swap3A_61 = vector.shape_cast %and3A_57 : vector<16xi32> to vector<16xi32>
    tpu.vector_store %arg8[%swap3A_58], %swap3A_61 {strides = array<i32>} : memref<128xi32, #tpu.memory_space<vmem>>, vector<16xi32>,
    %shift_right_logical3A_62 = arith.constant 16 : i32
    %shift_right_logical3A_63 = vector.broadcast %shift_right_logical3A_62 : i32 to vector<16xi32>
    %shift_right_logical3A_64 = arith.shrui %get3A_54, %shift_right_logical3A_63 : vector<16xi32>
    %swap3A_65 = arith.constant 48 : index
    %swap3A_66 = tpu.vector_load %arg9[%swap3A_65] {strides = array<i32>} : memref<128xi32, #tpu.memory_space<vmem>>, vector<16xi32>,
    %swap3A_67 = vector.shape_cast %swap3A_66 : vector<16xi32> to vector<16xi32>
    %swap3A_68 = vector.shape_cast %shift_right_logical3A_64 : vector<16xi32> to vector<16xi32>
    tpu.vector_store %arg9[%swap3A_65], %swap3A_68 {strides = array<i32>} : memref<128xi32, #tpu.memory_space<vmem>>, vector<16xi32>,
    %get3A_69 = arith.constant 64 : index
    %get3A_70 = tpu.vector_load %arg7[%get3A_69] {strides = array<i32>} : memref<10240xi32, #tpu.memory_space<vmem>>, vector<16xi32>,
    %get3A_71 = vector.shape_cast %get3A_70 : vector<16xi32> to vector<16xi32>
    %and3A_72 = arith.constant 65535 : i32
    %and3A_73 = vector.broadcast %and3A_72 : i32 to vector<16xi32>
    %and3A_74 = arith.andi %get3A_71, %and3A_73 : vector<16xi32>
    %swap3A_75 = arith.constant 64 : index
    %swap3A_76 = tpu.vector_load %arg8[%swap3A_75] {strides = array<i32>} : memref<128xi32, #tpu.memory_space<vmem>>, vector<16xi32>,
    %swap3A_77 = vector.shape_cast %swap3A_76 : vector<16xi32> to vector<16xi32>
    %swap3A_78 = vector.shape_cast %and3A_74 : vector<16xi32> to vector<16xi32>
    tpu.vector_store %arg8[%swap3A_75], %swap3A_78 {strides = array<i32>} : memref<128xi32, #tpu.memory_space<vmem>>, vector<16xi32>,
    %shift_right_logical3A_79 = arith.constant 16 : i32
    %shift_right_logical3A_80 = vector.broadcast %shift_right_logical3A_79 : i32 to vector<16xi32>
    %shift_right_logical3A_81 = arith.shrui %get3A_71, %shift_right_logical3A_80 : vector<16xi32>
    %swap3A_82 = arith.constant 64 : index
    %swap3A_83 = tpu.vector_load %arg9[%swap3A_82] {strides = array<i32>} : memref<128xi32, #tpu.memory_space<vmem>>, vector<16xi32>,
    %swap3A_84 = vector.shape_cast %swap3A_83 : vector<16xi32> to vector<16xi32>
    %swap3A_85 = vector.shape_cast %shift_right_logical3A_81 : vector<16xi32> to vector<16xi32>
    tpu.vector_store %arg9[%swap3A_82], %swap3A_85 {strides = array<i32>} : memref<128xi32, #tpu.memory_space<vmem>>, vector<16xi32>,
    %get3A_86 = arith.constant 80 : index
    %get3A_87 = tpu.vector_load %arg7[%get3A_86] {strides = array<i32>} : memref<10240xi32, #tpu.memory_space<vmem>>, vector<16xi32>,
    %get3A_88 = vector.shape_cast %get3A_87 : vector<16xi32> to vector<16xi32>
    %and3A_89 = arith.constant 65535 : i32
    %and3A_90 = vector.broadcast %and3A_89 : i32 to vector<16xi32>
    %and3A_91 = arith.andi %get3A_88, %and3A_90 : vector<16xi32>
    %swap3A_92 = arith.constant 80 : index
    %swap3A_93 = tpu.vector_load %arg8[%swap3A_92] {strides = array<i32>} : memref<128xi32, #tpu.memory_space<vmem>>, vector<16xi32>,
    %swap3A_94 = vector.shape_cast %swap3A_93 : vector<16xi32> to vector<16xi32>
    %swap3A_95 = vector.shape_cast %and3A_91 : vector<16xi32> to vector<16xi32>
    tpu.vector_store %arg8[%swap3A_92], %swap3A_95 {strides = array<i32>} : memref<128xi32, #tpu.memory_space<vmem>>, vector<16xi32>,
    %shift_right_logical3A_96 = arith.constant 16 : i32
    %shift_right_logical3A_97 = vector.broadcast %shift_right_logical3A_96 : i32 to vector<16xi32>
    %shift_right_logical3A_98 = arith.shrui %get3A_88, %shift_right_logical3A_97 : vector<16xi32>
    %swap3A_99 = arith.constant 80 : index
    %swap3A_100 = tpu.vector_load %arg9[%swap3A_99] {strides = array<i32>} : memref<128xi32, #tpu.memory_space<vmem>>, vector<16xi32>,
    %swap3A_101 = vector.shape_cast %swap3A_100 : vector<16xi32> to vector<16xi32>
    %swap3A_102 = vector.shape_cast %shift_right_logical3A_98 : vector<16xi32> to vector<16xi32>
    tpu.vector_store %arg9[%swap3A_99], %swap3A_102 {strides = array<i32>} : memref<128xi32, #tpu.memory_space<vmem>>, vector<16xi32>,
    %get3A_103 = arith.constant 96 : index
    %get3A_104 = tpu.vector_load %arg7[%get3A_103] {strides = array<i32>} : memref<10240xi32, #tpu.memory_space<vmem>>, vector<16xi32>,
    %get3A_105 = vector.shape_cast %get3A_104 : vector<16xi32> to vector<16xi32>
    %and3A_106 = arith.constant 65535 : i32
    %and3A_107 = vector.broadcast %and3A_106 : i32 to vector<16xi32>
    %and3A_108 = arith.andi %get3A_105, %and3A_107 : vector<16xi32>
    %swap3A_109 = arith.constant 96 : index
    %swap3A_110 = tpu.vector_load %arg8[%swap3A_109] {strides = array<i32>} : memref<128xi32, #tpu.memory_space<vmem>>, vector<16xi32>,
    %swap3A_111 = vector.shape_cast %swap3A_110 : vector<16xi32> to vector<16xi32>
    %swap3A_112 = vector.shape_cast %and3A_108 : vector<16xi32> to vector<16xi32>
    tpu.vector_store %arg8[%swap3A_109], %swap3A_112 {strides = array<i32>} : memref<128xi32, #tpu.memory_space<vmem>>, vector<16xi32>,
    %shift_right_logical3A_113 = arith.constant 16 : i32
    %shift_right_logical3A_114 = vector.broadcast %shift_right_logical3A_113 : i32 to vector<16xi32>
    %shift_right_logical3A_115 = arith.shrui %get3A_105, %shift_right_logical3A_114 : vector<16xi32>
    %swap3A_116 = arith.constant 96 : index
    %swap3A_117 = tpu.vector_load %arg9[%swap3A_116] {strides = array<i32>} : memref<128xi32, #tpu.memory_space<vmem>>, vector<16xi32>,
    %swap3A_118 = vector.shape_cast %swap3A_117 : vector<16xi32> to vector<16xi32>
    %swap3A_119 = vector.shape_cast %shift_right_logical3A_115 : vector<16xi32> to vector<16xi32>
    tpu.vector_store %arg9[%swap3A_116], %swap3A_119 {strides = array<i32>} : memref<128xi32, #tpu.memory_space<vmem>>, vector<16xi32>,
    %get3A_120 = arith.constant 112 : index
    %get3A_121 = tpu.vector_load %arg7[%get3A_120] {strides = array<i32>} : memref<10240xi32, #tpu.memory_space<vmem>>, vector<16xi32>,
    %get3A_122 = vector.shape_cast %get3A_121 : vector<16xi32> to vector<16xi32>
    %and3A_123 = arith.constant 65535 : i32
    %and3A_124 = vector.broadcast %and3A_123 : i32 to vector<16xi32>
    %and3A_125 = arith.andi %get3A_122, %and3A_124 : vector<16xi32>
    %swap3A_126 = arith.constant 112 : index
    %swap3A_127 = tpu.vector_load %arg8[%swap3A_126] {strides = array<i32>} : memref<128xi32, #tpu.memory_space<vmem>>, vector<16xi32>,
    %swap3A_128 = vector.shape_cast %swap3A_127 : vector<16xi32> to vector<16xi32>
    %swap3A_129 = vector.shape_cast %and3A_125 : vector<16xi32> to vector<16xi32>
    tpu.vector_store %arg8[%swap3A_126], %swap3A_129 {strides = array<i32>} : memref<128xi32, #tpu.memory_space<vmem>>, vector<16xi32>,
    %shift_right_logical3A_130 = arith.constant 16 : i32
    %shift_right_logical3A_131 = vector.broadcast %shift_right_logical3A_130 : i32 to vector<16xi32>
    %shift_right_logical3A_132 = arith.shrui %get3A_122, %shift_right_logical3A_131 : vector<16xi32>
    %swap3A_133 = arith.constant 112 : index
    %swap3A_134 = tpu.vector_load %arg9[%swap3A_133] {strides = array<i32>} : memref<128xi32, #tpu.memory_space<vmem>>, vector<16xi32>,
    %swap3A_135 = vector.shape_cast %swap3A_134 : vector<16xi32> to vector<16xi32>
    %swap3A_136 = vector.shape_cast %shift_right_logical3A_132 : vector<16xi32> to vector<16xi32>
    tpu.vector_store %arg9[%swap3A_133], %swap3A_136 {strides = array<i32>} : memref<128xi32, #tpu.memory_space<vmem>>, vector<16xi32>,
    %dma_start3A = arith.constant 0 : i32
    %dma_start3A_137 = arith.constant 0 : i32
    %dma_start3A_138 = tpu.memref_slice %arg2[%dma_start3A, %dma_start3A_137] : memref<10240x128xf32, #tpu.memory_space<hbm>> -> memref<10240x128xf32, #tpu.memory_space<hbm>>
    tpu.enqueue_indirect_dma source(%dma_start3A_138 : memref<10240x128xf32, #tpu.memory_space<hbm>>) target(%arg12 : memref<128x128xf32, #tpu.memory_space<vmem>>) offsets(%arg8 : memref<128xi32, #tpu.memory_space<vmem>>) semaphore(%arg14 : memref<!tpu.dma_semaphore, #tpu.memory_space<semaphore_mem>>)
    %get3A_139 = arith.constant 128 : index
    %get3A_140 = tpu.vector_load %arg7[%get3A_139] {strides = array<i32>} : memref<10240xi32, #tpu.memory_space<vmem>>, vector<16xi32>,
    %get3A_141 = vector.shape_cast %get3A_140 : vector<16xi32> to vector<16xi32>
    %and3A_142 = arith.constant 65535 : i32
    %and3A_143 = vector.broadcast %and3A_142 : i32 to vector<16xi32>
    %and3A_144 = arith.andi %get3A_141, %and3A_143 : vector<16xi32>
    %swap3A_145 = arith.constant 0 : index
    %swap3A_146 = tpu.vector_load %arg10[%swap3A_145] {strides = array<i32>} : memref<128xi32, #tpu.memory_space<vmem>>, vector<16xi32>,
    %swap3A_147 = vector.shape_cast %swap3A_146 : vector<16xi32> to vector<16xi32>
    %swap3A_148 = vector.shape_cast %and3A_144 : vector<16xi32> to vector<16xi32>
    tpu.vector_store %arg10[%swap3A_145], %swap3A_148 {strides = array<i32>} : memref<128xi32, #tpu.memory_space<vmem>>, vector<16xi32>,
    %shift_right_logical3A_149 = arith.constant 16 : i32
    %shift_right_logical3A_150 = vector.broadcast %shift_right_logical3A_149 : i32 to vector<16xi32>
    %shift_right_logical3A_151 = arith.shrui %get3A_141, %shift_right_logical3A_150 : vector<16xi32>
    %swap3A_152 = arith.constant 0 : index
    %swap3A_153 = tpu.vector_load %arg11[%swap3A_152] {strides = array<i32>} : memref<128xi32, #tpu.memory_space<vmem>>, vector<16xi32>,
    %swap3A_154 = vector.shape_cast %swap3A_153 : vector<16xi32> to vector<16xi32>
    %swap3A_155 = vector.shape_cast %shift_right_logical3A_151 : vector<16xi32> to vector<16xi32>
    tpu.vector_store %arg11[%swap3A_152], %swap3A_155 {strides = array<i32>} : memref<128xi32, #tpu.memory_space<vmem>>, vector<16xi32>,
    %get3A_156 = arith.constant 144 : index
    %get3A_157 = tpu.vector_load %arg7[%get3A_156] {strides = array<i32>} : memref<10240xi32, #tpu.memory_space<vmem>>, vector<16xi32>,
    %get3A_158 = vector.shape_cast %get3A_157 : vector<16xi32> to vector<16xi32>
    %and3A_159 = arith.constant 65535 : i32
    %and3A_160 = vector.broadcast %and3A_159 : i32 to vector<16xi32>
    %and3A_161 = arith.andi %get3A_158, %and3A_160 : vector<16xi32>
    %swap3A_162 = arith.constant 16 : index
    %swap3A_163 = tpu.vector_load %arg10[%swap3A_162] {strides = array<i32>} : memref<128xi32, #tpu.memory_space<vmem>>, vector<16xi32>,
    %swap3A_164 = vector.shape_cast %swap3A_163 : vector<16xi32> to vector<16xi32>
    %swap3A_165 = vector.shape_cast %and3A_161 : vector<16xi32> to vector<16xi32>
    tpu.vector_store %arg10[%swap3A_162], %swap3A_165 {strides = array<i32>} : memref<128xi32, #tpu.memory_space<vmem>>, vector<16xi32>,
    %shift_right_logical3A_166 = arith.constant 16 : i32
    %shift_right_logical3A_167 = vector.broadcast %shift_right_logical3A_166 : i32 to vector<16xi32>
    %shift_right_logical3A_168 = arith.shrui %get3A_158, %shift_right_logical3A_167 : vector<16xi32>
    %swap3A_169 = arith.constant 16 : index
    %swap3A_170 = tpu.vector_load %arg11[%swap3A_169] {strides = array<i32>} : memref<128xi32, #tpu.memory_space<vmem>>, vector<16xi32>,
    %swap3A_171 = vector.shape_cast %swap3A_170 : vector<16xi32> to vector<16xi32>
    %swap3A_172 = vector.shape_cast %shift_right_logical3A_168 : vector<16xi32> to vector<16xi32>
    tpu.vector_store %arg11[%swap3A_169], %swap3A_172 {strides = array<i32>} : memref<128xi32, #tpu.memory_space<vmem>>, vector<16xi32>,
    %get3A_173 = arith.constant 160 : index
    %get3A_174 = tpu.vector_load %arg7[%get3A_173] {strides = array<i32>} : memref<10240xi32, #tpu.memory_space<vmem>>, vector<16xi32>,
    %get3A_175 = vector.shape_cast %get3A_174 : vector<16xi32> to vector<16xi32>
    %and3A_176 = arith.constant 65535 : i32
    %and3A_177 = vector.broadcast %and3A_176 : i32 to vector<16xi32>
    %and3A_178 = arith.andi %get3A_175, %and3A_177 : vector<16xi32>
    %swap3A_179 = arith.constant 32 : index
    %swap3A_180 = tpu.vector_load %arg10[%swap3A_179] {strides = array<i32>} : memref<128xi32, #tpu.memory_space<vmem>>, vector<16xi32>,
    %swap3A_181 = vector.shape_cast %swap3A_180 : vector<16xi32> to vector<16xi32>
    %swap3A_182 = vector.shape_cast %and3A_178 : vector<16xi32> to vector<16xi32>
    tpu.vector_store %arg10[%swap3A_179], %swap3A_182 {strides = array<i32>} : memref<128xi32, #tpu.memory_space<vmem>>, vector<16xi32>,
    %shift_right_logical3A_183 = arith.constant 16 : i32
    %shift_right_logical3A_184 = vector.broadcast %shift_right_logical3A_183 : i32 to vector<16xi32>
    %shift_right_logical3A_185 = arith.shrui %get3A_175, %shift_right_logical3A_184 : vector<16xi32>
    %swap3A_186 = arith.constant 32 : index
    %swap3A_187 = tpu.vector_load %arg11[%swap3A_186] {strides = array<i32>} : memref<128xi32, #tpu.memory_space<vmem>>, vector<16xi32>,
    %swap3A_188 = vector.shape_cast %swap3A_187 : vector<16xi32> to vector<16xi32>
    %swap3A_189 = vector.shape_cast %shift_right_logical3A_185 : vector<16xi32> to vector<16xi32>
    tpu.vector_store %arg11[%swap3A_186], %swap3A_189 {strides = array<i32>} : memref<128xi32, #tpu.memory_space<vmem>>, vector<16xi32>,
    %get3A_190 = arith.constant 176 : index
    %get3A_191 = tpu.vector_load %arg7[%get3A_190] {strides = array<i32>} : memref<10240xi32, #tpu.memory_space<vmem>>, vector<16xi32>,
    %get3A_192 = vector.shape_cast %get3A_191 : vector<16xi32> to vector<16xi32>
    %and3A_193 = arith.constant 65535 : i32
    %and3A_194 = vector.broadcast %and3A_193 : i32 to vector<16xi32>
    %and3A_195 = arith.andi %get3A_192, %and3A_194 : vector<16xi32>
    %swap3A_196 = arith.constant 48 : index
    %swap3A_197 = tpu.vector_load %arg10[%swap3A_196] {strides = array<i32>} : memref<128xi32, #tpu.memory_space<vmem>>, vector<16xi32>,
    %swap3A_198 = vector.shape_cast %swap3A_197 : vector<16xi32> to vector<16xi32>
    %swap3A_199 = vector.shape_cast %and3A_195 : vector<16xi32> to vector<16xi32>
    tpu.vector_store %arg10[%swap3A_196], %swap3A_199 {strides = array<i32>} : memref<128xi32, #tpu.memory_space<vmem>>, vector<16xi32>,
    %shift_right_logical3A_200 = arith.constant 16 : i32
    %shift_right_logical3A_201 = vector.broadcast %shift_right_logical3A_200 : i32 to vector<16xi32>
    %shift_right_logical3A_202 = arith.shrui %get3A_192, %shift_right_logical3A_201 : vector<16xi32>
    %swap3A_203 = arith.constant 48 : index
    %swap3A_204 = tpu.vector_load %arg11[%swap3A_203] {strides = array<i32>} : memref<128xi32, #tpu.memory_space<vmem>>, vector<16xi32>,
    %swap3A_205 = vector.shape_cast %swap3A_204 : vector<16xi32> to vector<16xi32>
    %swap3A_206 = vector.shape_cast %shift_right_logical3A_202 : vector<16xi32> to vector<16xi32>
    tpu.vector_store %arg11[%swap3A_203], %swap3A_206 {strides = array<i32>} : memref<128xi32, #tpu.memory_space<vmem>>, vector<16xi32>,
    %get3A_207 = arith.constant 192 : index
    %get3A_208 = tpu.vector_load %arg7[%get3A_207] {strides = array<i32>} : memref<10240xi32, #tpu.memory_space<vmem>>, vector<16xi32>,
    %get3A_209 = vector.shape_cast %get3A_208 : vector<16xi32> to vector<16xi32>
    %and3A_210 = arith.constant 65535 : i32
    %and3A_211 = vector.broadcast %and3A_210 : i32 to vector<16xi32>
    %and3A_212 = arith.andi %get3A_209, %and3A_211 : vector<16xi32>
    %swap3A_213 = arith.constant 64 : index
    %swap3A_214 = tpu.vector_load %arg10[%swap3A_213] {strides = array<i32>} : memref<128xi32, #tpu.memory_space<vmem>>, vector<16xi32>,
    %swap3A_215 = vector.shape_cast %swap3A_214 : vector<16xi32> to vector<16xi32>
    %swap3A_216 = vector.shape_cast %and3A_212 : vector<16xi32> to vector<16xi32>
    tpu.vector_store %arg10[%swap3A_213], %swap3A_216 {strides = array<i32>} : memref<128xi32, #tpu.memory_space<vmem>>, vector<16xi32>,
    %shift_right_logical3A_217 = arith.constant 16 : i32
    %shift_right_logical3A_218 = vector.broadcast %shift_right_logical3A_217 : i32 to vector<16xi32>
    %shift_right_logical3A_219 = arith.shrui %get3A_209, %shift_right_logical3A_218 : vector<16xi32>
    %swap3A_220 = arith.constant 64 : index
    %swap3A_221 = tpu.vector_load %arg11[%swap3A_220] {strides = array<i32>} : memref<128xi32, #tpu.memory_space<vmem>>, vector<16xi32>,
    %swap3A_222 = vector.shape_cast %swap3A_221 : vector<16xi32> to vector<16xi32>
    %swap3A_223 = vector.shape_cast %shift_right_logical3A_219 : vector<16xi32> to vector<16xi32>
    tpu.vector_store %arg11[%swap3A_220], %swap3A_223 {strides = array<i32>} : memref<128xi32, #tpu.memory_space<vmem>>, vector<16xi32>,
    %get3A_224 = arith.constant 208 : index
    %get3A_225 = tpu.vector_load %arg7[%get3A_224] {strides = array<i32>} : memref<10240xi32, #tpu.memory_space<vmem>>, vector<16xi32>,
    %get3A_226 = vector.shape_cast %get3A_225 : vector<16xi32> to vector<16xi32>
    %and3A_227 = arith.constant 65535 : i32
    %and3A_228 = vector.broadcast %and3A_227 : i32 to vector<16xi32>
    %and3A_229 = arith.andi %get3A_226, %and3A_228 : vector<16xi32>
    %swap3A_230 = arith.constant 80 : index
    %swap3A_231 = tpu.vector_load %arg10[%swap3A_230] {strides = array<i32>} : memref<128xi32, #tpu.memory_space<vmem>>, vector<16xi32>,
    %swap3A_232 = vector.shape_cast %swap3A_231 : vector<16xi32> to vector<16xi32>
    %swap3A_233 = vector.shape_cast %and3A_229 : vector<16xi32> to vector<16xi32>
    tpu.vector_store %arg10[%swap3A_230], %swap3A_233 {strides = array<i32>} : memref<128xi32, #tpu.memory_space<vmem>>, vector<16xi32>,
    %shift_right_logical3A_234 = arith.constant 16 : i32
    %shift_right_logical3A_235 = vector.broadcast %shift_right_logical3A_234 : i32 to vector<16xi32>
    %shift_right_logical3A_236 = arith.shrui %get3A_226, %shift_right_logical3A_235 : vector<16xi32>
    %swap3A_237 = arith.constant 80 : index
    %swap3A_238 = tpu.vector_load %arg11[%swap3A_237] {strides = array<i32>} : memref<128xi32, #tpu.memory_space<vmem>>, vector<16xi32>,
    %swap3A_239 = vector.shape_cast %swap3A_238 : vector<16xi32> to vector<16xi32>
    %swap3A_240 = vector.shape_cast %shift_right_logical3A_236 : vector<16xi32> to vector<16xi32>
    tpu.vector_store %arg11[%swap3A_237], %swap3A_240 {strides = array<i32>} : memref<128xi32, #tpu.memory_space<vmem>>, vector<16xi32>,
    %get3A_241 = arith.constant 224 : index
    %get3A_242 = tpu.vector_load %arg7[%get3A_241] {strides = array<i32>} : memref<10240xi32, #tpu.memory_space<vmem>>, vector<16xi32>,
    %get3A_243 = vector.shape_cast %get3A_242 : vector<16xi32> to vector<16xi32>
    %and3A_244 = arith.constant 65535 : i32
    %and3A_245 = vector.broadcast %and3A_244 : i32 to vector<16xi32>
    %and3A_246 = arith.andi %get3A_243, %and3A_245 : vector<16xi32>
    %swap3A_247 = arith.constant 96 : index
    %swap3A_248 = tpu.vector_load %arg10[%swap3A_247] {strides = array<i32>} : memref<128xi32, #tpu.memory_space<vmem>>, vector<16xi32>,
    %swap3A_249 = vector.shape_cast %swap3A_248 : vector<16xi32> to vector<16xi32>
    %swap3A_250 = vector.shape_cast %and3A_246 : vector<16xi32> to vector<16xi32>
    tpu.vector_store %arg10[%swap3A_247], %swap3A_250 {strides = array<i32>} : memref<128xi32, #tpu.memory_space<vmem>>, vector<16xi32>,
    %shift_right_logical3A_251 = arith.constant 16 : i32
    %shift_right_logical3A_252 = vector.broadcast %shift_right_logical3A_251 : i32 to vector<16xi32>
    %shift_right_logical3A_253 = arith.shrui %get3A_243, %shift_right_logical3A_252 : vector<16xi32>
    %swap3A_254 = arith.constant 96 : index
    %swap3A_255 = tpu.vector_load %arg11[%swap3A_254] {strides = array<i32>} : memref<128xi32, #tpu.memory_space<vmem>>, vector<16xi32>,
    %swap3A_256 = vector.shape_cast %swap3A_255 : vector<16xi32> to vector<16xi32>
    %swap3A_257 = vector.shape_cast %shift_right_logical3A_253 : vector<16xi32> to vector<16xi32>
    tpu.vector_store %arg11[%swap3A_254], %swap3A_257 {strides = array<i32>} : memref<128xi32, #tpu.memory_space<vmem>>, vector<16xi32>,
    %get3A_258 = arith.constant 240 : index
    %get3A_259 = tpu.vector_load %arg7[%get3A_258] {strides = array<i32>} : memref<10240xi32, #tpu.memory_space<vmem>>, vector<16xi32>,
    %get3A_260 = vector.shape_cast %get3A_259 : vector<16xi32> to vector<16xi32>
    %and3A_261 = arith.constant 65535 : i32
    %and3A_262 = vector.broadcast %and3A_261 : i32 to vector<16xi32>
    %and3A_263 = arith.andi %get3A_260, %and3A_262 : vector<16xi32>
    %swap3A_264 = arith.constant 112 : index
    %swap3A_265 = tpu.vector_load %arg10[%swap3A_264] {strides = array<i32>} : memref<128xi32, #tpu.memory_space<vmem>>, vector<16xi32>,
    %swap3A_266 = vector.shape_cast %swap3A_265 : vector<16xi32> to vector<16xi32>
    %swap3A_267 = vector.shape_cast %and3A_263 : vector<16xi32> to vector<16xi32>
    tpu.vector_store %arg10[%swap3A_264], %swap3A_267 {strides = array<i32>} : memref<128xi32, #tpu.memory_space<vmem>>, vector<16xi32>,
    %shift_right_logical3A_268 = arith.constant 16 : i32
    %shift_right_logical3A_269 = vector.broadcast %shift_right_logical3A_268 : i32 to vector<16xi32>
    %shift_right_logical3A_270 = arith.shrui %get3A_260, %shift_right_logical3A_269 : vector<16xi32>
    %swap3A_271 = arith.constant 112 : index
    %swap3A_272 = tpu.vector_load %arg11[%swap3A_271] {strides = array<i32>} : memref<128xi32, #tpu.memory_space<vmem>>, vector<16xi32>,
    %swap3A_273 = vector.shape_cast %swap3A_272 : vector<16xi32> to vector<16xi32>
    %swap3A_274 = vector.shape_cast %shift_right_logical3A_270 : vector<16xi32> to vector<16xi32>
    tpu.vector_store %arg11[%swap3A_271], %swap3A_274 {strides = array<i32>} : memref<128xi32, #tpu.memory_space<vmem>>, vector<16xi32>,
    %dma_start3A_275 = arith.constant 0 : i32
    %dma_start3A_276 = arith.constant 0 : i32
    %dma_start3A_277 = tpu.memref_slice %arg2[%dma_start3A_275, %dma_start3A_276] : memref<10240x128xf32, #tpu.memory_space<hbm>> -> memref<10240x128xf32, #tpu.memory_space<hbm>>
    tpu.enqueue_indirect_dma source(%dma_start3A_277 : memref<10240x128xf32, #tpu.memory_space<hbm>>) target(%arg13 : memref<128x128xf32, #tpu.memory_space<vmem>>) offsets(%arg10 : memref<128xi32, #tpu.memory_space<vmem>>) semaphore(%arg15 : memref<!tpu.dma_semaphore, #tpu.memory_space<semaphore_mem>>)
    %dma_wait3A = arith.constant 0 : i32
    %dma_wait3A_278 = arith.constant 0 : i32
    %dma_wait3A_279 = tpu.memref_slice %arg2[%dma_wait3A, %dma_wait3A_278] : memref<10240x128xf32, #tpu.memory_space<hbm>> -> memref<10240x128xf32, #tpu.memory_space<hbm>>
    tpu.wait_indirect_dma semaphore(%arg14 : memref<!tpu.dma_semaphore, #tpu.memory_space<semaphore_mem>>) src(%dma_wait3A_279 : memref<10240x128xf32, #tpu.memory_space<hbm>>) dst(%arg12 : memref<128x128xf32, #tpu.memory_space<vmem>>)
    %dma_start3A_280 = arith.constant 0 : i32
    %dma_start3A_281 = arith.constant 0 : i32
    %dma_start3A_282 = tpu.memref_slice %arg6[%dma_start3A_280, %dma_start3A_281] : memref<10240x128xf32, #tpu.memory_space<vmem_shared>> -> memref<10240x128xf32, #tpu.memory_space<vmem_shared>>
    tpu.enqueue_indirect_dma source(%arg12 : memref<128x128xf32, #tpu.memory_space<vmem>>) target(%dma_start3A_282 : memref<10240x128xf32, #tpu.memory_space<vmem_shared>>) offsets(%arg9 : memref<128xi32, #tpu.memory_space<vmem>>) semaphore(%arg16 : memref<!tpu.dma_semaphore, #tpu.memory_space<semaphore_mem>>) {add = true}
    %scan3A = arith.constant 0 : i32
    %scan3A_283 = arith.constant 0 : i32
    %scan3A_284 = arith.constant 39 : i32
    %scan3A_285 = arith.addi %scan3A_283, %scan3A_284 : i32
    %scan3A_286 = arith.constant 1 : i32
    %scan3A_287 = scf.for %scan3A_304 = %scan3A_283 to %scan3A_285 step %scan3A_286 iter_args(%scan3A_305 = %scan3A) -> (i32)  : i32 {
      %mul3A_306 = arith.constant 2 : i32
      %mul3A_307 = arith.muli %mul3A_306, %scan3A_304 : i32
      %add3A_308 = arith.constant 1 : i32
      %add3A_309 = arith.addi %mul3A_307, %add3A_308 : i32
      %dma_wait3A_310 = arith.constant 0 : i32
      %dma_wait3A_311 = arith.constant 0 : i32
      %dma_wait3A_312 = tpu.memref_slice %arg2[%dma_wait3A_310, %dma_wait3A_311] : memref<10240x128xf32, #tpu.memory_space<hbm>> -> memref<10240x128xf32, #tpu.memory_space<hbm>>
      tpu.wait_indirect_dma semaphore(%arg15 : memref<!tpu.dma_semaphore, #tpu.memory_space<semaphore_mem>>) src(%dma_wait3A_312 : memref<10240x128xf32, #tpu.memory_space<hbm>>) dst(%arg13 : memref<128x128xf32, #tpu.memory_space<vmem>>)
      %dma_start3A_313 = arith.constant 0 : i32
      %dma_start3A_314 = arith.constant 0 : i32
      %dma_start3A_315 = tpu.memref_slice %arg6[%dma_start3A_313, %dma_start3A_314] : memref<10240x128xf32, #tpu.memory_space<vmem_shared>> -> memref<10240x128xf32, #tpu.memory_space<vmem_shared>>
      tpu.enqueue_indirect_dma source(%arg13 : memref<128x128xf32, #tpu.memory_space<vmem>>) target(%dma_start3A_315 : memref<10240x128xf32, #tpu.memory_space<vmem_shared>>) offsets(%arg11 : memref<128xi32, #tpu.memory_space<vmem>>) semaphore(%arg17 : memref<!tpu.dma_semaphore, #tpu.memory_space<semaphore_mem>>) {add = true}
      %dma_wait3A_316 = arith.constant 0 : i32
      %dma_wait3A_317 = arith.constant 0 : i32
      %dma_wait3A_318 = tpu.memref_slice %arg6[%dma_wait3A_316, %dma_wait3A_317] : memref<10240x128xf32, #tpu.memory_space<vmem_shared>> -> memref<10240x128xf32, #tpu.memory_space<vmem_shared>>
      tpu.wait_indirect_dma semaphore(%arg16 : memref<!tpu.dma_semaphore, #tpu.memory_space<semaphore_mem>>) src(%arg12 : memref<128x128xf32, #tpu.memory_space<vmem>>) dst(%dma_wait3A_318 : memref<10240x128xf32, #tpu.memory_space<vmem_shared>>)
      %add3A_319 = arith.constant 1 : i32
      %add3A_320 = arith.addi %add3A_309, %add3A_319 : i32
      %mul3A_321 = arith.constant 128 : i32
      %mul3A_322 = arith.muli %add3A_320, %mul3A_321 : i32
      %add3A_323 = arith.constant 0 : i32
      %add3A_324 = arith.addi %mul3A_322, %add3A_323 : i32
      %get3A_325 = arith.index_cast %add3A_324 : i32 to index
      %get3A_326 = tpu.vector_load %arg7[%get3A_325] {strides = array<i32>} : memref<10240xi32, #tpu.memory_space<vmem>>, vector<16xi32>,
      %and3A_327 = arith.constant 65535 : i32
      %and3A_328 = vector.broadcast %and3A_327 : i32 to vector<16xi32>
      %and3A_329 = arith.andi %get3A_326, %and3A_328 : vector<16xi32>
      %swap3A_330 = arith.constant 0 : index
      %swap3A_331 = tpu.vector_load %arg8[%swap3A_330] {strides = array<i32>} : memref<128xi32, #tpu.memory_space<vmem>>, vector<16xi32>,
      %swap3A_332 = vector.shape_cast %swap3A_331 : vector<16xi32> to vector<16xi32>
      %swap3A_333 = vector.shape_cast %and3A_329 : vector<16xi32> to vector<16xi32>
      tpu.vector_store %arg8[%swap3A_330], %swap3A_333 {strides = array<i32>} : memref<128xi32, #tpu.memory_space<vmem>>, vector<16xi32>,
      %shift_right_logical3A_334 = arith.constant 16 : i32
      %shift_right_logical3A_335 = vector.broadcast %shift_right_logical3A_334 : i32 to vector<16xi32>
      %shift_right_logical3A_336 = arith.shrui %get3A_326, %shift_right_logical3A_335 : vector<16xi32>
      %swap3A_337 = arith.constant 0 : index
      %swap3A_338 = tpu.vector_load %arg9[%swap3A_337] {strides = array<i32>} : memref<128xi32, #tpu.memory_space<vmem>>, vector<16xi32>,
      %swap3A_339 = vector.shape_cast %swap3A_338 : vector<16xi32> to vector<16xi32>
      %swap3A_340 = vector.shape_cast %shift_right_logical3A_336 : vector<16xi32> to vector<16xi32>
      tpu.vector_store %arg9[%swap3A_337], %swap3A_340 {strides = array<i32>} : memref<128xi32, #tpu.memory_space<vmem>>, vector<16xi32>,
      %mul3A_341 = arith.constant 128 : i32
      %mul3A_342 = arith.muli %add3A_320, %mul3A_341 : i32
      %add3A_343 = arith.constant 16 : i32
      %add3A_344 = arith.addi %mul3A_342, %add3A_343 : i32
      %get3A_345 = arith.index_cast %add3A_344 : i32 to index
      %get3A_346 = tpu.vector_load %arg7[%get3A_345] {strides = array<i32>} : memref<10240xi32, #tpu.memory_space<vmem>>, vector<16xi32>,
      %and3A_347 = arith.constant 65535 : i32
      %and3A_348 = vector.broadcast %and3A_347 : i32 to vector<16xi32>
      %and3A_349 = arith.andi %get3A_346, %and3A_348 : vector<16xi32>
      %swap3A_350 = arith.constant 16 : index
      %swap3A_351 = tpu.vector_load %arg8[%swap3A_350] {strides = array<i32>} : memref<128xi32, #tpu.memory_space<vmem>>, vector<16xi32>,
      %swap3A_352 = vector.shape_cast %swap3A_351 : vector<16xi32> to vector<16xi32>
      %swap3A_353 = vector.shape_cast %and3A_349 : vector<16xi32> to vector<16xi32>
      tpu.vector_store %arg8[%swap3A_350], %swap3A_353 {strides = array<i32>} : memref<128xi32, #tpu.memory_space<vmem>>, vector<16xi32>,
      %shift_right_logical3A_354 = arith.constant 16 : i32
      %shift_right_logical3A_355 = vector.broadcast %shift_right_logical3A_354 : i32 to vector<16xi32>
      %shift_right_logical3A_356 = arith.shrui %get3A_346, %shift_right_logical3A_355 : vector<16xi32>
      %swap3A_357 = arith.constant 16 : index
      %swap3A_358 = tpu.vector_load %arg9[%swap3A_357] {strides = array<i32>} : memref<128xi32, #tpu.memory_space<vmem>>, vector<16xi32>,
      %swap3A_359 = vector.shape_cast %swap3A_358 : vector<16xi32> to vector<16xi32>
      %swap3A_360 = vector.shape_cast %shift_right_logical3A_356 : vector<16xi32> to vector<16xi32>
      tpu.vector_store %arg9[%swap3A_357], %swap3A_360 {strides = array<i32>} : memref<128xi32, #tpu.memory_space<vmem>>, vector<16xi32>,
      %mul3A_361 = arith.constant 128 : i32
      %mul3A_362 = arith.muli %add3A_320, %mul3A_361 : i32
      %add3A_363 = arith.constant 32 : i32
      %add3A_364 = arith.addi %mul3A_362, %add3A_363 : i32
      %get3A_365 = arith.index_cast %add3A_364 : i32 to index
      %get3A_366 = tpu.vector_load %arg7[%get3A_365] {strides = array<i32>} : memref<10240xi32, #tpu.memory_space<vmem>>, vector<16xi32>,
      %and3A_367 = arith.constant 65535 : i32
      %and3A_368 = vector.broadcast %and3A_367 : i32 to vector<16xi32>
      %and3A_369 = arith.andi %get3A_366, %and3A_368 : vector<16xi32>
      %swap3A_370 = arith.constant 32 : index
      %swap3A_371 = tpu.vector_load %arg8[%swap3A_370] {strides = array<i32>} : memref<128xi32, #tpu.memory_space<vmem>>, vector<16xi32>,
      %swap3A_372 = vector.shape_cast %swap3A_371 : vector<16xi32> to vector<16xi32>
      %swap3A_373 = vector.shape_cast %and3A_369 : vector<16xi32> to vector<16xi32>
      tpu.vector_store %arg8[%swap3A_370], %swap3A_373 {strides = array<i32>} : memref<128xi32, #tpu.memory_space<vmem>>, vector<16xi32>,
      %shift_right_logical3A_374 = arith.constant 16 : i32
      %shift_right_logical3A_375 = vector.broadcast %shift_right_logical3A_374 : i32 to vector<16xi32>
      %shift_right_logical3A_376 = arith.shrui %get3A_366, %shift_right_logical3A_375 : vector<16xi32>
      %swap3A_377 = arith.constant 32 : index
      %swap3A_378 = tpu.vector_load %arg9[%swap3A_377] {strides = array<i32>} : memref<128xi32, #tpu.memory_space<vmem>>, vector<16xi32>,
      %swap3A_379 = vector.shape_cast %swap3A_378 : vector<16xi32> to vector<16xi32>
      %swap3A_380 = vector.shape_cast %shift_right_logical3A_376 : vector<16xi32> to vector<16xi32>
      tpu.vector_store %arg9[%swap3A_377], %swap3A_380 {strides = array<i32>} : memref<128xi32, #tpu.memory_space<vmem>>, vector<16xi32>,
      %mul3A_381 = arith.constant 128 : i32
      %mul3A_382 = arith.muli %add3A_320, %mul3A_381 : i32
      %add3A_383 = arith.constant 48 : i32
      %add3A_384 = arith.addi %mul3A_382, %add3A_383 : i32
      %get3A_385 = arith.index_cast %add3A_384 : i32 to index
      %get3A_386 = tpu.vector_load %arg7[%get3A_385] {strides = array<i32>} : memref<10240xi32, #tpu.memory_space<vmem>>, vector<16xi32>,
      %and3A_387 = arith.constant 65535 : i32
      %and3A_388 = vector.broadcast %and3A_387 : i32 to vector<16xi32>
      %and3A_389 = arith.andi %get3A_386, %and3A_388 : vector<16xi32>
      %swap3A_390 = arith.constant 48 : index
      %swap3A_391 = tpu.vector_load %arg8[%swap3A_390] {strides = array<i32>} : memref<128xi32, #tpu.memory_space<vmem>>, vector<16xi32>,
      %swap3A_392 = vector.shape_cast %swap3A_391 : vector<16xi32> to vector<16xi32>
      %swap3A_393 = vector.shape_cast %and3A_389 : vector<16xi32> to vector<16xi32>
      tpu.vector_store %arg8[%swap3A_390], %swap3A_393 {strides = array<i32>} : memref<128xi32, #tpu.memory_space<vmem>>, vector<16xi32>,
      %shift_right_logical3A_394 = arith.constant 16 : i32
      %shift_right_logical3A_395 = vector.broadcast %shift_right_logical3A_394 : i32 to vector<16xi32>
      %shift_right_logical3A_396 = arith.shrui %get3A_386, %shift_right_logical3A_395 : vector<16xi32>
      %swap3A_397 = arith.constant 48 : index
      %swap3A_398 = tpu.vector_load %arg9[%swap3A_397] {strides = array<i32>} : memref<128xi32, #tpu.memory_space<vmem>>, vector<16xi32>,
      %swap3A_399 = vector.shape_cast %swap3A_398 : vector<16xi32> to vector<16xi32>
      %swap3A_400 = vector.shape_cast %shift_right_logical3A_396 : vector<16xi32> to vector<16xi32>
      tpu.vector_store %arg9[%swap3A_397], %swap3A_400 {strides = array<i32>} : memref<128xi32, #tpu.memory_space<vmem>>, vector<16xi32>,
      %mul3A_401 = arith.constant 128 : i32
      %mul3A_402 = arith.muli %add3A_320, %mul3A_401 : i32
      %add3A_403 = arith.constant 64 : i32
      %add3A_404 = arith.addi %mul3A_402, %add3A_403 : i32
      %get3A_405 = arith.index_cast %add3A_404 : i32 to index
      %get3A_406 = tpu.vector_load %arg7[%get3A_405] {strides = array<i32>} : memref<10240xi32, #tpu.memory_space<vmem>>, vector<16xi32>,
      %and3A_407 = arith.constant 65535 : i32
      %and3A_408 = vector.broadcast %and3A_407 : i32 to vector<16xi32>
      %and3A_409 = arith.andi %get3A_406, %and3A_408 : vector<16xi32>
      %swap3A_410 = arith.constant 64 : index
      %swap3A_411 = tpu.vector_load %arg8[%swap3A_410] {strides = array<i32>} : memref<128xi32, #tpu.memory_space<vmem>>, vector<16xi32>,
      %swap3A_412 = vector.shape_cast %swap3A_411 : vector<16xi32> to vector<16xi32>
      %swap3A_413 = vector.shape_cast %and3A_409 : vector<16xi32> to vector<16xi32>
      tpu.vector_store %arg8[%swap3A_410], %swap3A_413 {strides = array<i32>} : memref<128xi32, #tpu.memory_space<vmem>>, vector<16xi32>,
      %shift_right_logical3A_414 = arith.constant 16 : i32
      %shift_right_logical3A_415 = vector.broadcast %shift_right_logical3A_414 : i32 to vector<16xi32>
      %shift_right_logical3A_416 = arith.shrui %get3A_406, %shift_right_logical3A_415 : vector<16xi32>
      %swap3A_417 = arith.constant 64 : index
      %swap3A_418 = tpu.vector_load %arg9[%swap3A_417] {strides = array<i32>} : memref<128xi32, #tpu.memory_space<vmem>>, vector<16xi32>,
      %swap3A_419 = vector.shape_cast %swap3A_418 : vector<16xi32> to vector<16xi32>
      %swap3A_420 = vector.shape_cast %shift_right_logical3A_416 : vector<16xi32> to vector<16xi32>
      tpu.vector_store %arg9[%swap3A_417], %swap3A_420 {strides = array<i32>} : memref<128xi32, #tpu.memory_space<vmem>>, vector<16xi32>,
      %mul3A_421 = arith.constant 128 : i32
      %mul3A_422 = arith.muli %add3A_320, %mul3A_421 : i32
      %add3A_423 = arith.constant 80 : i32
      %add3A_424 = arith.addi %mul3A_422, %add3A_423 : i32
      %get3A_425 = arith.index_cast %add3A_424 : i32 to index
      %get3A_426 = tpu.vector_load %arg7[%get3A_425] {strides = array<i32>} : memref<10240xi32, #tpu.memory_space<vmem>>, vector<16xi32>,
      %and3A_427 = arith.constant 65535 : i32
      %and3A_428 = vector.broadcast %and3A_427 : i32 to vector<16xi32>
      %and3A_429 = arith.andi %get3A_426, %and3A_428 : vector<16xi32>
      %swap3A_430 = arith.constant 80 : index
      %swap3A_431 = tpu.vector_load %arg8[%swap3A_430] {strides = array<i32>} : memref<128xi32, #tpu.memory_space<vmem>>, vector<16xi32>,
      %swap3A_432 = vector.shape_cast %swap3A_431 : vector<16xi32> to vector<16xi32>
      %swap3A_433 = vector.shape_cast %and3A_429 : vector<16xi32> to vector<16xi32>
      tpu.vector_store %arg8[%swap3A_430], %swap3A_433 {strides = array<i32>} : memref<128xi32, #tpu.memory_space<vmem>>, vector<16xi32>,
      %shift_right_logical3A_434 = arith.constant 16 : i32
      %shift_right_logical3A_435 = vector.broadcast %shift_right_logical3A_434 : i32 to vector<16xi32>
      %shift_right_logical3A_436 = arith.shrui %get3A_426, %shift_right_logical3A_435 : vector<16xi32>
      %swap3A_437 = arith.constant 80 : index
      %swap3A_438 = tpu.vector_load %arg9[%swap3A_437] {strides = array<i32>} : memref<128xi32, #tpu.memory_space<vmem>>, vector<16xi32>,
      %swap3A_439 = vector.shape_cast %swap3A_438 : vector<16xi32> to vector<16xi32>
      %swap3A_440 = vector.shape_cast %shift_right_logical3A_436 : vector<16xi32> to vector<16xi32>
      tpu.vector_store %arg9[%swap3A_437], %swap3A_440 {strides = array<i32>} : memref<128xi32, #tpu.memory_space<vmem>>, vector<16xi32>,
      %mul3A_441 = arith.constant 128 : i32
      %mul3A_442 = arith.muli %add3A_320, %mul3A_441 : i32
      %add3A_443 = arith.constant 96 : i32
      %add3A_444 = arith.addi %mul3A_442, %add3A_443 : i32
      %get3A_445 = arith.index_cast %add3A_444 : i32 to index
      %get3A_446 = tpu.vector_load %arg7[%get3A_445] {strides = array<i32>} : memref<10240xi32, #tpu.memory_space<vmem>>, vector<16xi32>,
      %and3A_447 = arith.constant 65535 : i32
      %and3A_448 = vector.broadcast %and3A_447 : i32 to vector<16xi32>
      %and3A_449 = arith.andi %get3A_446, %and3A_448 : vector<16xi32>
      %swap3A_450 = arith.constant 96 : index
      %swap3A_451 = tpu.vector_load %arg8[%swap3A_450] {strides = array<i32>} : memref<128xi32, #tpu.memory_space<vmem>>, vector<16xi32>,
      %swap3A_452 = vector.shape_cast %swap3A_451 : vector<16xi32> to vector<16xi32>
      %swap3A_453 = vector.shape_cast %and3A_449 : vector<16xi32> to vector<16xi32>
      tpu.vector_store %arg8[%swap3A_450], %swap3A_453 {strides = array<i32>} : memref<128xi32, #tpu.memory_space<vmem>>, vector<16xi32>,
      %shift_right_logical3A_454 = arith.constant 16 : i32
      %shift_right_logical3A_455 = vector.broadcast %shift_right_logical3A_454 : i32 to vector<16xi32>
      %shift_right_logical3A_456 = arith.shrui %get3A_446, %shift_right_logical3A_455 : vector<16xi32>
      %swap3A_457 = arith.constant 96 : index
      %swap3A_458 = tpu.vector_load %arg9[%swap3A_457] {strides = array<i32>} : memref<128xi32, #tpu.memory_space<vmem>>, vector<16xi32>,
      %swap3A_459 = vector.shape_cast %swap3A_458 : vector<16xi32> to vector<16xi32>
      %swap3A_460 = vector.shape_cast %shift_right_logical3A_456 : vector<16xi32> to vector<16xi32>
      tpu.vector_store %arg9[%swap3A_457], %swap3A_460 {strides = array<i32>} : memref<128xi32, #tpu.memory_space<vmem>>, vector<16xi32>,
      %mul3A_461 = arith.constant 128 : i32
      %mul3A_462 = arith.muli %add3A_320, %mul3A_461 : i32
      %add3A_463 = arith.constant 112 : i32
      %add3A_464 = arith.addi %mul3A_462, %add3A_463 : i32
      %get3A_465 = arith.index_cast %add3A_464 : i32 to index
      %get3A_466 = tpu.vector_load %arg7[%get3A_465] {strides = array<i32>} : memref<10240xi32, #tpu.memory_space<vmem>>, vector<16xi32>,
      %and3A_467 = arith.constant 65535 : i32
      %and3A_468 = vector.broadcast %and3A_467 : i32 to vector<16xi32>
      %and3A_469 = arith.andi %get3A_466, %and3A_468 : vector<16xi32>
      %swap3A_470 = arith.constant 112 : index
      %swap3A_471 = tpu.vector_load %arg8[%swap3A_470] {strides = array<i32>} : memref<128xi32, #tpu.memory_space<vmem>>, vector<16xi32>,
      %swap3A_472 = vector.shape_cast %swap3A_471 : vector<16xi32> to vector<16xi32>
      %swap3A_473 = vector.shape_cast %and3A_469 : vector<16xi32> to vector<16xi32>
      tpu.vector_store %arg8[%swap3A_470], %swap3A_473 {strides = array<i32>} : memref<128xi32, #tpu.memory_space<vmem>>, vector<16xi32>,
      %shift_right_logical3A_474 = arith.constant 16 : i32
      %shift_right_logical3A_475 = vector.broadcast %shift_right_logical3A_474 : i32 to vector<16xi32>
      %shift_right_logical3A_476 = arith.shrui %get3A_466, %shift_right_logical3A_475 : vector<16xi32>
      %swap3A_477 = arith.constant 112 : index
      %swap3A_478 = tpu.vector_load %arg9[%swap3A_477] {strides = array<i32>} : memref<128xi32, #tpu.memory_space<vmem>>, vector<16xi32>,
      %swap3A_479 = vector.shape_cast %swap3A_478 : vector<16xi32> to vector<16xi32>
      %swap3A_480 = vector.shape_cast %shift_right_logical3A_476 : vector<16xi32> to vector<16xi32>
      tpu.vector_store %arg9[%swap3A_477], %swap3A_480 {strides = array<i32>} : memref<128xi32, #tpu.memory_space<vmem>>, vector<16xi32>,
      %dma_start3A_481 = arith.constant 0 : i32
      %dma_start3A_482 = arith.constant 0 : i32
      %dma_start3A_483 = tpu.memref_slice %arg2[%dma_start3A_481, %dma_start3A_482] : memref<10240x128xf32, #tpu.memory_space<hbm>> -> memref<10240x128xf32, #tpu.memory_space<hbm>>
      tpu.enqueue_indirect_dma source(%dma_start3A_483 : memref<10240x128xf32, #tpu.memory_space<hbm>>) target(%arg12 : memref<128x128xf32, #tpu.memory_space<vmem>>) offsets(%arg8 : memref<128xi32, #tpu.memory_space<vmem>>) semaphore(%arg14 : memref<!tpu.dma_semaphore, #tpu.memory_space<semaphore_mem>>)
      %dma_wait3A_484 = arith.constant 0 : i32
      %dma_wait3A_485 = arith.constant 0 : i32
      %dma_wait3A_486 = tpu.memref_slice %arg2[%dma_wait3A_484, %dma_wait3A_485] : memref<10240x128xf32, #tpu.memory_space<hbm>> -> memref<10240x128xf32, #tpu.memory_space<hbm>>
      tpu.wait_indirect_dma semaphore(%arg14 : memref<!tpu.dma_semaphore, #tpu.memory_space<semaphore_mem>>) src(%dma_wait3A_486 : memref<10240x128xf32, #tpu.memory_space<hbm>>) dst(%arg12 : memref<128x128xf32, #tpu.memory_space<vmem>>)
      %dma_start3A_487 = arith.constant 0 : i32
      %dma_start3A_488 = arith.constant 0 : i32
      %dma_start3A_489 = tpu.memref_slice %arg6[%dma_start3A_487, %dma_start3A_488] : memref<10240x128xf32, #tpu.memory_space<vmem_shared>> -> memref<10240x128xf32, #tpu.memory_space<vmem_shared>>
      tpu.enqueue_indirect_dma source(%arg12 : memref<128x128xf32, #tpu.memory_space<vmem>>) target(%dma_start3A_489 : memref<10240x128xf32, #tpu.memory_space<vmem_shared>>) offsets(%arg9 : memref<128xi32, #tpu.memory_space<vmem>>) semaphore(%arg16 : memref<!tpu.dma_semaphore, #tpu.memory_space<semaphore_mem>>) {add = true}
      %dma_wait3A_490 = arith.constant 0 : i32
      %dma_wait3A_491 = arith.constant 0 : i32
      %dma_wait3A_492 = tpu.memref_slice %arg6[%dma_wait3A_490, %dma_wait3A_491] : memref<10240x128xf32, #tpu.memory_space<vmem_shared>> -> memref<10240x128xf32, #tpu.memory_space<vmem_shared>>
      tpu.wait_indirect_dma semaphore(%arg17 : memref<!tpu.dma_semaphore, #tpu.memory_space<semaphore_mem>>) src(%arg13 : memref<128x128xf32, #tpu.memory_space<vmem>>) dst(%dma_wait3A_492 : memref<10240x128xf32, #tpu.memory_space<vmem_shared>>)
      %add3A_493 = arith.constant 2 : i32
      %add3A_494 = arith.addi %add3A_309, %add3A_493 : i32
      %mul3A_495 = arith.constant 128 : i32
      %mul3A_496 = arith.muli %add3A_494, %mul3A_495 : i32
      %add3A_497 = arith.constant 0 : i32
      %add3A_498 = arith.addi %mul3A_496, %add3A_497 : i32
      %get3A_499 = arith.index_cast %add3A_498 : i32 to index
      %get3A_500 = tpu.vector_load %arg7[%get3A_499] {strides = array<i32>} : memref<10240xi32, #tpu.memory_space<vmem>>, vector<16xi32>,
      %and3A_501 = arith.constant 65535 : i32
      %and3A_502 = vector.broadcast %and3A_501 : i32 to vector<16xi32>
      %and3A_503 = arith.andi %get3A_500, %and3A_502 : vector<16xi32>
      %swap3A_504 = arith.constant 0 : index
      %swap3A_505 = tpu.vector_load %arg10[%swap3A_504] {strides = array<i32>} : memref<128xi32, #tpu.memory_space<vmem>>, vector<16xi32>,
      %swap3A_506 = vector.shape_cast %swap3A_505 : vector<16xi32> to vector<16xi32>
      %swap3A_507 = vector.shape_cast %and3A_503 : vector<16xi32> to vector<16xi32>
      tpu.vector_store %arg10[%swap3A_504], %swap3A_507 {strides = array<i32>} : memref<128xi32, #tpu.memory_space<vmem>>, vector<16xi32>,
      %shift_right_logical3A_508 = arith.constant 16 : i32
      %shift_right_logical3A_509 = vector.broadcast %shift_right_logical3A_508 : i32 to vector<16xi32>
      %shift_right_logical3A_510 = arith.shrui %get3A_500, %shift_right_logical3A_509 : vector<16xi32>
      %swap3A_511 = arith.constant 0 : index
      %swap3A_512 = tpu.vector_load %arg11[%swap3A_511] {strides = array<i32>} : memref<128xi32, #tpu.memory_space<vmem>>, vector<16xi32>,
      %swap3A_513 = vector.shape_cast %swap3A_512 : vector<16xi32> to vector<16xi32>
      %swap3A_514 = vector.shape_cast %shift_right_logical3A_510 : vector<16xi32> to vector<16xi32>
      tpu.vector_store %arg11[%swap3A_511], %swap3A_514 {strides = array<i32>} : memref<128xi32, #tpu.memory_space<vmem>>, vector<16xi32>,
      %mul3A_515 = arith.constant 128 : i32
      %mul3A_516 = arith.muli %add3A_494, %mul3A_515 : i32
      %add3A_517 = arith.constant 16 : i32
      %add3A_518 = arith.addi %mul3A_516, %add3A_517 : i32
      %get3A_519 = arith.index_cast %add3A_518 : i32 to index
      %get3A_520 = tpu.vector_load %arg7[%get3A_519] {strides = array<i32>} : memref<10240xi32, #tpu.memory_space<vmem>>, vector<16xi32>,
      %and3A_521 = arith.constant 65535 : i32
      %and3A_522 = vector.broadcast %and3A_521 : i32 to vector<16xi32>
      %and3A_523 = arith.andi %get3A_520, %and3A_522 : vector<16xi32>
      %swap3A_524 = arith.constant 16 : index
      %swap3A_525 = tpu.vector_load %arg10[%swap3A_524] {strides = array<i32>} : memref<128xi32, #tpu.memory_space<vmem>>, vector<16xi32>,
      %swap3A_526 = vector.shape_cast %swap3A_525 : vector<16xi32> to vector<16xi32>
      %swap3A_527 = vector.shape_cast %and3A_523 : vector<16xi32> to vector<16xi32>
      tpu.vector_store %arg10[%swap3A_524], %swap3A_527 {strides = array<i32>} : memref<128xi32, #tpu.memory_space<vmem>>, vector<16xi32>,
      %shift_right_logical3A_528 = arith.constant 16 : i32
      %shift_right_logical3A_529 = vector.broadcast %shift_right_logical3A_528 : i32 to vector<16xi32>
      %shift_right_logical3A_530 = arith.shrui %get3A_520, %shift_right_logical3A_529 : vector<16xi32>
      %swap3A_531 = arith.constant 16 : index
      %swap3A_532 = tpu.vector_load %arg11[%swap3A_531] {strides = array<i32>} : memref<128xi32, #tpu.memory_space<vmem>>, vector<16xi32>,
      %swap3A_533 = vector.shape_cast %swap3A_532 : vector<16xi32> to vector<16xi32>
      %swap3A_534 = vector.shape_cast %shift_right_logical3A_530 : vector<16xi32> to vector<16xi32>
      tpu.vector_store %arg11[%swap3A_531], %swap3A_534 {strides = array<i32>} : memref<128xi32, #tpu.memory_space<vmem>>, vector<16xi32>,
      %mul3A_535 = arith.constant 128 : i32
      %mul3A_536 = arith.muli %add3A_494, %mul3A_535 : i32
      %add3A_537 = arith.constant 32 : i32
      %add3A_538 = arith.addi %mul3A_536, %add3A_537 : i32
      %get3A_539 = arith.index_cast %add3A_538 : i32 to index
      %get3A_540 = tpu.vector_load %arg7[%get3A_539] {strides = array<i32>} : memref<10240xi32, #tpu.memory_space<vmem>>, vector<16xi32>,
      %and3A_541 = arith.constant 65535 : i32
      %and3A_542 = vector.broadcast %and3A_541 : i32 to vector<16xi32>
      %and3A_543 = arith.andi %get3A_540, %and3A_542 : vector<16xi32>
      %swap3A_544 = arith.constant 32 : index
      %swap3A_545 = tpu.vector_load %arg10[%swap3A_544] {strides = array<i32>} : memref<128xi32, #tpu.memory_space<vmem>>, vector<16xi32>,
      %swap3A_546 = vector.shape_cast %swap3A_545 : vector<16xi32> to vector<16xi32>
      %swap3A_547 = vector.shape_cast %and3A_543 : vector<16xi32> to vector<16xi32>
      tpu.vector_store %arg10[%swap3A_544], %swap3A_547 {strides = array<i32>} : memref<128xi32, #tpu.memory_space<vmem>>, vector<16xi32>,
      %shift_right_logical3A_548 = arith.constant 16 : i32
      %shift_right_logical3A_549 = vector.broadcast %shift_right_logical3A_548 : i32 to vector<16xi32>
      %shift_right_logical3A_550 = arith.shrui %get3A_540, %shift_right_logical3A_549 : vector<16xi32>
      %swap3A_551 = arith.constant 32 : index
      %swap3A_552 = tpu.vector_load %arg11[%swap3A_551] {strides = array<i32>} : memref<128xi32, #tpu.memory_space<vmem>>, vector<16xi32>,
      %swap3A_553 = vector.shape_cast %swap3A_552 : vector<16xi32> to vector<16xi32>
      %swap3A_554 = vector.shape_cast %shift_right_logical3A_550 : vector<16xi32> to vector<16xi32>
      tpu.vector_store %arg11[%swap3A_551], %swap3A_554 {strides = array<i32>} : memref<128xi32, #tpu.memory_space<vmem>>, vector<16xi32>,
      %mul3A_555 = arith.constant 128 : i32
      %mul3A_556 = arith.muli %add3A_494, %mul3A_555 : i32
      %add3A_557 = arith.constant 48 : i32
      %add3A_558 = arith.addi %mul3A_556, %add3A_557 : i32
      %get3A_559 = arith.index_cast %add3A_558 : i32 to index
      %get3A_560 = tpu.vector_load %arg7[%get3A_559] {strides = array<i32>} : memref<10240xi32, #tpu.memory_space<vmem>>, vector<16xi32>,
      %and3A_561 = arith.constant 65535 : i32
      %and3A_562 = vector.broadcast %and3A_561 : i32 to vector<16xi32>
      %and3A_563 = arith.andi %get3A_560, %and3A_562 : vector<16xi32>
      %swap3A_564 = arith.constant 48 : index
      %swap3A_565 = tpu.vector_load %arg10[%swap3A_564] {strides = array<i32>} : memref<128xi32, #tpu.memory_space<vmem>>, vector<16xi32>,
      %swap3A_566 = vector.shape_cast %swap3A_565 : vector<16xi32> to vector<16xi32>
      %swap3A_567 = vector.shape_cast %and3A_563 : vector<16xi32> to vector<16xi32>
      tpu.vector_store %arg10[%swap3A_564], %swap3A_567 {strides = array<i32>} : memref<128xi32, #tpu.memory_space<vmem>>, vector<16xi32>,
      %shift_right_logical3A_568 = arith.constant 16 : i32
      %shift_right_logical3A_569 = vector.broadcast %shift_right_logical3A_568 : i32 to vector<16xi32>
      %shift_right_logical3A_570 = arith.shrui %get3A_560, %shift_right_logical3A_569 : vector<16xi32>
      %swap3A_571 = arith.constant 48 : index
      %swap3A_572 = tpu.vector_load %arg11[%swap3A_571] {strides = array<i32>} : memref<128xi32, #tpu.memory_space<vmem>>, vector<16xi32>,
      %swap3A_573 = vector.shape_cast %swap3A_572 : vector<16xi32> to vector<16xi32>
      %swap3A_574 = vector.shape_cast %shift_right_logical3A_570 : vector<16xi32> to vector<16xi32>
      tpu.vector_store %arg11[%swap3A_571], %swap3A_574 {strides = array<i32>} : memref<128xi32, #tpu.memory_space<vmem>>, vector<16xi32>,
      %mul3A_575 = arith.constant 128 : i32
      %mul3A_576 = arith.muli %add3A_494, %mul3A_575 : i32
      %add3A_577 = arith.constant 64 : i32
      %add3A_578 = arith.addi %mul3A_576, %add3A_577 : i32
      %get3A_579 = arith.index_cast %add3A_578 : i32 to index
      %get3A_580 = tpu.vector_load %arg7[%get3A_579] {strides = array<i32>} : memref<10240xi32, #tpu.memory_space<vmem>>, vector<16xi32>,
      %and3A_581 = arith.constant 65535 : i32
      %and3A_582 = vector.broadcast %and3A_581 : i32 to vector<16xi32>
      %and3A_583 = arith.andi %get3A_580, %and3A_582 : vector<16xi32>
      %swap3A_584 = arith.constant 64 : index
      %swap3A_585 = tpu.vector_load %arg10[%swap3A_584] {strides = array<i32>} : memref<128xi32, #tpu.memory_space<vmem>>, vector<16xi32>,
      %swap3A_586 = vector.shape_cast %swap3A_585 : vector<16xi32> to vector<16xi32>
      %swap3A_587 = vector.shape_cast %and3A_583 : vector<16xi32> to vector<16xi32>
      tpu.vector_store %arg10[%swap3A_584], %swap3A_587 {strides = array<i32>} : memref<128xi32, #tpu.memory_space<vmem>>, vector<16xi32>,
      %shift_right_logical3A_588 = arith.constant 16 : i32
      %shift_right_logical3A_589 = vector.broadcast %shift_right_logical3A_588 : i32 to vector<16xi32>
      %shift_right_logical3A_590 = arith.shrui %get3A_580, %shift_right_logical3A_589 : vector<16xi32>
      %swap3A_591 = arith.constant 64 : index
      %swap3A_592 = tpu.vector_load %arg11[%swap3A_591] {strides = array<i32>} : memref<128xi32, #tpu.memory_space<vmem>>, vector<16xi32>,
      %swap3A_593 = vector.shape_cast %swap3A_592 : vector<16xi32> to vector<16xi32>
      %swap3A_594 = vector.shape_cast %shift_right_logical3A_590 : vector<16xi32> to vector<16xi32>
      tpu.vector_store %arg11[%swap3A_591], %swap3A_594 {strides = array<i32>} : memref<128xi32, #tpu.memory_space<vmem>>, vector<16xi32>,
      %mul3A_595 = arith.constant 128 : i32
      %mul3A_596 = arith.muli %add3A_494, %mul3A_595 : i32
      %add3A_597 = arith.constant 80 : i32
      %add3A_598 = arith.addi %mul3A_596, %add3A_597 : i32
      %get3A_599 = arith.index_cast %add3A_598 : i32 to index
      %get3A_600 = tpu.vector_load %arg7[%get3A_599] {strides = array<i32>} : memref<10240xi32, #tpu.memory_space<vmem>>, vector<16xi32>,
      %and3A_601 = arith.constant 65535 : i32
      %and3A_602 = vector.broadcast %and3A_601 : i32 to vector<16xi32>
      %and3A_603 = arith.andi %get3A_600, %and3A_602 : vector<16xi32>
      %swap3A_604 = arith.constant 80 : index
      %swap3A_605 = tpu.vector_load %arg10[%swap3A_604] {strides = array<i32>} : memref<128xi32, #tpu.memory_space<vmem>>, vector<16xi32>,
      %swap3A_606 = vector.shape_cast %swap3A_605 : vector<16xi32> to vector<16xi32>
      %swap3A_607 = vector.shape_cast %and3A_603 : vector<16xi32> to vector<16xi32>
      tpu.vector_store %arg10[%swap3A_604], %swap3A_607 {strides = array<i32>} : memref<128xi32, #tpu.memory_space<vmem>>, vector<16xi32>,
      %shift_right_logical3A_608 = arith.constant 16 : i32
      %shift_right_logical3A_609 = vector.broadcast %shift_right_logical3A_608 : i32 to vector<16xi32>
      %shift_right_logical3A_610 = arith.shrui %get3A_600, %shift_right_logical3A_609 : vector<16xi32>
      %swap3A_611 = arith.constant 80 : index
      %swap3A_612 = tpu.vector_load %arg11[%swap3A_611] {strides = array<i32>} : memref<128xi32, #tpu.memory_space<vmem>>, vector<16xi32>,
      %swap3A_613 = vector.shape_cast %swap3A_612 : vector<16xi32> to vector<16xi32>
      %swap3A_614 = vector.shape_cast %shift_right_logical3A_610 : vector<16xi32> to vector<16xi32>
      tpu.vector_store %arg11[%swap3A_611], %swap3A_614 {strides = array<i32>} : memref<128xi32, #tpu.memory_space<vmem>>, vector<16xi32>,
      %mul3A_615 = arith.constant 128 : i32
      %mul3A_616 = arith.muli %add3A_494, %mul3A_615 : i32
      %add3A_617 = arith.constant 96 : i32
      %add3A_618 = arith.addi %mul3A_616, %add3A_617 : i32
      %get3A_619 = arith.index_cast %add3A_618 : i32 to index
      %get3A_620 = tpu.vector_load %arg7[%get3A_619] {strides = array<i32>} : memref<10240xi32, #tpu.memory_space<vmem>>, vector<16xi32>,
      %and3A_621 = arith.constant 65535 : i32
      %and3A_622 = vector.broadcast %and3A_621 : i32 to vector<16xi32>
      %and3A_623 = arith.andi %get3A_620, %and3A_622 : vector<16xi32>
      %swap3A_624 = arith.constant 96 : index
      %swap3A_625 = tpu.vector_load %arg10[%swap3A_624] {strides = array<i32>} : memref<128xi32, #tpu.memory_space<vmem>>, vector<16xi32>,
      %swap3A_626 = vector.shape_cast %swap3A_625 : vector<16xi32> to vector<16xi32>
      %swap3A_627 = vector.shape_cast %and3A_623 : vector<16xi32> to vector<16xi32>
      tpu.vector_store %arg10[%swap3A_624], %swap3A_627 {strides = array<i32>} : memref<128xi32, #tpu.memory_space<vmem>>, vector<16xi32>,
      %shift_right_logical3A_628 = arith.constant 16 : i32
      %shift_right_logical3A_629 = vector.broadcast %shift_right_logical3A_628 : i32 to vector<16xi32>
      %shift_right_logical3A_630 = arith.shrui %get3A_620, %shift_right_logical3A_629 : vector<16xi32>
      %swap3A_631 = arith.constant 96 : index
      %swap3A_632 = tpu.vector_load %arg11[%swap3A_631] {strides = array<i32>} : memref<128xi32, #tpu.memory_space<vmem>>, vector<16xi32>,
      %swap3A_633 = vector.shape_cast %swap3A_632 : vector<16xi32> to vector<16xi32>
      %swap3A_634 = vector.shape_cast %shift_right_logical3A_630 : vector<16xi32> to vector<16xi32>
      tpu.vector_store %arg11[%swap3A_631], %swap3A_634 {strides = array<i32>} : memref<128xi32, #tpu.memory_space<vmem>>, vector<16xi32>,
      %mul3A_635 = arith.constant 128 : i32
      %mul3A_636 = arith.muli %add3A_494, %mul3A_635 : i32
      %add3A_637 = arith.constant 112 : i32
      %add3A_638 = arith.addi %mul3A_636, %add3A_637 : i32
      %get3A_639 = arith.index_cast %add3A_638 : i32 to index
      %get3A_640 = tpu.vector_load %arg7[%get3A_639] {strides = array<i32>} : memref<10240xi32, #tpu.memory_space<vmem>>, vector<16xi32>,
      %and3A_641 = arith.constant 65535 : i32
      %and3A_642 = vector.broadcast %and3A_641 : i32 to vector<16xi32>
      %and3A_643 = arith.andi %get3A_640, %and3A_642 : vector<16xi32>
      %swap3A_644 = arith.constant 112 : index
      %swap3A_645 = tpu.vector_load %arg10[%swap3A_644] {strides = array<i32>} : memref<128xi32, #tpu.memory_space<vmem>>, vector<16xi32>,
      %swap3A_646 = vector.shape_cast %swap3A_645 : vector<16xi32> to vector<16xi32>
      %swap3A_647 = vector.shape_cast %and3A_643 : vector<16xi32> to vector<16xi32>
      tpu.vector_store %arg10[%swap3A_644], %swap3A_647 {strides = array<i32>} : memref<128xi32, #tpu.memory_space<vmem>>, vector<16xi32>,
      %shift_right_logical3A_648 = arith.constant 16 : i32
      %shift_right_logical3A_649 = vector.broadcast %shift_right_logical3A_648 : i32 to vector<16xi32>
      %shift_right_logical3A_650 = arith.shrui %get3A_640, %shift_right_logical3A_649 : vector<16xi32>
      %swap3A_651 = arith.constant 112 : index
      %swap3A_652 = tpu.vector_load %arg11[%swap3A_651] {strides = array<i32>} : memref<128xi32, #tpu.memory_space<vmem>>, vector<16xi32>,
      %swap3A_653 = vector.shape_cast %swap3A_652 : vector<16xi32> to vector<16xi32>
      %swap3A_654 = vector.shape_cast %shift_right_logical3A_650 : vector<16xi32> to vector<16xi32>
      tpu.vector_store %arg11[%swap3A_651], %swap3A_654 {strides = array<i32>} : memref<128xi32, #tpu.memory_space<vmem>>, vector<16xi32>,
      %dma_start3A_655 = arith.constant 0 : i32
      %dma_start3A_656 = arith.constant 0 : i32
      %dma_start3A_657 = tpu.memref_slice %arg2[%dma_start3A_655, %dma_start3A_656] : memref<10240x128xf32, #tpu.memory_space<hbm>> -> memref<10240x128xf32, #tpu.memory_space<hbm>>
      tpu.enqueue_indirect_dma source(%dma_start3A_657 : memref<10240x128xf32, #tpu.memory_space<hbm>>) target(%arg13 : memref<128x128xf32, #tpu.memory_space<vmem>>) offsets(%arg10 : memref<128xi32, #tpu.memory_space<vmem>>) semaphore(%arg15 : memref<!tpu.dma_semaphore, #tpu.memory_space<semaphore_mem>>)
      %scan3A_658 = arith.constant 0 : i32
      scf.yield %scan3A_658 : i32
    }
    %scan3A_288 = arith.constant 39 : i32
    %dma_wait3A_289 = arith.constant 0 : i32
    %dma_wait3A_290 = arith.constant 0 : i32
    %dma_wait3A_291 = tpu.memref_slice %arg2[%dma_wait3A_289, %dma_wait3A_290] : memref<10240x128xf32, #tpu.memory_space<hbm>> -> memref<10240x128xf32, #tpu.memory_space<hbm>>
    tpu.wait_indirect_dma semaphore(%arg15 : memref<!tpu.dma_semaphore, #tpu.memory_space<semaphore_mem>>) src(%dma_wait3A_291 : memref<10240x128xf32, #tpu.memory_space<hbm>>) dst(%arg13 : memref<128x128xf32, #tpu.memory_space<vmem>>)
    %dma_start3A_292 = arith.constant 0 : i32
    %dma_start3A_293 = arith.constant 0 : i32
    %dma_start3A_294 = tpu.memref_slice %arg6[%dma_start3A_292, %dma_start3A_293] : memref<10240x128xf32, #tpu.memory_space<vmem_shared>> -> memref<10240x128xf32, #tpu.memory_space<vmem_shared>>
    tpu.enqueue_indirect_dma source(%arg13 : memref<128x128xf32, #tpu.memory_space<vmem>>) target(%dma_start3A_294 : memref<10240x128xf32, #tpu.memory_space<vmem_shared>>) offsets(%arg11 : memref<128xi32, #tpu.memory_space<vmem>>) semaphore(%arg17 : memref<!tpu.dma_semaphore, #tpu.memory_space<semaphore_mem>>) {add = true}
    %dma_wait3A_295 = arith.constant 0 : i32
    %dma_wait3A_296 = arith.constant 0 : i32
    %dma_wait3A_297 = tpu.memref_slice %arg6[%dma_wait3A_295, %dma_wait3A_296] : memref<10240x128xf32, #tpu.memory_space<vmem_shared>> -> memref<10240x128xf32, #tpu.memory_space<vmem_shared>>
    tpu.wait_indirect_dma semaphore(%arg16 : memref<!tpu.dma_semaphore, #tpu.memory_space<semaphore_mem>>) src(%arg12 : memref<128x128xf32, #tpu.memory_space<vmem>>) dst(%dma_wait3A_297 : memref<10240x128xf32, #tpu.memory_space<vmem_shared>>)
    %dma_wait3A_298 = arith.constant 0 : i32
    %dma_wait3A_299 = arith.constant 0 : i32
    %dma_wait3A_300 = tpu.memref_slice %arg6[%dma_wait3A_298, %dma_wait3A_299] : memref<10240x128xf32, #tpu.memory_space<vmem_shared>> -> memref<10240x128xf32, #tpu.memory_space<vmem_shared>>
    tpu.wait_indirect_dma semaphore(%arg17 : memref<!tpu.dma_semaphore, #tpu.memory_space<semaphore_mem>>) src(%arg13 : memref<128x128xf32, #tpu.memory_space<vmem>>) dst(%dma_wait3A_300 : memref<10240x128xf32, #tpu.memory_space<vmem_shared>>)
    %barrier3A_301 = arith.constant 0 : index
    tpu.barrier barrier_id(%barrier3A_301)
    %mul3A_302 = arith.constant 640 : i32
    %mul3A_303 = arith.muli %arg1, %mul3A_302 : i32
    "tpu.region"() ({
      %run_scoped3A = tpu.sem_alloc : memref<!tpu.dma_semaphore, #tpu.memory_space<semaphore_mem>>
      %dma_start3A_304 = arith.constant 0 : i32
      %dma_start3A_305 = tpu.memref_slice %arg5[%arg0, %mul3A_303, %dma_start3A_304] : memref<2x10240x128xf32, #tpu.memory_space<hbm>> -> memref<1x640x128xf32, #tpu.memory_space<hbm>>
      %dma_start3A_306 = tpu.memref_squeeze %dma_start3A_305 : memref<1x640x128xf32, #tpu.memory_space<hbm>> -> memref<640x128xf32, #tpu.memory_space<hbm>>
      %dma_start3A_307 = arith.constant 0 : i32
      %dma_start3A_308 = tpu.memref_slice %arg6[%mul3A_303, %dma_start3A_307] : memref<10240x128xf32, #tpu.memory_space<vmem_shared>> -> memref<640x128xf32, #tpu.memory_space<vmem_shared>>
      tpu.enqueue_dma source(%dma_start3A_308 : memref<640x128xf32, #tpu.memory_space<vmem_shared>>) target(%dma_start3A_306 : memref<640x128xf32, #tpu.memory_space<hbm>>) target_semaphore(%run_scoped3A : memref<!tpu.dma_semaphore, #tpu.memory_space<semaphore_mem>>)
      %dma_wait3A_309 = arith.constant 0 : i32
      %dma_wait3A_310 = tpu.memref_slice %arg5[%arg0, %mul3A_303, %dma_wait3A_309] : memref<2x10240x128xf32, #tpu.memory_space<hbm>> -> memref<1x640x128xf32, #tpu.memory_space<hbm>>
      %dma_wait3A_311 = tpu.memref_squeeze %dma_wait3A_310 : memref<1x640x128xf32, #tpu.memory_space<hbm>> -> memref<640x128xf32, #tpu.memory_space<hbm>>
      %dma_wait3A_312 = arith.constant 0 : i32
      %dma_wait3A_313 = tpu.memref_slice %arg6[%mul3A_303, %dma_wait3A_312] : memref<10240x128xf32, #tpu.memory_space<vmem_shared>> -> memref<640x128xf32, #tpu.memory_space<vmem_shared>>
      tpu.wait_dma2 semaphore(%run_scoped3A : memref<!tpu.dma_semaphore, #tpu.memory_space<semaphore_mem>>) src(%dma_wait3A_313 : memref<640x128xf32, #tpu.memory_space<vmem_shared>>) dst(%dma_wait3A_311 : memref<640x128xf32, #tpu.memory_space<hbm>>)
      tpu.yield
    }) : () -> ()
    return
  }
}

#map = affine_map<(d0, d1) -> (0, 0)>
#map1 = affine_map<(d0, d1) -> (0)>
#map2 = affine_map<(d0, d1) -> (0, 0, 0)>
module attributes {stable_mosaic.version = 14 : i64} {
  func.func @_sc_agg(%arg0: i32, %arg1: i32, %arg2: memref<10240x128xf32, #tpu.memory_space<hbm>>, %arg3: memref<327680xi32, #tpu.memory_space<hbm>>, %arg4: memref<640x128xf32, #tpu.memory_space<hbm>>, %arg5: memref<2x10240x128xf32, #tpu.memory_space<hbm>>, %arg6: memref<10240x128xf32, #tpu.memory_space<vmem_shared>>, %arg7: memref<10240xi32, #tpu.memory_space<vmem>>, %arg8: memref<128xi32, #tpu.memory_space<vmem>>, %arg9: memref<128xi32, #tpu.memory_space<vmem>>, %arg10: memref<128xi32, #tpu.memory_space<vmem>>, %arg11: memref<128xi32, #tpu.memory_space<vmem>>, %arg12: memref<128x128xf32, #tpu.memory_space<vmem>>, %arg13: memref<128x128xf32, #tpu.memory_space<vmem>>, %arg14: memref<!tpu.dma_semaphore, #tpu.memory_space<semaphore_mem>>, %arg15: memref<!tpu.dma_semaphore, #tpu.memory_space<semaphore_mem>>, %arg16: memref<!tpu.dma_semaphore, #tpu.memory_space<semaphore_mem>>, %arg17: memref<!tpu.dma_semaphore, #tpu.memory_space<semaphore_mem>>) attributes {dimension_semantics = [#tpu.dimension_semantics<core_parallel>, #tpu.dimension_semantics<subcore_parallel>], iteration_bounds = array<i64: 2, 16>, scalar_prefetch = 0 : i64, scratch_operands = 12 : i64, tpu.core_type = #tpu.core_type<sc_vector_subcore>, window_params = [{transform_indices = #map}, {transform_indices = #map1}, {transform_indices = #map}, {transform_indices = #map2}]} {
    %mul3A = arith.constant 16 : i32
    %mul3A_0 = arith.muli %arg0, %mul3A : i32
    %add3A = arith.addi %mul3A_0, %arg1 : i32
    %mul3A_1 = arith.constant 10240 : i32
    %mul3A_2 = arith.muli %add3A, %mul3A_1 : i32
    "tpu.region"() ({
      %run_scoped3A = tpu.sem_alloc : memref<!tpu.dma_semaphore, #tpu.memory_space<semaphore_mem>>
      %dma_start3A_304 = tpu.memref_slice %arg3[%mul3A_2] : memref<327680xi32, #tpu.memory_space<hbm>> -> memref<10240xi32, #tpu.memory_space<hbm>>
      %dma_start3A_305 = tpu.memref_slice %arg3[%mul3A_2] : memref<327680xi32, #tpu.memory_space<hbm>> -> memref<10240xi32, #tpu.memory_space<hbm>>
      tpu.enqueue_dma source(%dma_start3A_305 : memref<10240xi32, #tpu.memory_space<hbm>>) target(%arg7 : memref<10240xi32, #tpu.memory_space<vmem>>) target_semaphore(%run_scoped3A : memref<!tpu.dma_semaphore, #tpu.memory_space<semaphore_mem>>)
      %dma_wait3A_306 = tpu.memref_slice %arg3[%mul3A_2] : memref<327680xi32, #tpu.memory_space<hbm>> -> memref<10240xi32, #tpu.memory_space<hbm>>
      %dma_wait3A_307 = tpu.memref_slice %arg3[%mul3A_2] : memref<327680xi32, #tpu.memory_space<hbm>> -> memref<10240xi32, #tpu.memory_space<hbm>>
      tpu.wait_dma2 semaphore(%run_scoped3A : memref<!tpu.dma_semaphore, #tpu.memory_space<semaphore_mem>>) src(%dma_wait3A_307 : memref<10240xi32, #tpu.memory_space<hbm>>) dst(%arg7 : memref<10240xi32, #tpu.memory_space<vmem>>)
      tpu.yield
    }) : () -> ()
    %mul3A_3 = arith.constant 640 : i32
    %mul3A_4 = arith.muli %arg1, %mul3A_3 : i32
    "tpu.region"() ({
      %run_scoped3A = tpu.sem_alloc : memref<!tpu.dma_semaphore, #tpu.memory_space<semaphore_mem>>
      %dma_start3A_304 = arith.constant 0 : i32
      %dma_start3A_305 = tpu.memref_slice %arg6[%mul3A_4, %dma_start3A_304] : memref<10240x128xf32, #tpu.memory_space<vmem_shared>> -> memref<640x128xf32, #tpu.memory_space<vmem_shared>>
      tpu.enqueue_dma source(%arg4 : memref<640x128xf32, #tpu.memory_space<hbm>>) target(%dma_start3A_305 : memref<640x128xf32, #tpu.memory_space<vmem_shared>>) target_semaphore(%run_scoped3A : memref<!tpu.dma_semaphore, #tpu.memory_space<semaphore_mem>>)
      %dma_wait3A_306 = arith.constant 0 : i32
      %dma_wait3A_307 = tpu.memref_slice %arg6[%mul3A_4, %dma_wait3A_306] : memref<10240x128xf32, #tpu.memory_space<vmem_shared>> -> memref<640x128xf32, #tpu.memory_space<vmem_shared>>
      tpu.wait_dma2 semaphore(%run_scoped3A : memref<!tpu.dma_semaphore, #tpu.memory_space<semaphore_mem>>) src(%arg4 : memref<640x128xf32, #tpu.memory_space<hbm>>) dst(%dma_wait3A_307 : memref<640x128xf32, #tpu.memory_space<vmem_shared>>)
      tpu.yield
    }) : () -> ()
    %barrier3A = arith.constant 0 : index
    tpu.barrier barrier_id(%barrier3A)
    %get3A = arith.constant 0 : index
    %get3A_5 = tpu.vector_load %arg7[%get3A] {strides = array<i32>} : memref<10240xi32, #tpu.memory_space<vmem>>, vector<16xi32>,
    %get3A_6 = vector.shape_cast %get3A_5 : vector<16xi32> to vector<16xi32>
    %and3A = arith.constant 65535 : i32
    %and3A_7 = vector.broadcast %and3A : i32 to vector<16xi32>
    %and3A_8 = arith.andi %get3A_6, %and3A_7 : vector<16xi32>
    %swap3A = arith.constant 0 : index
    %swap3A_9 = tpu.vector_load %arg8[%swap3A] {strides = array<i32>} : memref<128xi32, #tpu.memory_space<vmem>>, vector<16xi32>,
    %swap3A_10 = vector.shape_cast %swap3A_9 : vector<16xi32> to vector<16xi32>
    %swap3A_11 = vector.shape_cast %and3A_8 : vector<16xi32> to vector<16xi32>
    tpu.vector_store %arg8[%swap3A], %swap3A_11 {strides = array<i32>} : memref<128xi32, #tpu.memory_space<vmem>>, vector<16xi32>,
    %shift_right_logical3A = arith.constant 16 : i32
    %shift_right_logical3A_12 = vector.broadcast %shift_right_logical3A : i32 to vector<16xi32>
    %shift_right_logical3A_13 = arith.shrui %get3A_6, %shift_right_logical3A_12 : vector<16xi32>
    %swap3A_14 = arith.constant 0 : index
    %swap3A_15 = tpu.vector_load %arg9[%swap3A_14] {strides = array<i32>} : memref<128xi32, #tpu.memory_space<vmem>>, vector<16xi32>,
    %swap3A_16 = vector.shape_cast %swap3A_15 : vector<16xi32> to vector<16xi32>
    %swap3A_17 = vector.shape_cast %shift_right_logical3A_13 : vector<16xi32> to vector<16xi32>
    tpu.vector_store %arg9[%swap3A_14], %swap3A_17 {strides = array<i32>} : memref<128xi32, #tpu.memory_space<vmem>>, vector<16xi32>,
    %get3A_18 = arith.constant 16 : index
    %get3A_19 = tpu.vector_load %arg7[%get3A_18] {strides = array<i32>} : memref<10240xi32, #tpu.memory_space<vmem>>, vector<16xi32>,
    %get3A_20 = vector.shape_cast %get3A_19 : vector<16xi32> to vector<16xi32>
    %and3A_21 = arith.constant 65535 : i32
    %and3A_22 = vector.broadcast %and3A_21 : i32 to vector<16xi32>
    %and3A_23 = arith.andi %get3A_20, %and3A_22 : vector<16xi32>
    %swap3A_24 = arith.constant 16 : index
    %swap3A_25 = tpu.vector_load %arg8[%swap3A_24] {strides = array<i32>} : memref<128xi32, #tpu.memory_space<vmem>>, vector<16xi32>,
    %swap3A_26 = vector.shape_cast %swap3A_25 : vector<16xi32> to vector<16xi32>
    %swap3A_27 = vector.shape_cast %and3A_23 : vector<16xi32> to vector<16xi32>
    tpu.vector_store %arg8[%swap3A_24], %swap3A_27 {strides = array<i32>} : memref<128xi32, #tpu.memory_space<vmem>>, vector<16xi32>,
    %shift_right_logical3A_28 = arith.constant 16 : i32
    %shift_right_logical3A_29 = vector.broadcast %shift_right_logical3A_28 : i32 to vector<16xi32>
    %shift_right_logical3A_30 = arith.shrui %get3A_20, %shift_right_logical3A_29 : vector<16xi32>
    %swap3A_31 = arith.constant 16 : index
    %swap3A_32 = tpu.vector_load %arg9[%swap3A_31] {strides = array<i32>} : memref<128xi32, #tpu.memory_space<vmem>>, vector<16xi32>,
    %swap3A_33 = vector.shape_cast %swap3A_32 : vector<16xi32> to vector<16xi32>
    %swap3A_34 = vector.shape_cast %shift_right_logical3A_30 : vector<16xi32> to vector<16xi32>
    tpu.vector_store %arg9[%swap3A_31], %swap3A_34 {strides = array<i32>} : memref<128xi32, #tpu.memory_space<vmem>>, vector<16xi32>,
    %get3A_35 = arith.constant 32 : index
    %get3A_36 = tpu.vector_load %arg7[%get3A_35] {strides = array<i32>} : memref<10240xi32, #tpu.memory_space<vmem>>, vector<16xi32>,
    %get3A_37 = vector.shape_cast %get3A_36 : vector<16xi32> to vector<16xi32>
    %and3A_38 = arith.constant 65535 : i32
    %and3A_39 = vector.broadcast %and3A_38 : i32 to vector<16xi32>
    %and3A_40 = arith.andi %get3A_37, %and3A_39 : vector<16xi32>
    %swap3A_41 = arith.constant 32 : index
    %swap3A_42 = tpu.vector_load %arg8[%swap3A_41] {strides = array<i32>} : memref<128xi32, #tpu.memory_space<vmem>>, vector<16xi32>,
    %swap3A_43 = vector.shape_cast %swap3A_42 : vector<16xi32> to vector<16xi32>
    %swap3A_44 = vector.shape_cast %and3A_40 : vector<16xi32> to vector<16xi32>
    tpu.vector_store %arg8[%swap3A_41], %swap3A_44 {strides = array<i32>} : memref<128xi32, #tpu.memory_space<vmem>>, vector<16xi32>,
    %shift_right_logical3A_45 = arith.constant 16 : i32
    %shift_right_logical3A_46 = vector.broadcast %shift_right_logical3A_45 : i32 to vector<16xi32>
    %shift_right_logical3A_47 = arith.shrui %get3A_37, %shift_right_logical3A_46 : vector<16xi32>
    %swap3A_48 = arith.constant 32 : index
    %swap3A_49 = tpu.vector_load %arg9[%swap3A_48] {strides = array<i32>} : memref<128xi32, #tpu.memory_space<vmem>>, vector<16xi32>,
    %swap3A_50 = vector.shape_cast %swap3A_49 : vector<16xi32> to vector<16xi32>
    %swap3A_51 = vector.shape_cast %shift_right_logical3A_47 : vector<16xi32> to vector<16xi32>
    tpu.vector_store %arg9[%swap3A_48], %swap3A_51 {strides = array<i32>} : memref<128xi32, #tpu.memory_space<vmem>>, vector<16xi32>,
    %get3A_52 = arith.constant 48 : index
    %get3A_53 = tpu.vector_load %arg7[%get3A_52] {strides = array<i32>} : memref<10240xi32, #tpu.memory_space<vmem>>, vector<16xi32>,
    %get3A_54 = vector.shape_cast %get3A_53 : vector<16xi32> to vector<16xi32>
    %and3A_55 = arith.constant 65535 : i32
    %and3A_56 = vector.broadcast %and3A_55 : i32 to vector<16xi32>
    %and3A_57 = arith.andi %get3A_54, %and3A_56 : vector<16xi32>
    %swap3A_58 = arith.constant 48 : index
    %swap3A_59 = tpu.vector_load %arg8[%swap3A_58] {strides = array<i32>} : memref<128xi32, #tpu.memory_space<vmem>>, vector<16xi32>,
    %swap3A_60 = vector.shape_cast %swap3A_59 : vector<16xi32> to vector<16xi32>
    %swap3A_61 = vector.shape_cast %and3A_57 : vector<16xi32> to vector<16xi32>
    tpu.vector_store %arg8[%swap3A_58], %swap3A_61 {strides = array<i32>} : memref<128xi32, #tpu.memory_space<vmem>>, vector<16xi32>,
    %shift_right_logical3A_62 = arith.constant 16 : i32
    %shift_right_logical3A_63 = vector.broadcast %shift_right_logical3A_62 : i32 to vector<16xi32>
    %shift_right_logical3A_64 = arith.shrui %get3A_54, %shift_right_logical3A_63 : vector<16xi32>
    %swap3A_65 = arith.constant 48 : index
    %swap3A_66 = tpu.vector_load %arg9[%swap3A_65] {strides = array<i32>} : memref<128xi32, #tpu.memory_space<vmem>>, vector<16xi32>,
    %swap3A_67 = vector.shape_cast %swap3A_66 : vector<16xi32> to vector<16xi32>
    %swap3A_68 = vector.shape_cast %shift_right_logical3A_64 : vector<16xi32> to vector<16xi32>
    tpu.vector_store %arg9[%swap3A_65], %swap3A_68 {strides = array<i32>} : memref<128xi32, #tpu.memory_space<vmem>>, vector<16xi32>,
    %get3A_69 = arith.constant 64 : index
    %get3A_70 = tpu.vector_load %arg7[%get3A_69] {strides = array<i32>} : memref<10240xi32, #tpu.memory_space<vmem>>, vector<16xi32>,
    %get3A_71 = vector.shape_cast %get3A_70 : vector<16xi32> to vector<16xi32>
    %and3A_72 = arith.constant 65535 : i32
    %and3A_73 = vector.broadcast %and3A_72 : i32 to vector<16xi32>
    %and3A_74 = arith.andi %get3A_71, %and3A_73 : vector<16xi32>
    %swap3A_75 = arith.constant 64 : index
    %swap3A_76 = tpu.vector_load %arg8[%swap3A_75] {strides = array<i32>} : memref<128xi32, #tpu.memory_space<vmem>>, vector<16xi32>,
    %swap3A_77 = vector.shape_cast %swap3A_76 : vector<16xi32> to vector<16xi32>
    %swap3A_78 = vector.shape_cast %and3A_74 : vector<16xi32> to vector<16xi32>
    tpu.vector_store %arg8[%swap3A_75], %swap3A_78 {strides = array<i32>} : memref<128xi32, #tpu.memory_space<vmem>>, vector<16xi32>,
    %shift_right_logical3A_79 = arith.constant 16 : i32
    %shift_right_logical3A_80 = vector.broadcast %shift_right_logical3A_79 : i32 to vector<16xi32>
    %shift_right_logical3A_81 = arith.shrui %get3A_71, %shift_right_logical3A_80 : vector<16xi32>
    %swap3A_82 = arith.constant 64 : index
    %swap3A_83 = tpu.vector_load %arg9[%swap3A_82] {strides = array<i32>} : memref<128xi32, #tpu.memory_space<vmem>>, vector<16xi32>,
    %swap3A_84 = vector.shape_cast %swap3A_83 : vector<16xi32> to vector<16xi32>
    %swap3A_85 = vector.shape_cast %shift_right_logical3A_81 : vector<16xi32> to vector<16xi32>
    tpu.vector_store %arg9[%swap3A_82], %swap3A_85 {strides = array<i32>} : memref<128xi32, #tpu.memory_space<vmem>>, vector<16xi32>,
    %get3A_86 = arith.constant 80 : index
    %get3A_87 = tpu.vector_load %arg7[%get3A_86] {strides = array<i32>} : memref<10240xi32, #tpu.memory_space<vmem>>, vector<16xi32>,
    %get3A_88 = vector.shape_cast %get3A_87 : vector<16xi32> to vector<16xi32>
    %and3A_89 = arith.constant 65535 : i32
    %and3A_90 = vector.broadcast %and3A_89 : i32 to vector<16xi32>
    %and3A_91 = arith.andi %get3A_88, %and3A_90 : vector<16xi32>
    %swap3A_92 = arith.constant 80 : index
    %swap3A_93 = tpu.vector_load %arg8[%swap3A_92] {strides = array<i32>} : memref<128xi32, #tpu.memory_space<vmem>>, vector<16xi32>,
    %swap3A_94 = vector.shape_cast %swap3A_93 : vector<16xi32> to vector<16xi32>
    %swap3A_95 = vector.shape_cast %and3A_91 : vector<16xi32> to vector<16xi32>
    tpu.vector_store %arg8[%swap3A_92], %swap3A_95 {strides = array<i32>} : memref<128xi32, #tpu.memory_space<vmem>>, vector<16xi32>,
    %shift_right_logical3A_96 = arith.constant 16 : i32
    %shift_right_logical3A_97 = vector.broadcast %shift_right_logical3A_96 : i32 to vector<16xi32>
    %shift_right_logical3A_98 = arith.shrui %get3A_88, %shift_right_logical3A_97 : vector<16xi32>
    %swap3A_99 = arith.constant 80 : index
    %swap3A_100 = tpu.vector_load %arg9[%swap3A_99] {strides = array<i32>} : memref<128xi32, #tpu.memory_space<vmem>>, vector<16xi32>,
    %swap3A_101 = vector.shape_cast %swap3A_100 : vector<16xi32> to vector<16xi32>
    %swap3A_102 = vector.shape_cast %shift_right_logical3A_98 : vector<16xi32> to vector<16xi32>
    tpu.vector_store %arg9[%swap3A_99], %swap3A_102 {strides = array<i32>} : memref<128xi32, #tpu.memory_space<vmem>>, vector<16xi32>,
    %get3A_103 = arith.constant 96 : index
    %get3A_104 = tpu.vector_load %arg7[%get3A_103] {strides = array<i32>} : memref<10240xi32, #tpu.memory_space<vmem>>, vector<16xi32>,
    %get3A_105 = vector.shape_cast %get3A_104 : vector<16xi32> to vector<16xi32>
    %and3A_106 = arith.constant 65535 : i32
    %and3A_107 = vector.broadcast %and3A_106 : i32 to vector<16xi32>
    %and3A_108 = arith.andi %get3A_105, %and3A_107 : vector<16xi32>
    %swap3A_109 = arith.constant 96 : index
    %swap3A_110 = tpu.vector_load %arg8[%swap3A_109] {strides = array<i32>} : memref<128xi32, #tpu.memory_space<vmem>>, vector<16xi32>,
    %swap3A_111 = vector.shape_cast %swap3A_110 : vector<16xi32> to vector<16xi32>
    %swap3A_112 = vector.shape_cast %and3A_108 : vector<16xi32> to vector<16xi32>
    tpu.vector_store %arg8[%swap3A_109], %swap3A_112 {strides = array<i32>} : memref<128xi32, #tpu.memory_space<vmem>>, vector<16xi32>,
    %shift_right_logical3A_113 = arith.constant 16 : i32
    %shift_right_logical3A_114 = vector.broadcast %shift_right_logical3A_113 : i32 to vector<16xi32>
    %shift_right_logical3A_115 = arith.shrui %get3A_105, %shift_right_logical3A_114 : vector<16xi32>
    %swap3A_116 = arith.constant 96 : index
    %swap3A_117 = tpu.vector_load %arg9[%swap3A_116] {strides = array<i32>} : memref<128xi32, #tpu.memory_space<vmem>>, vector<16xi32>,
    %swap3A_118 = vector.shape_cast %swap3A_117 : vector<16xi32> to vector<16xi32>
    %swap3A_119 = vector.shape_cast %shift_right_logical3A_115 : vector<16xi32> to vector<16xi32>
    tpu.vector_store %arg9[%swap3A_116], %swap3A_119 {strides = array<i32>} : memref<128xi32, #tpu.memory_space<vmem>>, vector<16xi32>,
    %get3A_120 = arith.constant 112 : index
    %get3A_121 = tpu.vector_load %arg7[%get3A_120] {strides = array<i32>} : memref<10240xi32, #tpu.memory_space<vmem>>, vector<16xi32>,
    %get3A_122 = vector.shape_cast %get3A_121 : vector<16xi32> to vector<16xi32>
    %and3A_123 = arith.constant 65535 : i32
    %and3A_124 = vector.broadcast %and3A_123 : i32 to vector<16xi32>
    %and3A_125 = arith.andi %get3A_122, %and3A_124 : vector<16xi32>
    %swap3A_126 = arith.constant 112 : index
    %swap3A_127 = tpu.vector_load %arg8[%swap3A_126] {strides = array<i32>} : memref<128xi32, #tpu.memory_space<vmem>>, vector<16xi32>,
    %swap3A_128 = vector.shape_cast %swap3A_127 : vector<16xi32> to vector<16xi32>
    %swap3A_129 = vector.shape_cast %and3A_125 : vector<16xi32> to vector<16xi32>
    tpu.vector_store %arg8[%swap3A_126], %swap3A_129 {strides = array<i32>} : memref<128xi32, #tpu.memory_space<vmem>>, vector<16xi32>,
    %shift_right_logical3A_130 = arith.constant 16 : i32
    %shift_right_logical3A_131 = vector.broadcast %shift_right_logical3A_130 : i32 to vector<16xi32>
    %shift_right_logical3A_132 = arith.shrui %get3A_122, %shift_right_logical3A_131 : vector<16xi32>
    %swap3A_133 = arith.constant 112 : index
    %swap3A_134 = tpu.vector_load %arg9[%swap3A_133] {strides = array<i32>} : memref<128xi32, #tpu.memory_space<vmem>>, vector<16xi32>,
    %swap3A_135 = vector.shape_cast %swap3A_134 : vector<16xi32> to vector<16xi32>
    %swap3A_136 = vector.shape_cast %shift_right_logical3A_132 : vector<16xi32> to vector<16xi32>
    tpu.vector_store %arg9[%swap3A_133], %swap3A_136 {strides = array<i32>} : memref<128xi32, #tpu.memory_space<vmem>>, vector<16xi32>,
    %dma_start3A = arith.constant 0 : i32
    %dma_start3A_137 = arith.constant 0 : i32
    %dma_start3A_138 = tpu.memref_slice %arg2[%dma_start3A, %dma_start3A_137] : memref<10240x128xf32, #tpu.memory_space<hbm>> -> memref<10240x128xf32, #tpu.memory_space<hbm>>
    tpu.enqueue_indirect_dma source(%dma_start3A_138 : memref<10240x128xf32, #tpu.memory_space<hbm>>) target(%arg12 : memref<128x128xf32, #tpu.memory_space<vmem>>) offsets(%arg8 : memref<128xi32, #tpu.memory_space<vmem>>) semaphore(%arg14 : memref<!tpu.dma_semaphore, #tpu.memory_space<semaphore_mem>>)
    %get3A_139 = arith.constant 128 : index
    %get3A_140 = tpu.vector_load %arg7[%get3A_139] {strides = array<i32>} : memref<10240xi32, #tpu.memory_space<vmem>>, vector<16xi32>,
    %get3A_141 = vector.shape_cast %get3A_140 : vector<16xi32> to vector<16xi32>
    %and3A_142 = arith.constant 65535 : i32
    %and3A_143 = vector.broadcast %and3A_142 : i32 to vector<16xi32>
    %and3A_144 = arith.andi %get3A_141, %and3A_143 : vector<16xi32>
    %swap3A_145 = arith.constant 0 : index
    %swap3A_146 = tpu.vector_load %arg10[%swap3A_145] {strides = array<i32>} : memref<128xi32, #tpu.memory_space<vmem>>, vector<16xi32>,
    %swap3A_147 = vector.shape_cast %swap3A_146 : vector<16xi32> to vector<16xi32>
    %swap3A_148 = vector.shape_cast %and3A_144 : vector<16xi32> to vector<16xi32>
    tpu.vector_store %arg10[%swap3A_145], %swap3A_148 {strides = array<i32>} : memref<128xi32, #tpu.memory_space<vmem>>, vector<16xi32>,
    %shift_right_logical3A_149 = arith.constant 16 : i32
    %shift_right_logical3A_150 = vector.broadcast %shift_right_logical3A_149 : i32 to vector<16xi32>
    %shift_right_logical3A_151 = arith.shrui %get3A_141, %shift_right_logical3A_150 : vector<16xi32>
    %swap3A_152 = arith.constant 0 : index
    %swap3A_153 = tpu.vector_load %arg11[%swap3A_152] {strides = array<i32>} : memref<128xi32, #tpu.memory_space<vmem>>, vector<16xi32>,
    %swap3A_154 = vector.shape_cast %swap3A_153 : vector<16xi32> to vector<16xi32>
    %swap3A_155 = vector.shape_cast %shift_right_logical3A_151 : vector<16xi32> to vector<16xi32>
    tpu.vector_store %arg11[%swap3A_152], %swap3A_155 {strides = array<i32>} : memref<128xi32, #tpu.memory_space<vmem>>, vector<16xi32>,
    %get3A_156 = arith.constant 144 : index
    %get3A_157 = tpu.vector_load %arg7[%get3A_156] {strides = array<i32>} : memref<10240xi32, #tpu.memory_space<vmem>>, vector<16xi32>,
    %get3A_158 = vector.shape_cast %get3A_157 : vector<16xi32> to vector<16xi32>
    %and3A_159 = arith.constant 65535 : i32
    %and3A_160 = vector.broadcast %and3A_159 : i32 to vector<16xi32>
    %and3A_161 = arith.andi %get3A_158, %and3A_160 : vector<16xi32>
    %swap3A_162 = arith.constant 16 : index
    %swap3A_163 = tpu.vector_load %arg10[%swap3A_162] {strides = array<i32>} : memref<128xi32, #tpu.memory_space<vmem>>, vector<16xi32>,
    %swap3A_164 = vector.shape_cast %swap3A_163 : vector<16xi32> to vector<16xi32>
    %swap3A_165 = vector.shape_cast %and3A_161 : vector<16xi32> to vector<16xi32>
    tpu.vector_store %arg10[%swap3A_162], %swap3A_165 {strides = array<i32>} : memref<128xi32, #tpu.memory_space<vmem>>, vector<16xi32>,
    %shift_right_logical3A_166 = arith.constant 16 : i32
    %shift_right_logical3A_167 = vector.broadcast %shift_right_logical3A_166 : i32 to vector<16xi32>
    %shift_right_logical3A_168 = arith.shrui %get3A_158, %shift_right_logical3A_167 : vector<16xi32>
    %swap3A_169 = arith.constant 16 : index
    %swap3A_170 = tpu.vector_load %arg11[%swap3A_169] {strides = array<i32>} : memref<128xi32, #tpu.memory_space<vmem>>, vector<16xi32>,
    %swap3A_171 = vector.shape_cast %swap3A_170 : vector<16xi32> to vector<16xi32>
    %swap3A_172 = vector.shape_cast %shift_right_logical3A_168 : vector<16xi32> to vector<16xi32>
    tpu.vector_store %arg11[%swap3A_169], %swap3A_172 {strides = array<i32>} : memref<128xi32, #tpu.memory_space<vmem>>, vector<16xi32>,
    %get3A_173 = arith.constant 160 : index
    %get3A_174 = tpu.vector_load %arg7[%get3A_173] {strides = array<i32>} : memref<10240xi32, #tpu.memory_space<vmem>>, vector<16xi32>,
    %get3A_175 = vector.shape_cast %get3A_174 : vector<16xi32> to vector<16xi32>
    %and3A_176 = arith.constant 65535 : i32
    %and3A_177 = vector.broadcast %and3A_176 : i32 to vector<16xi32>
    %and3A_178 = arith.andi %get3A_175, %and3A_177 : vector<16xi32>
    %swap3A_179 = arith.constant 32 : index
    %swap3A_180 = tpu.vector_load %arg10[%swap3A_179] {strides = array<i32>} : memref<128xi32, #tpu.memory_space<vmem>>, vector<16xi32>,
    %swap3A_181 = vector.shape_cast %swap3A_180 : vector<16xi32> to vector<16xi32>
    %swap3A_182 = vector.shape_cast %and3A_178 : vector<16xi32> to vector<16xi32>
    tpu.vector_store %arg10[%swap3A_179], %swap3A_182 {strides = array<i32>} : memref<128xi32, #tpu.memory_space<vmem>>, vector<16xi32>,
    %shift_right_logical3A_183 = arith.constant 16 : i32
    %shift_right_logical3A_184 = vector.broadcast %shift_right_logical3A_183 : i32 to vector<16xi32>
    %shift_right_logical3A_185 = arith.shrui %get3A_175, %shift_right_logical3A_184 : vector<16xi32>
    %swap3A_186 = arith.constant 32 : index
    %swap3A_187 = tpu.vector_load %arg11[%swap3A_186] {strides = array<i32>} : memref<128xi32, #tpu.memory_space<vmem>>, vector<16xi32>,
    %swap3A_188 = vector.shape_cast %swap3A_187 : vector<16xi32> to vector<16xi32>
    %swap3A_189 = vector.shape_cast %shift_right_logical3A_185 : vector<16xi32> to vector<16xi32>
    tpu.vector_store %arg11[%swap3A_186], %swap3A_189 {strides = array<i32>} : memref<128xi32, #tpu.memory_space<vmem>>, vector<16xi32>,
    %get3A_190 = arith.constant 176 : index
    %get3A_191 = tpu.vector_load %arg7[%get3A_190] {strides = array<i32>} : memref<10240xi32, #tpu.memory_space<vmem>>, vector<16xi32>,
    %get3A_192 = vector.shape_cast %get3A_191 : vector<16xi32> to vector<16xi32>
    %and3A_193 = arith.constant 65535 : i32
    %and3A_194 = vector.broadcast %and3A_193 : i32 to vector<16xi32>
    %and3A_195 = arith.andi %get3A_192, %and3A_194 : vector<16xi32>
    %swap3A_196 = arith.constant 48 : index
    %swap3A_197 = tpu.vector_load %arg10[%swap3A_196] {strides = array<i32>} : memref<128xi32, #tpu.memory_space<vmem>>, vector<16xi32>,
    %swap3A_198 = vector.shape_cast %swap3A_197 : vector<16xi32> to vector<16xi32>
    %swap3A_199 = vector.shape_cast %and3A_195 : vector<16xi32> to vector<16xi32>
    tpu.vector_store %arg10[%swap3A_196], %swap3A_199 {strides = array<i32>} : memref<128xi32, #tpu.memory_space<vmem>>, vector<16xi32>,
    %shift_right_logical3A_200 = arith.constant 16 : i32
    %shift_right_logical3A_201 = vector.broadcast %shift_right_logical3A_200 : i32 to vector<16xi32>
    %shift_right_logical3A_202 = arith.shrui %get3A_192, %shift_right_logical3A_201 : vector<16xi32>
    %swap3A_203 = arith.constant 48 : index
    %swap3A_204 = tpu.vector_load %arg11[%swap3A_203] {strides = array<i32>} : memref<128xi32, #tpu.memory_space<vmem>>, vector<16xi32>,
    %swap3A_205 = vector.shape_cast %swap3A_204 : vector<16xi32> to vector<16xi32>
    %swap3A_206 = vector.shape_cast %shift_right_logical3A_202 : vector<16xi32> to vector<16xi32>
    tpu.vector_store %arg11[%swap3A_203], %swap3A_206 {strides = array<i32>} : memref<128xi32, #tpu.memory_space<vmem>>, vector<16xi32>,
    %get3A_207 = arith.constant 192 : index
    %get3A_208 = tpu.vector_load %arg7[%get3A_207] {strides = array<i32>} : memref<10240xi32, #tpu.memory_space<vmem>>, vector<16xi32>,
    %get3A_209 = vector.shape_cast %get3A_208 : vector<16xi32> to vector<16xi32>
    %and3A_210 = arith.constant 65535 : i32
    %and3A_211 = vector.broadcast %and3A_210 : i32 to vector<16xi32>
    %and3A_212 = arith.andi %get3A_209, %and3A_211 : vector<16xi32>
    %swap3A_213 = arith.constant 64 : index
    %swap3A_214 = tpu.vector_load %arg10[%swap3A_213] {strides = array<i32>} : memref<128xi32, #tpu.memory_space<vmem>>, vector<16xi32>,
    %swap3A_215 = vector.shape_cast %swap3A_214 : vector<16xi32> to vector<16xi32>
    %swap3A_216 = vector.shape_cast %and3A_212 : vector<16xi32> to vector<16xi32>
    tpu.vector_store %arg10[%swap3A_213], %swap3A_216 {strides = array<i32>} : memref<128xi32, #tpu.memory_space<vmem>>, vector<16xi32>,
    %shift_right_logical3A_217 = arith.constant 16 : i32
    %shift_right_logical3A_218 = vector.broadcast %shift_right_logical3A_217 : i32 to vector<16xi32>
    %shift_right_logical3A_219 = arith.shrui %get3A_209, %shift_right_logical3A_218 : vector<16xi32>
    %swap3A_220 = arith.constant 64 : index
    %swap3A_221 = tpu.vector_load %arg11[%swap3A_220] {strides = array<i32>} : memref<128xi32, #tpu.memory_space<vmem>>, vector<16xi32>,
    %swap3A_222 = vector.shape_cast %swap3A_221 : vector<16xi32> to vector<16xi32>
    %swap3A_223 = vector.shape_cast %shift_right_logical3A_219 : vector<16xi32> to vector<16xi32>
    tpu.vector_store %arg11[%swap3A_220], %swap3A_223 {strides = array<i32>} : memref<128xi32, #tpu.memory_space<vmem>>, vector<16xi32>,
    %get3A_224 = arith.constant 208 : index
    %get3A_225 = tpu.vector_load %arg7[%get3A_224] {strides = array<i32>} : memref<10240xi32, #tpu.memory_space<vmem>>, vector<16xi32>,
    %get3A_226 = vector.shape_cast %get3A_225 : vector<16xi32> to vector<16xi32>
    %and3A_227 = arith.constant 65535 : i32
    %and3A_228 = vector.broadcast %and3A_227 : i32 to vector<16xi32>
    %and3A_229 = arith.andi %get3A_226, %and3A_228 : vector<16xi32>
    %swap3A_230 = arith.constant 80 : index
    %swap3A_231 = tpu.vector_load %arg10[%swap3A_230] {strides = array<i32>} : memref<128xi32, #tpu.memory_space<vmem>>, vector<16xi32>,
    %swap3A_232 = vector.shape_cast %swap3A_231 : vector<16xi32> to vector<16xi32>
    %swap3A_233 = vector.shape_cast %and3A_229 : vector<16xi32> to vector<16xi32>
    tpu.vector_store %arg10[%swap3A_230], %swap3A_233 {strides = array<i32>} : memref<128xi32, #tpu.memory_space<vmem>>, vector<16xi32>,
    %shift_right_logical3A_234 = arith.constant 16 : i32
    %shift_right_logical3A_235 = vector.broadcast %shift_right_logical3A_234 : i32 to vector<16xi32>
    %shift_right_logical3A_236 = arith.shrui %get3A_226, %shift_right_logical3A_235 : vector<16xi32>
    %swap3A_237 = arith.constant 80 : index
    %swap3A_238 = tpu.vector_load %arg11[%swap3A_237] {strides = array<i32>} : memref<128xi32, #tpu.memory_space<vmem>>, vector<16xi32>,
    %swap3A_239 = vector.shape_cast %swap3A_238 : vector<16xi32> to vector<16xi32>
    %swap3A_240 = vector.shape_cast %shift_right_logical3A_236 : vector<16xi32> to vector<16xi32>
    tpu.vector_store %arg11[%swap3A_237], %swap3A_240 {strides = array<i32>} : memref<128xi32, #tpu.memory_space<vmem>>, vector<16xi32>,
    %get3A_241 = arith.constant 224 : index
    %get3A_242 = tpu.vector_load %arg7[%get3A_241] {strides = array<i32>} : memref<10240xi32, #tpu.memory_space<vmem>>, vector<16xi32>,
    %get3A_243 = vector.shape_cast %get3A_242 : vector<16xi32> to vector<16xi32>
    %and3A_244 = arith.constant 65535 : i32
    %and3A_245 = vector.broadcast %and3A_244 : i32 to vector<16xi32>
    %and3A_246 = arith.andi %get3A_243, %and3A_245 : vector<16xi32>
    %swap3A_247 = arith.constant 96 : index
    %swap3A_248 = tpu.vector_load %arg10[%swap3A_247] {strides = array<i32>} : memref<128xi32, #tpu.memory_space<vmem>>, vector<16xi32>,
    %swap3A_249 = vector.shape_cast %swap3A_248 : vector<16xi32> to vector<16xi32>
    %swap3A_250 = vector.shape_cast %and3A_246 : vector<16xi32> to vector<16xi32>
    tpu.vector_store %arg10[%swap3A_247], %swap3A_250 {strides = array<i32>} : memref<128xi32, #tpu.memory_space<vmem>>, vector<16xi32>,
    %shift_right_logical3A_251 = arith.constant 16 : i32
    %shift_right_logical3A_252 = vector.broadcast %shift_right_logical3A_251 : i32 to vector<16xi32>
    %shift_right_logical3A_253 = arith.shrui %get3A_243, %shift_right_logical3A_252 : vector<16xi32>
    %swap3A_254 = arith.constant 96 : index
    %swap3A_255 = tpu.vector_load %arg11[%swap3A_254] {strides = array<i32>} : memref<128xi32, #tpu.memory_space<vmem>>, vector<16xi32>,
    %swap3A_256 = vector.shape_cast %swap3A_255 : vector<16xi32> to vector<16xi32>
    %swap3A_257 = vector.shape_cast %shift_right_logical3A_253 : vector<16xi32> to vector<16xi32>
    tpu.vector_store %arg11[%swap3A_254], %swap3A_257 {strides = array<i32>} : memref<128xi32, #tpu.memory_space<vmem>>, vector<16xi32>,
    %get3A_258 = arith.constant 240 : index
    %get3A_259 = tpu.vector_load %arg7[%get3A_258] {strides = array<i32>} : memref<10240xi32, #tpu.memory_space<vmem>>, vector<16xi32>,
    %get3A_260 = vector.shape_cast %get3A_259 : vector<16xi32> to vector<16xi32>
    %and3A_261 = arith.constant 65535 : i32
    %and3A_262 = vector.broadcast %and3A_261 : i32 to vector<16xi32>
    %and3A_263 = arith.andi %get3A_260, %and3A_262 : vector<16xi32>
    %swap3A_264 = arith.constant 112 : index
    %swap3A_265 = tpu.vector_load %arg10[%swap3A_264] {strides = array<i32>} : memref<128xi32, #tpu.memory_space<vmem>>, vector<16xi32>,
    %swap3A_266 = vector.shape_cast %swap3A_265 : vector<16xi32> to vector<16xi32>
    %swap3A_267 = vector.shape_cast %and3A_263 : vector<16xi32> to vector<16xi32>
    tpu.vector_store %arg10[%swap3A_264], %swap3A_267 {strides = array<i32>} : memref<128xi32, #tpu.memory_space<vmem>>, vector<16xi32>,
    %shift_right_logical3A_268 = arith.constant 16 : i32
    %shift_right_logical3A_269 = vector.broadcast %shift_right_logical3A_268 : i32 to vector<16xi32>
    %shift_right_logical3A_270 = arith.shrui %get3A_260, %shift_right_logical3A_269 : vector<16xi32>
    %swap3A_271 = arith.constant 112 : index
    %swap3A_272 = tpu.vector_load %arg11[%swap3A_271] {strides = array<i32>} : memref<128xi32, #tpu.memory_space<vmem>>, vector<16xi32>,
    %swap3A_273 = vector.shape_cast %swap3A_272 : vector<16xi32> to vector<16xi32>
    %swap3A_274 = vector.shape_cast %shift_right_logical3A_270 : vector<16xi32> to vector<16xi32>
    tpu.vector_store %arg11[%swap3A_271], %swap3A_274 {strides = array<i32>} : memref<128xi32, #tpu.memory_space<vmem>>, vector<16xi32>,
    %dma_start3A_275 = arith.constant 0 : i32
    %dma_start3A_276 = arith.constant 0 : i32
    %dma_start3A_277 = tpu.memref_slice %arg2[%dma_start3A_275, %dma_start3A_276] : memref<10240x128xf32, #tpu.memory_space<hbm>> -> memref<10240x128xf32, #tpu.memory_space<hbm>>
    tpu.enqueue_indirect_dma source(%dma_start3A_277 : memref<10240x128xf32, #tpu.memory_space<hbm>>) target(%arg13 : memref<128x128xf32, #tpu.memory_space<vmem>>) offsets(%arg10 : memref<128xi32, #tpu.memory_space<vmem>>) semaphore(%arg15 : memref<!tpu.dma_semaphore, #tpu.memory_space<semaphore_mem>>)
    %dma_wait3A = arith.constant 0 : i32
    %dma_wait3A_278 = arith.constant 0 : i32
    %dma_wait3A_279 = tpu.memref_slice %arg2[%dma_wait3A, %dma_wait3A_278] : memref<10240x128xf32, #tpu.memory_space<hbm>> -> memref<10240x128xf32, #tpu.memory_space<hbm>>
    tpu.wait_indirect_dma semaphore(%arg14 : memref<!tpu.dma_semaphore, #tpu.memory_space<semaphore_mem>>) src(%dma_wait3A_279 : memref<10240x128xf32, #tpu.memory_space<hbm>>) dst(%arg12 : memref<128x128xf32, #tpu.memory_space<vmem>>)
    %dma_start3A_280 = arith.constant 0 : i32
    %dma_start3A_281 = arith.constant 0 : i32
    %dma_start3A_282 = tpu.memref_slice %arg6[%dma_start3A_280, %dma_start3A_281] : memref<10240x128xf32, #tpu.memory_space<vmem_shared>> -> memref<10240x128xf32, #tpu.memory_space<vmem_shared>>
    tpu.enqueue_indirect_dma source(%arg12 : memref<128x128xf32, #tpu.memory_space<vmem>>) target(%dma_start3A_282 : memref<10240x128xf32, #tpu.memory_space<vmem_shared>>) offsets(%arg9 : memref<128xi32, #tpu.memory_space<vmem>>) semaphore(%arg16 : memref<!tpu.dma_semaphore, #tpu.memory_space<semaphore_mem>>) {add = true}
    %scan3A = arith.constant 0 : i32
    %scan3A_283 = arith.constant 0 : i32
    %scan3A_284 = arith.constant 39 : i32
    %scan3A_285 = arith.addi %scan3A_283, %scan3A_284 : i32
    %scan3A_286 = arith.constant 1 : i32
    %scan3A_287 = scf.for %scan3A_304 = %scan3A_283 to %scan3A_285 step %scan3A_286 iter_args(%scan3A_305 = %scan3A) -> (i32)  : i32 {
      %mul3A_306 = arith.constant 2 : i32
      %mul3A_307 = arith.muli %mul3A_306, %scan3A_304 : i32
      %add3A_308 = arith.constant 1 : i32
      %add3A_309 = arith.addi %mul3A_307, %add3A_308 : i32
      %dma_wait3A_310 = arith.constant 0 : i32
      %dma_wait3A_311 = arith.constant 0 : i32
      %dma_wait3A_312 = tpu.memref_slice %arg2[%dma_wait3A_310, %dma_wait3A_311] : memref<10240x128xf32, #tpu.memory_space<hbm>> -> memref<10240x128xf32, #tpu.memory_space<hbm>>
      tpu.wait_indirect_dma semaphore(%arg15 : memref<!tpu.dma_semaphore, #tpu.memory_space<semaphore_mem>>) src(%dma_wait3A_312 : memref<10240x128xf32, #tpu.memory_space<hbm>>) dst(%arg13 : memref<128x128xf32, #tpu.memory_space<vmem>>)
      %dma_start3A_313 = arith.constant 0 : i32
      %dma_start3A_314 = arith.constant 0 : i32
      %dma_start3A_315 = tpu.memref_slice %arg6[%dma_start3A_313, %dma_start3A_314] : memref<10240x128xf32, #tpu.memory_space<vmem_shared>> -> memref<10240x128xf32, #tpu.memory_space<vmem_shared>>
      tpu.enqueue_indirect_dma source(%arg13 : memref<128x128xf32, #tpu.memory_space<vmem>>) target(%dma_start3A_315 : memref<10240x128xf32, #tpu.memory_space<vmem_shared>>) offsets(%arg11 : memref<128xi32, #tpu.memory_space<vmem>>) semaphore(%arg17 : memref<!tpu.dma_semaphore, #tpu.memory_space<semaphore_mem>>) {add = true}
      %dma_wait3A_316 = arith.constant 0 : i32
      %dma_wait3A_317 = arith.constant 0 : i32
      %dma_wait3A_318 = tpu.memref_slice %arg6[%dma_wait3A_316, %dma_wait3A_317] : memref<10240x128xf32, #tpu.memory_space<vmem_shared>> -> memref<10240x128xf32, #tpu.memory_space<vmem_shared>>
      tpu.wait_indirect_dma semaphore(%arg16 : memref<!tpu.dma_semaphore, #tpu.memory_space<semaphore_mem>>) src(%arg12 : memref<128x128xf32, #tpu.memory_space<vmem>>) dst(%dma_wait3A_318 : memref<10240x128xf32, #tpu.memory_space<vmem_shared>>)
      %add3A_319 = arith.constant 1 : i32
      %add3A_320 = arith.addi %add3A_309, %add3A_319 : i32
      %mul3A_321 = arith.constant 128 : i32
      %mul3A_322 = arith.muli %add3A_320, %mul3A_321 : i32
      %add3A_323 = arith.constant 0 : i32
      %add3A_324 = arith.addi %mul3A_322, %add3A_323 : i32
      %get3A_325 = arith.index_cast %add3A_324 : i32 to index
      %get3A_326 = tpu.vector_load %arg7[%get3A_325] {strides = array<i32>} : memref<10240xi32, #tpu.memory_space<vmem>>, vector<16xi32>,
      %and3A_327 = arith.constant 65535 : i32
      %and3A_328 = vector.broadcast %and3A_327 : i32 to vector<16xi32>
      %and3A_329 = arith.andi %get3A_326, %and3A_328 : vector<16xi32>
      %swap3A_330 = arith.constant 0 : index
      %swap3A_331 = tpu.vector_load %arg8[%swap3A_330] {strides = array<i32>} : memref<128xi32, #tpu.memory_space<vmem>>, vector<16xi32>,
      %swap3A_332 = vector.shape_cast %swap3A_331 : vector<16xi32> to vector<16xi32>
      %swap3A_333 = vector.shape_cast %and3A_329 : vector<16xi32> to vector<16xi32>
      tpu.vector_store %arg8[%swap3A_330], %swap3A_333 {strides = array<i32>} : memref<128xi32, #tpu.memory_space<vmem>>, vector<16xi32>,
      %shift_right_logical3A_334 = arith.constant 16 : i32
      %shift_right_logical3A_335 = vector.broadcast %shift_right_logical3A_334 : i32 to vector<16xi32>
      %shift_right_logical3A_336 = arith.shrui %get3A_326, %shift_right_logical3A_335 : vector<16xi32>
      %swap3A_337 = arith.constant 0 : index
      %swap3A_338 = tpu.vector_load %arg9[%swap3A_337] {strides = array<i32>} : memref<128xi32, #tpu.memory_space<vmem>>, vector<16xi32>,
      %swap3A_339 = vector.shape_cast %swap3A_338 : vector<16xi32> to vector<16xi32>
      %swap3A_340 = vector.shape_cast %shift_right_logical3A_336 : vector<16xi32> to vector<16xi32>
      tpu.vector_store %arg9[%swap3A_337], %swap3A_340 {strides = array<i32>} : memref<128xi32, #tpu.memory_space<vmem>>, vector<16xi32>,
      %mul3A_341 = arith.constant 128 : i32
      %mul3A_342 = arith.muli %add3A_320, %mul3A_341 : i32
      %add3A_343 = arith.constant 16 : i32
      %add3A_344 = arith.addi %mul3A_342, %add3A_343 : i32
      %get3A_345 = arith.index_cast %add3A_344 : i32 to index
      %get3A_346 = tpu.vector_load %arg7[%get3A_345] {strides = array<i32>} : memref<10240xi32, #tpu.memory_space<vmem>>, vector<16xi32>,
      %and3A_347 = arith.constant 65535 : i32
      %and3A_348 = vector.broadcast %and3A_347 : i32 to vector<16xi32>
      %and3A_349 = arith.andi %get3A_346, %and3A_348 : vector<16xi32>
      %swap3A_350 = arith.constant 16 : index
      %swap3A_351 = tpu.vector_load %arg8[%swap3A_350] {strides = array<i32>} : memref<128xi32, #tpu.memory_space<vmem>>, vector<16xi32>,
      %swap3A_352 = vector.shape_cast %swap3A_351 : vector<16xi32> to vector<16xi32>
      %swap3A_353 = vector.shape_cast %and3A_349 : vector<16xi32> to vector<16xi32>
      tpu.vector_store %arg8[%swap3A_350], %swap3A_353 {strides = array<i32>} : memref<128xi32, #tpu.memory_space<vmem>>, vector<16xi32>,
      %shift_right_logical3A_354 = arith.constant 16 : i32
      %shift_right_logical3A_355 = vector.broadcast %shift_right_logical3A_354 : i32 to vector<16xi32>
      %shift_right_logical3A_356 = arith.shrui %get3A_346, %shift_right_logical3A_355 : vector<16xi32>
      %swap3A_357 = arith.constant 16 : index
      %swap3A_358 = tpu.vector_load %arg9[%swap3A_357] {strides = array<i32>} : memref<128xi32, #tpu.memory_space<vmem>>, vector<16xi32>,
      %swap3A_359 = vector.shape_cast %swap3A_358 : vector<16xi32> to vector<16xi32>
      %swap3A_360 = vector.shape_cast %shift_right_logical3A_356 : vector<16xi32> to vector<16xi32>
      tpu.vector_store %arg9[%swap3A_357], %swap3A_360 {strides = array<i32>} : memref<128xi32, #tpu.memory_space<vmem>>, vector<16xi32>,
      %mul3A_361 = arith.constant 128 : i32
      %mul3A_362 = arith.muli %add3A_320, %mul3A_361 : i32
      %add3A_363 = arith.constant 32 : i32
      %add3A_364 = arith.addi %mul3A_362, %add3A_363 : i32
      %get3A_365 = arith.index_cast %add3A_364 : i32 to index
      %get3A_366 = tpu.vector_load %arg7[%get3A_365] {strides = array<i32>} : memref<10240xi32, #tpu.memory_space<vmem>>, vector<16xi32>,
      %and3A_367 = arith.constant 65535 : i32
      %and3A_368 = vector.broadcast %and3A_367 : i32 to vector<16xi32>
      %and3A_369 = arith.andi %get3A_366, %and3A_368 : vector<16xi32>
      %swap3A_370 = arith.constant 32 : index
      %swap3A_371 = tpu.vector_load %arg8[%swap3A_370] {strides = array<i32>} : memref<128xi32, #tpu.memory_space<vmem>>, vector<16xi32>,
      %swap3A_372 = vector.shape_cast %swap3A_371 : vector<16xi32> to vector<16xi32>
      %swap3A_373 = vector.shape_cast %and3A_369 : vector<16xi32> to vector<16xi32>
      tpu.vector_store %arg8[%swap3A_370], %swap3A_373 {strides = array<i32>} : memref<128xi32, #tpu.memory_space<vmem>>, vector<16xi32>,
      %shift_right_logical3A_374 = arith.constant 16 : i32
      %shift_right_logical3A_375 = vector.broadcast %shift_right_logical3A_374 : i32 to vector<16xi32>
      %shift_right_logical3A_376 = arith.shrui %get3A_366, %shift_right_logical3A_375 : vector<16xi32>
      %swap3A_377 = arith.constant 32 : index
      %swap3A_378 = tpu.vector_load %arg9[%swap3A_377] {strides = array<i32>} : memref<128xi32, #tpu.memory_space<vmem>>, vector<16xi32>,
      %swap3A_379 = vector.shape_cast %swap3A_378 : vector<16xi32> to vector<16xi32>
      %swap3A_380 = vector.shape_cast %shift_right_logical3A_376 : vector<16xi32> to vector<16xi32>
      tpu.vector_store %arg9[%swap3A_377], %swap3A_380 {strides = array<i32>} : memref<128xi32, #tpu.memory_space<vmem>>, vector<16xi32>,
      %mul3A_381 = arith.constant 128 : i32
      %mul3A_382 = arith.muli %add3A_320, %mul3A_381 : i32
      %add3A_383 = arith.constant 48 : i32
      %add3A_384 = arith.addi %mul3A_382, %add3A_383 : i32
      %get3A_385 = arith.index_cast %add3A_384 : i32 to index
      %get3A_386 = tpu.vector_load %arg7[%get3A_385] {strides = array<i32>} : memref<10240xi32, #tpu.memory_space<vmem>>, vector<16xi32>,
      %and3A_387 = arith.constant 65535 : i32
      %and3A_388 = vector.broadcast %and3A_387 : i32 to vector<16xi32>
      %and3A_389 = arith.andi %get3A_386, %and3A_388 : vector<16xi32>
      %swap3A_390 = arith.constant 48 : index
      %swap3A_391 = tpu.vector_load %arg8[%swap3A_390] {strides = array<i32>} : memref<128xi32, #tpu.memory_space<vmem>>, vector<16xi32>,
      %swap3A_392 = vector.shape_cast %swap3A_391 : vector<16xi32> to vector<16xi32>
      %swap3A_393 = vector.shape_cast %and3A_389 : vector<16xi32> to vector<16xi32>
      tpu.vector_store %arg8[%swap3A_390], %swap3A_393 {strides = array<i32>} : memref<128xi32, #tpu.memory_space<vmem>>, vector<16xi32>,
      %shift_right_logical3A_394 = arith.constant 16 : i32
      %shift_right_logical3A_395 = vector.broadcast %shift_right_logical3A_394 : i32 to vector<16xi32>
      %shift_right_logical3A_396 = arith.shrui %get3A_386, %shift_right_logical3A_395 : vector<16xi32>
      %swap3A_397 = arith.constant 48 : index
      %swap3A_398 = tpu.vector_load %arg9[%swap3A_397] {strides = array<i32>} : memref<128xi32, #tpu.memory_space<vmem>>, vector<16xi32>,
      %swap3A_399 = vector.shape_cast %swap3A_398 : vector<16xi32> to vector<16xi32>
      %swap3A_400 = vector.shape_cast %shift_right_logical3A_396 : vector<16xi32> to vector<16xi32>
      tpu.vector_store %arg9[%swap3A_397], %swap3A_400 {strides = array<i32>} : memref<128xi32, #tpu.memory_space<vmem>>, vector<16xi32>,
      %mul3A_401 = arith.constant 128 : i32
      %mul3A_402 = arith.muli %add3A_320, %mul3A_401 : i32
      %add3A_403 = arith.constant 64 : i32
      %add3A_404 = arith.addi %mul3A_402, %add3A_403 : i32
      %get3A_405 = arith.index_cast %add3A_404 : i32 to index
      %get3A_406 = tpu.vector_load %arg7[%get3A_405] {strides = array<i32>} : memref<10240xi32, #tpu.memory_space<vmem>>, vector<16xi32>,
      %and3A_407 = arith.constant 65535 : i32
      %and3A_408 = vector.broadcast %and3A_407 : i32 to vector<16xi32>
      %and3A_409 = arith.andi %get3A_406, %and3A_408 : vector<16xi32>
      %swap3A_410 = arith.constant 64 : index
      %swap3A_411 = tpu.vector_load %arg8[%swap3A_410] {strides = array<i32>} : memref<128xi32, #tpu.memory_space<vmem>>, vector<16xi32>,
      %swap3A_412 = vector.shape_cast %swap3A_411 : vector<16xi32> to vector<16xi32>
      %swap3A_413 = vector.shape_cast %and3A_409 : vector<16xi32> to vector<16xi32>
      tpu.vector_store %arg8[%swap3A_410], %swap3A_413 {strides = array<i32>} : memref<128xi32, #tpu.memory_space<vmem>>, vector<16xi32>,
      %shift_right_logical3A_414 = arith.constant 16 : i32
      %shift_right_logical3A_415 = vector.broadcast %shift_right_logical3A_414 : i32 to vector<16xi32>
      %shift_right_logical3A_416 = arith.shrui %get3A_406, %shift_right_logical3A_415 : vector<16xi32>
      %swap3A_417 = arith.constant 64 : index
      %swap3A_418 = tpu.vector_load %arg9[%swap3A_417] {strides = array<i32>} : memref<128xi32, #tpu.memory_space<vmem>>, vector<16xi32>,
      %swap3A_419 = vector.shape_cast %swap3A_418 : vector<16xi32> to vector<16xi32>
      %swap3A_420 = vector.shape_cast %shift_right_logical3A_416 : vector<16xi32> to vector<16xi32>
      tpu.vector_store %arg9[%swap3A_417], %swap3A_420 {strides = array<i32>} : memref<128xi32, #tpu.memory_space<vmem>>, vector<16xi32>,
      %mul3A_421 = arith.constant 128 : i32
      %mul3A_422 = arith.muli %add3A_320, %mul3A_421 : i32
      %add3A_423 = arith.constant 80 : i32
      %add3A_424 = arith.addi %mul3A_422, %add3A_423 : i32
      %get3A_425 = arith.index_cast %add3A_424 : i32 to index
      %get3A_426 = tpu.vector_load %arg7[%get3A_425] {strides = array<i32>} : memref<10240xi32, #tpu.memory_space<vmem>>, vector<16xi32>,
      %and3A_427 = arith.constant 65535 : i32
      %and3A_428 = vector.broadcast %and3A_427 : i32 to vector<16xi32>
      %and3A_429 = arith.andi %get3A_426, %and3A_428 : vector<16xi32>
      %swap3A_430 = arith.constant 80 : index
      %swap3A_431 = tpu.vector_load %arg8[%swap3A_430] {strides = array<i32>} : memref<128xi32, #tpu.memory_space<vmem>>, vector<16xi32>,
      %swap3A_432 = vector.shape_cast %swap3A_431 : vector<16xi32> to vector<16xi32>
      %swap3A_433 = vector.shape_cast %and3A_429 : vector<16xi32> to vector<16xi32>
      tpu.vector_store %arg8[%swap3A_430], %swap3A_433 {strides = array<i32>} : memref<128xi32, #tpu.memory_space<vmem>>, vector<16xi32>,
      %shift_right_logical3A_434 = arith.constant 16 : i32
      %shift_right_logical3A_435 = vector.broadcast %shift_right_logical3A_434 : i32 to vector<16xi32>
      %shift_right_logical3A_436 = arith.shrui %get3A_426, %shift_right_logical3A_435 : vector<16xi32>
      %swap3A_437 = arith.constant 80 : index
      %swap3A_438 = tpu.vector_load %arg9[%swap3A_437] {strides = array<i32>} : memref<128xi32, #tpu.memory_space<vmem>>, vector<16xi32>,
      %swap3A_439 = vector.shape_cast %swap3A_438 : vector<16xi32> to vector<16xi32>
      %swap3A_440 = vector.shape_cast %shift_right_logical3A_436 : vector<16xi32> to vector<16xi32>
      tpu.vector_store %arg9[%swap3A_437], %swap3A_440 {strides = array<i32>} : memref<128xi32, #tpu.memory_space<vmem>>, vector<16xi32>,
      %mul3A_441 = arith.constant 128 : i32
      %mul3A_442 = arith.muli %add3A_320, %mul3A_441 : i32
      %add3A_443 = arith.constant 96 : i32
      %add3A_444 = arith.addi %mul3A_442, %add3A_443 : i32
      %get3A_445 = arith.index_cast %add3A_444 : i32 to index
      %get3A_446 = tpu.vector_load %arg7[%get3A_445] {strides = array<i32>} : memref<10240xi32, #tpu.memory_space<vmem>>, vector<16xi32>,
      %and3A_447 = arith.constant 65535 : i32
      %and3A_448 = vector.broadcast %and3A_447 : i32 to vector<16xi32>
      %and3A_449 = arith.andi %get3A_446, %and3A_448 : vector<16xi32>
      %swap3A_450 = arith.constant 96 : index
      %swap3A_451 = tpu.vector_load %arg8[%swap3A_450] {strides = array<i32>} : memref<128xi32, #tpu.memory_space<vmem>>, vector<16xi32>,
      %swap3A_452 = vector.shape_cast %swap3A_451 : vector<16xi32> to vector<16xi32>
      %swap3A_453 = vector.shape_cast %and3A_449 : vector<16xi32> to vector<16xi32>
      tpu.vector_store %arg8[%swap3A_450], %swap3A_453 {strides = array<i32>} : memref<128xi32, #tpu.memory_space<vmem>>, vector<16xi32>,
      %shift_right_logical3A_454 = arith.constant 16 : i32
      %shift_right_logical3A_455 = vector.broadcast %shift_right_logical3A_454 : i32 to vector<16xi32>
      %shift_right_logical3A_456 = arith.shrui %get3A_446, %shift_right_logical3A_455 : vector<16xi32>
      %swap3A_457 = arith.constant 96 : index
      %swap3A_458 = tpu.vector_load %arg9[%swap3A_457] {strides = array<i32>} : memref<128xi32, #tpu.memory_space<vmem>>, vector<16xi32>,
      %swap3A_459 = vector.shape_cast %swap3A_458 : vector<16xi32> to vector<16xi32>
      %swap3A_460 = vector.shape_cast %shift_right_logical3A_456 : vector<16xi32> to vector<16xi32>
      tpu.vector_store %arg9[%swap3A_457], %swap3A_460 {strides = array<i32>} : memref<128xi32, #tpu.memory_space<vmem>>, vector<16xi32>,
      %mul3A_461 = arith.constant 128 : i32
      %mul3A_462 = arith.muli %add3A_320, %mul3A_461 : i32
      %add3A_463 = arith.constant 112 : i32
      %add3A_464 = arith.addi %mul3A_462, %add3A_463 : i32
      %get3A_465 = arith.index_cast %add3A_464 : i32 to index
      %get3A_466 = tpu.vector_load %arg7[%get3A_465] {strides = array<i32>} : memref<10240xi32, #tpu.memory_space<vmem>>, vector<16xi32>,
      %and3A_467 = arith.constant 65535 : i32
      %and3A_468 = vector.broadcast %and3A_467 : i32 to vector<16xi32>
      %and3A_469 = arith.andi %get3A_466, %and3A_468 : vector<16xi32>
      %swap3A_470 = arith.constant 112 : index
      %swap3A_471 = tpu.vector_load %arg8[%swap3A_470] {strides = array<i32>} : memref<128xi32, #tpu.memory_space<vmem>>, vector<16xi32>,
      %swap3A_472 = vector.shape_cast %swap3A_471 : vector<16xi32> to vector<16xi32>
      %swap3A_473 = vector.shape_cast %and3A_469 : vector<16xi32> to vector<16xi32>
      tpu.vector_store %arg8[%swap3A_470], %swap3A_473 {strides = array<i32>} : memref<128xi32, #tpu.memory_space<vmem>>, vector<16xi32>,
      %shift_right_logical3A_474 = arith.constant 16 : i32
      %shift_right_logical3A_475 = vector.broadcast %shift_right_logical3A_474 : i32 to vector<16xi32>
      %shift_right_logical3A_476 = arith.shrui %get3A_466, %shift_right_logical3A_475 : vector<16xi32>
      %swap3A_477 = arith.constant 112 : index
      %swap3A_478 = tpu.vector_load %arg9[%swap3A_477] {strides = array<i32>} : memref<128xi32, #tpu.memory_space<vmem>>, vector<16xi32>,
      %swap3A_479 = vector.shape_cast %swap3A_478 : vector<16xi32> to vector<16xi32>
      %swap3A_480 = vector.shape_cast %shift_right_logical3A_476 : vector<16xi32> to vector<16xi32>
      tpu.vector_store %arg9[%swap3A_477], %swap3A_480 {strides = array<i32>} : memref<128xi32, #tpu.memory_space<vmem>>, vector<16xi32>,
      %dma_start3A_481 = arith.constant 0 : i32
      %dma_start3A_482 = arith.constant 0 : i32
      %dma_start3A_483 = tpu.memref_slice %arg2[%dma_start3A_481, %dma_start3A_482] : memref<10240x128xf32, #tpu.memory_space<hbm>> -> memref<10240x128xf32, #tpu.memory_space<hbm>>
      tpu.enqueue_indirect_dma source(%dma_start3A_483 : memref<10240x128xf32, #tpu.memory_space<hbm>>) target(%arg12 : memref<128x128xf32, #tpu.memory_space<vmem>>) offsets(%arg8 : memref<128xi32, #tpu.memory_space<vmem>>) semaphore(%arg14 : memref<!tpu.dma_semaphore, #tpu.memory_space<semaphore_mem>>)
      %dma_wait3A_484 = arith.constant 0 : i32
      %dma_wait3A_485 = arith.constant 0 : i32
      %dma_wait3A_486 = tpu.memref_slice %arg2[%dma_wait3A_484, %dma_wait3A_485] : memref<10240x128xf32, #tpu.memory_space<hbm>> -> memref<10240x128xf32, #tpu.memory_space<hbm>>
      tpu.wait_indirect_dma semaphore(%arg14 : memref<!tpu.dma_semaphore, #tpu.memory_space<semaphore_mem>>) src(%dma_wait3A_486 : memref<10240x128xf32, #tpu.memory_space<hbm>>) dst(%arg12 : memref<128x128xf32, #tpu.memory_space<vmem>>)
      %dma_start3A_487 = arith.constant 0 : i32
      %dma_start3A_488 = arith.constant 0 : i32
      %dma_start3A_489 = tpu.memref_slice %arg6[%dma_start3A_487, %dma_start3A_488] : memref<10240x128xf32, #tpu.memory_space<vmem_shared>> -> memref<10240x128xf32, #tpu.memory_space<vmem_shared>>
      tpu.enqueue_indirect_dma source(%arg12 : memref<128x128xf32, #tpu.memory_space<vmem>>) target(%dma_start3A_489 : memref<10240x128xf32, #tpu.memory_space<vmem_shared>>) offsets(%arg9 : memref<128xi32, #tpu.memory_space<vmem>>) semaphore(%arg16 : memref<!tpu.dma_semaphore, #tpu.memory_space<semaphore_mem>>) {add = true}
      %dma_wait3A_490 = arith.constant 0 : i32
      %dma_wait3A_491 = arith.constant 0 : i32
      %dma_wait3A_492 = tpu.memref_slice %arg6[%dma_wait3A_490, %dma_wait3A_491] : memref<10240x128xf32, #tpu.memory_space<vmem_shared>> -> memref<10240x128xf32, #tpu.memory_space<vmem_shared>>
      tpu.wait_indirect_dma semaphore(%arg17 : memref<!tpu.dma_semaphore, #tpu.memory_space<semaphore_mem>>) src(%arg13 : memref<128x128xf32, #tpu.memory_space<vmem>>) dst(%dma_wait3A_492 : memref<10240x128xf32, #tpu.memory_space<vmem_shared>>)
      %add3A_493 = arith.constant 2 : i32
      %add3A_494 = arith.addi %add3A_309, %add3A_493 : i32
      %mul3A_495 = arith.constant 128 : i32
      %mul3A_496 = arith.muli %add3A_494, %mul3A_495 : i32
      %add3A_497 = arith.constant 0 : i32
      %add3A_498 = arith.addi %mul3A_496, %add3A_497 : i32
      %get3A_499 = arith.index_cast %add3A_498 : i32 to index
      %get3A_500 = tpu.vector_load %arg7[%get3A_499] {strides = array<i32>} : memref<10240xi32, #tpu.memory_space<vmem>>, vector<16xi32>,
      %and3A_501 = arith.constant 65535 : i32
      %and3A_502 = vector.broadcast %and3A_501 : i32 to vector<16xi32>
      %and3A_503 = arith.andi %get3A_500, %and3A_502 : vector<16xi32>
      %swap3A_504 = arith.constant 0 : index
      %swap3A_505 = tpu.vector_load %arg10[%swap3A_504] {strides = array<i32>} : memref<128xi32, #tpu.memory_space<vmem>>, vector<16xi32>,
      %swap3A_506 = vector.shape_cast %swap3A_505 : vector<16xi32> to vector<16xi32>
      %swap3A_507 = vector.shape_cast %and3A_503 : vector<16xi32> to vector<16xi32>
      tpu.vector_store %arg10[%swap3A_504], %swap3A_507 {strides = array<i32>} : memref<128xi32, #tpu.memory_space<vmem>>, vector<16xi32>,
      %shift_right_logical3A_508 = arith.constant 16 : i32
      %shift_right_logical3A_509 = vector.broadcast %shift_right_logical3A_508 : i32 to vector<16xi32>
      %shift_right_logical3A_510 = arith.shrui %get3A_500, %shift_right_logical3A_509 : vector<16xi32>
      %swap3A_511 = arith.constant 0 : index
      %swap3A_512 = tpu.vector_load %arg11[%swap3A_511] {strides = array<i32>} : memref<128xi32, #tpu.memory_space<vmem>>, vector<16xi32>,
      %swap3A_513 = vector.shape_cast %swap3A_512 : vector<16xi32> to vector<16xi32>
      %swap3A_514 = vector.shape_cast %shift_right_logical3A_510 : vector<16xi32> to vector<16xi32>
      tpu.vector_store %arg11[%swap3A_511], %swap3A_514 {strides = array<i32>} : memref<128xi32, #tpu.memory_space<vmem>>, vector<16xi32>,
      %mul3A_515 = arith.constant 128 : i32
      %mul3A_516 = arith.muli %add3A_494, %mul3A_515 : i32
      %add3A_517 = arith.constant 16 : i32
      %add3A_518 = arith.addi %mul3A_516, %add3A_517 : i32
      %get3A_519 = arith.index_cast %add3A_518 : i32 to index
      %get3A_520 = tpu.vector_load %arg7[%get3A_519] {strides = array<i32>} : memref<10240xi32, #tpu.memory_space<vmem>>, vector<16xi32>,
      %and3A_521 = arith.constant 65535 : i32
      %and3A_522 = vector.broadcast %and3A_521 : i32 to vector<16xi32>
      %and3A_523 = arith.andi %get3A_520, %and3A_522 : vector<16xi32>
      %swap3A_524 = arith.constant 16 : index
      %swap3A_525 = tpu.vector_load %arg10[%swap3A_524] {strides = array<i32>} : memref<128xi32, #tpu.memory_space<vmem>>, vector<16xi32>,
      %swap3A_526 = vector.shape_cast %swap3A_525 : vector<16xi32> to vector<16xi32>
      %swap3A_527 = vector.shape_cast %and3A_523 : vector<16xi32> to vector<16xi32>
      tpu.vector_store %arg10[%swap3A_524], %swap3A_527 {strides = array<i32>} : memref<128xi32, #tpu.memory_space<vmem>>, vector<16xi32>,
      %shift_right_logical3A_528 = arith.constant 16 : i32
      %shift_right_logical3A_529 = vector.broadcast %shift_right_logical3A_528 : i32 to vector<16xi32>
      %shift_right_logical3A_530 = arith.shrui %get3A_520, %shift_right_logical3A_529 : vector<16xi32>
      %swap3A_531 = arith.constant 16 : index
      %swap3A_532 = tpu.vector_load %arg11[%swap3A_531] {strides = array<i32>} : memref<128xi32, #tpu.memory_space<vmem>>, vector<16xi32>,
      %swap3A_533 = vector.shape_cast %swap3A_532 : vector<16xi32> to vector<16xi32>
      %swap3A_534 = vector.shape_cast %shift_right_logical3A_530 : vector<16xi32> to vector<16xi32>
      tpu.vector_store %arg11[%swap3A_531], %swap3A_534 {strides = array<i32>} : memref<128xi32, #tpu.memory_space<vmem>>, vector<16xi32>,
      %mul3A_535 = arith.constant 128 : i32
      %mul3A_536 = arith.muli %add3A_494, %mul3A_535 : i32
      %add3A_537 = arith.constant 32 : i32
      %add3A_538 = arith.addi %mul3A_536, %add3A_537 : i32
      %get3A_539 = arith.index_cast %add3A_538 : i32 to index
      %get3A_540 = tpu.vector_load %arg7[%get3A_539] {strides = array<i32>} : memref<10240xi32, #tpu.memory_space<vmem>>, vector<16xi32>,
      %and3A_541 = arith.constant 65535 : i32
      %and3A_542 = vector.broadcast %and3A_541 : i32 to vector<16xi32>
      %and3A_543 = arith.andi %get3A_540, %and3A_542 : vector<16xi32>
      %swap3A_544 = arith.constant 32 : index
      %swap3A_545 = tpu.vector_load %arg10[%swap3A_544] {strides = array<i32>} : memref<128xi32, #tpu.memory_space<vmem>>, vector<16xi32>,
      %swap3A_546 = vector.shape_cast %swap3A_545 : vector<16xi32> to vector<16xi32>
      %swap3A_547 = vector.shape_cast %and3A_543 : vector<16xi32> to vector<16xi32>
      tpu.vector_store %arg10[%swap3A_544], %swap3A_547 {strides = array<i32>} : memref<128xi32, #tpu.memory_space<vmem>>, vector<16xi32>,
      %shift_right_logical3A_548 = arith.constant 16 : i32
      %shift_right_logical3A_549 = vector.broadcast %shift_right_logical3A_548 : i32 to vector<16xi32>
      %shift_right_logical3A_550 = arith.shrui %get3A_540, %shift_right_logical3A_549 : vector<16xi32>
      %swap3A_551 = arith.constant 32 : index
      %swap3A_552 = tpu.vector_load %arg11[%swap3A_551] {strides = array<i32>} : memref<128xi32, #tpu.memory_space<vmem>>, vector<16xi32>,
      %swap3A_553 = vector.shape_cast %swap3A_552 : vector<16xi32> to vector<16xi32>
      %swap3A_554 = vector.shape_cast %shift_right_logical3A_550 : vector<16xi32> to vector<16xi32>
      tpu.vector_store %arg11[%swap3A_551], %swap3A_554 {strides = array<i32>} : memref<128xi32, #tpu.memory_space<vmem>>, vector<16xi32>,
      %mul3A_555 = arith.constant 128 : i32
      %mul3A_556 = arith.muli %add3A_494, %mul3A_555 : i32
      %add3A_557 = arith.constant 48 : i32
      %add3A_558 = arith.addi %mul3A_556, %add3A_557 : i32
      %get3A_559 = arith.index_cast %add3A_558 : i32 to index
      %get3A_560 = tpu.vector_load %arg7[%get3A_559] {strides = array<i32>} : memref<10240xi32, #tpu.memory_space<vmem>>, vector<16xi32>,
      %and3A_561 = arith.constant 65535 : i32
      %and3A_562 = vector.broadcast %and3A_561 : i32 to vector<16xi32>
      %and3A_563 = arith.andi %get3A_560, %and3A_562 : vector<16xi32>
      %swap3A_564 = arith.constant 48 : index
      %swap3A_565 = tpu.vector_load %arg10[%swap3A_564] {strides = array<i32>} : memref<128xi32, #tpu.memory_space<vmem>>, vector<16xi32>,
      %swap3A_566 = vector.shape_cast %swap3A_565 : vector<16xi32> to vector<16xi32>
      %swap3A_567 = vector.shape_cast %and3A_563 : vector<16xi32> to vector<16xi32>
      tpu.vector_store %arg10[%swap3A_564], %swap3A_567 {strides = array<i32>} : memref<128xi32, #tpu.memory_space<vmem>>, vector<16xi32>,
      %shift_right_logical3A_568 = arith.constant 16 : i32
      %shift_right_logical3A_569 = vector.broadcast %shift_right_logical3A_568 : i32 to vector<16xi32>
      %shift_right_logical3A_570 = arith.shrui %get3A_560, %shift_right_logical3A_569 : vector<16xi32>
      %swap3A_571 = arith.constant 48 : index
      %swap3A_572 = tpu.vector_load %arg11[%swap3A_571] {strides = array<i32>} : memref<128xi32, #tpu.memory_space<vmem>>, vector<16xi32>,
      %swap3A_573 = vector.shape_cast %swap3A_572 : vector<16xi32> to vector<16xi32>
      %swap3A_574 = vector.shape_cast %shift_right_logical3A_570 : vector<16xi32> to vector<16xi32>
      tpu.vector_store %arg11[%swap3A_571], %swap3A_574 {strides = array<i32>} : memref<128xi32, #tpu.memory_space<vmem>>, vector<16xi32>,
      %mul3A_575 = arith.constant 128 : i32
      %mul3A_576 = arith.muli %add3A_494, %mul3A_575 : i32
      %add3A_577 = arith.constant 64 : i32
      %add3A_578 = arith.addi %mul3A_576, %add3A_577 : i32
      %get3A_579 = arith.index_cast %add3A_578 : i32 to index
      %get3A_580 = tpu.vector_load %arg7[%get3A_579] {strides = array<i32>} : memref<10240xi32, #tpu.memory_space<vmem>>, vector<16xi32>,
      %and3A_581 = arith.constant 65535 : i32
      %and3A_582 = vector.broadcast %and3A_581 : i32 to vector<16xi32>
      %and3A_583 = arith.andi %get3A_580, %and3A_582 : vector<16xi32>
      %swap3A_584 = arith.constant 64 : index
      %swap3A_585 = tpu.vector_load %arg10[%swap3A_584] {strides = array<i32>} : memref<128xi32, #tpu.memory_space<vmem>>, vector<16xi32>,
      %swap3A_586 = vector.shape_cast %swap3A_585 : vector<16xi32> to vector<16xi32>
      %swap3A_587 = vector.shape_cast %and3A_583 : vector<16xi32> to vector<16xi32>
      tpu.vector_store %arg10[%swap3A_584], %swap3A_587 {strides = array<i32>} : memref<128xi32, #tpu.memory_space<vmem>>, vector<16xi32>,
      %shift_right_logical3A_588 = arith.constant 16 : i32
      %shift_right_logical3A_589 = vector.broadcast %shift_right_logical3A_588 : i32 to vector<16xi32>
      %shift_right_logical3A_590 = arith.shrui %get3A_580, %shift_right_logical3A_589 : vector<16xi32>
      %swap3A_591 = arith.constant 64 : index
      %swap3A_592 = tpu.vector_load %arg11[%swap3A_591] {strides = array<i32>} : memref<128xi32, #tpu.memory_space<vmem>>, vector<16xi32>,
      %swap3A_593 = vector.shape_cast %swap3A_592 : vector<16xi32> to vector<16xi32>
      %swap3A_594 = vector.shape_cast %shift_right_logical3A_590 : vector<16xi32> to vector<16xi32>
      tpu.vector_store %arg11[%swap3A_591], %swap3A_594 {strides = array<i32>} : memref<128xi32, #tpu.memory_space<vmem>>, vector<16xi32>,
      %mul3A_595 = arith.constant 128 : i32
      %mul3A_596 = arith.muli %add3A_494, %mul3A_595 : i32
      %add3A_597 = arith.constant 80 : i32
      %add3A_598 = arith.addi %mul3A_596, %add3A_597 : i32
      %get3A_599 = arith.index_cast %add3A_598 : i32 to index
      %get3A_600 = tpu.vector_load %arg7[%get3A_599] {strides = array<i32>} : memref<10240xi32, #tpu.memory_space<vmem>>, vector<16xi32>,
      %and3A_601 = arith.constant 65535 : i32
      %and3A_602 = vector.broadcast %and3A_601 : i32 to vector<16xi32>
      %and3A_603 = arith.andi %get3A_600, %and3A_602 : vector<16xi32>
      %swap3A_604 = arith.constant 80 : index
      %swap3A_605 = tpu.vector_load %arg10[%swap3A_604] {strides = array<i32>} : memref<128xi32, #tpu.memory_space<vmem>>, vector<16xi32>,
      %swap3A_606 = vector.shape_cast %swap3A_605 : vector<16xi32> to vector<16xi32>
      %swap3A_607 = vector.shape_cast %and3A_603 : vector<16xi32> to vector<16xi32>
      tpu.vector_store %arg10[%swap3A_604], %swap3A_607 {strides = array<i32>} : memref<128xi32, #tpu.memory_space<vmem>>, vector<16xi32>,
      %shift_right_logical3A_608 = arith.constant 16 : i32
      %shift_right_logical3A_609 = vector.broadcast %shift_right_logical3A_608 : i32 to vector<16xi32>
      %shift_right_logical3A_610 = arith.shrui %get3A_600, %shift_right_logical3A_609 : vector<16xi32>
      %swap3A_611 = arith.constant 80 : index
      %swap3A_612 = tpu.vector_load %arg11[%swap3A_611] {strides = array<i32>} : memref<128xi32, #tpu.memory_space<vmem>>, vector<16xi32>,
      %swap3A_613 = vector.shape_cast %swap3A_612 : vector<16xi32> to vector<16xi32>
      %swap3A_614 = vector.shape_cast %shift_right_logical3A_610 : vector<16xi32> to vector<16xi32>
      tpu.vector_store %arg11[%swap3A_611], %swap3A_614 {strides = array<i32>} : memref<128xi32, #tpu.memory_space<vmem>>, vector<16xi32>,
      %mul3A_615 = arith.constant 128 : i32
      %mul3A_616 = arith.muli %add3A_494, %mul3A_615 : i32
      %add3A_617 = arith.constant 96 : i32
      %add3A_618 = arith.addi %mul3A_616, %add3A_617 : i32
      %get3A_619 = arith.index_cast %add3A_618 : i32 to index
      %get3A_620 = tpu.vector_load %arg7[%get3A_619] {strides = array<i32>} : memref<10240xi32, #tpu.memory_space<vmem>>, vector<16xi32>,
      %and3A_621 = arith.constant 65535 : i32
      %and3A_622 = vector.broadcast %and3A_621 : i32 to vector<16xi32>
      %and3A_623 = arith.andi %get3A_620, %and3A_622 : vector<16xi32>
      %swap3A_624 = arith.constant 96 : index
      %swap3A_625 = tpu.vector_load %arg10[%swap3A_624] {strides = array<i32>} : memref<128xi32, #tpu.memory_space<vmem>>, vector<16xi32>,
      %swap3A_626 = vector.shape_cast %swap3A_625 : vector<16xi32> to vector<16xi32>
      %swap3A_627 = vector.shape_cast %and3A_623 : vector<16xi32> to vector<16xi32>
      tpu.vector_store %arg10[%swap3A_624], %swap3A_627 {strides = array<i32>} : memref<128xi32, #tpu.memory_space<vmem>>, vector<16xi32>,
      %shift_right_logical3A_628 = arith.constant 16 : i32
      %shift_right_logical3A_629 = vector.broadcast %shift_right_logical3A_628 : i32 to vector<16xi32>
      %shift_right_logical3A_630 = arith.shrui %get3A_620, %shift_right_logical3A_629 : vector<16xi32>
      %swap3A_631 = arith.constant 96 : index
      %swap3A_632 = tpu.vector_load %arg11[%swap3A_631] {strides = array<i32>} : memref<128xi32, #tpu.memory_space<vmem>>, vector<16xi32>,
      %swap3A_633 = vector.shape_cast %swap3A_632 : vector<16xi32> to vector<16xi32>
      %swap3A_634 = vector.shape_cast %shift_right_logical3A_630 : vector<16xi32> to vector<16xi32>
      tpu.vector_store %arg11[%swap3A_631], %swap3A_634 {strides = array<i32>} : memref<128xi32, #tpu.memory_space<vmem>>, vector<16xi32>,
      %mul3A_635 = arith.constant 128 : i32
      %mul3A_636 = arith.muli %add3A_494, %mul3A_635 : i32
      %add3A_637 = arith.constant 112 : i32
      %add3A_638 = arith.addi %mul3A_636, %add3A_637 : i32
      %get3A_639 = arith.index_cast %add3A_638 : i32 to index
      %get3A_640 = tpu.vector_load %arg7[%get3A_639] {strides = array<i32>} : memref<10240xi32, #tpu.memory_space<vmem>>, vector<16xi32>,
      %and3A_641 = arith.constant 65535 : i32
      %and3A_642 = vector.broadcast %and3A_641 : i32 to vector<16xi32>
      %and3A_643 = arith.andi %get3A_640, %and3A_642 : vector<16xi32>
      %swap3A_644 = arith.constant 112 : index
      %swap3A_645 = tpu.vector_load %arg10[%swap3A_644] {strides = array<i32>} : memref<128xi32, #tpu.memory_space<vmem>>, vector<16xi32>,
      %swap3A_646 = vector.shape_cast %swap3A_645 : vector<16xi32> to vector<16xi32>
      %swap3A_647 = vector.shape_cast %and3A_643 : vector<16xi32> to vector<16xi32>
      tpu.vector_store %arg10[%swap3A_644], %swap3A_647 {strides = array<i32>} : memref<128xi32, #tpu.memory_space<vmem>>, vector<16xi32>,
      %shift_right_logical3A_648 = arith.constant 16 : i32
      %shift_right_logical3A_649 = vector.broadcast %shift_right_logical3A_648 : i32 to vector<16xi32>
      %shift_right_logical3A_650 = arith.shrui %get3A_640, %shift_right_logical3A_649 : vector<16xi32>
      %swap3A_651 = arith.constant 112 : index
      %swap3A_652 = tpu.vector_load %arg11[%swap3A_651] {strides = array<i32>} : memref<128xi32, #tpu.memory_space<vmem>>, vector<16xi32>,
      %swap3A_653 = vector.shape_cast %swap3A_652 : vector<16xi32> to vector<16xi32>
      %swap3A_654 = vector.shape_cast %shift_right_logical3A_650 : vector<16xi32> to vector<16xi32>
      tpu.vector_store %arg11[%swap3A_651], %swap3A_654 {strides = array<i32>} : memref<128xi32, #tpu.memory_space<vmem>>, vector<16xi32>,
      %dma_start3A_655 = arith.constant 0 : i32
      %dma_start3A_656 = arith.constant 0 : i32
      %dma_start3A_657 = tpu.memref_slice %arg2[%dma_start3A_655, %dma_start3A_656] : memref<10240x128xf32, #tpu.memory_space<hbm>> -> memref<10240x128xf32, #tpu.memory_space<hbm>>
      tpu.enqueue_indirect_dma source(%dma_start3A_657 : memref<10240x128xf32, #tpu.memory_space<hbm>>) target(%arg13 : memref<128x128xf32, #tpu.memory_space<vmem>>) offsets(%arg10 : memref<128xi32, #tpu.memory_space<vmem>>) semaphore(%arg15 : memref<!tpu.dma_semaphore, #tpu.memory_space<semaphore_mem>>)
      %scan3A_658 = arith.constant 0 : i32
      scf.yield %scan3A_658 : i32
    }
    %scan3A_288 = arith.constant 39 : i32
    %dma_wait3A_289 = arith.constant 0 : i32
    %dma_wait3A_290 = arith.constant 0 : i32
    %dma_wait3A_291 = tpu.memref_slice %arg2[%dma_wait3A_289, %dma_wait3A_290] : memref<10240x128xf32, #tpu.memory_space<hbm>> -> memref<10240x128xf32, #tpu.memory_space<hbm>>
    tpu.wait_indirect_dma semaphore(%arg15 : memref<!tpu.dma_semaphore, #tpu.memory_space<semaphore_mem>>) src(%dma_wait3A_291 : memref<10240x128xf32, #tpu.memory_space<hbm>>) dst(%arg13 : memref<128x128xf32, #tpu.memory_space<vmem>>)
    %dma_start3A_292 = arith.constant 0 : i32
    %dma_start3A_293 = arith.constant 0 : i32
    %dma_start3A_294 = tpu.memref_slice %arg6[%dma_start3A_292, %dma_start3A_293] : memref<10240x128xf32, #tpu.memory_space<vmem_shared>> -> memref<10240x128xf32, #tpu.memory_space<vmem_shared>>
    tpu.enqueue_indirect_dma source(%arg13 : memref<128x128xf32, #tpu.memory_space<vmem>>) target(%dma_start3A_294 : memref<10240x128xf32, #tpu.memory_space<vmem_shared>>) offsets(%arg11 : memref<128xi32, #tpu.memory_space<vmem>>) semaphore(%arg17 : memref<!tpu.dma_semaphore, #tpu.memory_space<semaphore_mem>>) {add = true}
    %dma_wait3A_295 = arith.constant 0 : i32
    %dma_wait3A_296 = arith.constant 0 : i32
    %dma_wait3A_297 = tpu.memref_slice %arg6[%dma_wait3A_295, %dma_wait3A_296] : memref<10240x128xf32, #tpu.memory_space<vmem_shared>> -> memref<10240x128xf32, #tpu.memory_space<vmem_shared>>
    tpu.wait_indirect_dma semaphore(%arg16 : memref<!tpu.dma_semaphore, #tpu.memory_space<semaphore_mem>>) src(%arg12 : memref<128x128xf32, #tpu.memory_space<vmem>>) dst(%dma_wait3A_297 : memref<10240x128xf32, #tpu.memory_space<vmem_shared>>)
    %dma_wait3A_298 = arith.constant 0 : i32
    %dma_wait3A_299 = arith.constant 0 : i32
    %dma_wait3A_300 = tpu.memref_slice %arg6[%dma_wait3A_298, %dma_wait3A_299] : memref<10240x128xf32, #tpu.memory_space<vmem_shared>> -> memref<10240x128xf32, #tpu.memory_space<vmem_shared>>
    tpu.wait_indirect_dma semaphore(%arg17 : memref<!tpu.dma_semaphore, #tpu.memory_space<semaphore_mem>>) src(%arg13 : memref<128x128xf32, #tpu.memory_space<vmem>>) dst(%dma_wait3A_300 : memref<10240x128xf32, #tpu.memory_space<vmem_shared>>)
    %barrier3A_301 = arith.constant 0 : index
    tpu.barrier barrier_id(%barrier3A_301)
    %mul3A_302 = arith.constant 640 : i32
    %mul3A_303 = arith.muli %arg1, %mul3A_302 : i32
    "tpu.region"() ({
      %run_scoped3A = tpu.sem_alloc : memref<!tpu.dma_semaphore, #tpu.memory_space<semaphore_mem>>
      %dma_start3A_304 = arith.constant 0 : i32
      %dma_start3A_305 = tpu.memref_slice %arg5[%arg0, %mul3A_303, %dma_start3A_304] : memref<2x10240x128xf32, #tpu.memory_space<hbm>> -> memref<1x640x128xf32, #tpu.memory_space<hbm>>
      %dma_start3A_306 = tpu.memref_squeeze %dma_start3A_305 : memref<1x640x128xf32, #tpu.memory_space<hbm>> -> memref<640x128xf32, #tpu.memory_space<hbm>>
      %dma_start3A_307 = arith.constant 0 : i32
      %dma_start3A_308 = tpu.memref_slice %arg6[%mul3A_303, %dma_start3A_307] : memref<10240x128xf32, #tpu.memory_space<vmem_shared>> -> memref<640x128xf32, #tpu.memory_space<vmem_shared>>
      tpu.enqueue_dma source(%dma_start3A_308 : memref<640x128xf32, #tpu.memory_space<vmem_shared>>) target(%dma_start3A_306 : memref<640x128xf32, #tpu.memory_space<hbm>>) target_semaphore(%run_scoped3A : memref<!tpu.dma_semaphore, #tpu.memory_space<semaphore_mem>>)
      %dma_wait3A_309 = arith.constant 0 : i32
      %dma_wait3A_310 = tpu.memref_slice %arg5[%arg0, %mul3A_303, %dma_wait3A_309] : memref<2x10240x128xf32, #tpu.memory_space<hbm>> -> memref<1x640x128xf32, #tpu.memory_space<hbm>>
      %dma_wait3A_311 = tpu.memref_squeeze %dma_wait3A_310 : memref<1x640x128xf32, #tpu.memory_space<hbm>> -> memref<640x128xf32, #tpu.memory_space<hbm>>
      %dma_wait3A_312 = arith.constant 0 : i32
      %dma_wait3A_313 = tpu.memref_slice %arg6[%mul3A_303, %dma_wait3A_312] : memref<10240x128xf32, #tpu.memory_space<vmem_shared>> -> memref<640x128xf32, #tpu.memory_space<vmem_shared>>
      tpu.wait_dma2 semaphore(%run_scoped3A : memref<!tpu.dma_semaphore, #tpu.memory_space<semaphore_mem>>) src(%dma_wait3A_313 : memref<640x128xf32, #tpu.memory_space<vmem_shared>>) dst(%dma_wait3A_311 : memref<640x128xf32, #tpu.memory_space<hbm>>)
      tpu.yield
    }) : () -> ()
    return
  }
}

#map = affine_map<(d0, d1) -> (0, 0)>
#map1 = affine_map<(d0, d1) -> (0)>
#map2 = affine_map<(d0, d1) -> (0, 0, 0)>
module attributes {stable_mosaic.version = 14 : i64} {
  func.func @_sc_agg(%arg0: i32, %arg1: i32, %arg2: memref<10240x128xf32, #tpu.memory_space<hbm>>, %arg3: memref<327680xi32, #tpu.memory_space<hbm>>, %arg4: memref<640x128xf32, #tpu.memory_space<hbm>>, %arg5: memref<2x10240x128xf32, #tpu.memory_space<hbm>>, %arg6: memref<10240x128xf32, #tpu.memory_space<vmem_shared>>, %arg7: memref<10240xi32, #tpu.memory_space<vmem>>, %arg8: memref<128xi32, #tpu.memory_space<vmem>>, %arg9: memref<128xi32, #tpu.memory_space<vmem>>, %arg10: memref<128xi32, #tpu.memory_space<vmem>>, %arg11: memref<128xi32, #tpu.memory_space<vmem>>, %arg12: memref<128x128xf32, #tpu.memory_space<vmem>>, %arg13: memref<128x128xf32, #tpu.memory_space<vmem>>, %arg14: memref<!tpu.dma_semaphore, #tpu.memory_space<semaphore_mem>>, %arg15: memref<!tpu.dma_semaphore, #tpu.memory_space<semaphore_mem>>, %arg16: memref<!tpu.dma_semaphore, #tpu.memory_space<semaphore_mem>>, %arg17: memref<!tpu.dma_semaphore, #tpu.memory_space<semaphore_mem>>) attributes {dimension_semantics = [#tpu.dimension_semantics<core_parallel>, #tpu.dimension_semantics<subcore_parallel>], iteration_bounds = array<i64: 2, 16>, scalar_prefetch = 0 : i64, scratch_operands = 12 : i64, tpu.core_type = #tpu.core_type<sc_vector_subcore>, window_params = [{transform_indices = #map}, {transform_indices = #map1}, {transform_indices = #map}, {transform_indices = #map2}]} {
    %mul3A = arith.constant 16 : i32
    %mul3A_0 = arith.muli %arg0, %mul3A : i32
    %add3A = arith.addi %mul3A_0, %arg1 : i32
    %mul3A_1 = arith.constant 10240 : i32
    %mul3A_2 = arith.muli %add3A, %mul3A_1 : i32
    "tpu.region"() ({
      %run_scoped3A = tpu.sem_alloc : memref<!tpu.dma_semaphore, #tpu.memory_space<semaphore_mem>>
      %dma_start3A_304 = tpu.memref_slice %arg3[%mul3A_2] : memref<327680xi32, #tpu.memory_space<hbm>> -> memref<10240xi32, #tpu.memory_space<hbm>>
      %dma_start3A_305 = tpu.memref_slice %arg3[%mul3A_2] : memref<327680xi32, #tpu.memory_space<hbm>> -> memref<10240xi32, #tpu.memory_space<hbm>>
      tpu.enqueue_dma source(%dma_start3A_305 : memref<10240xi32, #tpu.memory_space<hbm>>) target(%arg7 : memref<10240xi32, #tpu.memory_space<vmem>>) target_semaphore(%run_scoped3A : memref<!tpu.dma_semaphore, #tpu.memory_space<semaphore_mem>>)
      %dma_wait3A_306 = tpu.memref_slice %arg3[%mul3A_2] : memref<327680xi32, #tpu.memory_space<hbm>> -> memref<10240xi32, #tpu.memory_space<hbm>>
      %dma_wait3A_307 = tpu.memref_slice %arg3[%mul3A_2] : memref<327680xi32, #tpu.memory_space<hbm>> -> memref<10240xi32, #tpu.memory_space<hbm>>
      tpu.wait_dma2 semaphore(%run_scoped3A : memref<!tpu.dma_semaphore, #tpu.memory_space<semaphore_mem>>) src(%dma_wait3A_307 : memref<10240xi32, #tpu.memory_space<hbm>>) dst(%arg7 : memref<10240xi32, #tpu.memory_space<vmem>>)
      tpu.yield
    }) : () -> ()
    %mul3A_3 = arith.constant 640 : i32
    %mul3A_4 = arith.muli %arg1, %mul3A_3 : i32
    "tpu.region"() ({
      %run_scoped3A = tpu.sem_alloc : memref<!tpu.dma_semaphore, #tpu.memory_space<semaphore_mem>>
      %dma_start3A_304 = arith.constant 0 : i32
      %dma_start3A_305 = tpu.memref_slice %arg6[%mul3A_4, %dma_start3A_304] : memref<10240x128xf32, #tpu.memory_space<vmem_shared>> -> memref<640x128xf32, #tpu.memory_space<vmem_shared>>
      tpu.enqueue_dma source(%arg4 : memref<640x128xf32, #tpu.memory_space<hbm>>) target(%dma_start3A_305 : memref<640x128xf32, #tpu.memory_space<vmem_shared>>) target_semaphore(%run_scoped3A : memref<!tpu.dma_semaphore, #tpu.memory_space<semaphore_mem>>)
      %dma_wait3A_306 = arith.constant 0 : i32
      %dma_wait3A_307 = tpu.memref_slice %arg6[%mul3A_4, %dma_wait3A_306] : memref<10240x128xf32, #tpu.memory_space<vmem_shared>> -> memref<640x128xf32, #tpu.memory_space<vmem_shared>>
      tpu.wait_dma2 semaphore(%run_scoped3A : memref<!tpu.dma_semaphore, #tpu.memory_space<semaphore_mem>>) src(%arg4 : memref<640x128xf32, #tpu.memory_space<hbm>>) dst(%dma_wait3A_307 : memref<640x128xf32, #tpu.memory_space<vmem_shared>>)
      tpu.yield
    }) : () -> ()
    %barrier3A = arith.constant 0 : index
    tpu.barrier barrier_id(%barrier3A)
    %get3A = arith.constant 0 : index
    %get3A_5 = tpu.vector_load %arg7[%get3A] {strides = array<i32>} : memref<10240xi32, #tpu.memory_space<vmem>>, vector<16xi32>,
    %get3A_6 = vector.shape_cast %get3A_5 : vector<16xi32> to vector<16xi32>
    %and3A = arith.constant 65535 : i32
    %and3A_7 = vector.broadcast %and3A : i32 to vector<16xi32>
    %and3A_8 = arith.andi %get3A_6, %and3A_7 : vector<16xi32>
    %swap3A = arith.constant 0 : index
    %swap3A_9 = tpu.vector_load %arg8[%swap3A] {strides = array<i32>} : memref<128xi32, #tpu.memory_space<vmem>>, vector<16xi32>,
    %swap3A_10 = vector.shape_cast %swap3A_9 : vector<16xi32> to vector<16xi32>
    %swap3A_11 = vector.shape_cast %and3A_8 : vector<16xi32> to vector<16xi32>
    tpu.vector_store %arg8[%swap3A], %swap3A_11 {strides = array<i32>} : memref<128xi32, #tpu.memory_space<vmem>>, vector<16xi32>,
    %shift_right_logical3A = arith.constant 16 : i32
    %shift_right_logical3A_12 = vector.broadcast %shift_right_logical3A : i32 to vector<16xi32>
    %shift_right_logical3A_13 = arith.shrui %get3A_6, %shift_right_logical3A_12 : vector<16xi32>
    %swap3A_14 = arith.constant 0 : index
    %swap3A_15 = tpu.vector_load %arg9[%swap3A_14] {strides = array<i32>} : memref<128xi32, #tpu.memory_space<vmem>>, vector<16xi32>,
    %swap3A_16 = vector.shape_cast %swap3A_15 : vector<16xi32> to vector<16xi32>
    %swap3A_17 = vector.shape_cast %shift_right_logical3A_13 : vector<16xi32> to vector<16xi32>
    tpu.vector_store %arg9[%swap3A_14], %swap3A_17 {strides = array<i32>} : memref<128xi32, #tpu.memory_space<vmem>>, vector<16xi32>,
    %get3A_18 = arith.constant 16 : index
    %get3A_19 = tpu.vector_load %arg7[%get3A_18] {strides = array<i32>} : memref<10240xi32, #tpu.memory_space<vmem>>, vector<16xi32>,
    %get3A_20 = vector.shape_cast %get3A_19 : vector<16xi32> to vector<16xi32>
    %and3A_21 = arith.constant 65535 : i32
    %and3A_22 = vector.broadcast %and3A_21 : i32 to vector<16xi32>
    %and3A_23 = arith.andi %get3A_20, %and3A_22 : vector<16xi32>
    %swap3A_24 = arith.constant 16 : index
    %swap3A_25 = tpu.vector_load %arg8[%swap3A_24] {strides = array<i32>} : memref<128xi32, #tpu.memory_space<vmem>>, vector<16xi32>,
    %swap3A_26 = vector.shape_cast %swap3A_25 : vector<16xi32> to vector<16xi32>
    %swap3A_27 = vector.shape_cast %and3A_23 : vector<16xi32> to vector<16xi32>
    tpu.vector_store %arg8[%swap3A_24], %swap3A_27 {strides = array<i32>} : memref<128xi32, #tpu.memory_space<vmem>>, vector<16xi32>,
    %shift_right_logical3A_28 = arith.constant 16 : i32
    %shift_right_logical3A_29 = vector.broadcast %shift_right_logical3A_28 : i32 to vector<16xi32>
    %shift_right_logical3A_30 = arith.shrui %get3A_20, %shift_right_logical3A_29 : vector<16xi32>
    %swap3A_31 = arith.constant 16 : index
    %swap3A_32 = tpu.vector_load %arg9[%swap3A_31] {strides = array<i32>} : memref<128xi32, #tpu.memory_space<vmem>>, vector<16xi32>,
    %swap3A_33 = vector.shape_cast %swap3A_32 : vector<16xi32> to vector<16xi32>
    %swap3A_34 = vector.shape_cast %shift_right_logical3A_30 : vector<16xi32> to vector<16xi32>
    tpu.vector_store %arg9[%swap3A_31], %swap3A_34 {strides = array<i32>} : memref<128xi32, #tpu.memory_space<vmem>>, vector<16xi32>,
    %get3A_35 = arith.constant 32 : index
    %get3A_36 = tpu.vector_load %arg7[%get3A_35] {strides = array<i32>} : memref<10240xi32, #tpu.memory_space<vmem>>, vector<16xi32>,
    %get3A_37 = vector.shape_cast %get3A_36 : vector<16xi32> to vector<16xi32>
    %and3A_38 = arith.constant 65535 : i32
    %and3A_39 = vector.broadcast %and3A_38 : i32 to vector<16xi32>
    %and3A_40 = arith.andi %get3A_37, %and3A_39 : vector<16xi32>
    %swap3A_41 = arith.constant 32 : index
    %swap3A_42 = tpu.vector_load %arg8[%swap3A_41] {strides = array<i32>} : memref<128xi32, #tpu.memory_space<vmem>>, vector<16xi32>,
    %swap3A_43 = vector.shape_cast %swap3A_42 : vector<16xi32> to vector<16xi32>
    %swap3A_44 = vector.shape_cast %and3A_40 : vector<16xi32> to vector<16xi32>
    tpu.vector_store %arg8[%swap3A_41], %swap3A_44 {strides = array<i32>} : memref<128xi32, #tpu.memory_space<vmem>>, vector<16xi32>,
    %shift_right_logical3A_45 = arith.constant 16 : i32
    %shift_right_logical3A_46 = vector.broadcast %shift_right_logical3A_45 : i32 to vector<16xi32>
    %shift_right_logical3A_47 = arith.shrui %get3A_37, %shift_right_logical3A_46 : vector<16xi32>
    %swap3A_48 = arith.constant 32 : index
    %swap3A_49 = tpu.vector_load %arg9[%swap3A_48] {strides = array<i32>} : memref<128xi32, #tpu.memory_space<vmem>>, vector<16xi32>,
    %swap3A_50 = vector.shape_cast %swap3A_49 : vector<16xi32> to vector<16xi32>
    %swap3A_51 = vector.shape_cast %shift_right_logical3A_47 : vector<16xi32> to vector<16xi32>
    tpu.vector_store %arg9[%swap3A_48], %swap3A_51 {strides = array<i32>} : memref<128xi32, #tpu.memory_space<vmem>>, vector<16xi32>,
    %get3A_52 = arith.constant 48 : index
    %get3A_53 = tpu.vector_load %arg7[%get3A_52] {strides = array<i32>} : memref<10240xi32, #tpu.memory_space<vmem>>, vector<16xi32>,
    %get3A_54 = vector.shape_cast %get3A_53 : vector<16xi32> to vector<16xi32>
    %and3A_55 = arith.constant 65535 : i32
    %and3A_56 = vector.broadcast %and3A_55 : i32 to vector<16xi32>
    %and3A_57 = arith.andi %get3A_54, %and3A_56 : vector<16xi32>
    %swap3A_58 = arith.constant 48 : index
    %swap3A_59 = tpu.vector_load %arg8[%swap3A_58] {strides = array<i32>} : memref<128xi32, #tpu.memory_space<vmem>>, vector<16xi32>,
    %swap3A_60 = vector.shape_cast %swap3A_59 : vector<16xi32> to vector<16xi32>
    %swap3A_61 = vector.shape_cast %and3A_57 : vector<16xi32> to vector<16xi32>
    tpu.vector_store %arg8[%swap3A_58], %swap3A_61 {strides = array<i32>} : memref<128xi32, #tpu.memory_space<vmem>>, vector<16xi32>,
    %shift_right_logical3A_62 = arith.constant 16 : i32
    %shift_right_logical3A_63 = vector.broadcast %shift_right_logical3A_62 : i32 to vector<16xi32>
    %shift_right_logical3A_64 = arith.shrui %get3A_54, %shift_right_logical3A_63 : vector<16xi32>
    %swap3A_65 = arith.constant 48 : index
    %swap3A_66 = tpu.vector_load %arg9[%swap3A_65] {strides = array<i32>} : memref<128xi32, #tpu.memory_space<vmem>>, vector<16xi32>,
    %swap3A_67 = vector.shape_cast %swap3A_66 : vector<16xi32> to vector<16xi32>
    %swap3A_68 = vector.shape_cast %shift_right_logical3A_64 : vector<16xi32> to vector<16xi32>
    tpu.vector_store %arg9[%swap3A_65], %swap3A_68 {strides = array<i32>} : memref<128xi32, #tpu.memory_space<vmem>>, vector<16xi32>,
    %get3A_69 = arith.constant 64 : index
    %get3A_70 = tpu.vector_load %arg7[%get3A_69] {strides = array<i32>} : memref<10240xi32, #tpu.memory_space<vmem>>, vector<16xi32>,
    %get3A_71 = vector.shape_cast %get3A_70 : vector<16xi32> to vector<16xi32>
    %and3A_72 = arith.constant 65535 : i32
    %and3A_73 = vector.broadcast %and3A_72 : i32 to vector<16xi32>
    %and3A_74 = arith.andi %get3A_71, %and3A_73 : vector<16xi32>
    %swap3A_75 = arith.constant 64 : index
    %swap3A_76 = tpu.vector_load %arg8[%swap3A_75] {strides = array<i32>} : memref<128xi32, #tpu.memory_space<vmem>>, vector<16xi32>,
    %swap3A_77 = vector.shape_cast %swap3A_76 : vector<16xi32> to vector<16xi32>
    %swap3A_78 = vector.shape_cast %and3A_74 : vector<16xi32> to vector<16xi32>
    tpu.vector_store %arg8[%swap3A_75], %swap3A_78 {strides = array<i32>} : memref<128xi32, #tpu.memory_space<vmem>>, vector<16xi32>,
    %shift_right_logical3A_79 = arith.constant 16 : i32
    %shift_right_logical3A_80 = vector.broadcast %shift_right_logical3A_79 : i32 to vector<16xi32>
    %shift_right_logical3A_81 = arith.shrui %get3A_71, %shift_right_logical3A_80 : vector<16xi32>
    %swap3A_82 = arith.constant 64 : index
    %swap3A_83 = tpu.vector_load %arg9[%swap3A_82] {strides = array<i32>} : memref<128xi32, #tpu.memory_space<vmem>>, vector<16xi32>,
    %swap3A_84 = vector.shape_cast %swap3A_83 : vector<16xi32> to vector<16xi32>
    %swap3A_85 = vector.shape_cast %shift_right_logical3A_81 : vector<16xi32> to vector<16xi32>
    tpu.vector_store %arg9[%swap3A_82], %swap3A_85 {strides = array<i32>} : memref<128xi32, #tpu.memory_space<vmem>>, vector<16xi32>,
    %get3A_86 = arith.constant 80 : index
    %get3A_87 = tpu.vector_load %arg7[%get3A_86] {strides = array<i32>} : memref<10240xi32, #tpu.memory_space<vmem>>, vector<16xi32>,
    %get3A_88 = vector.shape_cast %get3A_87 : vector<16xi32> to vector<16xi32>
    %and3A_89 = arith.constant 65535 : i32
    %and3A_90 = vector.broadcast %and3A_89 : i32 to vector<16xi32>
    %and3A_91 = arith.andi %get3A_88, %and3A_90 : vector<16xi32>
    %swap3A_92 = arith.constant 80 : index
    %swap3A_93 = tpu.vector_load %arg8[%swap3A_92] {strides = array<i32>} : memref<128xi32, #tpu.memory_space<vmem>>, vector<16xi32>,
    %swap3A_94 = vector.shape_cast %swap3A_93 : vector<16xi32> to vector<16xi32>
    %swap3A_95 = vector.shape_cast %and3A_91 : vector<16xi32> to vector<16xi32>
    tpu.vector_store %arg8[%swap3A_92], %swap3A_95 {strides = array<i32>} : memref<128xi32, #tpu.memory_space<vmem>>, vector<16xi32>,
    %shift_right_logical3A_96 = arith.constant 16 : i32
    %shift_right_logical3A_97 = vector.broadcast %shift_right_logical3A_96 : i32 to vector<16xi32>
    %shift_right_logical3A_98 = arith.shrui %get3A_88, %shift_right_logical3A_97 : vector<16xi32>
    %swap3A_99 = arith.constant 80 : index
    %swap3A_100 = tpu.vector_load %arg9[%swap3A_99] {strides = array<i32>} : memref<128xi32, #tpu.memory_space<vmem>>, vector<16xi32>,
    %swap3A_101 = vector.shape_cast %swap3A_100 : vector<16xi32> to vector<16xi32>
    %swap3A_102 = vector.shape_cast %shift_right_logical3A_98 : vector<16xi32> to vector<16xi32>
    tpu.vector_store %arg9[%swap3A_99], %swap3A_102 {strides = array<i32>} : memref<128xi32, #tpu.memory_space<vmem>>, vector<16xi32>,
    %get3A_103 = arith.constant 96 : index
    %get3A_104 = tpu.vector_load %arg7[%get3A_103] {strides = array<i32>} : memref<10240xi32, #tpu.memory_space<vmem>>, vector<16xi32>,
    %get3A_105 = vector.shape_cast %get3A_104 : vector<16xi32> to vector<16xi32>
    %and3A_106 = arith.constant 65535 : i32
    %and3A_107 = vector.broadcast %and3A_106 : i32 to vector<16xi32>
    %and3A_108 = arith.andi %get3A_105, %and3A_107 : vector<16xi32>
    %swap3A_109 = arith.constant 96 : index
    %swap3A_110 = tpu.vector_load %arg8[%swap3A_109] {strides = array<i32>} : memref<128xi32, #tpu.memory_space<vmem>>, vector<16xi32>,
    %swap3A_111 = vector.shape_cast %swap3A_110 : vector<16xi32> to vector<16xi32>
    %swap3A_112 = vector.shape_cast %and3A_108 : vector<16xi32> to vector<16xi32>
    tpu.vector_store %arg8[%swap3A_109], %swap3A_112 {strides = array<i32>} : memref<128xi32, #tpu.memory_space<vmem>>, vector<16xi32>,
    %shift_right_logical3A_113 = arith.constant 16 : i32
    %shift_right_logical3A_114 = vector.broadcast %shift_right_logical3A_113 : i32 to vector<16xi32>
    %shift_right_logical3A_115 = arith.shrui %get3A_105, %shift_right_logical3A_114 : vector<16xi32>
    %swap3A_116 = arith.constant 96 : index
    %swap3A_117 = tpu.vector_load %arg9[%swap3A_116] {strides = array<i32>} : memref<128xi32, #tpu.memory_space<vmem>>, vector<16xi32>,
    %swap3A_118 = vector.shape_cast %swap3A_117 : vector<16xi32> to vector<16xi32>
    %swap3A_119 = vector.shape_cast %shift_right_logical3A_115 : vector<16xi32> to vector<16xi32>
    tpu.vector_store %arg9[%swap3A_116], %swap3A_119 {strides = array<i32>} : memref<128xi32, #tpu.memory_space<vmem>>, vector<16xi32>,
    %get3A_120 = arith.constant 112 : index
    %get3A_121 = tpu.vector_load %arg7[%get3A_120] {strides = array<i32>} : memref<10240xi32, #tpu.memory_space<vmem>>, vector<16xi32>,
    %get3A_122 = vector.shape_cast %get3A_121 : vector<16xi32> to vector<16xi32>
    %and3A_123 = arith.constant 65535 : i32
    %and3A_124 = vector.broadcast %and3A_123 : i32 to vector<16xi32>
    %and3A_125 = arith.andi %get3A_122, %and3A_124 : vector<16xi32>
    %swap3A_126 = arith.constant 112 : index
    %swap3A_127 = tpu.vector_load %arg8[%swap3A_126] {strides = array<i32>} : memref<128xi32, #tpu.memory_space<vmem>>, vector<16xi32>,
    %swap3A_128 = vector.shape_cast %swap3A_127 : vector<16xi32> to vector<16xi32>
    %swap3A_129 = vector.shape_cast %and3A_125 : vector<16xi32> to vector<16xi32>
    tpu.vector_store %arg8[%swap3A_126], %swap3A_129 {strides = array<i32>} : memref<128xi32, #tpu.memory_space<vmem>>, vector<16xi32>,
    %shift_right_logical3A_130 = arith.constant 16 : i32
    %shift_right_logical3A_131 = vector.broadcast %shift_right_logical3A_130 : i32 to vector<16xi32>
    %shift_right_logical3A_132 = arith.shrui %get3A_122, %shift_right_logical3A_131 : vector<16xi32>
    %swap3A_133 = arith.constant 112 : index
    %swap3A_134 = tpu.vector_load %arg9[%swap3A_133] {strides = array<i32>} : memref<128xi32, #tpu.memory_space<vmem>>, vector<16xi32>,
    %swap3A_135 = vector.shape_cast %swap3A_134 : vector<16xi32> to vector<16xi32>
    %swap3A_136 = vector.shape_cast %shift_right_logical3A_132 : vector<16xi32> to vector<16xi32>
    tpu.vector_store %arg9[%swap3A_133], %swap3A_136 {strides = array<i32>} : memref<128xi32, #tpu.memory_space<vmem>>, vector<16xi32>,
    %dma_start3A = arith.constant 0 : i32
    %dma_start3A_137 = arith.constant 0 : i32
    %dma_start3A_138 = tpu.memref_slice %arg2[%dma_start3A, %dma_start3A_137] : memref<10240x128xf32, #tpu.memory_space<hbm>> -> memref<10240x128xf32, #tpu.memory_space<hbm>>
    tpu.enqueue_indirect_dma source(%dma_start3A_138 : memref<10240x128xf32, #tpu.memory_space<hbm>>) target(%arg12 : memref<128x128xf32, #tpu.memory_space<vmem>>) offsets(%arg8 : memref<128xi32, #tpu.memory_space<vmem>>) semaphore(%arg14 : memref<!tpu.dma_semaphore, #tpu.memory_space<semaphore_mem>>)
    %get3A_139 = arith.constant 128 : index
    %get3A_140 = tpu.vector_load %arg7[%get3A_139] {strides = array<i32>} : memref<10240xi32, #tpu.memory_space<vmem>>, vector<16xi32>,
    %get3A_141 = vector.shape_cast %get3A_140 : vector<16xi32> to vector<16xi32>
    %and3A_142 = arith.constant 65535 : i32
    %and3A_143 = vector.broadcast %and3A_142 : i32 to vector<16xi32>
    %and3A_144 = arith.andi %get3A_141, %and3A_143 : vector<16xi32>
    %swap3A_145 = arith.constant 0 : index
    %swap3A_146 = tpu.vector_load %arg10[%swap3A_145] {strides = array<i32>} : memref<128xi32, #tpu.memory_space<vmem>>, vector<16xi32>,
    %swap3A_147 = vector.shape_cast %swap3A_146 : vector<16xi32> to vector<16xi32>
    %swap3A_148 = vector.shape_cast %and3A_144 : vector<16xi32> to vector<16xi32>
    tpu.vector_store %arg10[%swap3A_145], %swap3A_148 {strides = array<i32>} : memref<128xi32, #tpu.memory_space<vmem>>, vector<16xi32>,
    %shift_right_logical3A_149 = arith.constant 16 : i32
    %shift_right_logical3A_150 = vector.broadcast %shift_right_logical3A_149 : i32 to vector<16xi32>
    %shift_right_logical3A_151 = arith.shrui %get3A_141, %shift_right_logical3A_150 : vector<16xi32>
    %swap3A_152 = arith.constant 0 : index
    %swap3A_153 = tpu.vector_load %arg11[%swap3A_152] {strides = array<i32>} : memref<128xi32, #tpu.memory_space<vmem>>, vector<16xi32>,
    %swap3A_154 = vector.shape_cast %swap3A_153 : vector<16xi32> to vector<16xi32>
    %swap3A_155 = vector.shape_cast %shift_right_logical3A_151 : vector<16xi32> to vector<16xi32>
    tpu.vector_store %arg11[%swap3A_152], %swap3A_155 {strides = array<i32>} : memref<128xi32, #tpu.memory_space<vmem>>, vector<16xi32>,
    %get3A_156 = arith.constant 144 : index
    %get3A_157 = tpu.vector_load %arg7[%get3A_156] {strides = array<i32>} : memref<10240xi32, #tpu.memory_space<vmem>>, vector<16xi32>,
    %get3A_158 = vector.shape_cast %get3A_157 : vector<16xi32> to vector<16xi32>
    %and3A_159 = arith.constant 65535 : i32
    %and3A_160 = vector.broadcast %and3A_159 : i32 to vector<16xi32>
    %and3A_161 = arith.andi %get3A_158, %and3A_160 : vector<16xi32>
    %swap3A_162 = arith.constant 16 : index
    %swap3A_163 = tpu.vector_load %arg10[%swap3A_162] {strides = array<i32>} : memref<128xi32, #tpu.memory_space<vmem>>, vector<16xi32>,
    %swap3A_164 = vector.shape_cast %swap3A_163 : vector<16xi32> to vector<16xi32>
    %swap3A_165 = vector.shape_cast %and3A_161 : vector<16xi32> to vector<16xi32>
    tpu.vector_store %arg10[%swap3A_162], %swap3A_165 {strides = array<i32>} : memref<128xi32, #tpu.memory_space<vmem>>, vector<16xi32>,
    %shift_right_logical3A_166 = arith.constant 16 : i32
    %shift_right_logical3A_167 = vector.broadcast %shift_right_logical3A_166 : i32 to vector<16xi32>
    %shift_right_logical3A_168 = arith.shrui %get3A_158, %shift_right_logical3A_167 : vector<16xi32>
    %swap3A_169 = arith.constant 16 : index
    %swap3A_170 = tpu.vector_load %arg11[%swap3A_169] {strides = array<i32>} : memref<128xi32, #tpu.memory_space<vmem>>, vector<16xi32>,
    %swap3A_171 = vector.shape_cast %swap3A_170 : vector<16xi32> to vector<16xi32>
    %swap3A_172 = vector.shape_cast %shift_right_logical3A_168 : vector<16xi32> to vector<16xi32>
    tpu.vector_store %arg11[%swap3A_169], %swap3A_172 {strides = array<i32>} : memref<128xi32, #tpu.memory_space<vmem>>, vector<16xi32>,
    %get3A_173 = arith.constant 160 : index
    %get3A_174 = tpu.vector_load %arg7[%get3A_173] {strides = array<i32>} : memref<10240xi32, #tpu.memory_space<vmem>>, vector<16xi32>,
    %get3A_175 = vector.shape_cast %get3A_174 : vector<16xi32> to vector<16xi32>
    %and3A_176 = arith.constant 65535 : i32
    %and3A_177 = vector.broadcast %and3A_176 : i32 to vector<16xi32>
    %and3A_178 = arith.andi %get3A_175, %and3A_177 : vector<16xi32>
    %swap3A_179 = arith.constant 32 : index
    %swap3A_180 = tpu.vector_load %arg10[%swap3A_179] {strides = array<i32>} : memref<128xi32, #tpu.memory_space<vmem>>, vector<16xi32>,
    %swap3A_181 = vector.shape_cast %swap3A_180 : vector<16xi32> to vector<16xi32>
    %swap3A_182 = vector.shape_cast %and3A_178 : vector<16xi32> to vector<16xi32>
    tpu.vector_store %arg10[%swap3A_179], %swap3A_182 {strides = array<i32>} : memref<128xi32, #tpu.memory_space<vmem>>, vector<16xi32>,
    %shift_right_logical3A_183 = arith.constant 16 : i32
    %shift_right_logical3A_184 = vector.broadcast %shift_right_logical3A_183 : i32 to vector<16xi32>
    %shift_right_logical3A_185 = arith.shrui %get3A_175, %shift_right_logical3A_184 : vector<16xi32>
    %swap3A_186 = arith.constant 32 : index
    %swap3A_187 = tpu.vector_load %arg11[%swap3A_186] {strides = array<i32>} : memref<128xi32, #tpu.memory_space<vmem>>, vector<16xi32>,
    %swap3A_188 = vector.shape_cast %swap3A_187 : vector<16xi32> to vector<16xi32>
    %swap3A_189 = vector.shape_cast %shift_right_logical3A_185 : vector<16xi32> to vector<16xi32>
    tpu.vector_store %arg11[%swap3A_186], %swap3A_189 {strides = array<i32>} : memref<128xi32, #tpu.memory_space<vmem>>, vector<16xi32>,
    %get3A_190 = arith.constant 176 : index
    %get3A_191 = tpu.vector_load %arg7[%get3A_190] {strides = array<i32>} : memref<10240xi32, #tpu.memory_space<vmem>>, vector<16xi32>,
    %get3A_192 = vector.shape_cast %get3A_191 : vector<16xi32> to vector<16xi32>
    %and3A_193 = arith.constant 65535 : i32
    %and3A_194 = vector.broadcast %and3A_193 : i32 to vector<16xi32>
    %and3A_195 = arith.andi %get3A_192, %and3A_194 : vector<16xi32>
    %swap3A_196 = arith.constant 48 : index
    %swap3A_197 = tpu.vector_load %arg10[%swap3A_196] {strides = array<i32>} : memref<128xi32, #tpu.memory_space<vmem>>, vector<16xi32>,
    %swap3A_198 = vector.shape_cast %swap3A_197 : vector<16xi32> to vector<16xi32>
    %swap3A_199 = vector.shape_cast %and3A_195 : vector<16xi32> to vector<16xi32>
    tpu.vector_store %arg10[%swap3A_196], %swap3A_199 {strides = array<i32>} : memref<128xi32, #tpu.memory_space<vmem>>, vector<16xi32>,
    %shift_right_logical3A_200 = arith.constant 16 : i32
    %shift_right_logical3A_201 = vector.broadcast %shift_right_logical3A_200 : i32 to vector<16xi32>
    %shift_right_logical3A_202 = arith.shrui %get3A_192, %shift_right_logical3A_201 : vector<16xi32>
    %swap3A_203 = arith.constant 48 : index
    %swap3A_204 = tpu.vector_load %arg11[%swap3A_203] {strides = array<i32>} : memref<128xi32, #tpu.memory_space<vmem>>, vector<16xi32>,
    %swap3A_205 = vector.shape_cast %swap3A_204 : vector<16xi32> to vector<16xi32>
    %swap3A_206 = vector.shape_cast %shift_right_logical3A_202 : vector<16xi32> to vector<16xi32>
    tpu.vector_store %arg11[%swap3A_203], %swap3A_206 {strides = array<i32>} : memref<128xi32, #tpu.memory_space<vmem>>, vector<16xi32>,
    %get3A_207 = arith.constant 192 : index
    %get3A_208 = tpu.vector_load %arg7[%get3A_207] {strides = array<i32>} : memref<10240xi32, #tpu.memory_space<vmem>>, vector<16xi32>,
    %get3A_209 = vector.shape_cast %get3A_208 : vector<16xi32> to vector<16xi32>
    %and3A_210 = arith.constant 65535 : i32
    %and3A_211 = vector.broadcast %and3A_210 : i32 to vector<16xi32>
    %and3A_212 = arith.andi %get3A_209, %and3A_211 : vector<16xi32>
    %swap3A_213 = arith.constant 64 : index
    %swap3A_214 = tpu.vector_load %arg10[%swap3A_213] {strides = array<i32>} : memref<128xi32, #tpu.memory_space<vmem>>, vector<16xi32>,
    %swap3A_215 = vector.shape_cast %swap3A_214 : vector<16xi32> to vector<16xi32>
    %swap3A_216 = vector.shape_cast %and3A_212 : vector<16xi32> to vector<16xi32>
    tpu.vector_store %arg10[%swap3A_213], %swap3A_216 {strides = array<i32>} : memref<128xi32, #tpu.memory_space<vmem>>, vector<16xi32>,
    %shift_right_logical3A_217 = arith.constant 16 : i32
    %shift_right_logical3A_218 = vector.broadcast %shift_right_logical3A_217 : i32 to vector<16xi32>
    %shift_right_logical3A_219 = arith.shrui %get3A_209, %shift_right_logical3A_218 : vector<16xi32>
    %swap3A_220 = arith.constant 64 : index
    %swap3A_221 = tpu.vector_load %arg11[%swap3A_220] {strides = array<i32>} : memref<128xi32, #tpu.memory_space<vmem>>, vector<16xi32>,
    %swap3A_222 = vector.shape_cast %swap3A_221 : vector<16xi32> to vector<16xi32>
    %swap3A_223 = vector.shape_cast %shift_right_logical3A_219 : vector<16xi32> to vector<16xi32>
    tpu.vector_store %arg11[%swap3A_220], %swap3A_223 {strides = array<i32>} : memref<128xi32, #tpu.memory_space<vmem>>, vector<16xi32>,
    %get3A_224 = arith.constant 208 : index
    %get3A_225 = tpu.vector_load %arg7[%get3A_224] {strides = array<i32>} : memref<10240xi32, #tpu.memory_space<vmem>>, vector<16xi32>,
    %get3A_226 = vector.shape_cast %get3A_225 : vector<16xi32> to vector<16xi32>
    %and3A_227 = arith.constant 65535 : i32
    %and3A_228 = vector.broadcast %and3A_227 : i32 to vector<16xi32>
    %and3A_229 = arith.andi %get3A_226, %and3A_228 : vector<16xi32>
    %swap3A_230 = arith.constant 80 : index
    %swap3A_231 = tpu.vector_load %arg10[%swap3A_230] {strides = array<i32>} : memref<128xi32, #tpu.memory_space<vmem>>, vector<16xi32>,
    %swap3A_232 = vector.shape_cast %swap3A_231 : vector<16xi32> to vector<16xi32>
    %swap3A_233 = vector.shape_cast %and3A_229 : vector<16xi32> to vector<16xi32>
    tpu.vector_store %arg10[%swap3A_230], %swap3A_233 {strides = array<i32>} : memref<128xi32, #tpu.memory_space<vmem>>, vector<16xi32>,
    %shift_right_logical3A_234 = arith.constant 16 : i32
    %shift_right_logical3A_235 = vector.broadcast %shift_right_logical3A_234 : i32 to vector<16xi32>
    %shift_right_logical3A_236 = arith.shrui %get3A_226, %shift_right_logical3A_235 : vector<16xi32>
    %swap3A_237 = arith.constant 80 : index
    %swap3A_238 = tpu.vector_load %arg11[%swap3A_237] {strides = array<i32>} : memref<128xi32, #tpu.memory_space<vmem>>, vector<16xi32>,
    %swap3A_239 = vector.shape_cast %swap3A_238 : vector<16xi32> to vector<16xi32>
    %swap3A_240 = vector.shape_cast %shift_right_logical3A_236 : vector<16xi32> to vector<16xi32>
    tpu.vector_store %arg11[%swap3A_237], %swap3A_240 {strides = array<i32>} : memref<128xi32, #tpu.memory_space<vmem>>, vector<16xi32>,
    %get3A_241 = arith.constant 224 : index
    %get3A_242 = tpu.vector_load %arg7[%get3A_241] {strides = array<i32>} : memref<10240xi32, #tpu.memory_space<vmem>>, vector<16xi32>,
    %get3A_243 = vector.shape_cast %get3A_242 : vector<16xi32> to vector<16xi32>
    %and3A_244 = arith.constant 65535 : i32
    %and3A_245 = vector.broadcast %and3A_244 : i32 to vector<16xi32>
    %and3A_246 = arith.andi %get3A_243, %and3A_245 : vector<16xi32>
    %swap3A_247 = arith.constant 96 : index
    %swap3A_248 = tpu.vector_load %arg10[%swap3A_247] {strides = array<i32>} : memref<128xi32, #tpu.memory_space<vmem>>, vector<16xi32>,
    %swap3A_249 = vector.shape_cast %swap3A_248 : vector<16xi32> to vector<16xi32>
    %swap3A_250 = vector.shape_cast %and3A_246 : vector<16xi32> to vector<16xi32>
    tpu.vector_store %arg10[%swap3A_247], %swap3A_250 {strides = array<i32>} : memref<128xi32, #tpu.memory_space<vmem>>, vector<16xi32>,
    %shift_right_logical3A_251 = arith.constant 16 : i32
    %shift_right_logical3A_252 = vector.broadcast %shift_right_logical3A_251 : i32 to vector<16xi32>
    %shift_right_logical3A_253 = arith.shrui %get3A_243, %shift_right_logical3A_252 : vector<16xi32>
    %swap3A_254 = arith.constant 96 : index
    %swap3A_255 = tpu.vector_load %arg11[%swap3A_254] {strides = array<i32>} : memref<128xi32, #tpu.memory_space<vmem>>, vector<16xi32>,
    %swap3A_256 = vector.shape_cast %swap3A_255 : vector<16xi32> to vector<16xi32>
    %swap3A_257 = vector.shape_cast %shift_right_logical3A_253 : vector<16xi32> to vector<16xi32>
    tpu.vector_store %arg11[%swap3A_254], %swap3A_257 {strides = array<i32>} : memref<128xi32, #tpu.memory_space<vmem>>, vector<16xi32>,
    %get3A_258 = arith.constant 240 : index
    %get3A_259 = tpu.vector_load %arg7[%get3A_258] {strides = array<i32>} : memref<10240xi32, #tpu.memory_space<vmem>>, vector<16xi32>,
    %get3A_260 = vector.shape_cast %get3A_259 : vector<16xi32> to vector<16xi32>
    %and3A_261 = arith.constant 65535 : i32
    %and3A_262 = vector.broadcast %and3A_261 : i32 to vector<16xi32>
    %and3A_263 = arith.andi %get3A_260, %and3A_262 : vector<16xi32>
    %swap3A_264 = arith.constant 112 : index
    %swap3A_265 = tpu.vector_load %arg10[%swap3A_264] {strides = array<i32>} : memref<128xi32, #tpu.memory_space<vmem>>, vector<16xi32>,
    %swap3A_266 = vector.shape_cast %swap3A_265 : vector<16xi32> to vector<16xi32>
    %swap3A_267 = vector.shape_cast %and3A_263 : vector<16xi32> to vector<16xi32>
    tpu.vector_store %arg10[%swap3A_264], %swap3A_267 {strides = array<i32>} : memref<128xi32, #tpu.memory_space<vmem>>, vector<16xi32>,
    %shift_right_logical3A_268 = arith.constant 16 : i32
    %shift_right_logical3A_269 = vector.broadcast %shift_right_logical3A_268 : i32 to vector<16xi32>
    %shift_right_logical3A_270 = arith.shrui %get3A_260, %shift_right_logical3A_269 : vector<16xi32>
    %swap3A_271 = arith.constant 112 : index
    %swap3A_272 = tpu.vector_load %arg11[%swap3A_271] {strides = array<i32>} : memref<128xi32, #tpu.memory_space<vmem>>, vector<16xi32>,
    %swap3A_273 = vector.shape_cast %swap3A_272 : vector<16xi32> to vector<16xi32>
    %swap3A_274 = vector.shape_cast %shift_right_logical3A_270 : vector<16xi32> to vector<16xi32>
    tpu.vector_store %arg11[%swap3A_271], %swap3A_274 {strides = array<i32>} : memref<128xi32, #tpu.memory_space<vmem>>, vector<16xi32>,
    %dma_start3A_275 = arith.constant 0 : i32
    %dma_start3A_276 = arith.constant 0 : i32
    %dma_start3A_277 = tpu.memref_slice %arg2[%dma_start3A_275, %dma_start3A_276] : memref<10240x128xf32, #tpu.memory_space<hbm>> -> memref<10240x128xf32, #tpu.memory_space<hbm>>
    tpu.enqueue_indirect_dma source(%dma_start3A_277 : memref<10240x128xf32, #tpu.memory_space<hbm>>) target(%arg13 : memref<128x128xf32, #tpu.memory_space<vmem>>) offsets(%arg10 : memref<128xi32, #tpu.memory_space<vmem>>) semaphore(%arg15 : memref<!tpu.dma_semaphore, #tpu.memory_space<semaphore_mem>>)
    %dma_wait3A = arith.constant 0 : i32
    %dma_wait3A_278 = arith.constant 0 : i32
    %dma_wait3A_279 = tpu.memref_slice %arg2[%dma_wait3A, %dma_wait3A_278] : memref<10240x128xf32, #tpu.memory_space<hbm>> -> memref<10240x128xf32, #tpu.memory_space<hbm>>
    tpu.wait_indirect_dma semaphore(%arg14 : memref<!tpu.dma_semaphore, #tpu.memory_space<semaphore_mem>>) src(%dma_wait3A_279 : memref<10240x128xf32, #tpu.memory_space<hbm>>) dst(%arg12 : memref<128x128xf32, #tpu.memory_space<vmem>>)
    %dma_start3A_280 = arith.constant 0 : i32
    %dma_start3A_281 = arith.constant 0 : i32
    %dma_start3A_282 = tpu.memref_slice %arg6[%dma_start3A_280, %dma_start3A_281] : memref<10240x128xf32, #tpu.memory_space<vmem_shared>> -> memref<10240x128xf32, #tpu.memory_space<vmem_shared>>
    tpu.enqueue_indirect_dma source(%arg12 : memref<128x128xf32, #tpu.memory_space<vmem>>) target(%dma_start3A_282 : memref<10240x128xf32, #tpu.memory_space<vmem_shared>>) offsets(%arg9 : memref<128xi32, #tpu.memory_space<vmem>>) semaphore(%arg16 : memref<!tpu.dma_semaphore, #tpu.memory_space<semaphore_mem>>) {add = true}
    %scan3A = arith.constant 0 : i32
    %scan3A_283 = arith.constant 0 : i32
    %scan3A_284 = arith.constant 39 : i32
    %scan3A_285 = arith.addi %scan3A_283, %scan3A_284 : i32
    %scan3A_286 = arith.constant 1 : i32
    %scan3A_287 = scf.for %scan3A_304 = %scan3A_283 to %scan3A_285 step %scan3A_286 iter_args(%scan3A_305 = %scan3A) -> (i32)  : i32 {
      %mul3A_306 = arith.constant 2 : i32
      %mul3A_307 = arith.muli %mul3A_306, %scan3A_304 : i32
      %add3A_308 = arith.constant 1 : i32
      %add3A_309 = arith.addi %mul3A_307, %add3A_308 : i32
      %dma_wait3A_310 = arith.constant 0 : i32
      %dma_wait3A_311 = arith.constant 0 : i32
      %dma_wait3A_312 = tpu.memref_slice %arg2[%dma_wait3A_310, %dma_wait3A_311] : memref<10240x128xf32, #tpu.memory_space<hbm>> -> memref<10240x128xf32, #tpu.memory_space<hbm>>
      tpu.wait_indirect_dma semaphore(%arg15 : memref<!tpu.dma_semaphore, #tpu.memory_space<semaphore_mem>>) src(%dma_wait3A_312 : memref<10240x128xf32, #tpu.memory_space<hbm>>) dst(%arg13 : memref<128x128xf32, #tpu.memory_space<vmem>>)
      %dma_start3A_313 = arith.constant 0 : i32
      %dma_start3A_314 = arith.constant 0 : i32
      %dma_start3A_315 = tpu.memref_slice %arg6[%dma_start3A_313, %dma_start3A_314] : memref<10240x128xf32, #tpu.memory_space<vmem_shared>> -> memref<10240x128xf32, #tpu.memory_space<vmem_shared>>
      tpu.enqueue_indirect_dma source(%arg13 : memref<128x128xf32, #tpu.memory_space<vmem>>) target(%dma_start3A_315 : memref<10240x128xf32, #tpu.memory_space<vmem_shared>>) offsets(%arg11 : memref<128xi32, #tpu.memory_space<vmem>>) semaphore(%arg17 : memref<!tpu.dma_semaphore, #tpu.memory_space<semaphore_mem>>) {add = true}
      %dma_wait3A_316 = arith.constant 0 : i32
      %dma_wait3A_317 = arith.constant 0 : i32
      %dma_wait3A_318 = tpu.memref_slice %arg6[%dma_wait3A_316, %dma_wait3A_317] : memref<10240x128xf32, #tpu.memory_space<vmem_shared>> -> memref<10240x128xf32, #tpu.memory_space<vmem_shared>>
      tpu.wait_indirect_dma semaphore(%arg16 : memref<!tpu.dma_semaphore, #tpu.memory_space<semaphore_mem>>) src(%arg12 : memref<128x128xf32, #tpu.memory_space<vmem>>) dst(%dma_wait3A_318 : memref<10240x128xf32, #tpu.memory_space<vmem_shared>>)
      %add3A_319 = arith.constant 1 : i32
      %add3A_320 = arith.addi %add3A_309, %add3A_319 : i32
      %mul3A_321 = arith.constant 128 : i32
      %mul3A_322 = arith.muli %add3A_320, %mul3A_321 : i32
      %add3A_323 = arith.constant 0 : i32
      %add3A_324 = arith.addi %mul3A_322, %add3A_323 : i32
      %get3A_325 = arith.index_cast %add3A_324 : i32 to index
      %get3A_326 = tpu.vector_load %arg7[%get3A_325] {strides = array<i32>} : memref<10240xi32, #tpu.memory_space<vmem>>, vector<16xi32>,
      %and3A_327 = arith.constant 65535 : i32
      %and3A_328 = vector.broadcast %and3A_327 : i32 to vector<16xi32>
      %and3A_329 = arith.andi %get3A_326, %and3A_328 : vector<16xi32>
      %swap3A_330 = arith.constant 0 : index
      %swap3A_331 = tpu.vector_load %arg8[%swap3A_330] {strides = array<i32>} : memref<128xi32, #tpu.memory_space<vmem>>, vector<16xi32>,
      %swap3A_332 = vector.shape_cast %swap3A_331 : vector<16xi32> to vector<16xi32>
      %swap3A_333 = vector.shape_cast %and3A_329 : vector<16xi32> to vector<16xi32>
      tpu.vector_store %arg8[%swap3A_330], %swap3A_333 {strides = array<i32>} : memref<128xi32, #tpu.memory_space<vmem>>, vector<16xi32>,
      %shift_right_logical3A_334 = arith.constant 16 : i32
      %shift_right_logical3A_335 = vector.broadcast %shift_right_logical3A_334 : i32 to vector<16xi32>
      %shift_right_logical3A_336 = arith.shrui %get3A_326, %shift_right_logical3A_335 : vector<16xi32>
      %swap3A_337 = arith.constant 0 : index
      %swap3A_338 = tpu.vector_load %arg9[%swap3A_337] {strides = array<i32>} : memref<128xi32, #tpu.memory_space<vmem>>, vector<16xi32>,
      %swap3A_339 = vector.shape_cast %swap3A_338 : vector<16xi32> to vector<16xi32>
      %swap3A_340 = vector.shape_cast %shift_right_logical3A_336 : vector<16xi32> to vector<16xi32>
      tpu.vector_store %arg9[%swap3A_337], %swap3A_340 {strides = array<i32>} : memref<128xi32, #tpu.memory_space<vmem>>, vector<16xi32>,
      %mul3A_341 = arith.constant 128 : i32
      %mul3A_342 = arith.muli %add3A_320, %mul3A_341 : i32
      %add3A_343 = arith.constant 16 : i32
      %add3A_344 = arith.addi %mul3A_342, %add3A_343 : i32
      %get3A_345 = arith.index_cast %add3A_344 : i32 to index
      %get3A_346 = tpu.vector_load %arg7[%get3A_345] {strides = array<i32>} : memref<10240xi32, #tpu.memory_space<vmem>>, vector<16xi32>,
      %and3A_347 = arith.constant 65535 : i32
      %and3A_348 = vector.broadcast %and3A_347 : i32 to vector<16xi32>
      %and3A_349 = arith.andi %get3A_346, %and3A_348 : vector<16xi32>
      %swap3A_350 = arith.constant 16 : index
      %swap3A_351 = tpu.vector_load %arg8[%swap3A_350] {strides = array<i32>} : memref<128xi32, #tpu.memory_space<vmem>>, vector<16xi32>,
      %swap3A_352 = vector.shape_cast %swap3A_351 : vector<16xi32> to vector<16xi32>
      %swap3A_353 = vector.shape_cast %and3A_349 : vector<16xi32> to vector<16xi32>
      tpu.vector_store %arg8[%swap3A_350], %swap3A_353 {strides = array<i32>} : memref<128xi32, #tpu.memory_space<vmem>>, vector<16xi32>,
      %shift_right_logical3A_354 = arith.constant 16 : i32
      %shift_right_logical3A_355 = vector.broadcast %shift_right_logical3A_354 : i32 to vector<16xi32>
      %shift_right_logical3A_356 = arith.shrui %get3A_346, %shift_right_logical3A_355 : vector<16xi32>
      %swap3A_357 = arith.constant 16 : index
      %swap3A_358 = tpu.vector_load %arg9[%swap3A_357] {strides = array<i32>} : memref<128xi32, #tpu.memory_space<vmem>>, vector<16xi32>,
      %swap3A_359 = vector.shape_cast %swap3A_358 : vector<16xi32> to vector<16xi32>
      %swap3A_360 = vector.shape_cast %shift_right_logical3A_356 : vector<16xi32> to vector<16xi32>
      tpu.vector_store %arg9[%swap3A_357], %swap3A_360 {strides = array<i32>} : memref<128xi32, #tpu.memory_space<vmem>>, vector<16xi32>,
      %mul3A_361 = arith.constant 128 : i32
      %mul3A_362 = arith.muli %add3A_320, %mul3A_361 : i32
      %add3A_363 = arith.constant 32 : i32
      %add3A_364 = arith.addi %mul3A_362, %add3A_363 : i32
      %get3A_365 = arith.index_cast %add3A_364 : i32 to index
      %get3A_366 = tpu.vector_load %arg7[%get3A_365] {strides = array<i32>} : memref<10240xi32, #tpu.memory_space<vmem>>, vector<16xi32>,
      %and3A_367 = arith.constant 65535 : i32
      %and3A_368 = vector.broadcast %and3A_367 : i32 to vector<16xi32>
      %and3A_369 = arith.andi %get3A_366, %and3A_368 : vector<16xi32>
      %swap3A_370 = arith.constant 32 : index
      %swap3A_371 = tpu.vector_load %arg8[%swap3A_370] {strides = array<i32>} : memref<128xi32, #tpu.memory_space<vmem>>, vector<16xi32>,
      %swap3A_372 = vector.shape_cast %swap3A_371 : vector<16xi32> to vector<16xi32>
      %swap3A_373 = vector.shape_cast %and3A_369 : vector<16xi32> to vector<16xi32>
      tpu.vector_store %arg8[%swap3A_370], %swap3A_373 {strides = array<i32>} : memref<128xi32, #tpu.memory_space<vmem>>, vector<16xi32>,
      %shift_right_logical3A_374 = arith.constant 16 : i32
      %shift_right_logical3A_375 = vector.broadcast %shift_right_logical3A_374 : i32 to vector<16xi32>
      %shift_right_logical3A_376 = arith.shrui %get3A_366, %shift_right_logical3A_375 : vector<16xi32>
      %swap3A_377 = arith.constant 32 : index
      %swap3A_378 = tpu.vector_load %arg9[%swap3A_377] {strides = array<i32>} : memref<128xi32, #tpu.memory_space<vmem>>, vector<16xi32>,
      %swap3A_379 = vector.shape_cast %swap3A_378 : vector<16xi32> to vector<16xi32>
      %swap3A_380 = vector.shape_cast %shift_right_logical3A_376 : vector<16xi32> to vector<16xi32>
      tpu.vector_store %arg9[%swap3A_377], %swap3A_380 {strides = array<i32>} : memref<128xi32, #tpu.memory_space<vmem>>, vector<16xi32>,
      %mul3A_381 = arith.constant 128 : i32
      %mul3A_382 = arith.muli %add3A_320, %mul3A_381 : i32
      %add3A_383 = arith.constant 48 : i32
      %add3A_384 = arith.addi %mul3A_382, %add3A_383 : i32
      %get3A_385 = arith.index_cast %add3A_384 : i32 to index
      %get3A_386 = tpu.vector_load %arg7[%get3A_385] {strides = array<i32>} : memref<10240xi32, #tpu.memory_space<vmem>>, vector<16xi32>,
      %and3A_387 = arith.constant 65535 : i32
      %and3A_388 = vector.broadcast %and3A_387 : i32 to vector<16xi32>
      %and3A_389 = arith.andi %get3A_386, %and3A_388 : vector<16xi32>
      %swap3A_390 = arith.constant 48 : index
      %swap3A_391 = tpu.vector_load %arg8[%swap3A_390] {strides = array<i32>} : memref<128xi32, #tpu.memory_space<vmem>>, vector<16xi32>,
      %swap3A_392 = vector.shape_cast %swap3A_391 : vector<16xi32> to vector<16xi32>
      %swap3A_393 = vector.shape_cast %and3A_389 : vector<16xi32> to vector<16xi32>
      tpu.vector_store %arg8[%swap3A_390], %swap3A_393 {strides = array<i32>} : memref<128xi32, #tpu.memory_space<vmem>>, vector<16xi32>,
      %shift_right_logical3A_394 = arith.constant 16 : i32
      %shift_right_logical3A_395 = vector.broadcast %shift_right_logical3A_394 : i32 to vector<16xi32>
      %shift_right_logical3A_396 = arith.shrui %get3A_386, %shift_right_logical3A_395 : vector<16xi32>
      %swap3A_397 = arith.constant 48 : index
      %swap3A_398 = tpu.vector_load %arg9[%swap3A_397] {strides = array<i32>} : memref<128xi32, #tpu.memory_space<vmem>>, vector<16xi32>,
      %swap3A_399 = vector.shape_cast %swap3A_398 : vector<16xi32> to vector<16xi32>
      %swap3A_400 = vector.shape_cast %shift_right_logical3A_396 : vector<16xi32> to vector<16xi32>
      tpu.vector_store %arg9[%swap3A_397], %swap3A_400 {strides = array<i32>} : memref<128xi32, #tpu.memory_space<vmem>>, vector<16xi32>,
      %mul3A_401 = arith.constant 128 : i32
      %mul3A_402 = arith.muli %add3A_320, %mul3A_401 : i32
      %add3A_403 = arith.constant 64 : i32
      %add3A_404 = arith.addi %mul3A_402, %add3A_403 : i32
      %get3A_405 = arith.index_cast %add3A_404 : i32 to index
      %get3A_406 = tpu.vector_load %arg7[%get3A_405] {strides = array<i32>} : memref<10240xi32, #tpu.memory_space<vmem>>, vector<16xi32>,
      %and3A_407 = arith.constant 65535 : i32
      %and3A_408 = vector.broadcast %and3A_407 : i32 to vector<16xi32>
      %and3A_409 = arith.andi %get3A_406, %and3A_408 : vector<16xi32>
      %swap3A_410 = arith.constant 64 : index
      %swap3A_411 = tpu.vector_load %arg8[%swap3A_410] {strides = array<i32>} : memref<128xi32, #tpu.memory_space<vmem>>, vector<16xi32>,
      %swap3A_412 = vector.shape_cast %swap3A_411 : vector<16xi32> to vector<16xi32>
      %swap3A_413 = vector.shape_cast %and3A_409 : vector<16xi32> to vector<16xi32>
      tpu.vector_store %arg8[%swap3A_410], %swap3A_413 {strides = array<i32>} : memref<128xi32, #tpu.memory_space<vmem>>, vector<16xi32>,
      %shift_right_logical3A_414 = arith.constant 16 : i32
      %shift_right_logical3A_415 = vector.broadcast %shift_right_logical3A_414 : i32 to vector<16xi32>
      %shift_right_logical3A_416 = arith.shrui %get3A_406, %shift_right_logical3A_415 : vector<16xi32>
      %swap3A_417 = arith.constant 64 : index
      %swap3A_418 = tpu.vector_load %arg9[%swap3A_417] {strides = array<i32>} : memref<128xi32, #tpu.memory_space<vmem>>, vector<16xi32>,
      %swap3A_419 = vector.shape_cast %swap3A_418 : vector<16xi32> to vector<16xi32>
      %swap3A_420 = vector.shape_cast %shift_right_logical3A_416 : vector<16xi32> to vector<16xi32>
      tpu.vector_store %arg9[%swap3A_417], %swap3A_420 {strides = array<i32>} : memref<128xi32, #tpu.memory_space<vmem>>, vector<16xi32>,
      %mul3A_421 = arith.constant 128 : i32
      %mul3A_422 = arith.muli %add3A_320, %mul3A_421 : i32
      %add3A_423 = arith.constant 80 : i32
      %add3A_424 = arith.addi %mul3A_422, %add3A_423 : i32
      %get3A_425 = arith.index_cast %add3A_424 : i32 to index
      %get3A_426 = tpu.vector_load %arg7[%get3A_425] {strides = array<i32>} : memref<10240xi32, #tpu.memory_space<vmem>>, vector<16xi32>,
      %and3A_427 = arith.constant 65535 : i32
      %and3A_428 = vector.broadcast %and3A_427 : i32 to vector<16xi32>
      %and3A_429 = arith.andi %get3A_426, %and3A_428 : vector<16xi32>
      %swap3A_430 = arith.constant 80 : index
      %swap3A_431 = tpu.vector_load %arg8[%swap3A_430] {strides = array<i32>} : memref<128xi32, #tpu.memory_space<vmem>>, vector<16xi32>,
      %swap3A_432 = vector.shape_cast %swap3A_431 : vector<16xi32> to vector<16xi32>
      %swap3A_433 = vector.shape_cast %and3A_429 : vector<16xi32> to vector<16xi32>
      tpu.vector_store %arg8[%swap3A_430], %swap3A_433 {strides = array<i32>} : memref<128xi32, #tpu.memory_space<vmem>>, vector<16xi32>,
      %shift_right_logical3A_434 = arith.constant 16 : i32
      %shift_right_logical3A_435 = vector.broadcast %shift_right_logical3A_434 : i32 to vector<16xi32>
      %shift_right_logical3A_436 = arith.shrui %get3A_426, %shift_right_logical3A_435 : vector<16xi32>
      %swap3A_437 = arith.constant 80 : index
      %swap3A_438 = tpu.vector_load %arg9[%swap3A_437] {strides = array<i32>} : memref<128xi32, #tpu.memory_space<vmem>>, vector<16xi32>,
      %swap3A_439 = vector.shape_cast %swap3A_438 : vector<16xi32> to vector<16xi32>
      %swap3A_440 = vector.shape_cast %shift_right_logical3A_436 : vector<16xi32> to vector<16xi32>
      tpu.vector_store %arg9[%swap3A_437], %swap3A_440 {strides = array<i32>} : memref<128xi32, #tpu.memory_space<vmem>>, vector<16xi32>,
      %mul3A_441 = arith.constant 128 : i32
      %mul3A_442 = arith.muli %add3A_320, %mul3A_441 : i32
      %add3A_443 = arith.constant 96 : i32
      %add3A_444 = arith.addi %mul3A_442, %add3A_443 : i32
      %get3A_445 = arith.index_cast %add3A_444 : i32 to index
      %get3A_446 = tpu.vector_load %arg7[%get3A_445] {strides = array<i32>} : memref<10240xi32, #tpu.memory_space<vmem>>, vector<16xi32>,
      %and3A_447 = arith.constant 65535 : i32
      %and3A_448 = vector.broadcast %and3A_447 : i32 to vector<16xi32>
      %and3A_449 = arith.andi %get3A_446, %and3A_448 : vector<16xi32>
      %swap3A_450 = arith.constant 96 : index
      %swap3A_451 = tpu.vector_load %arg8[%swap3A_450] {strides = array<i32>} : memref<128xi32, #tpu.memory_space<vmem>>, vector<16xi32>,
      %swap3A_452 = vector.shape_cast %swap3A_451 : vector<16xi32> to vector<16xi32>
      %swap3A_453 = vector.shape_cast %and3A_449 : vector<16xi32> to vector<16xi32>
      tpu.vector_store %arg8[%swap3A_450], %swap3A_453 {strides = array<i32>} : memref<128xi32, #tpu.memory_space<vmem>>, vector<16xi32>,
      %shift_right_logical3A_454 = arith.constant 16 : i32
      %shift_right_logical3A_455 = vector.broadcast %shift_right_logical3A_454 : i32 to vector<16xi32>
      %shift_right_logical3A_456 = arith.shrui %get3A_446, %shift_right_logical3A_455 : vector<16xi32>
      %swap3A_457 = arith.constant 96 : index
      %swap3A_458 = tpu.vector_load %arg9[%swap3A_457] {strides = array<i32>} : memref<128xi32, #tpu.memory_space<vmem>>, vector<16xi32>,
      %swap3A_459 = vector.shape_cast %swap3A_458 : vector<16xi32> to vector<16xi32>
      %swap3A_460 = vector.shape_cast %shift_right_logical3A_456 : vector<16xi32> to vector<16xi32>
      tpu.vector_store %arg9[%swap3A_457], %swap3A_460 {strides = array<i32>} : memref<128xi32, #tpu.memory_space<vmem>>, vector<16xi32>,
      %mul3A_461 = arith.constant 128 : i32
      %mul3A_462 = arith.muli %add3A_320, %mul3A_461 : i32
      %add3A_463 = arith.constant 112 : i32
      %add3A_464 = arith.addi %mul3A_462, %add3A_463 : i32
      %get3A_465 = arith.index_cast %add3A_464 : i32 to index
      %get3A_466 = tpu.vector_load %arg7[%get3A_465] {strides = array<i32>} : memref<10240xi32, #tpu.memory_space<vmem>>, vector<16xi32>,
      %and3A_467 = arith.constant 65535 : i32
      %and3A_468 = vector.broadcast %and3A_467 : i32 to vector<16xi32>
      %and3A_469 = arith.andi %get3A_466, %and3A_468 : vector<16xi32>
      %swap3A_470 = arith.constant 112 : index
      %swap3A_471 = tpu.vector_load %arg8[%swap3A_470] {strides = array<i32>} : memref<128xi32, #tpu.memory_space<vmem>>, vector<16xi32>,
      %swap3A_472 = vector.shape_cast %swap3A_471 : vector<16xi32> to vector<16xi32>
      %swap3A_473 = vector.shape_cast %and3A_469 : vector<16xi32> to vector<16xi32>
      tpu.vector_store %arg8[%swap3A_470], %swap3A_473 {strides = array<i32>} : memref<128xi32, #tpu.memory_space<vmem>>, vector<16xi32>,
      %shift_right_logical3A_474 = arith.constant 16 : i32
      %shift_right_logical3A_475 = vector.broadcast %shift_right_logical3A_474 : i32 to vector<16xi32>
      %shift_right_logical3A_476 = arith.shrui %get3A_466, %shift_right_logical3A_475 : vector<16xi32>
      %swap3A_477 = arith.constant 112 : index
      %swap3A_478 = tpu.vector_load %arg9[%swap3A_477] {strides = array<i32>} : memref<128xi32, #tpu.memory_space<vmem>>, vector<16xi32>,
      %swap3A_479 = vector.shape_cast %swap3A_478 : vector<16xi32> to vector<16xi32>
      %swap3A_480 = vector.shape_cast %shift_right_logical3A_476 : vector<16xi32> to vector<16xi32>
      tpu.vector_store %arg9[%swap3A_477], %swap3A_480 {strides = array<i32>} : memref<128xi32, #tpu.memory_space<vmem>>, vector<16xi32>,
      %dma_start3A_481 = arith.constant 0 : i32
      %dma_start3A_482 = arith.constant 0 : i32
      %dma_start3A_483 = tpu.memref_slice %arg2[%dma_start3A_481, %dma_start3A_482] : memref<10240x128xf32, #tpu.memory_space<hbm>> -> memref<10240x128xf32, #tpu.memory_space<hbm>>
      tpu.enqueue_indirect_dma source(%dma_start3A_483 : memref<10240x128xf32, #tpu.memory_space<hbm>>) target(%arg12 : memref<128x128xf32, #tpu.memory_space<vmem>>) offsets(%arg8 : memref<128xi32, #tpu.memory_space<vmem>>) semaphore(%arg14 : memref<!tpu.dma_semaphore, #tpu.memory_space<semaphore_mem>>)
      %dma_wait3A_484 = arith.constant 0 : i32
      %dma_wait3A_485 = arith.constant 0 : i32
      %dma_wait3A_486 = tpu.memref_slice %arg2[%dma_wait3A_484, %dma_wait3A_485] : memref<10240x128xf32, #tpu.memory_space<hbm>> -> memref<10240x128xf32, #tpu.memory_space<hbm>>
      tpu.wait_indirect_dma semaphore(%arg14 : memref<!tpu.dma_semaphore, #tpu.memory_space<semaphore_mem>>) src(%dma_wait3A_486 : memref<10240x128xf32, #tpu.memory_space<hbm>>) dst(%arg12 : memref<128x128xf32, #tpu.memory_space<vmem>>)
      %dma_start3A_487 = arith.constant 0 : i32
      %dma_start3A_488 = arith.constant 0 : i32
      %dma_start3A_489 = tpu.memref_slice %arg6[%dma_start3A_487, %dma_start3A_488] : memref<10240x128xf32, #tpu.memory_space<vmem_shared>> -> memref<10240x128xf32, #tpu.memory_space<vmem_shared>>
      tpu.enqueue_indirect_dma source(%arg12 : memref<128x128xf32, #tpu.memory_space<vmem>>) target(%dma_start3A_489 : memref<10240x128xf32, #tpu.memory_space<vmem_shared>>) offsets(%arg9 : memref<128xi32, #tpu.memory_space<vmem>>) semaphore(%arg16 : memref<!tpu.dma_semaphore, #tpu.memory_space<semaphore_mem>>) {add = true}
      %dma_wait3A_490 = arith.constant 0 : i32
      %dma_wait3A_491 = arith.constant 0 : i32
      %dma_wait3A_492 = tpu.memref_slice %arg6[%dma_wait3A_490, %dma_wait3A_491] : memref<10240x128xf32, #tpu.memory_space<vmem_shared>> -> memref<10240x128xf32, #tpu.memory_space<vmem_shared>>
      tpu.wait_indirect_dma semaphore(%arg17 : memref<!tpu.dma_semaphore, #tpu.memory_space<semaphore_mem>>) src(%arg13 : memref<128x128xf32, #tpu.memory_space<vmem>>) dst(%dma_wait3A_492 : memref<10240x128xf32, #tpu.memory_space<vmem_shared>>)
      %add3A_493 = arith.constant 2 : i32
      %add3A_494 = arith.addi %add3A_309, %add3A_493 : i32
      %mul3A_495 = arith.constant 128 : i32
      %mul3A_496 = arith.muli %add3A_494, %mul3A_495 : i32
      %add3A_497 = arith.constant 0 : i32
      %add3A_498 = arith.addi %mul3A_496, %add3A_497 : i32
      %get3A_499 = arith.index_cast %add3A_498 : i32 to index
      %get3A_500 = tpu.vector_load %arg7[%get3A_499] {strides = array<i32>} : memref<10240xi32, #tpu.memory_space<vmem>>, vector<16xi32>,
      %and3A_501 = arith.constant 65535 : i32
      %and3A_502 = vector.broadcast %and3A_501 : i32 to vector<16xi32>
      %and3A_503 = arith.andi %get3A_500, %and3A_502 : vector<16xi32>
      %swap3A_504 = arith.constant 0 : index
      %swap3A_505 = tpu.vector_load %arg10[%swap3A_504] {strides = array<i32>} : memref<128xi32, #tpu.memory_space<vmem>>, vector<16xi32>,
      %swap3A_506 = vector.shape_cast %swap3A_505 : vector<16xi32> to vector<16xi32>
      %swap3A_507 = vector.shape_cast %and3A_503 : vector<16xi32> to vector<16xi32>
      tpu.vector_store %arg10[%swap3A_504], %swap3A_507 {strides = array<i32>} : memref<128xi32, #tpu.memory_space<vmem>>, vector<16xi32>,
      %shift_right_logical3A_508 = arith.constant 16 : i32
      %shift_right_logical3A_509 = vector.broadcast %shift_right_logical3A_508 : i32 to vector<16xi32>
      %shift_right_logical3A_510 = arith.shrui %get3A_500, %shift_right_logical3A_509 : vector<16xi32>
      %swap3A_511 = arith.constant 0 : index
      %swap3A_512 = tpu.vector_load %arg11[%swap3A_511] {strides = array<i32>} : memref<128xi32, #tpu.memory_space<vmem>>, vector<16xi32>,
      %swap3A_513 = vector.shape_cast %swap3A_512 : vector<16xi32> to vector<16xi32>
      %swap3A_514 = vector.shape_cast %shift_right_logical3A_510 : vector<16xi32> to vector<16xi32>
      tpu.vector_store %arg11[%swap3A_511], %swap3A_514 {strides = array<i32>} : memref<128xi32, #tpu.memory_space<vmem>>, vector<16xi32>,
      %mul3A_515 = arith.constant 128 : i32
      %mul3A_516 = arith.muli %add3A_494, %mul3A_515 : i32
      %add3A_517 = arith.constant 16 : i32
      %add3A_518 = arith.addi %mul3A_516, %add3A_517 : i32
      %get3A_519 = arith.index_cast %add3A_518 : i32 to index
      %get3A_520 = tpu.vector_load %arg7[%get3A_519] {strides = array<i32>} : memref<10240xi32, #tpu.memory_space<vmem>>, vector<16xi32>,
      %and3A_521 = arith.constant 65535 : i32
      %and3A_522 = vector.broadcast %and3A_521 : i32 to vector<16xi32>
      %and3A_523 = arith.andi %get3A_520, %and3A_522 : vector<16xi32>
      %swap3A_524 = arith.constant 16 : index
      %swap3A_525 = tpu.vector_load %arg10[%swap3A_524] {strides = array<i32>} : memref<128xi32, #tpu.memory_space<vmem>>, vector<16xi32>,
      %swap3A_526 = vector.shape_cast %swap3A_525 : vector<16xi32> to vector<16xi32>
      %swap3A_527 = vector.shape_cast %and3A_523 : vector<16xi32> to vector<16xi32>
      tpu.vector_store %arg10[%swap3A_524], %swap3A_527 {strides = array<i32>} : memref<128xi32, #tpu.memory_space<vmem>>, vector<16xi32>,
      %shift_right_logical3A_528 = arith.constant 16 : i32
      %shift_right_logical3A_529 = vector.broadcast %shift_right_logical3A_528 : i32 to vector<16xi32>
      %shift_right_logical3A_530 = arith.shrui %get3A_520, %shift_right_logical3A_529 : vector<16xi32>
      %swap3A_531 = arith.constant 16 : index
      %swap3A_532 = tpu.vector_load %arg11[%swap3A_531] {strides = array<i32>} : memref<128xi32, #tpu.memory_space<vmem>>, vector<16xi32>,
      %swap3A_533 = vector.shape_cast %swap3A_532 : vector<16xi32> to vector<16xi32>
      %swap3A_534 = vector.shape_cast %shift_right_logical3A_530 : vector<16xi32> to vector<16xi32>
      tpu.vector_store %arg11[%swap3A_531], %swap3A_534 {strides = array<i32>} : memref<128xi32, #tpu.memory_space<vmem>>, vector<16xi32>,
      %mul3A_535 = arith.constant 128 : i32
      %mul3A_536 = arith.muli %add3A_494, %mul3A_535 : i32
      %add3A_537 = arith.constant 32 : i32
      %add3A_538 = arith.addi %mul3A_536, %add3A_537 : i32
      %get3A_539 = arith.index_cast %add3A_538 : i32 to index
      %get3A_540 = tpu.vector_load %arg7[%get3A_539] {strides = array<i32>} : memref<10240xi32, #tpu.memory_space<vmem>>, vector<16xi32>,
      %and3A_541 = arith.constant 65535 : i32
      %and3A_542 = vector.broadcast %and3A_541 : i32 to vector<16xi32>
      %and3A_543 = arith.andi %get3A_540, %and3A_542 : vector<16xi32>
      %swap3A_544 = arith.constant 32 : index
      %swap3A_545 = tpu.vector_load %arg10[%swap3A_544] {strides = array<i32>} : memref<128xi32, #tpu.memory_space<vmem>>, vector<16xi32>,
      %swap3A_546 = vector.shape_cast %swap3A_545 : vector<16xi32> to vector<16xi32>
      %swap3A_547 = vector.shape_cast %and3A_543 : vector<16xi32> to vector<16xi32>
      tpu.vector_store %arg10[%swap3A_544], %swap3A_547 {strides = array<i32>} : memref<128xi32, #tpu.memory_space<vmem>>, vector<16xi32>,
      %shift_right_logical3A_548 = arith.constant 16 : i32
      %shift_right_logical3A_549 = vector.broadcast %shift_right_logical3A_548 : i32 to vector<16xi32>
      %shift_right_logical3A_550 = arith.shrui %get3A_540, %shift_right_logical3A_549 : vector<16xi32>
      %swap3A_551 = arith.constant 32 : index
      %swap3A_552 = tpu.vector_load %arg11[%swap3A_551] {strides = array<i32>} : memref<128xi32, #tpu.memory_space<vmem>>, vector<16xi32>,
      %swap3A_553 = vector.shape_cast %swap3A_552 : vector<16xi32> to vector<16xi32>
      %swap3A_554 = vector.shape_cast %shift_right_logical3A_550 : vector<16xi32> to vector<16xi32>
      tpu.vector_store %arg11[%swap3A_551], %swap3A_554 {strides = array<i32>} : memref<128xi32, #tpu.memory_space<vmem>>, vector<16xi32>,
      %mul3A_555 = arith.constant 128 : i32
      %mul3A_556 = arith.muli %add3A_494, %mul3A_555 : i32
      %add3A_557 = arith.constant 48 : i32
      %add3A_558 = arith.addi %mul3A_556, %add3A_557 : i32
      %get3A_559 = arith.index_cast %add3A_558 : i32 to index
      %get3A_560 = tpu.vector_load %arg7[%get3A_559] {strides = array<i32>} : memref<10240xi32, #tpu.memory_space<vmem>>, vector<16xi32>,
      %and3A_561 = arith.constant 65535 : i32
      %and3A_562 = vector.broadcast %and3A_561 : i32 to vector<16xi32>
      %and3A_563 = arith.andi %get3A_560, %and3A_562 : vector<16xi32>
      %swap3A_564 = arith.constant 48 : index
      %swap3A_565 = tpu.vector_load %arg10[%swap3A_564] {strides = array<i32>} : memref<128xi32, #tpu.memory_space<vmem>>, vector<16xi32>,
      %swap3A_566 = vector.shape_cast %swap3A_565 : vector<16xi32> to vector<16xi32>
      %swap3A_567 = vector.shape_cast %and3A_563 : vector<16xi32> to vector<16xi32>
      tpu.vector_store %arg10[%swap3A_564], %swap3A_567 {strides = array<i32>} : memref<128xi32, #tpu.memory_space<vmem>>, vector<16xi32>,
      %shift_right_logical3A_568 = arith.constant 16 : i32
      %shift_right_logical3A_569 = vector.broadcast %shift_right_logical3A_568 : i32 to vector<16xi32>
      %shift_right_logical3A_570 = arith.shrui %get3A_560, %shift_right_logical3A_569 : vector<16xi32>
      %swap3A_571 = arith.constant 48 : index
      %swap3A_572 = tpu.vector_load %arg11[%swap3A_571] {strides = array<i32>} : memref<128xi32, #tpu.memory_space<vmem>>, vector<16xi32>,
      %swap3A_573 = vector.shape_cast %swap3A_572 : vector<16xi32> to vector<16xi32>
      %swap3A_574 = vector.shape_cast %shift_right_logical3A_570 : vector<16xi32> to vector<16xi32>
      tpu.vector_store %arg11[%swap3A_571], %swap3A_574 {strides = array<i32>} : memref<128xi32, #tpu.memory_space<vmem>>, vector<16xi32>,
      %mul3A_575 = arith.constant 128 : i32
      %mul3A_576 = arith.muli %add3A_494, %mul3A_575 : i32
      %add3A_577 = arith.constant 64 : i32
      %add3A_578 = arith.addi %mul3A_576, %add3A_577 : i32
      %get3A_579 = arith.index_cast %add3A_578 : i32 to index
      %get3A_580 = tpu.vector_load %arg7[%get3A_579] {strides = array<i32>} : memref<10240xi32, #tpu.memory_space<vmem>>, vector<16xi32>,
      %and3A_581 = arith.constant 65535 : i32
      %and3A_582 = vector.broadcast %and3A_581 : i32 to vector<16xi32>
      %and3A_583 = arith.andi %get3A_580, %and3A_582 : vector<16xi32>
      %swap3A_584 = arith.constant 64 : index
      %swap3A_585 = tpu.vector_load %arg10[%swap3A_584] {strides = array<i32>} : memref<128xi32, #tpu.memory_space<vmem>>, vector<16xi32>,
      %swap3A_586 = vector.shape_cast %swap3A_585 : vector<16xi32> to vector<16xi32>
      %swap3A_587 = vector.shape_cast %and3A_583 : vector<16xi32> to vector<16xi32>
      tpu.vector_store %arg10[%swap3A_584], %swap3A_587 {strides = array<i32>} : memref<128xi32, #tpu.memory_space<vmem>>, vector<16xi32>,
      %shift_right_logical3A_588 = arith.constant 16 : i32
      %shift_right_logical3A_589 = vector.broadcast %shift_right_logical3A_588 : i32 to vector<16xi32>
      %shift_right_logical3A_590 = arith.shrui %get3A_580, %shift_right_logical3A_589 : vector<16xi32>
      %swap3A_591 = arith.constant 64 : index
      %swap3A_592 = tpu.vector_load %arg11[%swap3A_591] {strides = array<i32>} : memref<128xi32, #tpu.memory_space<vmem>>, vector<16xi32>,
      %swap3A_593 = vector.shape_cast %swap3A_592 : vector<16xi32> to vector<16xi32>
      %swap3A_594 = vector.shape_cast %shift_right_logical3A_590 : vector<16xi32> to vector<16xi32>
      tpu.vector_store %arg11[%swap3A_591], %swap3A_594 {strides = array<i32>} : memref<128xi32, #tpu.memory_space<vmem>>, vector<16xi32>,
      %mul3A_595 = arith.constant 128 : i32
      %mul3A_596 = arith.muli %add3A_494, %mul3A_595 : i32
      %add3A_597 = arith.constant 80 : i32
      %add3A_598 = arith.addi %mul3A_596, %add3A_597 : i32
      %get3A_599 = arith.index_cast %add3A_598 : i32 to index
      %get3A_600 = tpu.vector_load %arg7[%get3A_599] {strides = array<i32>} : memref<10240xi32, #tpu.memory_space<vmem>>, vector<16xi32>,
      %and3A_601 = arith.constant 65535 : i32
      %and3A_602 = vector.broadcast %and3A_601 : i32 to vector<16xi32>
      %and3A_603 = arith.andi %get3A_600, %and3A_602 : vector<16xi32>
      %swap3A_604 = arith.constant 80 : index
      %swap3A_605 = tpu.vector_load %arg10[%swap3A_604] {strides = array<i32>} : memref<128xi32, #tpu.memory_space<vmem>>, vector<16xi32>,
      %swap3A_606 = vector.shape_cast %swap3A_605 : vector<16xi32> to vector<16xi32>
      %swap3A_607 = vector.shape_cast %and3A_603 : vector<16xi32> to vector<16xi32>
      tpu.vector_store %arg10[%swap3A_604], %swap3A_607 {strides = array<i32>} : memref<128xi32, #tpu.memory_space<vmem>>, vector<16xi32>,
      %shift_right_logical3A_608 = arith.constant 16 : i32
      %shift_right_logical3A_609 = vector.broadcast %shift_right_logical3A_608 : i32 to vector<16xi32>
      %shift_right_logical3A_610 = arith.shrui %get3A_600, %shift_right_logical3A_609 : vector<16xi32>
      %swap3A_611 = arith.constant 80 : index
      %swap3A_612 = tpu.vector_load %arg11[%swap3A_611] {strides = array<i32>} : memref<128xi32, #tpu.memory_space<vmem>>, vector<16xi32>,
      %swap3A_613 = vector.shape_cast %swap3A_612 : vector<16xi32> to vector<16xi32>
      %swap3A_614 = vector.shape_cast %shift_right_logical3A_610 : vector<16xi32> to vector<16xi32>
      tpu.vector_store %arg11[%swap3A_611], %swap3A_614 {strides = array<i32>} : memref<128xi32, #tpu.memory_space<vmem>>, vector<16xi32>,
      %mul3A_615 = arith.constant 128 : i32
      %mul3A_616 = arith.muli %add3A_494, %mul3A_615 : i32
      %add3A_617 = arith.constant 96 : i32
      %add3A_618 = arith.addi %mul3A_616, %add3A_617 : i32
      %get3A_619 = arith.index_cast %add3A_618 : i32 to index
      %get3A_620 = tpu.vector_load %arg7[%get3A_619] {strides = array<i32>} : memref<10240xi32, #tpu.memory_space<vmem>>, vector<16xi32>,
      %and3A_621 = arith.constant 65535 : i32
      %and3A_622 = vector.broadcast %and3A_621 : i32 to vector<16xi32>
      %and3A_623 = arith.andi %get3A_620, %and3A_622 : vector<16xi32>
      %swap3A_624 = arith.constant 96 : index
      %swap3A_625 = tpu.vector_load %arg10[%swap3A_624] {strides = array<i32>} : memref<128xi32, #tpu.memory_space<vmem>>, vector<16xi32>,
      %swap3A_626 = vector.shape_cast %swap3A_625 : vector<16xi32> to vector<16xi32>
      %swap3A_627 = vector.shape_cast %and3A_623 : vector<16xi32> to vector<16xi32>
      tpu.vector_store %arg10[%swap3A_624], %swap3A_627 {strides = array<i32>} : memref<128xi32, #tpu.memory_space<vmem>>, vector<16xi32>,
      %shift_right_logical3A_628 = arith.constant 16 : i32
      %shift_right_logical3A_629 = vector.broadcast %shift_right_logical3A_628 : i32 to vector<16xi32>
      %shift_right_logical3A_630 = arith.shrui %get3A_620, %shift_right_logical3A_629 : vector<16xi32>
      %swap3A_631 = arith.constant 96 : index
      %swap3A_632 = tpu.vector_load %arg11[%swap3A_631] {strides = array<i32>} : memref<128xi32, #tpu.memory_space<vmem>>, vector<16xi32>,
      %swap3A_633 = vector.shape_cast %swap3A_632 : vector<16xi32> to vector<16xi32>
      %swap3A_634 = vector.shape_cast %shift_right_logical3A_630 : vector<16xi32> to vector<16xi32>
      tpu.vector_store %arg11[%swap3A_631], %swap3A_634 {strides = array<i32>} : memref<128xi32, #tpu.memory_space<vmem>>, vector<16xi32>,
      %mul3A_635 = arith.constant 128 : i32
      %mul3A_636 = arith.muli %add3A_494, %mul3A_635 : i32
      %add3A_637 = arith.constant 112 : i32
      %add3A_638 = arith.addi %mul3A_636, %add3A_637 : i32
      %get3A_639 = arith.index_cast %add3A_638 : i32 to index
      %get3A_640 = tpu.vector_load %arg7[%get3A_639] {strides = array<i32>} : memref<10240xi32, #tpu.memory_space<vmem>>, vector<16xi32>,
      %and3A_641 = arith.constant 65535 : i32
      %and3A_642 = vector.broadcast %and3A_641 : i32 to vector<16xi32>
      %and3A_643 = arith.andi %get3A_640, %and3A_642 : vector<16xi32>
      %swap3A_644 = arith.constant 112 : index
      %swap3A_645 = tpu.vector_load %arg10[%swap3A_644] {strides = array<i32>} : memref<128xi32, #tpu.memory_space<vmem>>, vector<16xi32>,
      %swap3A_646 = vector.shape_cast %swap3A_645 : vector<16xi32> to vector<16xi32>
      %swap3A_647 = vector.shape_cast %and3A_643 : vector<16xi32> to vector<16xi32>
      tpu.vector_store %arg10[%swap3A_644], %swap3A_647 {strides = array<i32>} : memref<128xi32, #tpu.memory_space<vmem>>, vector<16xi32>,
      %shift_right_logical3A_648 = arith.constant 16 : i32
      %shift_right_logical3A_649 = vector.broadcast %shift_right_logical3A_648 : i32 to vector<16xi32>
      %shift_right_logical3A_650 = arith.shrui %get3A_640, %shift_right_logical3A_649 : vector<16xi32>
      %swap3A_651 = arith.constant 112 : index
      %swap3A_652 = tpu.vector_load %arg11[%swap3A_651] {strides = array<i32>} : memref<128xi32, #tpu.memory_space<vmem>>, vector<16xi32>,
      %swap3A_653 = vector.shape_cast %swap3A_652 : vector<16xi32> to vector<16xi32>
      %swap3A_654 = vector.shape_cast %shift_right_logical3A_650 : vector<16xi32> to vector<16xi32>
      tpu.vector_store %arg11[%swap3A_651], %swap3A_654 {strides = array<i32>} : memref<128xi32, #tpu.memory_space<vmem>>, vector<16xi32>,
      %dma_start3A_655 = arith.constant 0 : i32
      %dma_start3A_656 = arith.constant 0 : i32
      %dma_start3A_657 = tpu.memref_slice %arg2[%dma_start3A_655, %dma_start3A_656] : memref<10240x128xf32, #tpu.memory_space<hbm>> -> memref<10240x128xf32, #tpu.memory_space<hbm>>
      tpu.enqueue_indirect_dma source(%dma_start3A_657 : memref<10240x128xf32, #tpu.memory_space<hbm>>) target(%arg13 : memref<128x128xf32, #tpu.memory_space<vmem>>) offsets(%arg10 : memref<128xi32, #tpu.memory_space<vmem>>) semaphore(%arg15 : memref<!tpu.dma_semaphore, #tpu.memory_space<semaphore_mem>>)
      %scan3A_658 = arith.constant 0 : i32
      scf.yield %scan3A_658 : i32
    }
    %scan3A_288 = arith.constant 39 : i32
    %dma_wait3A_289 = arith.constant 0 : i32
    %dma_wait3A_290 = arith.constant 0 : i32
    %dma_wait3A_291 = tpu.memref_slice %arg2[%dma_wait3A_289, %dma_wait3A_290] : memref<10240x128xf32, #tpu.memory_space<hbm>> -> memref<10240x128xf32, #tpu.memory_space<hbm>>
    tpu.wait_indirect_dma semaphore(%arg15 : memref<!tpu.dma_semaphore, #tpu.memory_space<semaphore_mem>>) src(%dma_wait3A_291 : memref<10240x128xf32, #tpu.memory_space<hbm>>) dst(%arg13 : memref<128x128xf32, #tpu.memory_space<vmem>>)
    %dma_start3A_292 = arith.constant 0 : i32
    %dma_start3A_293 = arith.constant 0 : i32
    %dma_start3A_294 = tpu.memref_slice %arg6[%dma_start3A_292, %dma_start3A_293] : memref<10240x128xf32, #tpu.memory_space<vmem_shared>> -> memref<10240x128xf32, #tpu.memory_space<vmem_shared>>
    tpu.enqueue_indirect_dma source(%arg13 : memref<128x128xf32, #tpu.memory_space<vmem>>) target(%dma_start3A_294 : memref<10240x128xf32, #tpu.memory_space<vmem_shared>>) offsets(%arg11 : memref<128xi32, #tpu.memory_space<vmem>>) semaphore(%arg17 : memref<!tpu.dma_semaphore, #tpu.memory_space<semaphore_mem>>) {add = true}
    %dma_wait3A_295 = arith.constant 0 : i32
    %dma_wait3A_296 = arith.constant 0 : i32
    %dma_wait3A_297 = tpu.memref_slice %arg6[%dma_wait3A_295, %dma_wait3A_296] : memref<10240x128xf32, #tpu.memory_space<vmem_shared>> -> memref<10240x128xf32, #tpu.memory_space<vmem_shared>>
    tpu.wait_indirect_dma semaphore(%arg16 : memref<!tpu.dma_semaphore, #tpu.memory_space<semaphore_mem>>) src(%arg12 : memref<128x128xf32, #tpu.memory_space<vmem>>) dst(%dma_wait3A_297 : memref<10240x128xf32, #tpu.memory_space<vmem_shared>>)
    %dma_wait3A_298 = arith.constant 0 : i32
    %dma_wait3A_299 = arith.constant 0 : i32
    %dma_wait3A_300 = tpu.memref_slice %arg6[%dma_wait3A_298, %dma_wait3A_299] : memref<10240x128xf32, #tpu.memory_space<vmem_shared>> -> memref<10240x128xf32, #tpu.memory_space<vmem_shared>>
    tpu.wait_indirect_dma semaphore(%arg17 : memref<!tpu.dma_semaphore, #tpu.memory_space<semaphore_mem>>) src(%arg13 : memref<128x128xf32, #tpu.memory_space<vmem>>) dst(%dma_wait3A_300 : memref<10240x128xf32, #tpu.memory_space<vmem_shared>>)
    %barrier3A_301 = arith.constant 0 : index
    tpu.barrier barrier_id(%barrier3A_301)
    %mul3A_302 = arith.constant 640 : i32
    %mul3A_303 = arith.muli %arg1, %mul3A_302 : i32
    "tpu.region"() ({
      %run_scoped3A = tpu.sem_alloc : memref<!tpu.dma_semaphore, #tpu.memory_space<semaphore_mem>>
      %dma_start3A_304 = arith.constant 0 : i32
      %dma_start3A_305 = tpu.memref_slice %arg5[%arg0, %mul3A_303, %dma_start3A_304] : memref<2x10240x128xf32, #tpu.memory_space<hbm>> -> memref<1x640x128xf32, #tpu.memory_space<hbm>>
      %dma_start3A_306 = tpu.memref_squeeze %dma_start3A_305 : memref<1x640x128xf32, #tpu.memory_space<hbm>> -> memref<640x128xf32, #tpu.memory_space<hbm>>
      %dma_start3A_307 = arith.constant 0 : i32
      %dma_start3A_308 = tpu.memref_slice %arg6[%mul3A_303, %dma_start3A_307] : memref<10240x128xf32, #tpu.memory_space<vmem_shared>> -> memref<640x128xf32, #tpu.memory_space<vmem_shared>>
      tpu.enqueue_dma source(%dma_start3A_308 : memref<640x128xf32, #tpu.memory_space<vmem_shared>>) target(%dma_start3A_306 : memref<640x128xf32, #tpu.memory_space<hbm>>) target_semaphore(%run_scoped3A : memref<!tpu.dma_semaphore, #tpu.memory_space<semaphore_mem>>)
      %dma_wait3A_309 = arith.constant 0 : i32
      %dma_wait3A_310 = tpu.memref_slice %arg5[%arg0, %mul3A_303, %dma_wait3A_309] : memref<2x10240x128xf32, #tpu.memory_space<hbm>> -> memref<1x640x128xf32, #tpu.memory_space<hbm>>
      %dma_wait3A_311 = tpu.memref_squeeze %dma_wait3A_310 : memref<1x640x128xf32, #tpu.memory_space<hbm>> -> memref<640x128xf32, #tpu.memory_space<hbm>>
      %dma_wait3A_312 = arith.constant 0 : i32
      %dma_wait3A_313 = tpu.memref_slice %arg6[%mul3A_303, %dma_wait3A_312] : memref<10240x128xf32, #tpu.memory_space<vmem_shared>> -> memref<640x128xf32, #tpu.memory_space<vmem_shared>>
      tpu.wait_dma2 semaphore(%run_scoped3A : memref<!tpu.dma_semaphore, #tpu.memory_space<semaphore_mem>>) src(%dma_wait3A_313 : memref<640x128xf32, #tpu.memory_space<vmem_shared>>) dst(%dma_wait3A_311 : memref<640x128xf32, #tpu.memory_space<hbm>>)
      tpu.yield
    }) : () -> ()
    return
  }
}

#map = affine_map<(d0, d1) -> (0)>
#map1 = affine_map<(d0, d1) -> (0, 0)>
module attributes {stable_mosaic.version = 14 : i64} {
  func.func @_sc_degree(%arg0: i32, %arg1: i32, %arg2: memref<327680xi32, #tpu.memory_space<hbm>>, %arg3: memref<32x10240xf32, #tpu.memory_space<hbm>>, %arg4: memref<10240xi32, #tpu.memory_space<vmem>>, %arg5: memref<10240xf32, #tpu.memory_space<vmem>>) attributes {dimension_semantics = [#tpu.dimension_semantics<core_parallel>, #tpu.dimension_semantics<subcore_parallel>], iteration_bounds = array<i64: 2, 16>, scalar_prefetch = 0 : i64, scratch_operands = 2 : i64, tpu.core_type = #tpu.core_type<sc_vector_subcore>, window_params = [{transform_indices = #map}, {transform_indices = #map1}]} {
    %mul3A = arith.constant 16 : i32
    %mul3A_0 = arith.muli %arg0, %mul3A : i32
    %add3A = arith.addi %mul3A_0, %arg1 : i32
    %mul3A_1 = arith.constant 10240 : i32
    %mul3A_2 = arith.muli %add3A, %mul3A_1 : i32
    %multiple_of3A = tpu.assume_multiple %mul3A_2, 8 : i32
    "tpu.region"() ({
      %run_scoped3A = tpu.sem_alloc : memref<!tpu.dma_semaphore, #tpu.memory_space<semaphore_mem>>
      %dma_start3A = tpu.memref_slice %arg2[%multiple_of3A] : memref<327680xi32, #tpu.memory_space<hbm>> -> memref<10240xi32, #tpu.memory_space<hbm>>
      %dma_start3A_19 = tpu.memref_slice %arg2[%multiple_of3A] : memref<327680xi32, #tpu.memory_space<hbm>> -> memref<10240xi32, #tpu.memory_space<hbm>>
      tpu.enqueue_dma source(%dma_start3A_19 : memref<10240xi32, #tpu.memory_space<hbm>>) target(%arg4 : memref<10240xi32, #tpu.memory_space<vmem>>) target_semaphore(%run_scoped3A : memref<!tpu.dma_semaphore, #tpu.memory_space<semaphore_mem>>)
      %dma_wait3A = tpu.memref_slice %arg2[%multiple_of3A] : memref<327680xi32, #tpu.memory_space<hbm>> -> memref<10240xi32, #tpu.memory_space<hbm>>
      %dma_wait3A_20 = tpu.memref_slice %arg2[%multiple_of3A] : memref<327680xi32, #tpu.memory_space<hbm>> -> memref<10240xi32, #tpu.memory_space<hbm>>
      tpu.wait_dma2 semaphore(%run_scoped3A : memref<!tpu.dma_semaphore, #tpu.memory_space<semaphore_mem>>) src(%dma_wait3A_20 : memref<10240xi32, #tpu.memory_space<hbm>>) dst(%arg4 : memref<10240xi32, #tpu.memory_space<vmem>>)
      tpu.yield
    }) : () -> ()
    %broadcast_in_dim3A = arith.constant 0.000000e+00 : f32
    %broadcast_in_dim3A_3 = vector.broadcast %broadcast_in_dim3A : f32 to vector<16xf32>
    %scan3A = arith.constant 0 : i32
    %scan3A_4 = arith.constant 0 : i32
    %scan3A_5 = arith.constant 640 : i32
    %scan3A_6 = arith.addi %scan3A_4, %scan3A_5 : i32
    %scan3A_7 = arith.constant 1 : i32
    %scan3A_8 = scf.for %scan3A_19 = %scan3A_4 to %scan3A_6 step %scan3A_7 iter_args(%scan3A_20 = %scan3A) -> (i32)  : i32 {
      %mul3A_21 = arith.constant 16 : i32
      %mul3A_22 = arith.muli %scan3A_19, %mul3A_21 : i32
      %swap3A = arith.index_cast %mul3A_22 : i32 to index
      %swap3A_23 = tpu.vector_load %arg5[%swap3A] {strides = array<i32>} : memref<10240xf32, #tpu.memory_space<vmem>>, vector<16xf32>,
      tpu.vector_store %arg5[%swap3A], %broadcast_in_dim3A_3 {strides = array<i32>} : memref<10240xf32, #tpu.memory_space<vmem>>, vector<16xf32>,
      %scan3A_24 = arith.constant 0 : i32
      scf.yield %scan3A_24 : i32
    }
    %scan3A_9 = arith.constant 640 : i32
    %broadcast_in_dim3A_10 = arith.constant 1.000000e+00 : f32
    %broadcast_in_dim3A_11 = vector.broadcast %broadcast_in_dim3A_10 : f32 to vector<16xf32>
    %scan3A_12 = arith.constant 0 : i32
    %scan3A_13 = arith.constant 0 : i32
    %scan3A_14 = arith.constant 640 : i32
    %scan3A_15 = arith.addi %scan3A_13, %scan3A_14 : i32
    %scan3A_16 = arith.constant 1 : i32
    %scan3A_17 = scf.for %scan3A_19 = %scan3A_13 to %scan3A_15 step %scan3A_16 iter_args(%scan3A_20 = %scan3A_12) -> (i32)  : i32 {
      %mul3A_21 = arith.constant 16 : i32
      %mul3A_22 = arith.muli %scan3A_19, %mul3A_21 : i32
      %get3A = arith.index_cast %mul3A_22 : i32 to index
      %get3A_23 = tpu.vector_load %arg4[%get3A] {strides = array<i32>} : memref<10240xi32, #tpu.memory_space<vmem>>, vector<16xi32>,
      tpu.vector_store_idx %arg5[%get3A_23], %broadcast_in_dim3A_11 {add = true} : memref<10240xf32, #tpu.memory_space<vmem>>[vector<16xi32>], vector<16xf32>,
      %scan3A_24 = arith.constant 0 : i32
      scf.yield %scan3A_24 : i32
    }
    %scan3A_18 = arith.constant 640 : i32
    "tpu.region"() ({
      %run_scoped3A = tpu.sem_alloc : memref<!tpu.dma_semaphore, #tpu.memory_space<semaphore_mem>>
      %dma_start3A = arith.constant 0 : i32
      %dma_start3A_19 = tpu.memref_slice %arg3[%add3A, %dma_start3A] : memref<32x10240xf32, #tpu.memory_space<hbm>> -> memref<1x10240xf32, #tpu.memory_space<hbm>>
      %dma_start3A_20 = tpu.memref_squeeze %dma_start3A_19 : memref<1x10240xf32, #tpu.memory_space<hbm>> -> memref<10240xf32, #tpu.memory_space<hbm>>
      %dma_start3A_21 = arith.constant 0 : i32
      %dma_start3A_22 = tpu.memref_slice %arg3[%add3A, %dma_start3A_21] : memref<32x10240xf32, #tpu.memory_space<hbm>> -> memref<1x10240xf32, #tpu.memory_space<hbm>>
      %dma_start3A_23 = tpu.memref_squeeze %dma_start3A_22 : memref<1x10240xf32, #tpu.memory_space<hbm>> -> memref<10240xf32, #tpu.memory_space<hbm>>
      tpu.enqueue_dma source(%arg5 : memref<10240xf32, #tpu.memory_space<vmem>>) target(%dma_start3A_23 : memref<10240xf32, #tpu.memory_space<hbm>>) target_semaphore(%run_scoped3A : memref<!tpu.dma_semaphore, #tpu.memory_space<semaphore_mem>>)
      %dma_wait3A = arith.constant 0 : i32
      %dma_wait3A_24 = tpu.memref_slice %arg3[%add3A, %dma_wait3A] : memref<32x10240xf32, #tpu.memory_space<hbm>> -> memref<1x10240xf32, #tpu.memory_space<hbm>>
      %dma_wait3A_25 = tpu.memref_squeeze %dma_wait3A_24 : memref<1x10240xf32, #tpu.memory_space<hbm>> -> memref<10240xf32, #tpu.memory_space<hbm>>
      %dma_wait3A_26 = arith.constant 0 : i32
      %dma_wait3A_27 = tpu.memref_slice %arg3[%add3A, %dma_wait3A_26] : memref<32x10240xf32, #tpu.memory_space<hbm>> -> memref<1x10240xf32, #tpu.memory_space<hbm>>
      %dma_wait3A_28 = tpu.memref_squeeze %dma_wait3A_27 : memref<1x10240xf32, #tpu.memory_space<hbm>> -> memref<10240xf32, #tpu.memory_space<hbm>>
      tpu.wait_dma2 semaphore(%run_scoped3A : memref<!tpu.dma_semaphore, #tpu.memory_space<semaphore_mem>>) src(%arg5 : memref<10240xf32, #tpu.memory_space<vmem>>) dst(%dma_wait3A_28 : memref<10240xf32, #tpu.memory_space<hbm>>)
      tpu.yield
    }) : () -> ()
    return
  }
}

module attributes {stable_mosaic.version = 14 : i64} {
  func.func @_tc_pre_body(%arg0: i32, %arg1: memref<1024x128xf32, #tpu.memory_space<vmem>>, %arg2: memref<128x128xf32, #tpu.memory_space<vmem>>, %arg3: memref<32x1024xf32, #tpu.memory_space<vmem>>, %arg4: memref<1024x128xf32, #tpu.memory_space<vmem>>) attributes {dimension_semantics = [#tpu.dimension_semantics<arbitrary>], iteration_bounds = array<i64: 10>, scalar_prefetch = 0 : i64, scratch_operands = 0 : i64, tpu.core_type = #tpu.core_type<tc>, window_params = [{transform_indices = @transform_0, window_bounds = array<i64: 1024, 128>}, {pipeline_mode = #tpu.pipeline_mode<synchronous>, transform_indices = @transform_1, window_bounds = array<i64: 128, 128>}, {transform_indices = @transform_2, window_bounds = array<i64: 32, 1024>}, {transform_indices = @transform_3, window_bounds = array<i64: 1024, 128>}]} {
    %get3A = arith.constant 0 : index
    %get3A_0 = arith.constant 0 : index
    %get3A_1 = vector.load %arg3[%get3A, %get3A_0] : memref<32x1024xf32, #tpu.memory_space<vmem>>, vector<32x1024xf32>
    %reduce_sum3A = arith.constant dense<0.000000e+00> : vector<1024xf32>
    %reduce_sum3A_2 = vector.multi_reduction <add>, %get3A_1, %reduce_sum3A [0] : vector<32x1024xf32> to vector<1024xf32>
    %add3A = arith.constant 1.000000e+00 : f32
    %add3A_3 = vector.broadcast %add3A : f32 to vector<1024xf32>
    %add3A_4 = arith.addf %add3A_3, %reduce_sum3A_2 : vector<1024xf32>
    %rsqrt3A = math.rsqrt %add3A_4 : vector<1024xf32>
    %get3A_5 = arith.constant 0 : index
    %get3A_6 = arith.constant 0 : index
    %get3A_7 = vector.load %arg1[%get3A_5, %get3A_6] : memref<1024x128xf32, #tpu.memory_space<vmem>>, vector<1024x128xf32>
    %get3A_8 = arith.constant 0 : index
    %get3A_9 = arith.constant 0 : index
    %get3A_10 = vector.load %arg2[%get3A_8, %get3A_9] : memref<128x128xf32, #tpu.memory_space<vmem>>, vector<128x128xf32>
    %dot_general3A = arith.constant dense<0.000000e+00> : vector<1024x128xf32>
    %dot_general3A_11 = tpu.matmul %get3A_7, %get3A_10, %dot_general3A {dimension_numbers = #tpu.dot_dimension_numbers<[1], [0], [0], [1], [0, 0, 1, 1], [], []>, transpose_lhs_hint = false} : vector<1024x128xf32>, vector<128x128xf32>, vector<1024x128xf32> -> vector<1024x128xf32>
    %broadcast_in_dim3A = vector.shape_cast %rsqrt3A : vector<1024xf32> to vector<1024x1xf32>
    %mul3A = vector.broadcast %broadcast_in_dim3A : vector<1024x1xf32> to vector<1024x128xf32>
    %mul3A_12 = arith.mulf %dot_general3A_11, %mul3A : vector<1024x128xf32>
    %swap3A = arith.constant 0 : index
    %swap3A_13 = arith.constant 0 : index
    %swap3A_14 = vector.load %arg4[%swap3A, %swap3A_13] : memref<1024x128xf32, #tpu.memory_space<vmem>>, vector<1024x128xf32>
    tpu.vector_store %arg4[%swap3A, %swap3A_13], %mul3A_12 {strides = array<i32>} : memref<1024x128xf32, #tpu.memory_space<vmem>>, vector<1024x128xf32>,
    return
  }
  func.func @transform_0(%arg0: i32) -> (i32, i32) {
    %c0_i32 = arith.constant 0 : i32
    %c0_i32_0 = arith.constant 0 : i32
    return %arg0, %c0_i32 : i32, i32
  }
  func.func @transform_1(%arg0: i32) -> (i32, i32) {
    %c0_i32 = arith.constant 0 : i32
    %c0_i32_0 = arith.constant 0 : i32
    %c0_i32_1 = arith.constant 0 : i32
    return %c0_i32, %c0_i32_0 : i32, i32
  }
  func.func @transform_2(%arg0: i32) -> (i32, i32) {
    %c0_i32 = arith.constant 0 : i32
    %c0_i32_0 = arith.constant 0 : i32
    return %c0_i32, %arg0 : i32, i32
  }
  func.func @transform_3(%arg0: i32) -> (i32, i32) {
    %c0_i32 = arith.constant 0 : i32
    %c0_i32_0 = arith.constant 0 : i32
    return %arg0, %c0_i32 : i32, i32
  }
}

module attributes {stable_mosaic.version = 14 : i64} {
  func.func @_tc_mid_body(%arg0: i32, %arg1: memref<1024x128xf32, #tpu.memory_space<vmem>>, %arg2: memref<2x1024x128xf32, #tpu.memory_space<vmem>>, %arg3: memref<1x128xf32, #tpu.memory_space<vmem>>, %arg4: memref<32x1024xf32, #tpu.memory_space<vmem>>, %arg5: memref<128x128xf32, #tpu.memory_space<vmem>>, %arg6: memref<1024x128xf32, #tpu.memory_space<vmem>>) attributes {dimension_semantics = [#tpu.dimension_semantics<arbitrary>], iteration_bounds = array<i64: 10>, scalar_prefetch = 0 : i64, scratch_operands = 0 : i64, tpu.core_type = #tpu.core_type<tc>, window_params = [{transform_indices = @transform_0, window_bounds = array<i64: 1024, 128>}, {transform_indices = @transform_1, window_bounds = array<i64: 2, 1024, 128>}, {pipeline_mode = #tpu.pipeline_mode<synchronous>, transform_indices = @transform_2, window_bounds = array<i64: 1, 128>}, {transform_indices = @transform_3, window_bounds = array<i64: 32, 1024>}, {pipeline_mode = #tpu.pipeline_mode<synchronous>, transform_indices = @transform_4, window_bounds = array<i64: 128, 128>}, {transform_indices = @transform_5, window_bounds = array<i64: 1024, 128>}]} {
    %get3A = arith.constant 0 : index
    %get3A_0 = arith.constant 0 : index
    %get3A_1 = vector.load %arg4[%get3A, %get3A_0] : memref<32x1024xf32, #tpu.memory_space<vmem>>, vector<32x1024xf32>
    %reduce_sum3A = arith.constant dense<0.000000e+00> : vector<1024xf32>
    %reduce_sum3A_2 = vector.multi_reduction <add>, %get3A_1, %reduce_sum3A [0] : vector<32x1024xf32> to vector<1024xf32>
    %add3A = arith.constant 1.000000e+00 : f32
    %add3A_3 = vector.broadcast %add3A : f32 to vector<1024xf32>
    %add3A_4 = arith.addf %add3A_3, %reduce_sum3A_2 : vector<1024xf32>
    %rsqrt3A = math.rsqrt %add3A_4 : vector<1024xf32>
    %get3A_5 = arith.constant 0 : index
    %get3A_6 = arith.constant 0 : index
    %get3A_7 = vector.load %arg1[%get3A_5, %get3A_6] : memref<1024x128xf32, #tpu.memory_space<vmem>>, vector<1024x128xf32>
    %get3A_8 = arith.constant 0 : index
    %get3A_9 = arith.constant 0 : index
    %get3A_10 = arith.constant 0 : index
    %get3A_11 = vector.load %arg2[%get3A_8, %get3A_9, %get3A_10] : memref<2x1024x128xf32, #tpu.memory_space<vmem>>, vector<1x1024x128xf32>
    %get3A_12 = vector.shape_cast %get3A_11 : vector<1x1024x128xf32> to vector<1024x128xf32>
    %add3A_13 = arith.addf %get3A_7, %get3A_12 : vector<1024x128xf32>
    %get3A_14 = arith.constant 1 : index
    %get3A_15 = arith.constant 0 : index
    %get3A_16 = arith.constant 0 : index
    %get3A_17 = vector.load %arg2[%get3A_14, %get3A_15, %get3A_16] : memref<2x1024x128xf32, #tpu.memory_space<vmem>>, vector<1x1024x128xf32>
    %get3A_18 = vector.shape_cast %get3A_17 : vector<1x1024x128xf32> to vector<1024x128xf32>
    %add3A_19 = arith.addf %add3A_13, %get3A_18 : vector<1024x128xf32>
    %broadcast_in_dim3A = vector.shape_cast %rsqrt3A : vector<1024xf32> to vector<1024x1xf32>
    %mul3A = vector.broadcast %broadcast_in_dim3A : vector<1024x1xf32> to vector<1024x128xf32>
    %mul3A_20 = arith.mulf %add3A_19, %mul3A : vector<1024x128xf32>
    %get3A_21 = arith.constant 0 : index
    %get3A_22 = arith.constant 0 : index
    %get3A_23 = vector.load %arg3[%get3A_21, %get3A_22] : memref<1x128xf32, #tpu.memory_space<vmem>>, vector<1x128xf32>
    %add3A_24 = vector.broadcast %get3A_23 : vector<1x128xf32> to vector<1024x128xf32>
    %add3A_25 = arith.addf %mul3A_20, %add3A_24 : vector<1024x128xf32>
    %max3A = arith.constant 0.000000e+00 : f32
    %max3A_26 = vector.broadcast %max3A : f32 to vector<1024x128xf32>
    %max3A_27 = arith.maximumf %add3A_25, %max3A_26 : vector<1024x128xf32>
    %get3A_28 = arith.constant 0 : index
    %get3A_29 = arith.constant 0 : index
    %get3A_30 = vector.load %arg5[%get3A_28, %get3A_29] : memref<128x128xf32, #tpu.memory_space<vmem>>, vector<128x128xf32>
    %dot_general3A = arith.constant dense<0.000000e+00> : vector<1024x128xf32>
    %dot_general3A_31 = tpu.matmul %max3A_27, %get3A_30, %dot_general3A {dimension_numbers = #tpu.dot_dimension_numbers<[1], [0], [0], [1], [0, 0, 1, 1], [], []>, transpose_lhs_hint = false} : vector<1024x128xf32>, vector<128x128xf32>, vector<1024x128xf32> -> vector<1024x128xf32>
    %broadcast_in_dim3A_32 = vector.shape_cast %rsqrt3A : vector<1024xf32> to vector<1024x1xf32>
    %mul3A_33 = vector.broadcast %broadcast_in_dim3A_32 : vector<1024x1xf32> to vector<1024x128xf32>
    %mul3A_34 = arith.mulf %dot_general3A_31, %mul3A_33 : vector<1024x128xf32>
    %swap3A = arith.constant 0 : index
    %swap3A_35 = arith.constant 0 : index
    %swap3A_36 = vector.load %arg6[%swap3A, %swap3A_35] : memref<1024x128xf32, #tpu.memory_space<vmem>>, vector<1024x128xf32>
    tpu.vector_store %arg6[%swap3A, %swap3A_35], %mul3A_34 {strides = array<i32>} : memref<1024x128xf32, #tpu.memory_space<vmem>>, vector<1024x128xf32>,
    return
  }
  func.func @transform_0(%arg0: i32) -> (i32, i32) {
    %c0_i32 = arith.constant 0 : i32
    %c0_i32_0 = arith.constant 0 : i32
    return %arg0, %c0_i32 : i32, i32
  }
  func.func @transform_1(%arg0: i32) -> (i32, i32, i32) {
    %c0_i32 = arith.constant 0 : i32
    %c0_i32_0 = arith.constant 0 : i32
    %c0_i32_1 = arith.constant 0 : i32
    return %c0_i32, %arg0, %c0_i32_0 : i32, i32, i32
  }
  func.func @transform_2(%arg0: i32) -> (i32, i32) {
    %c0_i32 = arith.constant 0 : i32
    %c0_i32_0 = arith.constant 0 : i32
    %c0_i32_1 = arith.constant 0 : i32
    return %c0_i32, %c0_i32_0 : i32, i32
  }
  func.func @transform_3(%arg0: i32) -> (i32, i32) {
    %c0_i32 = arith.constant 0 : i32
    %c0_i32_0 = arith.constant 0 : i32
    return %c0_i32, %arg0 : i32, i32
  }
  func.func @transform_4(%arg0: i32) -> (i32, i32) {
    %c0_i32 = arith.constant 0 : i32
    %c0_i32_0 = arith.constant 0 : i32
    %c0_i32_1 = arith.constant 0 : i32
    return %c0_i32, %c0_i32_0 : i32, i32
  }
  func.func @transform_5(%arg0: i32) -> (i32, i32) {
    %c0_i32 = arith.constant 0 : i32
    %c0_i32_0 = arith.constant 0 : i32
    return %arg0, %c0_i32 : i32, i32
  }
}

module attributes {stable_mosaic.version = 14 : i64} {
  func.func @_tc_last_body(%arg0: i32, %arg1: memref<1024x128xf32, #tpu.memory_space<vmem>>, %arg2: memref<2x1024x128xf32, #tpu.memory_space<vmem>>, %arg3: memref<1x128xf32, #tpu.memory_space<vmem>>, %arg4: memref<32x1024xf32, #tpu.memory_space<vmem>>, %arg5: memref<1x1024xi32, #tpu.memory_space<vmem>>, %arg6: memref<128x128xf32, #tpu.memory_space<vmem>>, %arg7: memref<1x128xf32, #tpu.memory_space<vmem>>, %arg8: memref<128x128xf32, #tpu.memory_space<vmem>>, %arg9: memref<128x128xf32, #tpu.memory_space<vmem>>, %arg10: memref<128x1xf32, #tpu.memory_space<vmem>>) attributes {dimension_semantics = [#tpu.dimension_semantics<arbitrary>], iteration_bounds = array<i64: 10>, scalar_prefetch = 0 : i64, scratch_operands = 2 : i64, tpu.core_type = #tpu.core_type<tc>, window_params = [{transform_indices = @transform_0, window_bounds = array<i64: 1024, 128>}, {transform_indices = @transform_1, window_bounds = array<i64: 2, 1024, 128>}, {pipeline_mode = #tpu.pipeline_mode<synchronous>, transform_indices = @transform_2, window_bounds = array<i64: 1, 128>}, {transform_indices = @transform_3, window_bounds = array<i64: 32, 1024>}, {transform_indices = @transform_4, window_bounds = array<i64: 1, 1024>}, {pipeline_mode = #tpu.pipeline_mode<synchronous>, transform_indices = @transform_5, window_bounds = array<i64: 128, 128>}, {pipeline_mode = #tpu.pipeline_mode<synchronous>, transform_indices = @transform_6, window_bounds = array<i64: 1, 128>}, {pipeline_mode = #tpu.pipeline_mode<synchronous>, transform_indices = @transform_7, window_bounds = array<i64: 128, 128>}]} {
    %eq3A = arith.constant 0 : i32
    %eq3A_0 = arith.cmpi eq, %arg0, %eq3A : i32
    %convert_element_type3A = arith.extui %eq3A_0 : i1 to i32
    %cond3A = arith.constant 0 : i32
    %cond3A_1 = arith.cmpi ne, %convert_element_type3A, %cond3A : i32
    scf.if %cond3A_1 {
      %broadcast_in_dim3A_59 = arith.constant 0.000000e+00 : f32
      %broadcast_in_dim3A_60 = vector.broadcast %broadcast_in_dim3A_59 : f32 to vector<128x128xf32>
      %swap3A_61 = arith.constant 0 : index
      %swap3A_62 = arith.constant 0 : index
      %swap3A_63 = vector.load %arg9[%swap3A_61, %swap3A_62] : memref<128x128xf32, #tpu.memory_space<vmem>>, vector<128x128xf32>
      tpu.vector_store %arg9[%swap3A_61, %swap3A_62], %broadcast_in_dim3A_60 {strides = array<i32>} : memref<128x128xf32, #tpu.memory_space<vmem>>, vector<128x128xf32>,
      %broadcast_in_dim3A_64 = arith.constant 0.000000e+00 : f32
      %broadcast_in_dim3A_65 = vector.broadcast %broadcast_in_dim3A_64 : f32 to vector<128x1xf32>
      %swap3A_66 = arith.constant 0 : index
      %swap3A_67 = arith.constant 0 : index
      %swap3A_68 = vector.load %arg10[%swap3A_66, %swap3A_67] : memref<128x1xf32, #tpu.memory_space<vmem>>, vector<128x1xf32>
      tpu.vector_store %arg10[%swap3A_66, %swap3A_67], %broadcast_in_dim3A_65 {strides = array<i32>} : memref<128x1xf32, #tpu.memory_space<vmem>>, vector<128x1xf32>,
    } else {
    }
    %get3A = arith.constant 0 : index
    %get3A_2 = arith.constant 0 : index
    %get3A_3 = vector.load %arg4[%get3A, %get3A_2] : memref<32x1024xf32, #tpu.memory_space<vmem>>, vector<32x1024xf32>
    %reduce_sum3A = arith.constant dense<0.000000e+00> : vector<1024xf32>
    %reduce_sum3A_4 = vector.multi_reduction <add>, %get3A_3, %reduce_sum3A [0] : vector<32x1024xf32> to vector<1024xf32>
    %add3A = arith.constant 1.000000e+00 : f32
    %add3A_5 = vector.broadcast %add3A : f32 to vector<1024xf32>
    %add3A_6 = arith.addf %add3A_5, %reduce_sum3A_4 : vector<1024xf32>
    %rsqrt3A = math.rsqrt %add3A_6 : vector<1024xf32>
    %get3A_7 = arith.constant 0 : index
    %get3A_8 = arith.constant 0 : index
    %get3A_9 = vector.load %arg1[%get3A_7, %get3A_8] : memref<1024x128xf32, #tpu.memory_space<vmem>>, vector<1024x128xf32>
    %get3A_10 = arith.constant 0 : index
    %get3A_11 = arith.constant 0 : index
    %get3A_12 = arith.constant 0 : index
    %get3A_13 = vector.load %arg2[%get3A_10, %get3A_11, %get3A_12] : memref<2x1024x128xf32, #tpu.memory_space<vmem>>, vector<1x1024x128xf32>
    %get3A_14 = vector.shape_cast %get3A_13 : vector<1x1024x128xf32> to vector<1024x128xf32>
    %add3A_15 = arith.addf %get3A_9, %get3A_14 : vector<1024x128xf32>
    %get3A_16 = arith.constant 1 : index
    %get3A_17 = arith.constant 0 : index
    %get3A_18 = arith.constant 0 : index
    %get3A_19 = vector.load %arg2[%get3A_16, %get3A_17, %get3A_18] : memref<2x1024x128xf32, #tpu.memory_space<vmem>>, vector<1x1024x128xf32>
    %get3A_20 = vector.shape_cast %get3A_19 : vector<1x1024x128xf32> to vector<1024x128xf32>
    %add3A_21 = arith.addf %add3A_15, %get3A_20 : vector<1024x128xf32>
    %broadcast_in_dim3A = vector.shape_cast %rsqrt3A : vector<1024xf32> to vector<1024x1xf32>
    %mul3A = vector.broadcast %broadcast_in_dim3A : vector<1024x1xf32> to vector<1024x128xf32>
    %mul3A_22 = arith.mulf %add3A_21, %mul3A : vector<1024x128xf32>
    %get3A_23 = arith.constant 0 : index
    %get3A_24 = arith.constant 0 : index
    %get3A_25 = vector.load %arg3[%get3A_23, %get3A_24] : memref<1x128xf32, #tpu.memory_space<vmem>>, vector<1x128xf32>
    %add3A_26 = vector.broadcast %get3A_25 : vector<1x128xf32> to vector<1024x128xf32>
    %add3A_27 = arith.addf %mul3A_22, %add3A_26 : vector<1024x128xf32>
    %max3A = arith.constant 0.000000e+00 : f32
    %max3A_28 = vector.broadcast %max3A : f32 to vector<1024x128xf32>
    %max3A_29 = arith.maximumf %add3A_27, %max3A_28 : vector<1024x128xf32>
    %iota3A = tpu.iota {dimensions = array<i32: 0>} : vector<128x1024xi32>
    %get3A_30 = arith.constant 0 : index
    %get3A_31 = arith.constant 0 : index
    %get3A_32 = vector.load %arg5[%get3A_30, %get3A_31] : memref<1x1024xi32, #tpu.memory_space<vmem>>, vector<1x1024xi32>
    %eq3A_33 = vector.broadcast %get3A_32 : vector<1x1024xi32> to vector<128x1024xi32>
    %eq3A_34 = arith.cmpi eq, %eq3A_33, %iota3A : vector<128x1024xi32>
    %convert_element_type3A_35 = arith.extui %eq3A_34 : vector<128x1024xi1> to vector<128x1024xi32>
    %convert_element_type3A_36 = arith.sitofp %convert_element_type3A_35 : vector<128x1024xi32> to vector<128x1024xf32>
    %get3A_37 = arith.constant 0 : index
    %get3A_38 = arith.constant 0 : index
    %get3A_39 = vector.load %arg9[%get3A_37, %get3A_38] : memref<128x128xf32, #tpu.memory_space<vmem>>, vector<128x128xf32>
    %dot_general3A = arith.constant dense<0.000000e+00> : vector<128x128xf32>
    %dot_general3A_40 = tpu.matmul %convert_element_type3A_36, %max3A_29, %dot_general3A {dimension_numbers = #tpu.dot_dimension_numbers<[1], [0], [0], [1], [0, 0, 1, 1], [], []>, transpose_lhs_hint = false} : vector<128x1024xf32>, vector<1024x128xf32>, vector<128x128xf32> -> vector<128x128xf32>
    %add3A_41 = arith.addf %get3A_39, %dot_general3A_40 : vector<128x128xf32>
    %swap3A = arith.constant 0 : index
    %swap3A_42 = arith.constant 0 : index
    %swap3A_43 = vector.load %arg9[%swap3A, %swap3A_42] : memref<128x128xf32, #tpu.memory_space<vmem>>, vector<128x128xf32>
    tpu.vector_store %arg9[%swap3A, %swap3A_42], %add3A_41 {strides = array<i32>} : memref<128x128xf32, #tpu.memory_space<vmem>>, vector<128x128xf32>,
    %get3A_44 = arith.constant 0 : index
    %get3A_45 = arith.constant 0 : index
    %get3A_46 = vector.load %arg10[%get3A_44, %get3A_45] : memref<128x1xf32, #tpu.memory_space<vmem>>, vector<128x1xf32>
    %reduce_sum3A_47 = arith.constant dense<0.000000e+00> : vector<128xf32>
    %reduce_sum3A_48 = vector.multi_reduction <add>, %convert_element_type3A_36, %reduce_sum3A_47 [1] : vector<128x1024xf32> to vector<128xf32>
    %broadcast_in_dim3A_49 = vector.shape_cast %reduce_sum3A_48 : vector<128xf32> to vector<128x1xf32>
    %add3A_50 = arith.addf %get3A_46, %broadcast_in_dim3A_49 : vector<128x1xf32>
    %swap3A_51 = arith.constant 0 : index
    %swap3A_52 = arith.constant 0 : index
    %swap3A_53 = vector.load %arg10[%swap3A_51, %swap3A_52] : memref<128x1xf32, #tpu.memory_space<vmem>>, vector<128x1xf32>
    tpu.vector_store %arg10[%swap3A_51, %swap3A_52], %add3A_50 {strides = array<i32>} : memref<128x1xf32, #tpu.memory_space<vmem>>, vector<128x1xf32>,
    %eq3A_54 = arith.constant 9 : i32
    %eq3A_55 = arith.cmpi eq, %arg0, %eq3A_54 : i32
    %convert_element_type3A_56 = arith.extui %eq3A_55 : i1 to i32
    %cond3A_57 = arith.constant 0 : i32
    %cond3A_58 = arith.cmpi ne, %convert_element_type3A_56, %cond3A_57 : i32
    scf.if %cond3A_58 {
      %get3A_59 = arith.constant 0 : index
      %get3A_60 = arith.constant 0 : index
      %get3A_61 = vector.load %arg9[%get3A_59, %get3A_60] : memref<128x128xf32, #tpu.memory_space<vmem>>, vector<128x128xf32>
      %get3A_62 = arith.constant 0 : index
      %get3A_63 = arith.constant 0 : index
      %get3A_64 = vector.load %arg10[%get3A_62, %get3A_63] : memref<128x1xf32, #tpu.memory_space<vmem>>, vector<128x1xf32>
      %max3A_65 = arith.constant 1.000000e+00 : f32
      %max3A_66 = vector.broadcast %max3A_65 : f32 to vector<128x1xf32>
      %max3A_67 = arith.maximumf %get3A_64, %max3A_66 : vector<128x1xf32>
      %div3A = vector.broadcast %max3A_67 : vector<128x1xf32> to vector<128x128xf32>
      %div3A_68 = arith.divf %get3A_61, %div3A : vector<128x128xf32>
      %get3A_69 = arith.constant 0 : index
      %get3A_70 = arith.constant 0 : index
      %get3A_71 = vector.load %arg6[%get3A_69, %get3A_70] : memref<128x128xf32, #tpu.memory_space<vmem>>, vector<128x128xf32>
      %dot_general3A_72 = arith.constant dense<0.000000e+00> : vector<128x128xf32>
      %dot_general3A_73 = tpu.matmul %div3A_68, %get3A_71, %dot_general3A_72 {dimension_numbers = #tpu.dot_dimension_numbers<[1], [0], [0], [1], [0, 0, 1, 1], [], []>, transpose_lhs_hint = false} : vector<128x128xf32>, vector<128x128xf32>, vector<128x128xf32> -> vector<128x128xf32>
      %get3A_74 = arith.constant 0 : index
      %get3A_75 = arith.constant 0 : index
      %get3A_76 = vector.load %arg7[%get3A_74, %get3A_75] : memref<1x128xf32, #tpu.memory_space<vmem>>, vector<1x128xf32>
      %add3A_77 = vector.broadcast %get3A_76 : vector<1x128xf32> to vector<128x128xf32>
      %add3A_78 = arith.addf %dot_general3A_73, %add3A_77 : vector<128x128xf32>
      %swap3A_79 = arith.constant 0 : index
      %swap3A_80 = arith.constant 0 : index
      %swap3A_81 = vector.load %arg8[%swap3A_79, %swap3A_80] : memref<128x128xf32, #tpu.memory_space<vmem>>, vector<128x128xf32>
      tpu.vector_store %arg8[%swap3A_79, %swap3A_80], %add3A_78 {strides = array<i32>} : memref<128x128xf32, #tpu.memory_space<vmem>>, vector<128x128xf32>,
    } else {
    }
    return
  }
  func.func @transform_0(%arg0: i32) -> (i32, i32) {
    %c0_i32 = arith.constant 0 : i32
    %c0_i32_0 = arith.constant 0 : i32
    return %arg0, %c0_i32 : i32, i32
  }
  func.func @transform_1(%arg0: i32) -> (i32, i32, i32) {
    %c0_i32 = arith.constant 0 : i32
    %c0_i32_0 = arith.constant 0 : i32
    %c0_i32_1 = arith.constant 0 : i32
    return %c0_i32, %arg0, %c0_i32_0 : i32, i32, i32
  }
  func.func @transform_2(%arg0: i32) -> (i32, i32) {
    %c0_i32 = arith.constant 0 : i32
    %c0_i32_0 = arith.constant 0 : i32
    %c0_i32_1 = arith.constant 0 : i32
    return %c0_i32, %c0_i32_0 : i32, i32
  }
  func.func @transform_3(%arg0: i32) -> (i32, i32) {
    %c0_i32 = arith.constant 0 : i32
    %c0_i32_0 = arith.constant 0 : i32
    return %c0_i32, %arg0 : i32, i32
  }
  func.func @transform_4(%arg0: i32) -> (i32, i32) {
    %c0_i32 = arith.constant 0 : i32
    %c0_i32_0 = arith.constant 0 : i32
    return %c0_i32, %arg0 : i32, i32
  }
  func.func @transform_5(%arg0: i32) -> (i32, i32) {
    %c0_i32 = arith.constant 0 : i32
    %c0_i32_0 = arith.constant 0 : i32
    %c0_i32_1 = arith.constant 0 : i32
    return %c0_i32, %c0_i32_0 : i32, i32
  }
  func.func @transform_6(%arg0: i32) -> (i32, i32) {
    %c0_i32 = arith.constant 0 : i32
    %c0_i32_0 = arith.constant 0 : i32
    %c0_i32_1 = arith.constant 0 : i32
    return %c0_i32, %c0_i32_0 : i32, i32
  }
  func.func @transform_7(%arg0: i32) -> (i32, i32) {
    %c0_i32 = arith.constant 0 : i32
    %c0_i32_0 = arith.constant 0 : i32
    %c0_i32_1 = arith.constant 0 : i32
    return %c0_i32, %c0_i32_0 : i32, i32
  }
}

</mosaic_0001>

<sc_bundles>
// kernel: kernel.10.cloned.1.call-start
scs
__scs_entry_jumppad:
0x0: {  	(pc) =	sbr.rel $0x88, $3  }
0x1: {  	(tag) =	ssettag $0x0;
	lr =	simm.s32 $0x1  }
0x2: {  	[smem:$0x3F96] =	sst lr;
	_ =	strace $0xD0000000  }
0x3: {  	_ = 	snop  }
0x4: {  	_ = 	snop  }
0x5: {  	_ = 	snop  }
0x6: {  	_ = 	snop  }
0x7: {  	_ = 	snop  }
__scs_overlays_trampoline_lowered:
0x8: {  	[smem:$0x3FA5] =	sst s0  }
0x9: {  	[smem:$0x3FA6] =	sst s1  }
0xa: {  	[smem:$0x3FA7] =	sst s2  }
0xb: {  	[smem:$0x3FA8] =	sst s3  }
0xc: {  	[smem:$0x3FA9] =	sst s4  }
0xd: {  	[smem:$0x3FAA] =	sst s5  }
0xe: {  	[smem:$0x3FAB] =	sst s6  }
0xf: {  	[smem:$0x3FAC] =	sst s7  }
0x10: {  	[smem:$0x3FAD] =	sst s8  }
0x11: {  	[smem:$0x3FAE] =	sst s9;
	s0 =	simm.s32 @!p0 $0x0  }
0x12: {  	s1 =	sld [smem:$0x3F94];
	s0 =	simm.s32 @p0 $0x1  }
0x13: {  	[smem:$0x3FAF] =	sst s0;
	s0 =	simm.s32 @!p1 $0x0  }
0x14: {  	s2 =	sld [smem:$0x3F93];
	s0 =	simm.s32 @p1 $0x1  }
0x15: {  	[smem:$0x3FB0] =	sst s0;
	s0 =	simm.s32 @!p2 $0x0  }
0x16: {  	s3 =	sld [smem:$0x3FDB];
	s0 =	simm.s32 @p2 $0x1  }
0x17: {  	s4 =	simm.s32 $0x1BF5;
	[smem:$0x3FB2] =	sst s0  }
0x18: {  	s0 =	sld [smem:$0x3F95];
	_ =	swait.ge [sflag:s4], $0x0  }
0x19: {  	s7 =	sld [smem:$0x3F96]  }
0x1a: {  	s8 =	sadd.s32 $0xFFFFE003, lr  }
0x1b: {  	s9 =	sadd.s32 $0xFFFFFEF7, lr;
	s5 =	simm.s32 $0xFFFFFFFF;
	p2 =	slt.u32 s8, $0xFFFFF086  }
0x1c: {  	p1 =	slt.u32 s9, $0xF7A;
	s5 =	simm.s32 @!p2 $0x0  }
0x1d: {  	s5 =	simm.s32 @p1 $0x1;
	p0 =	seq.s32 s7, s2  }
0x1e: {  	s7 =	smul.u32 @!p0 $0xF7A, s2;
	p2 =	seq.s32 @!p0 s5, $0x0  }
0x1f: {  	s9 =	smul.u32 $0xF7A, s1;
	s8 =	simm.s32 @!p0 $0x1BF5;
	p2 =	por !p2, p0  }
0x20: {  	[sflag:s8] =	ssyncset.s32 @!p0 $0xFFFFF086;
	s6 =	sadd.s32 @!p0 s3, s7;
	s7 =	simm.s32 @!p0 $0x108  }
0x21: {  	s3 =	sadd.s32 s3, s9;
	s6 =	sadd.s32 @!p0 $0x88, s6;
	s7 =	simm.s32 @p2 $0x1082  }
0x22: {  	[simem:s7], [sflag:s8] =	dma.local @!p0 [hbm:s6], $0xF7A  }
0x23: {  	s9 =	sor.u32 $0xD0000000, s2;
	s6 =	simm.s32 $0x108;
	_ =	swait.ge @!p0 [sflag:s8], $0x0  }
0x24: {  	s3 =	sadd.s32 $0x88, s3;
	s6 =	simm.s32 @!p1 $0x1082;
	[sflag:s4] =	ssyncset.s32 $0xFFFFF086  }
0x25: {  	[simem:s6], [sflag:s4] =	dma.local [hbm:s3], $0xF7A  }
0x26: {  	[smem:$0x3F96] =	sst s1;
	(tag) =	ssettag s2;
	_ =	strace s9  }
0x27: {  	s1 =	sld [smem:$0x3FA6]  }
0x28: {  	s2 =	sld [smem:$0x3FA7]  }
0x29: {  	s4 =	sld [smem:$0x3FA9]  }
0x2a: {  	p0 =	seq.s32 s5, $0x0;
	s5 =	sld [smem:$0x3FAA]  }
0x2b: {  	s6 =	sld [smem:$0x3FAB]  }
0x2c: {  	s7 =	sld [smem:$0x3FAC]  }
0x2d: {  	s3 =	simm.s32 $0x108;
	s8 =	sld [smem:$0x3FAD]  }
0x2e: {  	s3 =	simm.s32 @!p0 $0x1082;
	s9 =	sld [smem:$0x3FAE]  }
0x2f: {  	lr =	sadd.s32 s0, s3;
	s0 =	sld [smem:$0x3FA5]  }
0x30: {  	s3 =	sld [smem:$0x3FA8]  }
0x31: {  	[smem:$0x3FB1] =	sst s10  }
0x32: {  	s10 =	sld [smem:$0x3FAF];
	_ =	sdelay $0x3  }
0x33: {  	p0 =	seq.s32 s10, $0x1;
	s10 =	sld [smem:$0x3FB1];
	_ =	sdelay $0x3  }
0x34: {  	[smem:$0x3FB1] =	sst s10  }
0x35: {  	s10 =	sld [smem:$0x3FB0];
	_ =	sdelay $0x3  }
0x36: {  	p1 =	seq.s32 s10, $0x1;
	s10 =	sld [smem:$0x3FB1];
	_ =	sdelay $0x3  }
0x37: {  	[smem:$0x3FB1] =	sst s10  }
0x38: {  	s10 =	sld [smem:$0x3FB2]  }
0x39: {  	_ = 	snop;
	(pc) =	sbr.ind lr, $3  }
0x3a: {  	_ = 	snop  }
0x3b: {  	_ = 	snop  }
0x3c: {  	p2 =	seq.s32 s10, $0x1;
	s10 =	sld [smem:$0x3FB1]  }
0x3d: {  	_ =	shalt  }
0x3e: {  	_ =	shalt  }
0x3f: {  	_ =	shalt  }
0x40: {  	_ =	shalt  }
0x41: {  	_ =	shalt  }
0x42: {  	_ =	shalt  }
0x43: {  	_ =	shalt  }
0x44: {  	_ =	shalt  }
0x45: {  	_ =	shalt  }
0x46: {  	_ =	shalt  }
0x47: {  	_ =	shalt  }
0x48: {  	_ =	shalt  }
0x49: {  	_ =	shalt  }
0x4a: {  	_ =	shalt  }
0x4b: {  	_ =	shalt  }
0x4c: {  	_ =	shalt  }
0x4d: {  	_ =	shalt  }
0x4e: {  	_ =	shalt  }
0x4f: {  	_ =	shalt  }
0x50: {  	_ =	shalt  }
0x51: {  	_ =	shalt  }
0x52: {  	_ =	shalt  }
0x53: {  	_ =	shalt  }
0x54: {  	_ =	shalt  }
0x55: {  	_ =	shalt  }
0x56: {  	_ =	shalt  }
0x57: {  	_ =	shalt  }
0x58: {  	_ =	shalt  }
0x59: {  	_ =	shalt  }
0x5a: {  	_ =	shalt  }
0x5b: {  	_ =	shalt  }
0x5c: {  	_ =	shalt  }
0x5d: {  	_ =	shalt  }
0x5e: {  	_ =	shalt  }
0x5f: {  	_ =	shalt  }
0x60: {  	_ =	shalt  }
0x61: {  	_ =	shalt  }
0x62: {  	_ =	shalt  }
0x63: {  	_ =	shalt  }
0x64: {  	_ =	shalt  }
0x65: {  	_ =	shalt  }
0x66: {  	_ =	shalt  }
0x67: {  	_ =	shalt  }
0x68: {  	_ =	shalt  }
0x69: {  	_ =	shalt  }
0x6a: {  	_ =	shalt  }
0x6b: {  	_ =	shalt  }
0x6c: {  	_ =	shalt  }
0x6d: {  	_ =	shalt  }
0x6e: {  	_ =	shalt  }
0x6f: {  	_ =	shalt  }
0x70: {  	_ =	shalt  }
0x71: {  	_ =	shalt  }
0x72: {  	_ =	shalt  }
0x73: {  	_ =	shalt  }
0x74: {  	_ =	shalt  }
0x75: {  	_ =	shalt  }
0x76: {  	_ =	shalt  }
0x77: {  	_ =	shalt  }
0x78: {  	_ =	shalt  }
0x79: {  	_ =	shalt  }
0x7a: {  	_ =	shalt  }
0x7b: {  	_ =	shalt  }
0x7c: {  	_ =	shalt  }
0x7d: {  	_ =	shalt  }
0x7e: {  	_ =	shalt  }
0x7f: {  	_ =	shalt  }
0x80: {  	_ =	shalt  }
0x81: {  	_ =	shalt  }
0x82: {  	_ =	shalt  }
0x83: {  	_ =	shalt  }
0x84: {  	_ =	shalt  }
0x85: {  	_ =	shalt  }
0x86: {  	_ =	shalt  }
0x87: {  	_ =	shalt  }
.Lfunc_end0:
.L_simem_size_0:
called_computation_lowered:
.L_overlay_start_0:
0x88: {  	s2 =	sld [smem:$0x3FD9]  }
0x89: {  	s3 =	sld [smem:$0x3FFE];
	_ =	sdelay $0x1  }
0x8a: {  	s1 =	srdreg.scid  }
0x8b: {  	s0 =	sand.u32 $0x1, s1  }
0x8c: {  	s16 =	sshll.u32 s0, $0xA;
	s2 =	sadd.s32 s3, s2  }
0x8d: {  	s2 =	sadd.s32 s2, s16  }
0x8e: {  	[smem:$0x3FBD] =	sst s2  }
0x8f: {  	_ = 	snop  }
0x90: {  	(tm) =	ssettm $0x1  }
0x91: {  	s17 =	sld [smem:$0x3FFB];
	_ =	sdelay $0x3  }
0x92: {  	_ =	strace s17  }
0x93: {  	s2 =	sld [smem:$0x3FFC];
	_ =	sdelay $0x3  }
0x94: {  	_ =	strace s2  }
0x95: {  	s2 =	sld [smem:$0x3FFD];
	_ =	sdelay $0x3  }
0x96: {  	_ =	strace s2  }
0x97: {  	_ =	strace $0x8FFFFFFF  }
0x98: {  	s18 =	sld [smem:$0x3FDB];
	_ =	sdelay $0x1  }
0x99: {  	s19 =	simm.s32 $_scs_section_size  }
0x9a: {  	s4 =	simm.s32 $_size__tile_overlayer_lowered;
	s5 =	simm.s32 $_tile_overlayer_lowered  }
0x9b: {  	s22 =	simm.s32 $0x1BFF;
	s21 =	sshll.u32 s5, $0x1;
	s2 =	sadd.s32 s19, s18  }
0x9c: {  	s6 =	simm.s32 $0x0;
	s20 =	sshll.u32 s4, $0x1;
	s4 =	sadd.s32 s21, s2  }
0x9d: {  	[timem:s6], [sflag:s22] =	dma.local [hbm:s4], s20  }
0x9e: {  	_ =	swait.ge [sflag:s22], s20  }
0x9f: {  	s3 =	ssub.s32 $0x0, s20;
	[sflag:s22] =	ssyncset.done $0x0  }
0xa0: {  	[sflag:s22] =	ssyncadd.s32 s3;
	_ =	sdelay $0x1  }
0xa1: {  	s23 =	simm.s32 $0x1B8B  }
0xa2: {  	_ =	swait.ge [sflag:s23], $0x1  }
0xa3: {  	[sflag:s23] =	ssyncset.done $0x0  }
0xa4: {  	s25 =	simm.s32 $0x1B8E;
	s24 =	sld [smem:$0x3FFE];
	[sflag:s23] =	ssyncadd.s32 $0xFFFFFFFF  }
0xa5: {  	s26 =	simm.s32 $execute0_lowered;
	[smem:$0x3FD2] =	sst s25  }
0xa6: {  	s4 =	sshll.u32 s26, $0x1;
	_ =	strace $0x80000046;
	[dreg:$0x1] =	wrdreg $0xFFFFFFFF  }
0xa7: {  	s28 =	simm.s32 $_size_execute0_lowered;
	s2 =	sadd.s32 s2, s4;
	[dreg:$0x0] =	wrdreg $0x0  }
0xa8: {  	s4 =	sshll.u32 s28, $0x1;
	[dreg:$0x2] =	wrdreg s2  }
0xa9: {  	[dreg:$0x3] =	wrdreg s4  }
0xaa: {  	[dreg:$0x4] =	wrdreg $0xC0  }
0xab: {  	_ =	task [dreg:s6], $0x5FFFF  }
0xac: {  	[dreg:$0x1] =	wrdreg $0xFFFFFFFF  }
0xad: {  	[dreg:$0x0] =	wrdreg $0x60  }
0xae: {  	[dreg:$0x2] =	wrdreg s24  }
0xaf: {  	[dreg:$0x3] =	wrdreg $0x9  }
0xb0: {  	_ =	task.clear_ibuf [dreg:s6], $0x4FFFF;
	_ =	strace $0x90000046  }
0xb1: {  	s29 =	simm.s32 $0x9;
	_ =	strace $0x80000048  }
0xb2: {  	_ =	swait.ge [sflag:s29], $0x1  }
0xb3: {  	[sflag:s29] =	ssyncadd.s32 $0xFFFFFFFF  }
0xb4: {  	_ =	strace $0x90000048  }
0xb5: {  	_ =	sfence  }
0xb6: {  	s30 =	sld [smem:$0x0];
	_ =	sdelay $0x2  }
0xb7: {  	s31 =	sshll.u32 s1, $0xD;
	s1 =	sshrl.u32 s1, $0x2  }
0xb8: {  	s3 =	sand.u32 $0x4000, s31;
	s1 =	sadd.s32 s1, s30  }
0xb9: {  	s0 =	sor.u32 s3, s0;
	s1 =	sshll.u32 s1, $0x11  }
0xba: {  	s0 =	sor.u32 s1, s0  }
0xbb: {  	s0 =	sadd.s32 $0x8F2B, s0  }
0xbc: {  	[sflag:s0] =	ssyncadd.remote.s32 $0x1  }
0xbd: {  	_ =	sfence.sel $0xFFFF  }
0xbe: {  	[dreg:$0x0] =	wrdreg $0xFFFFFFFF;
	(pc) =	sbr.abs _section_cstart, $3  }
0xbf: {  	[dreg:$0x1] =	wrdreg $0xFFFFFFFF  }
0xc0: {  	_ =	task.clear_ibuf [dreg:s6], $0x2FFFF;
	_ =	strace $0x9FFFFFFF  }
0xc1: {  	(tm) =	ssettm $0x7FFFFFFF  }
tec
execute0_lowered:
.L_overlay_start_1:
0x0: {  	(tag) =	ssettag $0x1  }
0x1: {  	s0 =	srdreg.scid  }
0x2: {  	s5 =	rddreg [dreg:$0x0];
	s3 =	sand.u32 $0x1, s0  }
0x3: {  	s2 =	simm.s32 $0x0;
	s0 =	stileid.u32;
	s1 =	sshll.u32 s3, $0x4  }
0x4: {  	s8 =	simm.s32 $0x80;
	s9 =	simm.s32 $0x400;
	s4 =	sor.u32 s0, s1  }
0x5: {  	s10 =	simm.s32 $0x0;
	[smem:$0x7FF] =	sst s2;
	s1 =	sshrl.u32 s4, $0x3  }
0x6: {  	s7 =	sshll.u32 s0, $0x7;
	s3 =	ssub.s32 $0x2, s3;
	s6 =	smul.u32 $0x14000, s1  }
0x7: {  	s7 =	sand.u32 $0x380, s7;
	s31 =	sshrl.u32 s3, $0x1;
	s4 =	smul.u32 $0x500, s4  }
0x8: {  	s1 =	rddreg [dreg:$0x1];
	_ =	strace $0x80000047;
	s6 =	sor.u32 s7, s6  }
0x9: {  	s4 =	sadd.s32 s4, s5;
	s7 =	simm.s32 $0x2800;
	s6 =	sshrl.u32 s6, $0x3  }
0xa: {  	s5 =	sadd.s32 s6, s5;
	s6 =	ssub.s32 s3, s31;
	s3 =	sadd.s32 $0x3E00, s4  }
0xb: {  	v0 =	vimm.f32 $0.0e+00;
	v1 =	vimm.f32 $1.000000000e+00;
	s4 =	sadd.s32 $0x17E00, s5;
	s5 =	smax.u32 s6, $0x1;
	s6 =	simm.s32 $0x1  }
.LBB2_1:
0xc: {  	[tilespmem:s2], [sflag:$0x1] =	stream.linear.gather [hbm4b:s3+s2], $0x2800, $0x38;
	[tilespmem:$0x5000] =	vst v63  }
0xd: {  	_ =	swait.ge [sflag:s6], $0x2800  }
0xe: {  	[sflag:s6] =	ssyncset.done $0x0  }
0xf: {  	s11 =	simm.s32 $0x0;
	[sflag:s6] =	ssyncadd.s32 $0xFFFFD800  }
.LBB2_2:
0x10: {  	p0 =	sne.s32 s11, $0x9FC0  }
.Ltmp0:
0x11: {  	_ = 	snop;
	(pc) =	sbr.rel @p0 .LBB2_2-.Ltmp0, $3  }
0x12: {  	_ =	sdelay $0x1  }
0x13: {  	s12 =	sshra.s32 s11, $0x2  }
0x14: {  	s11 =	sadd.s32 $0x40, s11;
	[tilespmem:s12+$0x2800] =	vst v0  }
0x15: {  	s12 =	simm.s32 $0x0;
	s11 =	simm.s32 $0x40  }
.LBB2_4:
0x16: {  	p0 =	sne.s32 s11, $0x9FC0;
	v2 =	vld [tilespmem:s12+$0x0];
	_ =	sdelay $0x3  }
.Ltmp1:
0x17: {  	(pc) =	sbr.rel @p0 .LBB2_4-.Ltmp1, $2  }
0x18: {  	_ =	sdelay $0x2  }
0x19: {  	s12 =	sshra.s32 s11, $0x2;
	s11 =	sadd.s32 $0x40, s11;
	[tilespmem:v2+s7+$0x0] =	vst.idx.add.f32.msk $0xffff, v1  }
0x1a: {  	v2 =	vld [tilespmem:s12+$0x0];
	_ =	sdelay $0x5  }
0x1b: {  	s10 =	sadd.s32 $0x1, s10  }
0x1c: {  	p0 =	sne.s32 s10, s5  }
.Ltmp2:
0x1d: {  	[tilespmem:v2+s7+$0x0] =	vst.idx.add.f32.msk $0xffff, v1;
	(pc) =	sbr.rel @p0 .LBB2_1-.Ltmp2, $4  }
0x1e: {  	[hbm4b:s4+s8] =	stream.strided.scatter [tilespmem:s7], [sflag:$0x1], $0x2800, s9, s8, $0x38;
	[tilespmem:$0x5000] =	vst v63  }
0x1f: {  	_ =	swait.ge [sflag:s6], $0x2800  }
0x20: {  	[sflag:s6] =	ssyncset.done $0x0  }
0x21: {  	[sflag:s6] =	ssyncadd.s32 $0xFFFFD800  }
0x22: {  	_ =	sfence.sel $0x180000  }
0x23: {  	[bflag:$0x0] =	sbarrier.arrive $0xFFFF  }
0x24: {  	p0 =	sne.s32 s0, $0x0;
	_ =	strace $0x90000047  }
0x25: {  	s0 =	sadd.s32 @!p0 $0x100000, s1;
	[bflag:$0x2] =	sbarrier.arrive $0xFFFF  }
0x26: {  	[sflag:s0] =	ssyncadd.tile.s32 @!p0 $0x1;
	_ =	shalt  }
.Lfunc_end2:
_tile_overlayer_lowered:
.L_overlay_start_2:
0x27: {  	(tag) =	ssettag $0x2  }
0x28: {  	s0 =	rddreg [dreg:$0x0];
	s2 =	stileid.u32  }
0x29: {  	s1 =	rddreg [dreg:$0x1];
	p0 =	sne.s32 s2, $0x0  }
0x2a: {  	s3 =	rddreg [dreg:$0x2];
	[bflag:$0x3] =	sbarrier.arrive $0xFFFF;
	s2 =	simm.s32 @!p0 $0x1C01  }
0x2b: {  	[timem:s3], [sflag:s2] =	dma.local @!p0 [hbm:s0], s1  }
0x2c: {  	s0 =	simm.s32 @!p0 $0x1  }
0x2d: {  	_ =	swait.ge @!p0 [sflag:s0], s1  }
0x2e: {  	s1 =	ssub.s32 @!p0 $0x0, s1;
	[sflag:s0] =	ssyncset.done @!p0 $0x0  }
0x2f: {  	[sflag:s0] =	ssyncadd.s32 @!p0 s1  }
0x30: {  	[bflag:$0x3] =	sbarrier.arrive $0xFFFF  }
0x31: {  	_ =	shalt  }

// kernel: kernel.13.cloned.1.call-start
scs
__scs_entry_jumppad:
0x0: {  	(pc) =	sbr.rel $0x88, $3  }
0x1: {  	(tag) =	ssettag $0x0;
	lr =	simm.s32 $0x1  }
0x2: {  	[smem:$0x3F96] =	sst lr;
	_ =	strace $0xD0000000  }
0x3: {  	_ = 	snop  }
0x4: {  	_ = 	snop  }
0x5: {  	_ = 	snop  }
0x6: {  	_ = 	snop  }
0x7: {  	_ = 	snop  }
__scs_overlays_trampoline_lowered:
0x8: {  	[smem:$0x3FA5] =	sst s0  }
0x9: {  	[smem:$0x3FA6] =	sst s1  }
0xa: {  	[smem:$0x3FA7] =	sst s2  }
0xb: {  	[smem:$0x3FA8] =	sst s3  }
0xc: {  	[smem:$0x3FA9] =	sst s4  }
0xd: {  	[smem:$0x3FAA] =	sst s5  }
0xe: {  	[smem:$0x3FAB] =	sst s6  }
0xf: {  	[smem:$0x3FAC] =	sst s7  }
0x10: {  	[smem:$0x3FAD] =	sst s8  }
0x11: {  	[smem:$0x3FAE] =	sst s9;
	s0 =	simm.s32 @!p0 $0x0  }
0x12: {  	s1 =	sld [smem:$0x3F94];
	s0 =	simm.s32 @p0 $0x1  }
0x13: {  	[smem:$0x3FAF] =	sst s0;
	s0 =	simm.s32 @!p1 $0x0  }
0x14: {  	s2 =	sld [smem:$0x3F93];
	s0 =	simm.s32 @p1 $0x1  }
0x15: {  	[smem:$0x3FB0] =	sst s0;
	s0 =	simm.s32 @!p2 $0x0  }
0x16: {  	s3 =	sld [smem:$0x3FDB];
	s0 =	simm.s32 @p2 $0x1  }
0x17: {  	s4 =	simm.s32 $0x1BF5;
	[smem:$0x3FB2] =	sst s0  }
0x18: {  	s0 =	sld [smem:$0x3F95];
	_ =	swait.ge [sflag:s4], $0x0  }
0x19: {  	s7 =	sld [smem:$0x3F96]  }
0x1a: {  	s8 =	sadd.s32 $0xFFFFE003, lr  }
0x1b: {  	s9 =	sadd.s32 $0xFFFFFEF7, lr;
	s5 =	simm.s32 $0xFFFFFFFF;
	p2 =	slt.u32 s8, $0xFFFFF086  }
0x1c: {  	p1 =	slt.u32 s9, $0xF7A;
	s5 =	simm.s32 @!p2 $0x0  }
0x1d: {  	s5 =	simm.s32 @p1 $0x1;
	p0 =	seq.s32 s7, s2  }
0x1e: {  	s7 =	smul.u32 @!p0 $0xF7A, s2;
	p2 =	seq.s32 @!p0 s5, $0x0  }
0x1f: {  	s9 =	smul.u32 $0xF7A, s1;
	s8 =	simm.s32 @!p0 $0x1BF5;
	p2 =	por !p2, p0  }
0x20: {  	[sflag:s8] =	ssyncset.s32 @!p0 $0xFFFFF086;
	s6 =	sadd.s32 @!p0 s3, s7;
	s7 =	simm.s32 @!p0 $0x108  }
0x21: {  	s3 =	sadd.s32 s3, s9;
	s6 =	sadd.s32 @!p0 $0x88, s6;
	s7 =	simm.s32 @p2 $0x1082  }
0x22: {  	[simem:s7], [sflag:s8] =	dma.local @!p0 [hbm:s6], $0xF7A  }
0x23: {  	s9 =	sor.u32 $0xD0000000, s2;
	s6 =	simm.s32 $0x108;
	_ =	swait.ge @!p0 [sflag:s8], $0x0  }
0x24: {  	s3 =	sadd.s32 $0x88, s3;
	s6 =	simm.s32 @!p1 $0x1082;
	[sflag:s4] =	ssyncset.s32 $0xFFFFF086  }
0x25: {  	[simem:s6], [sflag:s4] =	dma.local [hbm:s3], $0xF7A  }
0x26: {  	[smem:$0x3F96] =	sst s1;
	(tag) =	ssettag s2;
	_ =	strace s9  }
0x27: {  	s1 =	sld [smem:$0x3FA6]  }
0x28: {  	s2 =	sld [smem:$0x3FA7]  }
0x29: {  	s4 =	sld [smem:$0x3FA9]  }
0x2a: {  	p0 =	seq.s32 s5, $0x0;
	s5 =	sld [smem:$0x3FAA]  }
0x2b: {  	s6 =	sld [smem:$0x3FAB]  }
0x2c: {  	s7 =	sld [smem:$0x3FAC]  }
0x2d: {  	s3 =	simm.s32 $0x108;
	s8 =	sld [smem:$0x3FAD]  }
0x2e: {  	s3 =	simm.s32 @!p0 $0x1082;
	s9 =	sld [smem:$0x3FAE]  }
0x2f: {  	lr =	sadd.s32 s0, s3;
	s0 =	sld [smem:$0x3FA5]  }
0x30: {  	s3 =	sld [smem:$0x3FA8]  }
0x31: {  	[smem:$0x3FB1] =	sst s10  }
0x32: {  	s10 =	sld [smem:$0x3FAF];
	_ =	sdelay $0x3  }
0x33: {  	p0 =	seq.s32 s10, $0x1;
	s10 =	sld [smem:$0x3FB1];
	_ =	sdelay $0x3  }
0x34: {  	[smem:$0x3FB1] =	sst s10  }
0x35: {  	s10 =	sld [smem:$0x3FB0];
	_ =	sdelay $0x3  }
0x36: {  	p1 =	seq.s32 s10, $0x1;
	s10 =	sld [smem:$0x3FB1];
	_ =	sdelay $0x3  }
0x37: {  	[smem:$0x3FB1] =	sst s10  }
0x38: {  	s10 =	sld [smem:$0x3FB2]  }
0x39: {  	_ = 	snop;
	(pc) =	sbr.ind lr, $3  }
0x3a: {  	_ = 	snop  }
0x3b: {  	_ = 	snop  }
0x3c: {  	p2 =	seq.s32 s10, $0x1;
	s10 =	sld [smem:$0x3FB1]  }
0x3d: {  	_ =	shalt  }
0x3e: {  	_ =	shalt  }
0x3f: {  	_ =	shalt  }
0x40: {  	_ =	shalt  }
0x41: {  	_ =	shalt  }
0x42: {  	_ =	shalt  }
0x43: {  	_ =	shalt  }
0x44: {  	_ =	shalt  }
0x45: {  	_ =	shalt  }
0x46: {  	_ =	shalt  }
0x47: {  	_ =	shalt  }
0x48: {  	_ =	shalt  }
0x49: {  	_ =	shalt  }
0x4a: {  	_ =	shalt  }
0x4b: {  	_ =	shalt  }
0x4c: {  	_ =	shalt  }
0x4d: {  	_ =	shalt  }
0x4e: {  	_ =	shalt  }
0x4f: {  	_ =	shalt  }
0x50: {  	_ =	shalt  }
0x51: {  	_ =	shalt  }
0x52: {  	_ =	shalt  }
0x53: {  	_ =	shalt  }
0x54: {  	_ =	shalt  }
0x55: {  	_ =	shalt  }
0x56: {  	_ =	shalt  }
0x57: {  	_ =	shalt  }
0x58: {  	_ =	shalt  }
0x59: {  	_ =	shalt  }
0x5a: {  	_ =	shalt  }
0x5b: {  	_ =	shalt  }
0x5c: {  	_ =	shalt  }
0x5d: {  	_ =	shalt  }
0x5e: {  	_ =	shalt  }
0x5f: {  	_ =	shalt  }
0x60: {  	_ =	shalt  }
0x61: {  	_ =	shalt  }
0x62: {  	_ =	shalt  }
0x63: {  	_ =	shalt  }
0x64: {  	_ =	shalt  }
0x65: {  	_ =	shalt  }
0x66: {  	_ =	shalt  }
0x67: {  	_ =	shalt  }
0x68: {  	_ =	shalt  }
0x69: {  	_ =	shalt  }
0x6a: {  	_ =	shalt  }
0x6b: {  	_ =	shalt  }
0x6c: {  	_ =	shalt  }
0x6d: {  	_ =	shalt  }
0x6e: {  	_ =	shalt  }
0x6f: {  	_ =	shalt  }
0x70: {  	_ =	shalt  }
0x71: {  	_ =	shalt  }
0x72: {  	_ =	shalt  }
0x73: {  	_ =	shalt  }
0x74: {  	_ =	shalt  }
0x75: {  	_ =	shalt  }
0x76: {  	_ =	shalt  }
0x77: {  	_ =	shalt  }
0x78: {  	_ =	shalt  }
0x79: {  	_ =	shalt  }
0x7a: {  	_ =	shalt  }
0x7b: {  	_ =	shalt  }
0x7c: {  	_ =	shalt  }
0x7d: {  	_ =	shalt  }
0x7e: {  	_ =	shalt  }
0x7f: {  	_ =	shalt  }
0x80: {  	_ =	shalt  }
0x81: {  	_ =	shalt  }
0x82: {  	_ =	shalt  }
0x83: {  	_ =	shalt  }
0x84: {  	_ =	shalt  }
0x85: {  	_ =	shalt  }
0x86: {  	_ =	shalt  }
0x87: {  	_ =	shalt  }
.Lfunc_end0:
.L_simem_size_0:
called_computation.1_lowered:
.L_overlay_start_0:
0x88: {  	s2 =	sld [smem:$0x3FD9]  }
0x89: {  	s3 =	sld [smem:$0x3FFE];
	_ =	sdelay $0x1  }
0x8a: {  	s1 =	srdreg.scid  }
0x8b: {  	s0 =	sand.u32 $0x1, s1  }
0x8c: {  	s16 =	sshll.u32 s0, $0xA;
	s2 =	sadd.s32 s3, s2  }
0x8d: {  	s2 =	sadd.s32 s2, s16  }
0x8e: {  	[smem:$0x3FBD] =	sst s2  }
0x8f: {  	_ = 	snop  }
0x90: {  	(tm) =	ssettm $0x1  }
0x91: {  	s17 =	sld [smem:$0x3FFB];
	_ =	sdelay $0x3  }
0x92: {  	_ =	strace s17  }
0x93: {  	s2 =	sld [smem:$0x3FFC];
	_ =	sdelay $0x3  }
0x94: {  	_ =	strace s2  }
0x95: {  	s2 =	sld [smem:$0x3FFD];
	_ =	sdelay $0x3  }
0x96: {  	_ =	strace s2  }
0x97: {  	_ =	strace $0x8FFFFFFF  }
0x98: {  	s18 =	sld [smem:$0x3FDB];
	_ =	sdelay $0x1  }
0x99: {  	s19 =	simm.s32 $_scs_section_size  }
0x9a: {  	s4 =	simm.s32 $_size__tile_overlayer_lowered;
	s5 =	simm.s32 $_tile_overlayer_lowered  }
0x9b: {  	s22 =	simm.s32 $0x1BFF;
	s21 =	sshll.u32 s5, $0x1;
	s2 =	sadd.s32 s19, s18  }
0x9c: {  	s6 =	simm.s32 $0x0;
	s20 =	sshll.u32 s4, $0x1;
	s4 =	sadd.s32 s21, s2  }
0x9d: {  	[timem:s6], [sflag:s22] =	dma.local [hbm:s4], s20  }
0x9e: {  	_ =	swait.ge [sflag:s22], s20  }
0x9f: {  	s3 =	ssub.s32 $0x0, s20;
	[sflag:s22] =	ssyncset.done $0x0  }
0xa0: {  	[sflag:s22] =	ssyncadd.s32 s3;
	_ =	sdelay $0x1  }
0xa1: {  	s23 =	simm.s32 $0x1B8B  }
0xa2: {  	_ =	swait.ge [sflag:s23], $0x1  }
0xa3: {  	[sflag:s23] =	ssyncset.done $0x0  }
0xa4: {  	s25 =	simm.s32 $0x1B8E;
	s24 =	sld [smem:$0x3FFE];
	[sflag:s23] =	ssyncadd.s32 $0xFFFFFFFF  }
0xa5: {  	s26 =	simm.s32 $execute0_lowered;
	[smem:$0x3FD2] =	sst s25  }
0xa6: {  	s4 =	sshll.u32 s26, $0x1;
	_ =	strace $0x80000049;
	[dreg:$0x1] =	wrdreg $0xFFFFFFFF  }
0xa7: {  	s28 =	simm.s32 $_size_execute0_lowered;
	s2 =	sadd.s32 s2, s4;
	[dreg:$0x0] =	wrdreg $0x0  }
0xa8: {  	s4 =	sshll.u32 s28, $0x1;
	[dreg:$0x2] =	wrdreg s2  }
0xa9: {  	[dreg:$0x3] =	wrdreg s4  }
0xaa: {  	[dreg:$0x4] =	wrdreg $0xC0  }
0xab: {  	_ =	task [dreg:s6], $0x5FFFF  }
0xac: {  	[dreg:$0x1] =	wrdreg $0xFFFFFFFF  }
0xad: {  	[dreg:$0x0] =	wrdreg $0x60  }
0xae: {  	[dreg:$0x2] =	wrdreg s24  }
0xaf: {  	[dreg:$0x3] =	wrdreg $0x0  }
0xb0: {  	[dreg:$0x4] =	wrdreg $0x9  }
0xb1: {  	_ =	task.clear_ibuf [dreg:s6], $0x5FFFF;
	_ =	strace $0x90000049  }
0xb2: {  	s29 =	simm.s32 $0x9;
	_ =	strace $0x8000004B  }
0xb3: {  	_ =	swait.ge [sflag:s29], $0x1  }
0xb4: {  	[sflag:s29] =	ssyncadd.s32 $0xFFFFFFFF  }
0xb5: {  	_ =	strace $0x9000004B  }
0xb6: {  	_ =	sfence  }
0xb7: {  	s30 =	sld [smem:$0x0];
	_ =	sdelay $0x2  }
0xb8: {  	s31 =	sshll.u32 s1, $0xD;
	s1 =	sshrl.u32 s1, $0x2  }
0xb9: {  	s3 =	sand.u32 $0x4000, s31;
	s1 =	sadd.s32 s1, s30  }
0xba: {  	s0 =	sor.u32 s3, s0;
	s1 =	sshll.u32 s1, $0x11  }
0xbb: {  	s0 =	sor.u32 s1, s0  }
0xbc: {  	s0 =	sadd.s32 $0x8F2B, s0  }
0xbd: {  	[sflag:s0] =	ssyncadd.remote.s32 $0x1  }
0xbe: {  	_ =	sfence.sel $0xFFFF  }
0xbf: {  	[dreg:$0x0] =	wrdreg $0xFFFFFFFF;
	(pc) =	sbr.abs _section_cstart, $3  }
0xc0: {  	[dreg:$0x1] =	wrdreg $0xFFFFFFFF  }
0xc1: {  	_ =	task.clear_ibuf [dreg:s6], $0x2FFFF;
	_ =	strace $0x9FFFFFFF  }
0xc2: {  	(tm) =	ssettm $0x7FFFFFFF  }
0xc3: {  	_ =	shalt  }
tec
execute0_lowered:
.L_overlay_start_1:
0x0: {  	(tag) =	ssettag $0x1  }
0x1: {  	s6 =	rddreg [dreg:$0x0]  }
0x2: {  	s0 =	srdreg.scid;
	s2 =	rddreg [dreg:$0x1];
	s3 =	simm.s32 $0x0  }
0x3: {  	s13 =	simm.s32 $0x80;
	s14 =	simm.s32 $0x16800;
	s15 =	simm.s32 $0x16A00  }
0x4: {  	s16 =	simm.s32 $0x16900;
	s17 =	simm.s32 $0x1AA00;
	s18 =	simm.s32 $0x1  }
0x5: {  	s19 =	simm.s32 $0x16880;
	s20 =	simm.s32 $0x2;
	s21 =	simm.s32 $0x16980  }
0x6: {  	s22 =	simm.s32 $0x3;
	s23 =	simm.s32 $0x4;
	s5 =	sand.u32 $0x1, s0  }
0x7: {  	s24 =	simm.s32 $0x0;
	s0 =	stileid.u32;
	s8 =	smul.u32 $0x140000, s5  }
0x8: {  	[smem:$0x7FF] =	sst s3;
	s4 =	sadd.s32 $0x17E00, s6;
	s9 =	smul.u32 $0x14000, s0  }
0x9: {  	s1 =	sshll.u32 s5, $0x4;
	s30 =	ssub.s32 $0x2, s5;
	s10 =	smul.u32 $0x50000, s0  }
0xa: {  	s5 =	sadd.s32 $0x3E00, s6;
	s31 =	sshll.u32 s0, $0x6;
	s1 =	sor.u32 s0, s1  }
0xb: {  	s11 =	sshrl.u32 s30, $0x1;
	s7 =	smul.u32 $0x500, s1;
	s1 =	rddreg [dreg:$0x2]  }
0xc: {  	_ =	strace $0x8000004A;
	s8 =	sadd.s32 s9, s8;
	s9 =	ssub.s32 s30, s11  }
0xd: {  	s10 =	sshrl.u32 s10, $0x2;
	s11 =	sor.u32 $0x1C05, s31;
	s8 =	sshrl.u32 s8, $0x3  }
0xe: {  	s12 =	sadd.s32 s10, s2;
	s10 =	simm.s32 $0x5;
	s7 =	sadd.s32 s7, s6  }
0xf: {  	s8 =	sadd.s32 s8, s6;
	s12 =	sshrl.u32 s12, $0x3;
	s6 =	sadd.s32 $0xDE00, s7  }
0x10: {  	s7 =	sadd.s32 $0x3FE00, s8;
	s8 =	smax.u32 s9, $0x1;
	s9 =	simm.s32 $0x14000  }
.LBB2_1:
0x11: {  	[tilespmem:s9], [sflag:$0x5] =	stream.linear.gather [hbm4b:s6+s3], $0x2800, $0x38;
	[tilespmem:$0x1EA00] =	vst v63  }
0x12: {  	_ =	swait.ge [sflag:s10], $0x2800  }
0x13: {  	[sflag:s10] =	ssyncset.done $0x0  }
0x14: {  	[sflag:s10] =	ssyncadd.s32 $0xFFFFD800  }
0x15: {  	[spmem:s12], [sflag:s11] =	dma.local [hbm:s5], $0x2800  }
0x16: {  	_ =	swait.ge [sflag:s10], $0x2800  }
0x17: {  	[sflag:s10] =	ssyncset.done $0x0  }
0x18: {  	[sflag:s10] =	ssyncadd.s32 $0xFFFFD800  }
0x19: {  	[bflag:$0x0] =	sbarrier.arrive $0xFFFF  }
0x1a: {  	v0 =	vld [tilespmem:$0x14000];
	_ =	sdelay $0x1  }
0x1b: {  	v1 =	vld [tilespmem:$0x14010];
	_ =	sdelay $0x1  }
0x1c: {  	v2 =	vld [tilespmem:$0x14020]  }
0x1d: {  	v3 =	vand.u32 $0xFFFF, v0  }
0x1e: {  	v6 =	vld [tilespmem:$0x14030];
	v0 =	vshrl.u32 v0, $0x10;
	[tilespmem:$0x16800] =	vst v3  }
0x1f: {  	v7 =	vand.u32 $0xFFFF, v1;
	[tilespmem:$0x16880] =	vst v0  }
0x20: {  	v9 =	vld [tilespmem:$0x14040];
	v8 =	vshrl.u32 v1, $0x10;
	[tilespmem:$0x16810] =	vst v7  }
0x21: {  	v10 =	vand.u32 $0xFFFF, v2;
	[tilespmem:$0x16890] =	vst v8  }
0x22: {  	v12 =	vld [tilespmem:$0x14050];
	v11 =	vshrl.u32 v2, $0x10;
	[tilespmem:$0x16820] =	vst v10  }
0x23: {  	v13 =	vand.u32 $0xFFFF, v6;
	[tilespmem:$0x168A0] =	vst v11  }
0x24: {  	v15 =	vld [tilespmem:$0x14060];
	v14 =	vshrl.u32 v6, $0x10;
	[tilespmem:$0x16830] =	vst v13  }
0x25: {  	v16 =	vand.u32 $0xFFFF, v9;
	[tilespmem:$0x168B0] =	vst v14  }
0x26: {  	v18 =	vld [tilespmem:$0x14070];
	v17 =	vshrl.u32 v9, $0x10;
	[tilespmem:$0x16840] =	vst v16  }
0x27: {  	v19 =	vand.u32 $0xFFFF, v12;
	[tilespmem:$0x168C0] =	vst v17  }
0x28: {  	v20 =	vshrl.u32 v12, $0x10;
	[tilespmem:$0x16850] =	vst v19  }
0x29: {  	v21 =	vand.u32 $0xFFFF, v15;
	[tilespmem:$0x168D0] =	vst v20  }
0x2a: {  	v22 =	vshrl.u32 v15, $0x10;
	[tilespmem:$0x16860] =	vst v21  }
0x2b: {  	v23 =	vand.u32 $0xFFFF, v18;
	[tilespmem:$0x168E0] =	vst v22  }
0x2c: {  	v24 =	vshrl.u32 v18, $0x10;
	[tilespmem:$0x16870] =	vst v23  }
0x2d: {  	[tilespmem:$0x168F0] =	vst v24  }
0x2e: {  	[tilespmem:s15], [sflag:$0x1] =	stream.indirect.gather [hbm4b:s4+s13], $0x80, s14, s13, $0xb8;
	[tilespmem:$0x1EA00] =	vst v63  }
0x2f: {  	v25 =	vld [tilespmem:$0x14080];
	_ =	sdelay $0x1  }
0x30: {  	v26 =	vld [tilespmem:$0x14090];
	_ =	sdelay $0x1  }
0x31: {  	v27 =	vld [tilespmem:$0x140A0]  }
0x32: {  	v28 =	vand.u32 $0xFFFF, v25  }
0x33: {  	v29 =	vld [tilespmem:$0x140B0];
	v0 =	vshrl.u32 v25, $0x10;
	[tilespmem:$0x16900] =	vst v28  }
0x34: {  	v30 =	vand.u32 $0xFFFF, v26;
	[tilespmem:$0x16980] =	vst v0  }
0x35: {  	v32 =	vld [tilespmem:$0x140C0];
	v31 =	vshrl.u32 v26, $0x10;
	[tilespmem:$0x16910] =	vst v30  }
0x36: {  	v33 =	vand.u32 $0xFFFF, v27;
	[tilespmem:$0x16990] =	vst v31  }
0x37: {  	v35 =	vld [tilespmem:$0x140D0];
	v34 =	vshrl.u32 v27, $0x10;
	[tilespmem:$0x16920] =	vst v33  }
0x38: {  	v36 =	vand.u32 $0xFFFF, v29;
	[tilespmem:$0x169A0] =	vst v34  }
0x39: {  	v38 =	vld [tilespmem:$0x140E0];
	v37 =	vshrl.u32 v29, $0x10;
	[tilespmem:$0x16930] =	vst v36  }
0x3a: {  	v39 =	vand.u32 $0xFFFF, v32;
	[tilespmem:$0x169B0] =	vst v37  }
0x3b: {  	v41 =	vld [tilespmem:$0x140F0];
	v40 =	vshrl.u32 v32, $0x10;
	[tilespmem:$0x16940] =	vst v39  }
0x3c: {  	v42 =	vand.u32 $0xFFFF, v35;
	[tilespmem:$0x169C0] =	vst v40  }
0x3d: {  	v43 =	vshrl.u32 v35, $0x10;
	[tilespmem:$0x16950] =	vst v42  }
0x3e: {  	v44 =	vand.u32 $0xFFFF, v38;
	[tilespmem:$0x169D0] =	vst v43  }
0x3f: {  	v45 =	vshrl.u32 v38, $0x10;
	[tilespmem:$0x16960] =	vst v44  }
0x40: {  	v46 =	vand.u32 $0xFFFF, v41;
	[tilespmem:$0x169E0] =	vst v45  }
0x41: {  	v47 =	vshrl.u32 v41, $0x10;
	[tilespmem:$0x16970] =	vst v46  }
0x42: {  	[tilespmem:$0x169F0] =	vst v47  }
0x43: {  	[tilespmem:s17], [sflag:$0x2] =	stream.indirect.gather [hbm4b:s4+s13], $0x80, s16, s13, $0xb8;
	[tilespmem:$0x1EA00] =	vst v63  }
0x44: {  	_ =	swait.ge [sflag:s18], $0x4000  }
0x45: {  	[sflag:s18] =	ssyncset.done $0x0  }
0x46: {  	[sflag:s18] =	ssyncadd.s32 $0xFFFFC000  }
0x47: {  	[spmem:s2] =	stream.indirect.scatter.add.f32 [tilespmem:s15], [sflag:$0x3], $0x80, s19, s13, $0xb8;
	[tilespmem:$0x1EA00] =	vst v63  }
0x48: {  	_ =	swait.ge [sflag:s20], $0x4000  }
0x49: {  	[sflag:s20] =	ssyncset.done $0x0  }
0x4a: {  	[sflag:s20] =	ssyncadd.s32 $0xFFFFC000  }
0x4b: {  	[spmem:s2] =	stream.indirect.scatter.add.f32 [tilespmem:s17], [sflag:$0x4], $0x80, s21, s13, $0xb8;
	[tilespmem:$0x1EA00] =	vst v63  }
0x4c: {  	_ =	swait.ge [sflag:s22], $0x4000  }
0x4d: {  	[sflag:s22] =	ssyncset.done $0x0  }
0x4e: {  	s25 =	simm.s32 $0x1F0;
	[sflag:s22] =	ssyncadd.s32 $0xFFFFC000  }
0x4f: {  	v48 =	vld [tilespmem:s25+$0x13F10];
	_ =	sdelay $0x4  }
0x50: {  	v49 =	vand.u32 $0xFFFF, v48  }
0x51: {  	v0 =	vshrl.u32 v48, $0x10;
	[tilespmem:$0x16800] =	vst v49  }
0x52: {  	[tilespmem:$0x16880] =	vst v0  }
0x53: {  	v0 =	vld [tilespmem:s25+$0x13F20];
	_ =	sdelay $0x4  }
0x54: {  	v50 =	vand.u32 $0xFFFF, v0  }
0x55: {  	v0 =	vshrl.u32 v0, $0x10;
	[tilespmem:$0x16810] =	vst v50  }
0x56: {  	[tilespmem:$0x16890] =	vst v0  }
0x57: {  	v0 =	vld [tilespmem:s25+$0x13F30];
	_ =	sdelay $0x4  }
0x58: {  	v51 =	vand.u32 $0xFFFF, v0  }
0x59: {  	v0 =	vshrl.u32 v0, $0x10;
	[tilespmem:$0x16820] =	vst v51  }
0x5a: {  	[tilespmem:$0x168A0] =	vst v0  }
0x5b: {  	v0 =	vld [tilespmem:s25+$0x13F40];
	_ =	sdelay $0x4  }
0x5c: {  	v52 =	vand.u32 $0xFFFF, v0  }
0x5d: {  	v0 =	vshrl.u32 v0, $0x10;
	[tilespmem:$0x16830] =	vst v52  }
0x5e: {  	[tilespmem:$0x168B0] =	vst v0  }
0x5f: {  	v0 =	vld [tilespmem:s25+$0x13F50];
	_ =	sdelay $0x4  }
0x60: {  	v53 =	vand.u32 $0xFFFF, v0  }
0x61: {  	v0 =	vshrl.u32 v0, $0x10;
	[tilespmem:$0x16840] =	vst v53  }
0x62: {  	[tilespmem:$0x168C0] =	vst v0  }
0x63: {  	v0 =	vld [tilespmem:s25+$0x13F60];
	_ =	sdelay $0x4  }
0x64: {  	v54 =	vand.u32 $0xFFFF, v0  }
0x65: {  	v0 =	vshrl.u32 v0, $0x10;
	[tilespmem:$0x16850] =	vst v54  }
0x66: {  	[tilespmem:$0x168D0] =	vst v0  }
0x67: {  	v0 =	vld [tilespmem:s25+$0x13F70];
	_ =	sdelay $0x4  }
0x68: {  	v55 =	vand.u32 $0xFFFF, v0  }
0x69: {  	v0 =	vshrl.u32 v0, $0x10;
	[tilespmem:$0x16860] =	vst v55  }
0x6a: {  	[tilespmem:$0x168E0] =	vst v0  }
0x6b: {  	v0 =	vld [tilespmem:s25+$0x13F80];
	_ =	sdelay $0x4  }
0x6c: {  	v56 =	vand.u32 $0xFFFF, v0  }
0x6d: {  	v0 =	vshrl.u32 v0, $0x10;
	[tilespmem:$0x16870] =	vst v56  }
0x6e: {  	[tilespmem:$0x168F0] =	vst v0  }
0x6f: {  	[tilespmem:s15], [sflag:$0x1] =	stream.indirect.gather [hbm4b:s4+s13], $0x80, s14, s13, $0xb8;
	[tilespmem:$0x1EA00] =	vst v63  }
0x70: {  	_ =	swait.ge [sflag:s18], $0x4000  }
0x71: {  	[sflag:s18] =	ssyncset.done $0x0  }
0x72: {  	[sflag:s18] =	ssyncadd.s32 $0xFFFFC000  }
0x73: {  	[spmem:s2] =	stream.indirect.scatter.add.f32 [tilespmem:s15], [sflag:$0x3], $0x80, s19, s13, $0xb8;
	[tilespmem:$0x1EA00] =	vst v63  }
0x74: {  	_ =	swait.ge [sflag:s23], $0x4000  }
0x75: {  	[sflag:s23] =	ssyncset.done $0x0  }
0x76: {  	[sflag:s23] =	ssyncadd.s32 $0xFFFFC000  }
0x77: {  	v57 =	vld [tilespmem:s25+$0x13F90];
	_ =	sdelay $0x4  }
0x78: {  	v58 =	vand.u32 $0xFFFF, v57  }
0x79: {  	v0 =	vshrl.u32 v57, $0x10;
	[tilespmem:$0x16900] =	vst v58  }
0x7a: {  	[tilespmem:$0x16980] =	vst v0  }
0x7b: {  	v0 =	vld [tilespmem:s25+$0x13FA0];
	_ =	sdelay $0x4  }
0x7c: {  	v59 =	vand.u32 $0xFFFF, v0  }
0x7d: {  	v0 =	vshrl.u32 v0, $0x10;
	[tilespmem:$0x16910] =	vst v59  }
0x7e: {  	[tilespmem:$0x16990] =	vst v0  }
0x7f: {  	v0 =	vld [tilespmem:s25+$0x13FB0];
	_ =	sdelay $0x4  }
0x80: {  	v60 =	vand.u32 $0xFFFF, v0  }
0x81: {  	v0 =	vshrl.u32 v0, $0x10;
	[tilespmem:$0x16920] =	vst v60  }
0x82: {  	[tilespmem:$0x169A0] =	vst v0  }
0x83: {  	v0 =	vld [tilespmem:s25+$0x13FC0];
	_ =	sdelay $0x4  }
0x84: {  	v61 =	vand.u32 $0xFFFF, v0  }
0x85: {  	v0 =	vshrl.u32 v0, $0x10;
	[tilespmem:$0x16930] =	vst v61  }
0x86: {  	[tilespmem:$0x169B0] =	vst v0  }
0x87: {  	v0 =	vld [tilespmem:s25+$0x13FD0];
	_ =	sdelay $0x4  }
0x88: {  	v62 =	vand.u32 $0xFFFF, v0  }
0x89: {  	v0 =	vshrl.u32 v0, $0x10;
	[tilespmem:$0x16940] =	vst v62  }
0x8a: {  	[tilespmem:$0x169C0] =	vst v0  }
0x8b: {  	v0 =	vld [tilespmem:s25+$0x13FE0];
	_ =	sdelay $0x4  }
0x8c: {  	v63 =	vand.u32 $0xFFFF, v0  }
0x8d: {  	v0 =	vshrl.u32 v0, $0x10;
	[tilespmem:$0x16950] =	vst v63  }
0x8e: {  	s26 =	simm.s32 $0xBC0;
	[tilespmem:$0x169D0] =	vst v0  }
.LBB2_2:
0x8f: {  	p0 =	sne.s32 s26, $0x9FC0;
	v0 =	vld [tilespmem:s25+$0x13FF0];
	s28 =	smov.u32 s26;
	s26 =	sadd.s32 $0x400, s26  }
0x90: {  	_ =	sdelay $0x3  }
0x91: {  	v1 =	vand.u32 $0xFFFF, v0;
	v0 =	vshrl.u32 v0, $0x10  }
0x92: {  	[tilespmem:$0x16960] =	vst v1  }
0x93: {  	[tilespmem:$0x169E0] =	vst v0  }
0x94: {  	v0 =	vld [tilespmem:s25+$0x14000];
	_ =	sdelay $0x4  }
0x95: {  	v1 =	vand.u32 $0xFFFF, v0;
	v0 =	vshrl.u32 v0, $0x10  }
0x96: {  	[tilespmem:$0x16970] =	vst v1  }
0x97: {  	[tilespmem:$0x169F0] =	vst v0  }
0x98: {  	[tilespmem:s17], [sflag:$0x2] =	stream.indirect.gather [hbm4b:s4+s13], $0x80, s16, s13, $0xb8;
	[tilespmem:$0x1EA00] =	vst v63  }
0x99: {  	_ =	swait.ge [sflag:s20], $0x4000  }
0x9a: {  	[sflag:s20] =	ssyncset.done $0x0  }
0x9b: {  	[sflag:s20] =	ssyncadd.s32 $0xFFFFC000  }
0x9c: {  	[spmem:s2] =	stream.indirect.scatter.add.f32 [tilespmem:s17], [sflag:$0x4], $0x80, s21, s13, $0xb8;
	[tilespmem:$0x1EA00] =	vst v63  }
0x9d: {  	_ =	swait.ge [sflag:s22], $0x4000  }
0x9e: {  	[sflag:s22] =	ssyncset.done $0x0  }
0x9f: {  	s25 =	sshra.s32 s28, $0x2;
	[sflag:s22] =	ssyncadd.s32 $0xFFFFC000  }
0xa0: {  	v0 =	vld [tilespmem:s25+$0x13F10];
	_ =	sdelay $0x4  }
0xa1: {  	v1 =	vand.u32 $0xFFFF, v0;
	v0 =	vshrl.u32 v0, $0x10  }
0xa2: {  	[tilespmem:$0x16800] =	vst v1  }
0xa3: {  	[tilespmem:$0x16880] =	vst v0  }
0xa4: {  	v0 =	vld [tilespmem:s25+$0x13F20];
	_ =	sdelay $0x4  }
0xa5: {  	v1 =	vand.u32 $0xFFFF, v0;
	v0 =	vshrl.u32 v0, $0x10  }
0xa6: {  	[tilespmem:$0x16810] =	vst v1  }
0xa7: {  	[tilespmem:$0x16890] =	vst v0  }
0xa8: {  	v0 =	vld [tilespmem:s25+$0x13F30];
	_ =	sdelay $0x4  }
0xa9: {  	v1 =	vand.u32 $0xFFFF, v0;
	v0 =	vshrl.u32 v0, $0x10  }
0xaa: {  	[tilespmem:$0x16820] =	vst v1  }
0xab: {  	[tilespmem:$0x168A0] =	vst v0  }
0xac: {  	v0 =	vld [tilespmem:s25+$0x13F40];
	_ =	sdelay $0x4  }
0xad: {  	v1 =	vand.u32 $0xFFFF, v0;
	v0 =	vshrl.u32 v0, $0x10  }
0xae: {  	[tilespmem:$0x16830] =	vst v1  }
0xaf: {  	[tilespmem:$0x168B0] =	vst v0  }
0xb0: {  	v0 =	vld [tilespmem:s25+$0x13F50];
	_ =	sdelay $0x4  }
0xb1: {  	v1 =	vand.u32 $0xFFFF, v0;
	v0 =	vshrl.u32 v0, $0x10  }
0xb2: {  	[tilespmem:$0x16840] =	vst v1  }
0xb3: {  	[tilespmem:$0x168C0] =	vst v0  }
0xb4: {  	v0 =	vld [tilespmem:s25+$0x13F60];
	_ =	sdelay $0x4  }
0xb5: {  	v1 =	vand.u32 $0xFFFF, v0;
	v0 =	vshrl.u32 v0, $0x10  }
0xb6: {  	[tilespmem:$0x16850] =	vst v1  }
0xb7: {  	[tilespmem:$0x168D0] =	vst v0  }
0xb8: {  	v0 =	vld [tilespmem:s25+$0x13F70];
	_ =	sdelay $0x4  }
0xb9: {  	v1 =	vand.u32 $0xFFFF, v0;
	v0 =	vshrl.u32 v0, $0x10  }
0xba: {  	[tilespmem:$0x16860] =	vst v1  }
0xbb: {  	[tilespmem:$0x168E0] =	vst v0  }
0xbc: {  	v0 =	vld [tilespmem:s25+$0x13F80];
	_ =	sdelay $0x4  }
0xbd: {  	v1 =	vand.u32 $0xFFFF, v0;
	v0 =	vshrl.u32 v0, $0x10  }
0xbe: {  	[tilespmem:$0x16870] =	vst v1  }
0xbf: {  	[tilespmem:$0x168F0] =	vst v0  }
0xc0: {  	[tilespmem:s15], [sflag:$0x1] =	stream.indirect.gather [hbm4b:s4+s13], $0x80, s14, s13, $0xb8;
	[tilespmem:$0x1EA00] =	vst v63  }
0xc1: {  	_ =	swait.ge [sflag:s18], $0x4000  }
0xc2: {  	[sflag:s18] =	ssyncset.done $0x0  }
0xc3: {  	[sflag:s18] =	ssyncadd.s32 $0xFFFFC000  }
0xc4: {  	[spmem:s2] =	stream.indirect.scatter.add.f32 [tilespmem:s15], [sflag:$0x3], $0x80, s19, s13, $0xb8;
	[tilespmem:$0x1EA00] =	vst v63  }
0xc5: {  	_ =	swait.ge [sflag:s23], $0x4000  }
0xc6: {  	[sflag:s23] =	ssyncset.done $0x0  }
0xc7: {  	[sflag:s23] =	ssyncadd.s32 $0xFFFFC000  }
0xc8: {  	v0 =	vld [tilespmem:s25+$0x13F90];
	_ =	sdelay $0x4  }
0xc9: {  	v1 =	vand.u32 $0xFFFF, v0;
	v0 =	vshrl.u32 v0, $0x10  }
0xca: {  	[tilespmem:$0x16900] =	vst v1  }
0xcb: {  	[tilespmem:$0x16980] =	vst v0  }
0xcc: {  	v0 =	vld [tilespmem:s25+$0x13FA0];
	_ =	sdelay $0x4  }
0xcd: {  	v1 =	vand.u32 $0xFFFF, v0;
	v0 =	vshrl.u32 v0, $0x10  }
0xce: {  	[tilespmem:$0x16910] =	vst v1  }
0xcf: {  	[tilespmem:$0x16990] =	vst v0  }
0xd0: {  	v0 =	vld [tilespmem:s25+$0x13FB0];
	_ =	sdelay $0x4  }
0xd1: {  	v1 =	vand.u32 $0xFFFF, v0;
	v0 =	vshrl.u32 v0, $0x10  }
0xd2: {  	[tilespmem:$0x16920] =	vst v1  }
0xd3: {  	[tilespmem:$0x169A0] =	vst v0  }
0xd4: {  	v0 =	vld [tilespmem:s25+$0x13FC0];
	_ =	sdelay $0x4  }
0xd5: {  	v1 =	vand.u32 $0xFFFF, v0;
	v0 =	vshrl.u32 v0, $0x10  }
0xd6: {  	[tilespmem:$0x16930] =	vst v1  }
0xd7: {  	[tilespmem:$0x169B0] =	vst v0  }
0xd8: {  	v0 =	vld [tilespmem:s25+$0x13FD0];
	_ =	sdelay $0x4  }
0xd9: {  	v1 =	vand.u32 $0xFFFF, v0;
	v0 =	vshrl.u32 v0, $0x10  }
0xda: {  	[tilespmem:$0x16940] =	vst v1  }
0xdb: {  	[tilespmem:$0x169C0] =	vst v0  }
0xdc: {  	v0 =	vld [tilespmem:s25+$0x13FE0];
	_ =	sdelay $0x2  }
.Ltmp0:
0xdd: {  	(pc) =	sbr.rel @p0 .LBB2_2-.Ltmp0, $4  }
0xde: {  	_ = 	snop  }
0xdf: {  	v1 =	vand.u32 $0xFFFF, v0;
	v0 =	vshrl.u32 v0, $0x10  }
0xe0: {  	[tilespmem:$0x16950] =	vst v1  }
0xe1: {  	[tilespmem:$0x169D0] =	vst v0  }
0xe2: {  	v0 =	vld [tilespmem:s25+$0x13FF0];
	_ =	sdelay $0x4  }
0xe3: {  	v1 =	vand.u32 $0xFFFF, v0  }
0xe4: {  	v0 =	vshrl.u32 v0, $0x10;
	[tilespmem:$0x16960] =	vst v1  }
0xe5: {  	[tilespmem:$0x169E0] =	vst v0  }
0xe6: {  	v0 =	vld [tilespmem:s25+$0x14000];
	_ =	sdelay $0x4  }
0xe7: {  	v63 =	vand.u32 $0xFFFF, v0  }
0xe8: {  	v0 =	vshrl.u32 v0, $0x10;
	[tilespmem:$0x16970] =	vst v63  }
0xe9: {  	[tilespmem:$0x169F0] =	vst v0  }
0xea: {  	[tilespmem:s17], [sflag:$0x2] =	stream.indirect.gather [hbm4b:s4+s13], $0x80, s16, s13, $0xb8;
	[tilespmem:$0x1EA00] =	vst v63  }
0xeb: {  	_ =	swait.ge [sflag:s20], $0x4000  }
0xec: {  	[sflag:s20] =	ssyncset.done $0x0  }
0xed: {  	[sflag:s20] =	ssyncadd.s32 $0xFFFFC000  }
0xee: {  	[spmem:s2] =	stream.indirect.scatter.add.f32 [tilespmem:s17], [sflag:$0x4], $0x80, s21, s13, $0xb8;
	[tilespmem:$0x1EA00] =	vst v63  }
0xef: {  	_ =	swait.ge [sflag:s22], $0x4000  }
0xf0: {  	[sflag:s22] =	ssyncset.done $0x0  }
0xf1: {  	[sflag:s22] =	ssyncadd.s32 $0xFFFFC000  }
0xf2: {  	_ =	swait.ge [sflag:s23], $0x4000  }
0xf3: {  	s24 =	sadd.s32 $0x1, s24;
	[sflag:s23] =	ssyncset.done $0x0  }
0xf4: {  	p0 =	sne.s32 s24, s8;
	[sflag:s23] =	ssyncadd.s32 $0xFFFFC000  }
.Ltmp1:
0xf5: {  	[bflag:$0x0] =	sbarrier.arrive $0xFFFF;
	(pc) =	sbr.rel @p0 .LBB2_1-.Ltmp1, $4  }
0xf6: {  	[hbm:s7], [sflag:s11] =	dma.local [spmem:s12], $0x2800  }
0xf7: {  	_ =	swait.ge [sflag:s10], $0x2800  }
0xf8: {  	[sflag:s10] =	ssyncset.done $0x0  }
0xf9: {  	[sflag:s10] =	ssyncadd.s32 $0xFFFFD800  }
0xfa: {  	_ =	sfence.sel $0x180000  }
0xfb: {  	[bflag:$0x0] =	sbarrier.arrive $0xFFFF  }
0xfc: {  	p0 =	sne.s32 s0, $0x0;
	_ =	strace $0x9000004A  }
0xfd: {  	s0 =	sadd.s32 @!p0 $0x100000, s1;
	[bflag:$0x2] =	sbarrier.arrive $0xFFFF  }
0xfe: {  	[sflag:s0] =	ssyncadd.tile.s32 @!p0 $0x1;
	_ =	shalt  }
.Lfunc_end2:
_tile_overlayer_lowered:
.L_overlay_start_2:
0xff: {  	(tag) =	ssettag $0x2  }
0x100: {  	s0 =	rddreg [dreg:$0x0];
	s2 =	stileid.u32  }
0x101: {  	s1 =	rddreg [dreg:$0x1];
	p0 =	sne.s32 s2, $0x0  }
0x102: {  	s3 =	rddreg [dreg:$0x2];
	[bflag:$0x3] =	sbarrier.arrive $0xFFFF;
	s2 =	simm.s32 @!p0 $0x1C05  }
0x103: {  	[timem:s3], [sflag:s2] =	dma.local @!p0 [hbm:s0], s1  }
0x104: {  	s0 =	simm.s32 @!p0 $0x5  }
0x105: {  	_ =	swait.ge @!p0 [sflag:s0], s1  }
0x106: {  	s1 =	ssub.s32 @!p0 $0x0, s1;
	[sflag:s0] =	ssyncset.done @!p0 $0x0  }
0x107: {  	[sflag:s0] =	ssyncadd.s32 @!p0 s1  }
0x108: {  	[bflag:$0x3] =	sbarrier.arrive $0xFFFF  }
0x109: {  	_ =	shalt  }

// kernel: kernel.16.cloned.1.call-start
scs
__scs_entry_jumppad:
0x0: {  	(pc) =	sbr.rel $0x88, $3  }
0x1: {  	(tag) =	ssettag $0x0;
	lr =	simm.s32 $0x1  }
0x2: {  	[smem:$0x3F96] =	sst lr;
	_ =	strace $0xD0000000  }
0x3: {  	_ = 	snop  }
0x4: {  	_ = 	snop  }
0x5: {  	_ = 	snop  }
0x6: {  	_ = 	snop  }
0x7: {  	_ = 	snop  }
__scs_overlays_trampoline_lowered:
0x8: {  	[smem:$0x3FA5] =	sst s0  }
0x9: {  	[smem:$0x3FA6] =	sst s1  }
0xa: {  	[smem:$0x3FA7] =	sst s2  }
0xb: {  	[smem:$0x3FA8] =	sst s3  }
0xc: {  	[smem:$0x3FA9] =	sst s4  }
0xd: {  	[smem:$0x3FAA] =	sst s5  }
0xe: {  	[smem:$0x3FAB] =	sst s6  }
0xf: {  	[smem:$0x3FAC] =	sst s7  }
0x10: {  	[smem:$0x3FAD] =	sst s8  }
0x11: {  	[smem:$0x3FAE] =	sst s9;
	s0 =	simm.s32 @!p0 $0x0  }
0x12: {  	s1 =	sld [smem:$0x3F94];
	s0 =	simm.s32 @p0 $0x1  }
0x13: {  	[smem:$0x3FAF] =	sst s0;
	s0 =	simm.s32 @!p1 $0x0  }
0x14: {  	s2 =	sld [smem:$0x3F93];
	s0 =	simm.s32 @p1 $0x1  }
0x15: {  	[smem:$0x3FB0] =	sst s0;
	s0 =	simm.s32 @!p2 $0x0  }
0x16: {  	s3 =	sld [smem:$0x3FDB];
	s0 =	simm.s32 @p2 $0x1  }
0x17: {  	s4 =	simm.s32 $0x1BF5;
	[smem:$0x3FB2] =	sst s0  }
0x18: {  	s0 =	sld [smem:$0x3F95];
	_ =	swait.ge [sflag:s4], $0x0  }
0x19: {  	s7 =	sld [smem:$0x3F96]  }
0x1a: {  	s8 =	sadd.s32 $0xFFFFE003, lr  }
0x1b: {  	s9 =	sadd.s32 $0xFFFFFEF7, lr;
	s5 =	simm.s32 $0xFFFFFFFF;
	p2 =	slt.u32 s8, $0xFFFFF086  }
0x1c: {  	p1 =	slt.u32 s9, $0xF7A;
	s5 =	simm.s32 @!p2 $0x0  }
0x1d: {  	s5 =	simm.s32 @p1 $0x1;
	p0 =	seq.s32 s7, s2  }
0x1e: {  	s7 =	smul.u32 @!p0 $0xF7A, s2;
	p2 =	seq.s32 @!p0 s5, $0x0  }
0x1f: {  	s9 =	smul.u32 $0xF7A, s1;
	s8 =	simm.s32 @!p0 $0x1BF5;
	p2 =	por !p2, p0  }
0x20: {  	[sflag:s8] =	ssyncset.s32 @!p0 $0xFFFFF086;
	s6 =	sadd.s32 @!p0 s3, s7;
	s7 =	simm.s32 @!p0 $0x108  }
0x21: {  	s3 =	sadd.s32 s3, s9;
	s6 =	sadd.s32 @!p0 $0x88, s6;
	s7 =	simm.s32 @p2 $0x1082  }
0x22: {  	[simem:s7], [sflag:s8] =	dma.local @!p0 [hbm:s6], $0xF7A  }
0x23: {  	s9 =	sor.u32 $0xD0000000, s2;
	s6 =	simm.s32 $0x108;
	_ =	swait.ge @!p0 [sflag:s8], $0x0  }
0x24: {  	s3 =	sadd.s32 $0x88, s3;
	s6 =	simm.s32 @!p1 $0x1082;
	[sflag:s4] =	ssyncset.s32 $0xFFFFF086  }
0x25: {  	[simem:s6], [sflag:s4] =	dma.local [hbm:s3], $0xF7A  }
0x26: {  	[smem:$0x3F96] =	sst s1;
	(tag) =	ssettag s2;
	_ =	strace s9  }
0x27: {  	s1 =	sld [smem:$0x3FA6]  }
0x28: {  	s2 =	sld [smem:$0x3FA7]  }
0x29: {  	s4 =	sld [smem:$0x3FA9]  }
0x2a: {  	p0 =	seq.s32 s5, $0x0;
	s5 =	sld [smem:$0x3FAA]  }
0x2b: {  	s6 =	sld [smem:$0x3FAB]  }
0x2c: {  	s7 =	sld [smem:$0x3FAC]  }
0x2d: {  	s3 =	simm.s32 $0x108;
	s8 =	sld [smem:$0x3FAD]  }
0x2e: {  	s3 =	simm.s32 @!p0 $0x1082;
	s9 =	sld [smem:$0x3FAE]  }
0x2f: {  	lr =	sadd.s32 s0, s3;
	s0 =	sld [smem:$0x3FA5]  }
0x30: {  	s3 =	sld [smem:$0x3FA8]  }
0x31: {  	[smem:$0x3FB1] =	sst s10  }
0x32: {  	s10 =	sld [smem:$0x3FAF];
	_ =	sdelay $0x3  }
0x33: {  	p0 =	seq.s32 s10, $0x1;
	s10 =	sld [smem:$0x3FB1];
	_ =	sdelay $0x3  }
0x34: {  	[smem:$0x3FB1] =	sst s10  }
0x35: {  	s10 =	sld [smem:$0x3FB0];
	_ =	sdelay $0x3  }
0x36: {  	p1 =	seq.s32 s10, $0x1;
	s10 =	sld [smem:$0x3FB1];
	_ =	sdelay $0x3  }
0x37: {  	[smem:$0x3FB1] =	sst s10  }
0x38: {  	s10 =	sld [smem:$0x3FB2]  }
0x39: {  	_ = 	snop;
	(pc) =	sbr.ind lr, $3  }
0x3a: {  	_ = 	snop  }
0x3b: {  	_ = 	snop  }
0x3c: {  	p2 =	seq.s32 s10, $0x1;
	s10 =	sld [smem:$0x3FB1]  }
0x3d: {  	_ =	shalt  }
0x3e: {  	_ =	shalt  }
0x3f: {  	_ =	shalt  }
0x40: {  	_ =	shalt  }
0x41: {  	_ =	shalt  }
0x42: {  	_ =	shalt  }
0x43: {  	_ =	shalt  }
0x44: {  	_ =	shalt  }
0x45: {  	_ =	shalt  }
0x46: {  	_ =	shalt  }
0x47: {  	_ =	shalt  }
0x48: {  	_ =	shalt  }
0x49: {  	_ =	shalt  }
0x4a: {  	_ =	shalt  }
0x4b: {  	_ =	shalt  }
0x4c: {  	_ =	shalt  }
0x4d: {  	_ =	shalt  }
0x4e: {  	_ =	shalt  }
0x4f: {  	_ =	shalt  }
0x50: {  	_ =	shalt  }
0x51: {  	_ =	shalt  }
0x52: {  	_ =	shalt  }
0x53: {  	_ =	shalt  }
0x54: {  	_ =	shalt  }
0x55: {  	_ =	shalt  }
0x56: {  	_ =	shalt  }
0x57: {  	_ =	shalt  }
0x58: {  	_ =	shalt  }
0x59: {  	_ =	shalt  }
0x5a: {  	_ =	shalt  }
0x5b: {  	_ =	shalt  }
0x5c: {  	_ =	shalt  }
0x5d: {  	_ =	shalt  }
0x5e: {  	_ =	shalt  }
0x5f: {  	_ =	shalt  }
0x60: {  	_ =	shalt  }
0x61: {  	_ =	shalt  }
0x62: {  	_ =	shalt  }
0x63: {  	_ =	shalt  }
0x64: {  	_ =	shalt  }
0x65: {  	_ =	shalt  }
0x66: {  	_ =	shalt  }
0x67: {  	_ =	shalt  }
0x68: {  	_ =	shalt  }
0x69: {  	_ =	shalt  }
0x6a: {  	_ =	shalt  }
0x6b: {  	_ =	shalt  }
0x6c: {  	_ =	shalt  }
0x6d: {  	_ =	shalt  }
0x6e: {  	_ =	shalt  }
0x6f: {  	_ =	shalt  }
0x70: {  	_ =	shalt  }
0x71: {  	_ =	shalt  }
0x72: {  	_ =	shalt  }
0x73: {  	_ =	shalt  }
0x74: {  	_ =	shalt  }
0x75: {  	_ =	shalt  }
0x76: {  	_ =	shalt  }
0x77: {  	_ =	shalt  }
0x78: {  	_ =	shalt  }
0x79: {  	_ =	shalt  }
0x7a: {  	_ =	shalt  }
0x7b: {  	_ =	shalt  }
0x7c: {  	_ =	shalt  }
0x7d: {  	_ =	shalt  }
0x7e: {  	_ =	shalt  }
0x7f: {  	_ =	shalt  }
0x80: {  	_ =	shalt  }
0x81: {  	_ =	shalt  }
0x82: {  	_ =	shalt  }
0x83: {  	_ =	shalt  }
0x84: {  	_ =	shalt  }
0x85: {  	_ =	shalt  }
0x86: {  	_ =	shalt  }
0x87: {  	_ =	shalt  }
.Lfunc_end0:
.L_simem_size_0:
called_computation.2_lowered:
.L_overlay_start_0:
0x88: {  	s2 =	sld [smem:$0x3FD9]  }
0x89: {  	s3 =	sld [smem:$0x3FFE];
	_ =	sdelay $0x1  }
0x8a: {  	s1 =	srdreg.scid  }
0x8b: {  	s0 =	sand.u32 $0x1, s1  }
0x8c: {  	s16 =	sshll.u32 s0, $0xA;
	s2 =	sadd.s32 s3, s2  }
0x8d: {  	s2 =	sadd.s32 s2, s16  }
0x8e: {  	[smem:$0x3FBD] =	sst s2  }
0x8f: {  	_ = 	snop  }
0x90: {  	(tm) =	ssettm $0x1  }
0x91: {  	s17 =	sld [smem:$0x3FFB];
	_ =	sdelay $0x3  }
0x92: {  	_ =	strace s17  }
0x93: {  	s2 =	sld [smem:$0x3FFC];
	_ =	sdelay $0x3  }
0x94: {  	_ =	strace s2  }
0x95: {  	s2 =	sld [smem:$0x3FFD];
	_ =	sdelay $0x3  }
0x96: {  	_ =	strace s2  }
0x97: {  	_ =	strace $0x8FFFFFFF  }
0x98: {  	s18 =	sld [smem:$0x3FDB];
	_ =	sdelay $0x1  }
0x99: {  	s19 =	simm.s32 $_scs_section_size  }
0x9a: {  	s4 =	simm.s32 $_size__tile_overlayer_lowered;
	s5 =	simm.s32 $_tile_overlayer_lowered  }
0x9b: {  	s22 =	simm.s32 $0x1BFF;
	s21 =	sshll.u32 s5, $0x1;
	s2 =	sadd.s32 s19, s18  }
0x9c: {  	s6 =	simm.s32 $0x0;
	s20 =	sshll.u32 s4, $0x1;
	s4 =	sadd.s32 s21, s2  }
0x9d: {  	[timem:s6], [sflag:s22] =	dma.local [hbm:s4], s20  }
0x9e: {  	_ =	swait.ge [sflag:s22], s20  }
0x9f: {  	s3 =	ssub.s32 $0x0, s20;
	[sflag:s22] =	ssyncset.done $0x0  }
0xa0: {  	[sflag:s22] =	ssyncadd.s32 s3;
	_ =	sdelay $0x1  }
0xa1: {  	s23 =	simm.s32 $0x1B8B  }
0xa2: {  	_ =	swait.ge [sflag:s23], $0x1  }
0xa3: {  	[sflag:s23] =	ssyncset.done $0x0  }
0xa4: {  	s25 =	simm.s32 $0x1B8E;
	s24 =	sld [smem:$0x3FFE];
	[sflag:s23] =	ssyncadd.s32 $0xFFFFFFFF  }
0xa5: {  	s26 =	simm.s32 $execute0_lowered;
	[smem:$0x3FD2] =	sst s25  }
0xa6: {  	s4 =	sshll.u32 s26, $0x1;
	_ =	strace $0x8000004C;
	[dreg:$0x1] =	wrdreg $0xFFFFFFFF  }
0xa7: {  	s28 =	simm.s32 $_size_execute0_lowered;
	s2 =	sadd.s32 s2, s4;
	[dreg:$0x0] =	wrdreg $0x0  }
0xa8: {  	s4 =	sshll.u32 s28, $0x1;
	[dreg:$0x2] =	wrdreg s2  }
0xa9: {  	[dreg:$0x3] =	wrdreg s4  }
0xaa: {  	[dreg:$0x4] =	wrdreg $0xC0  }
0xab: {  	_ =	task [dreg:s6], $0x5FFFF  }
0xac: {  	[dreg:$0x1] =	wrdreg $0xFFFFFFFF  }
0xad: {  	[dreg:$0x0] =	wrdreg $0x60  }
0xae: {  	[dreg:$0x2] =	wrdreg s24  }
0xaf: {  	[dreg:$0x3] =	wrdreg $0x0  }
0xb0: {  	[dreg:$0x4] =	wrdreg $0x9  }
0xb1: {  	_ =	task.clear_ibuf [dreg:s6], $0x5FFFF;
	_ =	strace $0x9000004C  }
0xb2: {  	s29 =	simm.s32 $0x9;
	_ =	strace $0x8000004E  }
0xb3: {  	_ =	swait.ge [sflag:s29], $0x1  }
0xb4: {  	[sflag:s29] =	ssyncadd.s32 $0xFFFFFFFF  }
0xb5: {  	_ =	strace $0x9000004E  }
0xb6: {  	_ =	sfence  }
0xb7: {  	s30 =	sld [smem:$0x0];
	_ =	sdelay $0x2  }
0xb8: {  	s31 =	sshll.u32 s1, $0xD;
	s1 =	sshrl.u32 s1, $0x2  }
0xb9: {  	s3 =	sand.u32 $0x4000, s31;
	s1 =	sadd.s32 s1, s30  }
0xba: {  	s0 =	sor.u32 s3, s0;
	s1 =	sshll.u32 s1, $0x11  }
0xbb: {  	s0 =	sor.u32 s1, s0  }
0xbc: {  	s0 =	sadd.s32 $0x8F2B, s0  }
0xbd: {  	[sflag:s0] =	ssyncadd.remote.s32 $0x1  }
0xbe: {  	_ =	sfence.sel $0xFFFF  }
0xbf: {  	[dreg:$0x0] =	wrdreg $0xFFFFFFFF;
	(pc) =	sbr.abs _section_cstart, $3  }
0xc0: {  	[dreg:$0x1] =	wrdreg $0xFFFFFFFF  }
0xc1: {  	_ =	task.clear_ibuf [dreg:s6], $0x2FFFF;
	_ =	strace $0x9FFFFFFF  }
0xc2: {  	(tm) =	ssettm $0x7FFFFFFF  }
0xc3: {  	_ =	shalt  }
tec
execute0_lowered:
.L_overlay_start_1:
0x0: {  	(tag) =	ssettag $0x1  }
0x1: {  	s6 =	rddreg [dreg:$0x0]  }
0x2: {  	s0 =	srdreg.scid;
	s2 =	rddreg [dreg:$0x1];
	s3 =	simm.s32 $0x0  }
0x3: {  	s13 =	simm.s32 $0x80;
	s14 =	simm.s32 $0x16800;
	s15 =	simm.s32 $0x16A00  }
0x4: {  	s16 =	simm.s32 $0x16900;
	s17 =	simm.s32 $0x1AA00;
	s18 =	simm.s32 $0x1  }
0x5: {  	s19 =	simm.s32 $0x16880;
	s20 =	simm.s32 $0x2;
	s21 =	simm.s32 $0x16980  }
0x6: {  	s22 =	simm.s32 $0x3;
	s23 =	simm.s32 $0x4;
	s5 =	sand.u32 $0x1, s0  }
0x7: {  	s24 =	simm.s32 $0x0;
	s0 =	stileid.u32;
	s8 =	smul.u32 $0x140000, s5  }
0x8: {  	[smem:$0x7FF] =	sst s3;
	s4 =	sadd.s32 $0x17E00, s6;
	s9 =	smul.u32 $0x14000, s0  }
0x9: {  	s1 =	sshll.u32 s5, $0x4;
	s30 =	ssub.s32 $0x2, s5;
	s10 =	smul.u32 $0x50000, s0  }
0xa: {  	s5 =	sadd.s32 $0x3E00, s6;
	s31 =	sshll.u32 s0, $0x6;
	s1 =	sor.u32 s0, s1  }
0xb: {  	s11 =	sshrl.u32 s30, $0x1;
	s7 =	smul.u32 $0x500, s1;
	s1 =	rddreg [dreg:$0x2]  }
0xc: {  	_ =	strace $0x8000004D;
	s8 =	sadd.s32 s9, s8;
	s9 =	ssub.s32 s30, s11  }
0xd: {  	s10 =	sshrl.u32 s10, $0x2;
	s11 =	sor.u32 $0x1C05, s31;
	s8 =	sshrl.u32 s8, $0x3  }
0xe: {  	s12 =	sadd.s32 s10, s2;
	s10 =	simm.s32 $0x5;
	s7 =	sadd.s32 s7, s6  }
0xf: {  	s8 =	sadd.s32 s8, s6;
	s12 =	sshrl.u32 s12, $0x3;
	s6 =	sadd.s32 $0xDE00, s7  }
0x10: {  	s7 =	sadd.s32 $0x3FE00, s8;
	s8 =	smax.u32 s9, $0x1;
	s9 =	simm.s32 $0x14000  }
.LBB2_1:
0x11: {  	[tilespmem:s9], [sflag:$0x5] =	stream.linear.gather [hbm4b:s6+s3], $0x2800, $0x38;
	[tilespmem:$0x1EA00] =	vst v63  }
0x12: {  	_ =	swait.ge [sflag:s10], $0x2800  }
0x13: {  	[sflag:s10] =	ssyncset.done $0x0  }
0x14: {  	[sflag:s10] =	ssyncadd.s32 $0xFFFFD800  }
0x15: {  	[spmem:s12], [sflag:s11] =	dma.local [hbm:s5], $0x2800  }
0x16: {  	_ =	swait.ge [sflag:s10], $0x2800  }
0x17: {  	[sflag:s10] =	ssyncset.done $0x0  }
0x18: {  	[sflag:s10] =	ssyncadd.s32 $0xFFFFD800  }
0x19: {  	[bflag:$0x0] =	sbarrier.arrive $0xFFFF  }
0x1a: {  	v0 =	vld [tilespmem:$0x14000];
	_ =	sdelay $0x1  }
0x1b: {  	v1 =	vld [tilespmem:$0x14010];
	_ =	sdelay $0x1  }
0x1c: {  	v2 =	vld [tilespmem:$0x14020]  }
0x1d: {  	v3 =	vand.u32 $0xFFFF, v0  }
0x1e: {  	v6 =	vld [tilespmem:$0x14030];
	v0 =	vshrl.u32 v0, $0x10;
	[tilespmem:$0x16800] =	vst v3  }
0x1f: {  	v7 =	vand.u32 $0xFFFF, v1;
	[tilespmem:$0x16880] =	vst v0  }
0x20: {  	v9 =	vld [tilespmem:$0x14040];
	v8 =	vshrl.u32 v1, $0x10;
	[tilespmem:$0x16810] =	vst v7  }
0x21: {  	v10 =	vand.u32 $0xFFFF, v2;
	[tilespmem:$0x16890] =	vst v8  }
0x22: {  	v12 =	vld [tilespmem:$0x14050];
	v11 =	vshrl.u32 v2, $0x10;
	[tilespmem:$0x16820] =	vst v10  }
0x23: {  	v13 =	vand.u32 $0xFFFF, v6;
	[tilespmem:$0x168A0] =	vst v11  }
0x24: {  	v15 =	vld [tilespmem:$0x14060];
	v14 =	vshrl.u32 v6, $0x10;
	[tilespmem:$0x16830] =	vst v13  }
0x25: {  	v16 =	vand.u32 $0xFFFF, v9;
	[tilespmem:$0x168B0] =	vst v14  }
0x26: {  	v18 =	vld [tilespmem:$0x14070];
	v17 =	vshrl.u32 v9, $0x10;
	[tilespmem:$0x16840] =	vst v16  }
0x27: {  	v19 =	vand.u32 $0xFFFF, v12;
	[tilespmem:$0x168C0] =	vst v17  }
0x28: {  	v20 =	vshrl.u32 v12, $0x10;
	[tilespmem:$0x16850] =	vst v19  }
0x29: {  	v21 =	vand.u32 $0xFFFF, v15;
	[tilespmem:$0x168D0] =	vst v20  }
0x2a: {  	v22 =	vshrl.u32 v15, $0x10;
	[tilespmem:$0x16860] =	vst v21  }
0x2b: {  	v23 =	vand.u32 $0xFFFF, v18;
	[tilespmem:$0x168E0] =	vst v22  }
0x2c: {  	v24 =	vshrl.u32 v18, $0x10;
	[tilespmem:$0x16870] =	vst v23  }
0x2d: {  	[tilespmem:$0x168F0] =	vst v24  }
0x2e: {  	[tilespmem:s15], [sflag:$0x1] =	stream.indirect.gather [hbm4b:s4+s13], $0x80, s14, s13, $0xb8;
	[tilespmem:$0x1EA00] =	vst v63  }
0x2f: {  	v25 =	vld [tilespmem:$0x14080];
	_ =	sdelay $0x1  }
0x30: {  	v26 =	vld [tilespmem:$0x14090];
	_ =	sdelay $0x1  }
0x31: {  	v27 =	vld [tilespmem:$0x140A0]  }
0x32: {  	v28 =	vand.u32 $0xFFFF, v25  }
0x33: {  	v29 =	vld [tilespmem:$0x140B0];
	v0 =	vshrl.u32 v25, $0x10;
	[tilespmem:$0x16900] =	vst v28  }
0x34: {  	v30 =	vand.u32 $0xFFFF, v26;
	[tilespmem:$0x16980] =	vst v0  }
0x35: {  	v32 =	vld [tilespmem:$0x140C0];
	v31 =	vshrl.u32 v26, $0x10;
	[tilespmem:$0x16910] =	vst v30  }
0x36: {  	v33 =	vand.u32 $0xFFFF, v27;
	[tilespmem:$0x16990] =	vst v31  }
0x37: {  	v35 =	vld [tilespmem:$0x140D0];
	v34 =	vshrl.u32 v27, $0x10;
	[tilespmem:$0x16920] =	vst v33  }
0x38: {  	v36 =	vand.u32 $0xFFFF, v29;
	[tilespmem:$0x169A0] =	vst v34  }
0x39: {  	v38 =	vld [tilespmem:$0x140E0];
	v37 =	vshrl.u32 v29, $0x10;
	[tilespmem:$0x16930] =	vst v36  }
0x3a: {  	v39 =	vand.u32 $0xFFFF, v32;
	[tilespmem:$0x169B0] =	vst v37  }
0x3b: {  	v41 =	vld [tilespmem:$0x140F0];
	v40 =	vshrl.u32 v32, $0x10;
	[tilespmem:$0x16940] =	vst v39  }
0x3c: {  	v42 =	vand.u32 $0xFFFF, v35;
	[tilespmem:$0x169C0] =	vst v40  }
0x3d: {  	v43 =	vshrl.u32 v35, $0x10;
	[tilespmem:$0x16950] =	vst v42  }
0x3e: {  	v44 =	vand.u32 $0xFFFF, v38;
	[tilespmem:$0x169D0] =	vst v43  }
0x3f: {  	v45 =	vshrl.u32 v38, $0x10;
	[tilespmem:$0x16960] =	vst v44  }
0x40: {  	v46 =	vand.u32 $0xFFFF, v41;
	[tilespmem:$0x169E0] =	vst v45  }
0x41: {  	v47 =	vshrl.u32 v41, $0x10;
	[tilespmem:$0x16970] =	vst v46  }
0x42: {  	[tilespmem:$0x169F0] =	vst v47  }
0x43: {  	[tilespmem:s17], [sflag:$0x2] =	stream.indirect.gather [hbm4b:s4+s13], $0x80, s16, s13, $0xb8;
	[tilespmem:$0x1EA00] =	vst v63  }
0x44: {  	_ =	swait.ge [sflag:s18], $0x4000  }
0x45: {  	[sflag:s18] =	ssyncset.done $0x0  }
0x46: {  	[sflag:s18] =	ssyncadd.s32 $0xFFFFC000  }
0x47: {  	[spmem:s2] =	stream.indirect.scatter.add.f32 [tilespmem:s15], [sflag:$0x3], $0x80, s19, s13, $0xb8;
	[tilespmem:$0x1EA00] =	vst v63  }
0x48: {  	_ =	swait.ge [sflag:s20], $0x4000  }
0x49: {  	[sflag:s20] =	ssyncset.done $0x0  }
0x4a: {  	[sflag:s20] =	ssyncadd.s32 $0xFFFFC000  }
0x4b: {  	[spmem:s2] =	stream.indirect.scatter.add.f32 [tilespmem:s17], [sflag:$0x4], $0x80, s21, s13, $0xb8;
	[tilespmem:$0x1EA00] =	vst v63  }
0x4c: {  	_ =	swait.ge [sflag:s22], $0x4000  }
0x4d: {  	[sflag:s22] =	ssyncset.done $0x0  }
0x4e: {  	s25 =	simm.s32 $0x1F0;
	[sflag:s22] =	ssyncadd.s32 $0xFFFFC000  }
0x4f: {  	v48 =	vld [tilespmem:s25+$0x13F10];
	_ =	sdelay $0x4  }
0x50: {  	v49 =	vand.u32 $0xFFFF, v48  }
0x51: {  	v0 =	vshrl.u32 v48, $0x10;
	[tilespmem:$0x16800] =	vst v49  }
0x52: {  	[tilespmem:$0x16880] =	vst v0  }
0x53: {  	v0 =	vld [tilespmem:s25+$0x13F20];
	_ =	sdelay $0x4  }
0x54: {  	v50 =	vand.u32 $0xFFFF, v0  }
0x55: {  	v0 =	vshrl.u32 v0, $0x10;
	[tilespmem:$0x16810] =	vst v50  }
0x56: {  	[tilespmem:$0x16890] =	vst v0  }
0x57: {  	v0 =	vld [tilespmem:s25+$0x13F30];
	_ =	sdelay $0x4  }
0x58: {  	v51 =	vand.u32 $0xFFFF, v0  }
0x59: {  	v0 =	vshrl.u32 v0, $0x10;
	[tilespmem:$0x16820] =	vst v51  }
0x5a: {  	[tilespmem:$0x168A0] =	vst v0  }
0x5b: {  	v0 =	vld [tilespmem:s25+$0x13F40];
	_ =	sdelay $0x4  }
0x5c: {  	v52 =	vand.u32 $0xFFFF, v0  }
0x5d: {  	v0 =	vshrl.u32 v0, $0x10;
	[tilespmem:$0x16830] =	vst v52  }
0x5e: {  	[tilespmem:$0x168B0] =	vst v0  }
0x5f: {  	v0 =	vld [tilespmem:s25+$0x13F50];
	_ =	sdelay $0x4  }
0x60: {  	v53 =	vand.u32 $0xFFFF, v0  }
0x61: {  	v0 =	vshrl.u32 v0, $0x10;
	[tilespmem:$0x16840] =	vst v53  }
0x62: {  	[tilespmem:$0x168C0] =	vst v0  }
0x63: {  	v0 =	vld [tilespmem:s25+$0x13F60];
	_ =	sdelay $0x4  }
0x64: {  	v54 =	vand.u32 $0xFFFF, v0  }
0x65: {  	v0 =	vshrl.u32 v0, $0x10;
	[tilespmem:$0x16850] =	vst v54  }
0x66: {  	[tilespmem:$0x168D0] =	vst v0  }
0x67: {  	v0 =	vld [tilespmem:s25+$0x13F70];
	_ =	sdelay $0x4  }
0x68: {  	v55 =	vand.u32 $0xFFFF, v0  }
0x69: {  	v0 =	vshrl.u32 v0, $0x10;
	[tilespmem:$0x16860] =	vst v55  }
0x6a: {  	[tilespmem:$0x168E0] =	vst v0  }
0x6b: {  	v0 =	vld [tilespmem:s25+$0x13F80];
	_ =	sdelay $0x4  }
0x6c: {  	v56 =	vand.u32 $0xFFFF, v0  }
0x6d: {  	v0 =	vshrl.u32 v0, $0x10;
	[tilespmem:$0x16870] =	vst v56  }
0x6e: {  	[tilespmem:$0x168F0] =	vst v0  }
0x6f: {  	[tilespmem:s15], [sflag:$0x1] =	stream.indirect.gather [hbm4b:s4+s13], $0x80, s14, s13, $0xb8;
	[tilespmem:$0x1EA00] =	vst v63  }
0x70: {  	_ =	swait.ge [sflag:s18], $0x4000  }
0x71: {  	[sflag:s18] =	ssyncset.done $0x0  }
0x72: {  	[sflag:s18] =	ssyncadd.s32 $0xFFFFC000  }
0x73: {  	[spmem:s2] =	stream.indirect.scatter.add.f32 [tilespmem:s15], [sflag:$0x3], $0x80, s19, s13, $0xb8;
	[tilespmem:$0x1EA00] =	vst v63  }
0x74: {  	_ =	swait.ge [sflag:s23], $0x4000  }
0x75: {  	[sflag:s23] =	ssyncset.done $0x0  }
0x76: {  	[sflag:s23] =	ssyncadd.s32 $0xFFFFC000  }
0x77: {  	v57 =	vld [tilespmem:s25+$0x13F90];
	_ =	sdelay $0x4  }
0x78: {  	v58 =	vand.u32 $0xFFFF, v57  }
0x79: {  	v0 =	vshrl.u32 v57, $0x10;
	[tilespmem:$0x16900] =	vst v58  }
0x7a: {  	[tilespmem:$0x16980] =	vst v0  }
0x7b: {  	v0 =	vld [tilespmem:s25+$0x13FA0];
	_ =	sdelay $0x4  }
0x7c: {  	v59 =	vand.u32 $0xFFFF, v0  }
0x7d: {  	v0 =	vshrl.u32 v0, $0x10;
	[tilespmem:$0x16910] =	vst v59  }
0x7e: {  	[tilespmem:$0x16990] =	vst v0  }
0x7f: {  	v0 =	vld [tilespmem:s25+$0x13FB0];
	_ =	sdelay $0x4  }
0x80: {  	v60 =	vand.u32 $0xFFFF, v0  }
0x81: {  	v0 =	vshrl.u32 v0, $0x10;
	[tilespmem:$0x16920] =	vst v60  }
0x82: {  	[tilespmem:$0x169A0] =	vst v0  }
0x83: {  	v0 =	vld [tilespmem:s25+$0x13FC0];
	_ =	sdelay $0x4  }
0x84: {  	v61 =	vand.u32 $0xFFFF, v0  }
0x85: {  	v0 =	vshrl.u32 v0, $0x10;
	[tilespmem:$0x16930] =	vst v61  }
0x86: {  	[tilespmem:$0x169B0] =	vst v0  }
0x87: {  	v0 =	vld [tilespmem:s25+$0x13FD0];
	_ =	sdelay $0x4  }
0x88: {  	v62 =	vand.u32 $0xFFFF, v0  }
0x89: {  	v0 =	vshrl.u32 v0, $0x10;
	[tilespmem:$0x16940] =	vst v62  }
0x8a: {  	[tilespmem:$0x169C0] =	vst v0  }
0x8b: {  	v0 =	vld [tilespmem:s25+$0x13FE0];
	_ =	sdelay $0x4  }
0x8c: {  	v63 =	vand.u32 $0xFFFF, v0  }
0x8d: {  	v0 =	vshrl.u32 v0, $0x10;
	[tilespmem:$0x16950] =	vst v63  }
0x8e: {  	s26 =	simm.s32 $0xBC0;
	[tilespmem:$0x169D0] =	vst v0  }
.LBB2_2:
0x8f: {  	p0 =	sne.s32 s26, $0x9FC0;
	v0 =	vld [tilespmem:s25+$0x13FF0];
	s28 =	smov.u32 s26;
	s26 =	sadd.s32 $0x400, s26  }
0x90: {  	_ =	sdelay $0x3  }
0x91: {  	v1 =	vand.u32 $0xFFFF, v0;
	v0 =	vshrl.u32 v0, $0x10  }
0x92: {  	[tilespmem:$0x16960] =	vst v1  }
0x93: {  	[tilespmem:$0x169E0] =	vst v0  }
0x94: {  	v0 =	vld [tilespmem:s25+$0x14000];
	_ =	sdelay $0x4  }
0x95: {  	v1 =	vand.u32 $0xFFFF, v0;
	v0 =	vshrl.u32 v0, $0x10  }
0x96: {  	[tilespmem:$0x16970] =	vst v1  }
0x97: {  	[tilespmem:$0x169F0] =	vst v0  }
0x98: {  	[tilespmem:s17], [sflag:$0x2] =	stream.indirect.gather [hbm4b:s4+s13], $0x80, s16, s13, $0xb8;
	[tilespmem:$0x1EA00] =	vst v63  }
0x99: {  	_ =	swait.ge [sflag:s20], $0x4000  }
0x9a: {  	[sflag:s20] =	ssyncset.done $0x0  }
0x9b: {  	[sflag:s20] =	ssyncadd.s32 $0xFFFFC000  }
0x9c: {  	[spmem:s2] =	stream.indirect.scatter.add.f32 [tilespmem:s17], [sflag:$0x4], $0x80, s21, s13, $0xb8;
	[tilespmem:$0x1EA00] =	vst v63  }
0x9d: {  	_ =	swait.ge [sflag:s22], $0x4000  }
0x9e: {  	[sflag:s22] =	ssyncset.done $0x0  }
0x9f: {  	s25 =	sshra.s32 s28, $0x2;
	[sflag:s22] =	ssyncadd.s32 $0xFFFFC000  }
0xa0: {  	v0 =	vld [tilespmem:s25+$0x13F10];
	_ =	sdelay $0x4  }
0xa1: {  	v1 =	vand.u32 $0xFFFF, v0;
	v0 =	vshrl.u32 v0, $0x10  }
0xa2: {  	[tilespmem:$0x16800] =	vst v1  }
0xa3: {  	[tilespmem:$0x16880] =	vst v0  }
0xa4: {  	v0 =	vld [tilespmem:s25+$0x13F20];
	_ =	sdelay $0x4  }
0xa5: {  	v1 =	vand.u32 $0xFFFF, v0;
	v0 =	vshrl.u32 v0, $0x10  }
0xa6: {  	[tilespmem:$0x16810] =	vst v1  }
0xa7: {  	[tilespmem:$0x16890] =	vst v0  }
0xa8: {  	v0 =	vld [tilespmem:s25+$0x13F30];
	_ =	sdelay $0x4  }
0xa9: {  	v1 =	vand.u32 $0xFFFF, v0;
	v0 =	vshrl.u32 v0, $0x10  }
0xaa: {  	[tilespmem:$0x16820] =	vst v1  }
0xab: {  	[tilespmem:$0x168A0] =	vst v0  }
0xac: {  	v0 =	vld [tilespmem:s25+$0x13F40];
	_ =	sdelay $0x4  }
0xad: {  	v1 =	vand.u32 $0xFFFF, v0;
	v0 =	vshrl.u32 v0, $0x10  }
0xae: {  	[tilespmem:$0x16830] =	vst v1  }
0xaf: {  	[tilespmem:$0x168B0] =	vst v0  }
0xb0: {  	v0 =	vld [tilespmem:s25+$0x13F50];
	_ =	sdelay $0x4  }
0xb1: {  	v1 =	vand.u32 $0xFFFF, v0;
	v0 =	vshrl.u32 v0, $0x10  }
0xb2: {  	[tilespmem:$0x16840] =	vst v1  }
0xb3: {  	[tilespmem:$0x168C0] =	vst v0  }
0xb4: {  	v0 =	vld [tilespmem:s25+$0x13F60];
	_ =	sdelay $0x4  }
0xb5: {  	v1 =	vand.u32 $0xFFFF, v0;
	v0 =	vshrl.u32 v0, $0x10  }
0xb6: {  	[tilespmem:$0x16850] =	vst v1  }
0xb7: {  	[tilespmem:$0x168D0] =	vst v0  }
0xb8: {  	v0 =	vld [tilespmem:s25+$0x13F70];
	_ =	sdelay $0x4  }
0xb9: {  	v1 =	vand.u32 $0xFFFF, v0;
	v0 =	vshrl.u32 v0, $0x10  }
0xba: {  	[tilespmem:$0x16860] =	vst v1  }
0xbb: {  	[tilespmem:$0x168E0] =	vst v0  }
0xbc: {  	v0 =	vld [tilespmem:s25+$0x13F80];
	_ =	sdelay $0x4  }
0xbd: {  	v1 =	vand.u32 $0xFFFF, v0;
	v0 =	vshrl.u32 v0, $0x10  }
0xbe: {  	[tilespmem:$0x16870] =	vst v1  }
0xbf: {  	[tilespmem:$0x168F0] =	vst v0  }
0xc0: {  	[tilespmem:s15], [sflag:$0x1] =	stream.indirect.gather [hbm4b:s4+s13], $0x80, s14, s13, $0xb8;
	[tilespmem:$0x1EA00] =	vst v63  }
0xc1: {  	_ =	swait.ge [sflag:s18], $0x4000  }
0xc2: {  	[sflag:s18] =	ssyncset.done $0x0  }
0xc3: {  	[sflag:s18] =	ssyncadd.s32 $0xFFFFC000  }
0xc4: {  	[spmem:s2] =	stream.indirect.scatter.add.f32 [tilespmem:s15], [sflag:$0x3], $0x80, s19, s13, $0xb8;
	[tilespmem:$0x1EA00] =	vst v63  }
0xc5: {  	_ =	swait.ge [sflag:s23], $0x4000  }
0xc6: {  	[sflag:s23] =	ssyncset.done $0x0  }
0xc7: {  	[sflag:s23] =	ssyncadd.s32 $0xFFFFC000  }
0xc8: {  	v0 =	vld [tilespmem:s25+$0x13F90];
	_ =	sdelay $0x4  }
0xc9: {  	v1 =	vand.u32 $0xFFFF, v0;
	v0 =	vshrl.u32 v0, $0x10  }
0xca: {  	[tilespmem:$0x16900] =	vst v1  }
0xcb: {  	[tilespmem:$0x16980] =	vst v0  }
0xcc: {  	v0 =	vld [tilespmem:s25+$0x13FA0];
	_ =	sdelay $0x4  }
0xcd: {  	v1 =	vand.u32 $0xFFFF, v0;
	v0 =	vshrl.u32 v0, $0x10  }
0xce: {  	[tilespmem:$0x16910] =	vst v1  }
0xcf: {  	[tilespmem:$0x16990] =	vst v0  }
0xd0: {  	v0 =	vld [tilespmem:s25+$0x13FB0];
	_ =	sdelay $0x4  }
0xd1: {  	v1 =	vand.u32 $0xFFFF, v0;
	v0 =	vshrl.u32 v0, $0x10  }
0xd2: {  	[tilespmem:$0x16920] =	vst v1  }
0xd3: {  	[tilespmem:$0x169A0] =	vst v0  }
0xd4: {  	v0 =	vld [tilespmem:s25+$0x13FC0];
	_ =	sdelay $0x4  }
0xd5: {  	v1 =	vand.u32 $0xFFFF, v0;
	v0 =	vshrl.u32 v0, $0x10  }
0xd6: {  	[tilespmem:$0x16930] =	vst v1  }
0xd7: {  	[tilespmem:$0x169B0] =	vst v0  }
0xd8: {  	v0 =	vld [tilespmem:s25+$0x13FD0];
	_ =	sdelay $0x4  }
0xd9: {  	v1 =	vand.u32 $0xFFFF, v0;
	v0 =	vshrl.u32 v0, $0x10  }
0xda: {  	[tilespmem:$0x16940] =	vst v1  }
0xdb: {  	[tilespmem:$0x169C0] =	vst v0  }
0xdc: {  	v0 =	vld [tilespmem:s25+$0x13FE0];
	_ =	sdelay $0x2  }
.Ltmp0:
0xdd: {  	(pc) =	sbr.rel @p0 .LBB2_2-.Ltmp0, $4  }
0xde: {  	_ = 	snop  }
0xdf: {  	v1 =	vand.u32 $0xFFFF, v0;
	v0 =	vshrl.u32 v0, $0x10  }
0xe0: {  	[tilespmem:$0x16950] =	vst v1  }
0xe1: {  	[tilespmem:$0x169D0] =	vst v0  }
0xe2: {  	v0 =	vld [tilespmem:s25+$0x13FF0];
	_ =	sdelay $0x4  }
0xe3: {  	v1 =	vand.u32 $0xFFFF, v0  }
0xe4: {  	v0 =	vshrl.u32 v0, $0x10;
	[tilespmem:$0x16960] =	vst v1  }
0xe5: {  	[tilespmem:$0x169E0] =	vst v0  }
0xe6: {  	v0 =	vld [tilespmem:s25+$0x14000];
	_ =	sdelay $0x4  }
0xe7: {  	v63 =	vand.u32 $0xFFFF, v0  }
0xe8: {  	v0 =	vshrl.u32 v0, $0x10;
	[tilespmem:$0x16970] =	vst v63  }
0xe9: {  	[tilespmem:$0x169F0] =	vst v0  }
0xea: {  	[tilespmem:s17], [sflag:$0x2] =	stream.indirect.gather [hbm4b:s4+s13], $0x80, s16, s13, $0xb8;
	[tilespmem:$0x1EA00] =	vst v63  }
0xeb: {  	_ =	swait.ge [sflag:s20], $0x4000  }
0xec: {  	[sflag:s20] =	ssyncset.done $0x0  }
0xed: {  	[sflag:s20] =	ssyncadd.s32 $0xFFFFC000  }
0xee: {  	[spmem:s2] =	stream.indirect.scatter.add.f32 [tilespmem:s17], [sflag:$0x4], $0x80, s21, s13, $0xb8;
	[tilespmem:$0x1EA00] =	vst v63  }
0xef: {  	_ =	swait.ge [sflag:s22], $0x4000  }
0xf0: {  	[sflag:s22] =	ssyncset.done $0x0  }
0xf1: {  	[sflag:s22] =	ssyncadd.s32 $0xFFFFC000  }
0xf2: {  	_ =	swait.ge [sflag:s23], $0x4000  }
0xf3: {  	s24 =	sadd.s32 $0x1, s24;
	[sflag:s23] =	ssyncset.done $0x0  }
0xf4: {  	p0 =	sne.s32 s24, s8;
	[sflag:s23] =	ssyncadd.s32 $0xFFFFC000  }
.Ltmp1:
0xf5: {  	[bflag:$0x0] =	sbarrier.arrive $0xFFFF;
	(pc) =	sbr.rel @p0 .LBB2_1-.Ltmp1, $4  }
0xf6: {  	[hbm:s7], [sflag:s11] =	dma.local [spmem:s12], $0x2800  }
0xf7: {  	_ =	swait.ge [sflag:s10], $0x2800  }
0xf8: {  	[sflag:s10] =	ssyncset.done $0x0  }
0xf9: {  	[sflag:s10] =	ssyncadd.s32 $0xFFFFD800  }
0xfa: {  	_ =	sfence.sel $0x180000  }
0xfb: {  	[bflag:$0x0] =	sbarrier.arrive $0xFFFF  }
0xfc: {  	p0 =	sne.s32 s0, $0x0;
	_ =	strace $0x9000004D  }
0xfd: {  	s0 =	sadd.s32 @!p0 $0x100000, s1;
	[bflag:$0x2] =	sbarrier.arrive $0xFFFF  }
0xfe: {  	[sflag:s0] =	ssyncadd.tile.s32 @!p0 $0x1;
	_ =	shalt  }
.Lfunc_end2:
_tile_overlayer_lowered:
.L_overlay_start_2:
0xff: {  	(tag) =	ssettag $0x2  }
0x100: {  	s0 =	rddreg [dreg:$0x0];
	s2 =	stileid.u32  }
0x101: {  	s1 =	rddreg [dreg:$0x1];
	p0 =	sne.s32 s2, $0x0  }
0x102: {  	s3 =	rddreg [dreg:$0x2];
	[bflag:$0x3] =	sbarrier.arrive $0xFFFF;
	s2 =	simm.s32 @!p0 $0x1C05  }
0x103: {  	[timem:s3], [sflag:s2] =	dma.local @!p0 [hbm:s0], s1  }
0x104: {  	s0 =	simm.s32 @!p0 $0x5  }
0x105: {  	_ =	swait.ge @!p0 [sflag:s0], s1  }
0x106: {  	s1 =	ssub.s32 @!p0 $0x0, s1;
	[sflag:s0] =	ssyncset.done @!p0 $0x0  }
0x107: {  	[sflag:s0] =	ssyncadd.s32 @!p0 s1  }
0x108: {  	[bflag:$0x3] =	sbarrier.arrive $0xFFFF  }
0x109: {  	_ =	shalt  }

// kernel: kernel.19.cloned.1.call-start
scs
__scs_entry_jumppad:
0x0: {  	(pc) =	sbr.rel $0x88, $3  }
0x1: {  	(tag) =	ssettag $0x0;
	lr =	simm.s32 $0x1  }
0x2: {  	[smem:$0x3F96] =	sst lr;
	_ =	strace $0xD0000000  }
0x3: {  	_ = 	snop  }
0x4: {  	_ = 	snop  }
0x5: {  	_ = 	snop  }
0x6: {  	_ = 	snop  }
0x7: {  	_ = 	snop  }
__scs_overlays_trampoline_lowered:
0x8: {  	[smem:$0x3FA5] =	sst s0  }
0x9: {  	[smem:$0x3FA6] =	sst s1  }
0xa: {  	[smem:$0x3FA7] =	sst s2  }
0xb: {  	[smem:$0x3FA8] =	sst s3  }
0xc: {  	[smem:$0x3FA9] =	sst s4  }
0xd: {  	[smem:$0x3FAA] =	sst s5  }
0xe: {  	[smem:$0x3FAB] =	sst s6  }
0xf: {  	[smem:$0x3FAC] =	sst s7  }
0x10: {  	[smem:$0x3FAD] =	sst s8  }
0x11: {  	[smem:$0x3FAE] =	sst s9;
	s0 =	simm.s32 @!p0 $0x0  }
0x12: {  	s1 =	sld [smem:$0x3F94];
	s0 =	simm.s32 @p0 $0x1  }
0x13: {  	[smem:$0x3FAF] =	sst s0;
	s0 =	simm.s32 @!p1 $0x0  }
0x14: {  	s2 =	sld [smem:$0x3F93];
	s0 =	simm.s32 @p1 $0x1  }
0x15: {  	[smem:$0x3FB0] =	sst s0;
	s0 =	simm.s32 @!p2 $0x0  }
0x16: {  	s3 =	sld [smem:$0x3FDB];
	s0 =	simm.s32 @p2 $0x1  }
0x17: {  	s4 =	simm.s32 $0x1BF5;
	[smem:$0x3FB2] =	sst s0  }
0x18: {  	s0 =	sld [smem:$0x3F95];
	_ =	swait.ge [sflag:s4], $0x0  }
0x19: {  	s7 =	sld [smem:$0x3F96]  }
0x1a: {  	s8 =	sadd.s32 $0xFFFFE003, lr  }
0x1b: {  	s9 =	sadd.s32 $0xFFFFFEF7, lr;
	s5 =	simm.s32 $0xFFFFFFFF;
	p2 =	slt.u32 s8, $0xFFFFF086  }
0x1c: {  	p1 =	slt.u32 s9, $0xF7A;
	s5 =	simm.s32 @!p2 $0x0  }
0x1d: {  	s5 =	simm.s32 @p1 $0x1;
	p0 =	seq.s32 s7, s2  }
0x1e: {  	s7 =	smul.u32 @!p0 $0xF7A, s2;
	p2 =	seq.s32 @!p0 s5, $0x0  }
0x1f: {  	s9 =	smul.u32 $0xF7A, s1;
	s8 =	simm.s32 @!p0 $0x1BF5;
	p2 =	por !p2, p0  }
0x20: {  	[sflag:s8] =	ssyncset.s32 @!p0 $0xFFFFF086;
	s6 =	sadd.s32 @!p0 s3, s7;
	s7 =	simm.s32 @!p0 $0x108  }
0x21: {  	s3 =	sadd.s32 s3, s9;
	s6 =	sadd.s32 @!p0 $0x88, s6;
	s7 =	simm.s32 @p2 $0x1082  }
0x22: {  	[simem:s7], [sflag:s8] =	dma.local @!p0 [hbm:s6], $0xF7A  }
0x23: {  	s9 =	sor.u32 $0xD0000000, s2;
	s6 =	simm.s32 $0x108;
	_ =	swait.ge @!p0 [sflag:s8], $0x0  }
0x24: {  	s3 =	sadd.s32 $0x88, s3;
	s6 =	simm.s32 @!p1 $0x1082;
	[sflag:s4] =	ssyncset.s32 $0xFFFFF086  }
0x25: {  	[simem:s6], [sflag:s4] =	dma.local [hbm:s3], $0xF7A  }
0x26: {  	[smem:$0x3F96] =	sst s1;
	(tag) =	ssettag s2;
	_ =	strace s9  }
0x27: {  	s1 =	sld [smem:$0x3FA6]  }
0x28: {  	s2 =	sld [smem:$0x3FA7]  }
0x29: {  	s4 =	sld [smem:$0x3FA9]  }
0x2a: {  	p0 =	seq.s32 s5, $0x0;
	s5 =	sld [smem:$0x3FAA]  }
0x2b: {  	s6 =	sld [smem:$0x3FAB]  }
0x2c: {  	s7 =	sld [smem:$0x3FAC]  }
0x2d: {  	s3 =	simm.s32 $0x108;
	s8 =	sld [smem:$0x3FAD]  }
0x2e: {  	s3 =	simm.s32 @!p0 $0x1082;
	s9 =	sld [smem:$0x3FAE]  }
0x2f: {  	lr =	sadd.s32 s0, s3;
	s0 =	sld [smem:$0x3FA5]  }
0x30: {  	s3 =	sld [smem:$0x3FA8]  }
0x31: {  	[smem:$0x3FB1] =	sst s10  }
0x32: {  	s10 =	sld [smem:$0x3FAF];
	_ =	sdelay $0x3  }
0x33: {  	p0 =	seq.s32 s10, $0x1;
	s10 =	sld [smem:$0x3FB1];
	_ =	sdelay $0x3  }
0x34: {  	[smem:$0x3FB1] =	sst s10  }
0x35: {  	s10 =	sld [smem:$0x3FB0];
	_ =	sdelay $0x3  }
0x36: {  	p1 =	seq.s32 s10, $0x1;
	s10 =	sld [smem:$0x3FB1];
	_ =	sdelay $0x3  }
0x37: {  	[smem:$0x3FB1] =	sst s10  }
0x38: {  	s10 =	sld [smem:$0x3FB2]  }
0x39: {  	_ = 	snop;
	(pc) =	sbr.ind lr, $3  }
0x3a: {  	_ = 	snop  }
0x3b: {  	_ = 	snop  }
0x3c: {  	p2 =	seq.s32 s10, $0x1;
	s10 =	sld [smem:$0x3FB1]  }
0x3d: {  	_ =	shalt  }
0x3e: {  	_ =	shalt  }
0x3f: {  	_ =	shalt  }
0x40: {  	_ =	shalt  }
0x41: {  	_ =	shalt  }
0x42: {  	_ =	shalt  }
0x43: {  	_ =	shalt  }
0x44: {  	_ =	shalt  }
0x45: {  	_ =	shalt  }
0x46: {  	_ =	shalt  }
0x47: {  	_ =	shalt  }
0x48: {  	_ =	shalt  }
0x49: {  	_ =	shalt  }
0x4a: {  	_ =	shalt  }
0x4b: {  	_ =	shalt  }
0x4c: {  	_ =	shalt  }
0x4d: {  	_ =	shalt  }
0x4e: {  	_ =	shalt  }
0x4f: {  	_ =	shalt  }
0x50: {  	_ =	shalt  }
0x51: {  	_ =	shalt  }
0x52: {  	_ =	shalt  }
0x53: {  	_ =	shalt  }
0x54: {  	_ =	shalt  }
0x55: {  	_ =	shalt  }
0x56: {  	_ =	shalt  }
0x57: {  	_ =	shalt  }
0x58: {  	_ =	shalt  }
0x59: {  	_ =	shalt  }
0x5a: {  	_ =	shalt  }
0x5b: {  	_ =	shalt  }
0x5c: {  	_ =	shalt  }
0x5d: {  	_ =	shalt  }
0x5e: {  	_ =	shalt  }
0x5f: {  	_ =	shalt  }
0x60: {  	_ =	shalt  }
0x61: {  	_ =	shalt  }
0x62: {  	_ =	shalt  }
0x63: {  	_ =	shalt  }
0x64: {  	_ =	shalt  }
0x65: {  	_ =	shalt  }
0x66: {  	_ =	shalt  }
0x67: {  	_ =	shalt  }
0x68: {  	_ =	shalt  }
0x69: {  	_ =	shalt  }
0x6a: {  	_ =	shalt  }
0x6b: {  	_ =	shalt  }
0x6c: {  	_ =	shalt  }
0x6d: {  	_ =	shalt  }
0x6e: {  	_ =	shalt  }
0x6f: {  	_ =	shalt  }
0x70: {  	_ =	shalt  }
0x71: {  	_ =	shalt  }
0x72: {  	_ =	shalt  }
0x73: {  	_ =	shalt  }
0x74: {  	_ =	shalt  }
0x75: {  	_ =	shalt  }
0x76: {  	_ =	shalt  }
0x77: {  	_ =	shalt  }
0x78: {  	_ =	shalt  }
0x79: {  	_ =	shalt  }
0x7a: {  	_ =	shalt  }
0x7b: {  	_ =	shalt  }
0x7c: {  	_ =	shalt  }
0x7d: {  	_ =	shalt  }
0x7e: {  	_ =	shalt  }
0x7f: {  	_ =	shalt  }
0x80: {  	_ =	shalt  }
0x81: {  	_ =	shalt  }
0x82: {  	_ =	shalt  }
0x83: {  	_ =	shalt  }
0x84: {  	_ =	shalt  }
0x85: {  	_ =	shalt  }
0x86: {  	_ =	shalt  }
0x87: {  	_ =	shalt  }
.Lfunc_end0:
.L_simem_size_0:
called_computation.3_lowered:
.L_overlay_start_0:
0x88: {  	s2 =	sld [smem:$0x3FD9]  }
0x89: {  	s3 =	sld [smem:$0x3FFE];
	_ =	sdelay $0x1  }
0x8a: {  	s1 =	srdreg.scid  }
0x8b: {  	s0 =	sand.u32 $0x1, s1  }
0x8c: {  	s16 =	sshll.u32 s0, $0xA;
	s2 =	sadd.s32 s3, s2  }
0x8d: {  	s2 =	sadd.s32 s2, s16  }
0x8e: {  	[smem:$0x3FBD] =	sst s2  }
0x8f: {  	_ = 	snop  }
0x90: {  	(tm) =	ssettm $0x1  }
0x91: {  	s17 =	sld [smem:$0x3FFB];
	_ =	sdelay $0x3  }
0x92: {  	_ =	strace s17  }
0x93: {  	s2 =	sld [smem:$0x3FFC];
	_ =	sdelay $0x3  }
0x94: {  	_ =	strace s2  }
0x95: {  	s2 =	sld [smem:$0x3FFD];
	_ =	sdelay $0x3  }
0x96: {  	_ =	strace s2  }
0x97: {  	_ =	strace $0x8FFFFFFF  }
0x98: {  	s18 =	sld [smem:$0x3FDB];
	_ =	sdelay $0x1  }
0x99: {  	s19 =	simm.s32 $_scs_section_size  }
0x9a: {  	s4 =	simm.s32 $_size__tile_overlayer_lowered;
	s5 =	simm.s32 $_tile_overlayer_lowered  }
0x9b: {  	s22 =	simm.s32 $0x1BFF;
	s21 =	sshll.u32 s5, $0x1;
	s2 =	sadd.s32 s19, s18  }
0x9c: {  	s6 =	simm.s32 $0x0;
	s20 =	sshll.u32 s4, $0x1;
	s4 =	sadd.s32 s21, s2  }
0x9d: {  	[timem:s6], [sflag:s22] =	dma.local [hbm:s4], s20  }
0x9e: {  	_ =	swait.ge [sflag:s22], s20  }
0x9f: {  	s3 =	ssub.s32 $0x0, s20;
	[sflag:s22] =	ssyncset.done $0x0  }
0xa0: {  	[sflag:s22] =	ssyncadd.s32 s3;
	_ =	sdelay $0x1  }
0xa1: {  	s23 =	simm.s32 $0x1B8B  }
0xa2: {  	_ =	swait.ge [sflag:s23], $0x1  }
0xa3: {  	[sflag:s23] =	ssyncset.done $0x0  }
0xa4: {  	s25 =	simm.s32 $0x1B8E;
	s24 =	sld [smem:$0x3FFE];
	[sflag:s23] =	ssyncadd.s32 $0xFFFFFFFF  }
0xa5: {  	s26 =	simm.s32 $execute0_lowered;
	[smem:$0x3FD2] =	sst s25  }
0xa6: {  	s4 =	sshll.u32 s26, $0x1;
	_ =	strace $0x8000004F;
	[dreg:$0x1] =	wrdreg $0xFFFFFFFF  }
0xa7: {  	s28 =	simm.s32 $_size_execute0_lowered;
	s2 =	sadd.s32 s2, s4;
	[dreg:$0x0] =	wrdreg $0x0  }
0xa8: {  	s4 =	sshll.u32 s28, $0x1;
	[dreg:$0x2] =	wrdreg s2  }
0xa9: {  	[dreg:$0x3] =	wrdreg s4  }
0xaa: {  	[dreg:$0x4] =	wrdreg $0xC0  }
0xab: {  	_ =	task [dreg:s6], $0x5FFFF  }
0xac: {  	[dreg:$0x1] =	wrdreg $0xFFFFFFFF  }
0xad: {  	[dreg:$0x0] =	wrdreg $0x60  }
0xae: {  	[dreg:$0x2] =	wrdreg s24  }
0xaf: {  	[dreg:$0x3] =	wrdreg $0x0  }
0xb0: {  	[dreg:$0x4] =	wrdreg $0x9  }
0xb1: {  	_ =	task.clear_ibuf [dreg:s6], $0x5FFFF;
	_ =	strace $0x9000004F  }
0xb2: {  	s29 =	simm.s32 $0x9;
	_ =	strace $0x80000051  }
0xb3: {  	_ =	swait.ge [sflag:s29], $0x1  }
0xb4: {  	[sflag:s29] =	ssyncadd.s32 $0xFFFFFFFF  }
0xb5: {  	_ =	strace $0x90000051  }
0xb6: {  	_ =	sfence  }
0xb7: {  	s30 =	sld [smem:$0x0];
	_ =	sdelay $0x2  }
0xb8: {  	s31 =	sshll.u32 s1, $0xD;
	s1 =	sshrl.u32 s1, $0x2  }
0xb9: {  	s3 =	sand.u32 $0x4000, s31;
	s1 =	sadd.s32 s1, s30  }
0xba: {  	s0 =	sor.u32 s3, s0;
	s1 =	sshll.u32 s1, $0x11  }
0xbb: {  	s0 =	sor.u32 s1, s0  }
0xbc: {  	s0 =	sadd.s32 $0x8F2B, s0  }
0xbd: {  	[sflag:s0] =	ssyncadd.remote.s32 $0x1  }
0xbe: {  	_ =	sfence.sel $0xFFFF  }
0xbf: {  	[dreg:$0x0] =	wrdreg $0xFFFFFFFF;
	(pc) =	sbr.abs _section_cstart, $3  }
0xc0: {  	[dreg:$0x1] =	wrdreg $0xFFFFFFFF  }
0xc1: {  	_ =	task.clear_ibuf [dreg:s6], $0x2FFFF;
	_ =	strace $0x9FFFFFFF  }
0xc2: {  	(tm) =	ssettm $0x7FFFFFFF  }
0xc3: {  	_ =	shalt  }
tec
execute0_lowered:
.L_overlay_start_1:
0x0: {  	(tag) =	ssettag $0x1  }
0x1: {  	s6 =	rddreg [dreg:$0x0]  }
0x2: {  	s0 =	srdreg.scid;
	s2 =	rddreg [dreg:$0x1];
	s3 =	simm.s32 $0x0  }
0x3: {  	s13 =	simm.s32 $0x80;
	s14 =	simm.s32 $0x16800;
	s15 =	simm.s32 $0x16A00  }
0x4: {  	s16 =	simm.s32 $0x16900;
	s17 =	simm.s32 $0x1AA00;
	s18 =	simm.s32 $0x1  }
0x5: {  	s19 =	simm.s32 $0x16880;
	s20 =	simm.s32 $0x2;
	s21 =	simm.s32 $0x16980  }
0x6: {  	s22 =	simm.s32 $0x3;
	s23 =	simm.s32 $0x4;
	s5 =	sand.u32 $0x1, s0  }
0x7: {  	s24 =	simm.s32 $0x0;
	s0 =	stileid.u32;
	s8 =	smul.u32 $0x140000, s5  }
0x8: {  	[smem:$0x7FF] =	sst s3;
	s4 =	sadd.s32 $0x17E00, s6;
	s9 =	smul.u32 $0x14000, s0  }
0x9: {  	s1 =	sshll.u32 s5, $0x4;
	s30 =	ssub.s32 $0x2, s5;
	s10 =	smul.u32 $0x50000, s0  }
0xa: {  	s5 =	sadd.s32 $0x3E00, s6;
	s31 =	sshll.u32 s0, $0x6;
	s1 =	sor.u32 s0, s1  }
0xb: {  	s11 =	sshrl.u32 s30, $0x1;
	s7 =	smul.u32 $0x500, s1;
	s1 =	rddreg [dreg:$0x2]  }
0xc: {  	_ =	strace $0x80000050;
	s8 =	sadd.s32 s9, s8;
	s9 =	ssub.s32 s30, s11  }
0xd: {  	s10 =	sshrl.u32 s10, $0x2;
	s11 =	sor.u32 $0x1C05, s31;
	s8 =	sshrl.u32 s8, $0x3  }
0xe: {  	s12 =	sadd.s32 s10, s2;
	s10 =	simm.s32 $0x5;
	s7 =	sadd.s32 s7, s6  }
0xf: {  	s8 =	sadd.s32 s8, s6;
	s12 =	sshrl.u32 s12, $0x3;
	s6 =	sadd.s32 $0xDE00, s7  }
0x10: {  	s7 =	sadd.s32 $0x3FE00, s8;
	s8 =	smax.u32 s9, $0x1;
	s9 =	simm.s32 $0x14000  }
.LBB2_1:
0x11: {  	[tilespmem:s9], [sflag:$0x5] =	stream.linear.gather [hbm4b:s6+s3], $0x2800, $0x38;
	[tilespmem:$0x1EA00] =	vst v63  }
0x12: {  	_ =	swait.ge [sflag:s10], $0x2800  }
0x13: {  	[sflag:s10] =	ssyncset.done $0x0  }
0x14: {  	[sflag:s10] =	ssyncadd.s32 $0xFFFFD800  }
0x15: {  	[spmem:s12], [sflag:s11] =	dma.local [hbm:s5], $0x2800  }
0x16: {  	_ =	swait.ge [sflag:s10], $0x2800  }
0x17: {  	[sflag:s10] =	ssyncset.done $0x0  }
0x18: {  	[sflag:s10] =	ssyncadd.s32 $0xFFFFD800  }
0x19: {  	[bflag:$0x0] =	sbarrier.arrive $0xFFFF  }
0x1a: {  	v0 =	vld [tilespmem:$0x14000];
	_ =	sdelay $0x1  }
0x1b: {  	v1 =	vld [tilespmem:$0x14010];
	_ =	sdelay $0x1  }
0x1c: {  	v2 =	vld [tilespmem:$0x14020]  }
0x1d: {  	v3 =	vand.u32 $0xFFFF, v0  }
0x1e: {  	v6 =	vld [tilespmem:$0x14030];
	v0 =	vshrl.u32 v0, $0x10;
	[tilespmem:$0x16800] =	vst v3  }
0x1f: {  	v7 =	vand.u32 $0xFFFF, v1;
	[tilespmem:$0x16880] =	vst v0  }
0x20: {  	v9 =	vld [tilespmem:$0x14040];
	v8 =	vshrl.u32 v1, $0x10;
	[tilespmem:$0x16810] =	vst v7  }
0x21: {  	v10 =	vand.u32 $0xFFFF, v2;
	[tilespmem:$0x16890] =	vst v8  }
0x22: {  	v12 =	vld [tilespmem:$0x14050];
	v11 =	vshrl.u32 v2, $0x10;
	[tilespmem:$0x16820] =	vst v10  }
0x23: {  	v13 =	vand.u32 $0xFFFF, v6;
	[tilespmem:$0x168A0] =	vst v11  }
0x24: {  	v15 =	vld [tilespmem:$0x14060];
	v14 =	vshrl.u32 v6, $0x10;
	[tilespmem:$0x16830] =	vst v13  }
0x25: {  	v16 =	vand.u32 $0xFFFF, v9;
	[tilespmem:$0x168B0] =	vst v14  }
0x26: {  	v18 =	vld [tilespmem:$0x14070];
	v17 =	vshrl.u32 v9, $0x10;
	[tilespmem:$0x16840] =	vst v16  }
0x27: {  	v19 =	vand.u32 $0xFFFF, v12;
	[tilespmem:$0x168C0] =	vst v17  }
0x28: {  	v20 =	vshrl.u32 v12, $0x10;
	[tilespmem:$0x16850] =	vst v19  }
0x29: {  	v21 =	vand.u32 $0xFFFF, v15;
	[tilespmem:$0x168D0] =	vst v20  }
0x2a: {  	v22 =	vshrl.u32 v15, $0x10;
	[tilespmem:$0x16860] =	vst v21  }
0x2b: {  	v23 =	vand.u32 $0xFFFF, v18;
	[tilespmem:$0x168E0] =	vst v22  }
0x2c: {  	v24 =	vshrl.u32 v18, $0x10;
	[tilespmem:$0x16870] =	vst v23  }
0x2d: {  	[tilespmem:$0x168F0] =	vst v24  }
0x2e: {  	[tilespmem:s15], [sflag:$0x1] =	stream.indirect.gather [hbm4b:s4+s13], $0x80, s14, s13, $0xb8;
	[tilespmem:$0x1EA00] =	vst v63  }
0x2f: {  	v25 =	vld [tilespmem:$0x14080];
	_ =	sdelay $0x1  }
0x30: {  	v26 =	vld [tilespmem:$0x14090];
	_ =	sdelay $0x1  }
0x31: {  	v27 =	vld [tilespmem:$0x140A0]  }
0x32: {  	v28 =	vand.u32 $0xFFFF, v25  }
0x33: {  	v29 =	vld [tilespmem:$0x140B0];
	v0 =	vshrl.u32 v25, $0x10;
	[tilespmem:$0x16900] =	vst v28  }
0x34: {  	v30 =	vand.u32 $0xFFFF, v26;
	[tilespmem:$0x16980] =	vst v0  }
0x35: {  	v32 =	vld [tilespmem:$0x140C0];
	v31 =	vshrl.u32 v26, $0x10;
	[tilespmem:$0x16910] =	vst v30  }
0x36: {  	v33 =	vand.u32 $0xFFFF, v27;
	[tilespmem:$0x16990] =	vst v31  }
0x37: {  	v35 =	vld [tilespmem:$0x140D0];
	v34 =	vshrl.u32 v27, $0x10;
	[tilespmem:$0x16920] =	vst v33  }
0x38: {  	v36 =	vand.u32 $0xFFFF, v29;
	[tilespmem:$0x169A0] =	vst v34  }
0x39: {  	v38 =	vld [tilespmem:$0x140E0];
	v37 =	vshrl.u32 v29, $0x10;
	[tilespmem:$0x16930] =	vst v36  }
0x3a: {  	v39 =	vand.u32 $0xFFFF, v32;
	[tilespmem:$0x169B0] =	vst v37  }
0x3b: {  	v41 =	vld [tilespmem:$0x140F0];
	v40 =	vshrl.u32 v32, $0x10;
	[tilespmem:$0x16940] =	vst v39  }
0x3c: {  	v42 =	vand.u32 $0xFFFF, v35;
	[tilespmem:$0x169C0] =	vst v40  }
0x3d: {  	v43 =	vshrl.u32 v35, $0x10;
	[tilespmem:$0x16950] =	vst v42  }
0x3e: {  	v44 =	vand.u32 $0xFFFF, v38;
	[tilespmem:$0x169D0] =	vst v43  }
0x3f: {  	v45 =	vshrl.u32 v38, $0x10;
	[tilespmem:$0x16960] =	vst v44  }
0x40: {  	v46 =	vand.u32 $0xFFFF, v41;
	[tilespmem:$0x169E0] =	vst v45  }
0x41: {  	v47 =	vshrl.u32 v41, $0x10;
	[tilespmem:$0x16970] =	vst v46  }
0x42: {  	[tilespmem:$0x169F0] =	vst v47  }
0x43: {  	[tilespmem:s17], [sflag:$0x2] =	stream.indirect.gather [hbm4b:s4+s13], $0x80, s16, s13, $0xb8;
	[tilespmem:$0x1EA00] =	vst v63  }
0x44: {  	_ =	swait.ge [sflag:s18], $0x4000  }
0x45: {  	[sflag:s18] =	ssyncset.done $0x0  }
0x46: {  	[sflag:s18] =	ssyncadd.s32 $0xFFFFC000  }
0x47: {  	[spmem:s2] =	stream.indirect.scatter.add.f32 [tilespmem:s15], [sflag:$0x3], $0x80, s19, s13, $0xb8;
	[tilespmem:$0x1EA00] =	vst v63  }
0x48: {  	_ =	swait.ge [sflag:s20], $0x4000  }
0x49: {  	[sflag:s20] =	ssyncset.done $0x0  }
0x4a: {  	[sflag:s20] =	ssyncadd.s32 $0xFFFFC000  }
0x4b: {  	[spmem:s2] =	stream.indirect.scatter.add.f32 [tilespmem:s17], [sflag:$0x4], $0x80, s21, s13, $0xb8;
	[tilespmem:$0x1EA00] =	vst v63  }
0x4c: {  	_ =	swait.ge [sflag:s22], $0x4000  }
0x4d: {  	[sflag:s22] =	ssyncset.done $0x0  }
0x4e: {  	s25 =	simm.s32 $0x1F0;
	[sflag:s22] =	ssyncadd.s32 $0xFFFFC000  }
0x4f: {  	v48 =	vld [tilespmem:s25+$0x13F10];
	_ =	sdelay $0x4  }
0x50: {  	v49 =	vand.u32 $0xFFFF, v48  }
0x51: {  	v0 =	vshrl.u32 v48, $0x10;
	[tilespmem:$0x16800] =	vst v49  }
0x52: {  	[tilespmem:$0x16880] =	vst v0  }
0x53: {  	v0 =	vld [tilespmem:s25+$0x13F20];
	_ =	sdelay $0x4  }
0x54: {  	v50 =	vand.u32 $0xFFFF, v0  }
0x55: {  	v0 =	vshrl.u32 v0, $0x10;
	[tilespmem:$0x16810] =	vst v50  }
0x56: {  	[tilespmem:$0x16890] =	vst v0  }
0x57: {  	v0 =	vld [tilespmem:s25+$0x13F30];
	_ =	sdelay $0x4  }
0x58: {  	v51 =	vand.u32 $0xFFFF, v0  }
0x59: {  	v0 =	vshrl.u32 v0, $0x10;
	[tilespmem:$0x16820] =	vst v51  }
0x5a: {  	[tilespmem:$0x168A0] =	vst v0  }
0x5b: {  	v0 =	vld [tilespmem:s25+$0x13F40];
	_ =	sdelay $0x4  }
0x5c: {  	v52 =	vand.u32 $0xFFFF, v0  }
0x5d: {  	v0 =	vshrl.u32 v0, $0x10;
	[tilespmem:$0x16830] =	vst v52  }
0x5e: {  	[tilespmem:$0x168B0] =	vst v0  }
0x5f: {  	v0 =	vld [tilespmem:s25+$0x13F50];
	_ =	sdelay $0x4  }
0x60: {  	v53 =	vand.u32 $0xFFFF, v0  }
0x61: {  	v0 =	vshrl.u32 v0, $0x10;
	[tilespmem:$0x16840] =	vst v53  }
0x62: {  	[tilespmem:$0x168C0] =	vst v0  }
0x63: {  	v0 =	vld [tilespmem:s25+$0x13F60];
	_ =	sdelay $0x4  }
0x64: {  	v54 =	vand.u32 $0xFFFF, v0  }
0x65: {  	v0 =	vshrl.u32 v0, $0x10;
	[tilespmem:$0x16850] =	vst v54  }
0x66: {  	[tilespmem:$0x168D0] =	vst v0  }
0x67: {  	v0 =	vld [tilespmem:s25+$0x13F70];
	_ =	sdelay $0x4  }
0x68: {  	v55 =	vand.u32 $0xFFFF, v0  }
0x69: {  	v0 =	vshrl.u32 v0, $0x10;
	[tilespmem:$0x16860] =	vst v55  }
0x6a: {  	[tilespmem:$0x168E0] =	vst v0  }
0x6b: {  	v0 =	vld [tilespmem:s25+$0x13F80];
	_ =	sdelay $0x4  }
0x6c: {  	v56 =	vand.u32 $0xFFFF, v0  }
0x6d: {  	v0 =	vshrl.u32 v0, $0x10;
	[tilespmem:$0x16870] =	vst v56  }
0x6e: {  	[tilespmem:$0x168F0] =	vst v0  }
0x6f: {  	[tilespmem:s15], [sflag:$0x1] =	stream.indirect.gather [hbm4b:s4+s13], $0x80, s14, s13, $0xb8;
	[tilespmem:$0x1EA00] =	vst v63  }
0x70: {  	_ =	swait.ge [sflag:s18], $0x4000  }
0x71: {  	[sflag:s18] =	ssyncset.done $0x0  }
0x72: {  	[sflag:s18] =	ssyncadd.s32 $0xFFFFC000  }
0x73: {  	[spmem:s2] =	stream.indirect.scatter.add.f32 [tilespmem:s15], [sflag:$0x3], $0x80, s19, s13, $0xb8;
	[tilespmem:$0x1EA00] =	vst v63  }
0x74: {  	_ =	swait.ge [sflag:s23], $0x4000  }
0x75: {  	[sflag:s23] =	ssyncset.done $0x0  }
0x76: {  	[sflag:s23] =	ssyncadd.s32 $0xFFFFC000  }
0x77: {  	v57 =	vld [tilespmem:s25+$0x13F90];
	_ =	sdelay $0x4  }
0x78: {  	v58 =	vand.u32 $0xFFFF, v57  }
0x79: {  	v0 =	vshrl.u32 v57, $0x10;
	[tilespmem:$0x16900] =	vst v58  }
0x7a: {  	[tilespmem:$0x16980] =	vst v0  }
0x7b: {  	v0 =	vld [tilespmem:s25+$0x13FA0];
	_ =	sdelay $0x4  }
0x7c: {  	v59 =	vand.u32 $0xFFFF, v0  }
0x7d: {  	v0 =	vshrl.u32 v0, $0x10;
	[tilespmem:$0x16910] =	vst v59  }
0x7e: {  	[tilespmem:$0x16990] =	vst v0  }
0x7f: {  	v0 =	vld [tilespmem:s25+$0x13FB0];
	_ =	sdelay $0x4  }
0x80: {  	v60 =	vand.u32 $0xFFFF, v0  }
0x81: {  	v0 =	vshrl.u32 v0, $0x10;
	[tilespmem:$0x16920] =	vst v60  }
0x82: {  	[tilespmem:$0x169A0] =	vst v0  }
0x83: {  	v0 =	vld [tilespmem:s25+$0x13FC0];
	_ =	sdelay $0x4  }
0x84: {  	v61 =	vand.u32 $0xFFFF, v0  }
0x85: {  	v0 =	vshrl.u32 v0, $0x10;
	[tilespmem:$0x16930] =	vst v61  }
0x86: {  	[tilespmem:$0x169B0] =	vst v0  }
0x87: {  	v0 =	vld [tilespmem:s25+$0x13FD0];
	_ =	sdelay $0x4  }
0x88: {  	v62 =	vand.u32 $0xFFFF, v0  }
0x89: {  	v0 =	vshrl.u32 v0, $0x10;
	[tilespmem:$0x16940] =	vst v62  }
0x8a: {  	[tilespmem:$0x169C0] =	vst v0  }
0x8b: {  	v0 =	vld [tilespmem:s25+$0x13FE0];
	_ =	sdelay $0x4  }
0x8c: {  	v63 =	vand.u32 $0xFFFF, v0  }
0x8d: {  	v0 =	vshrl.u32 v0, $0x10;
	[tilespmem:$0x16950] =	vst v63  }
0x8e: {  	s26 =	simm.s32 $0xBC0;
	[tilespmem:$0x169D0] =	vst v0  }
.LBB2_2:
0x8f: {  	p0 =	sne.s32 s26, $0x9FC0;
	v0 =	vld [tilespmem:s25+$0x13FF0];
	s28 =	smov.u32 s26;
	s26 =	sadd.s32 $0x400, s26  }
0x90: {  	_ =	sdelay $0x3  }
0x91: {  	v1 =	vand.u32 $0xFFFF, v0;
	v0 =	vshrl.u32 v0, $0x10  }
0x92: {  	[tilespmem:$0x16960] =	vst v1  }
0x93: {  	[tilespmem:$0x169E0] =	vst v0  }
0x94: {  	v0 =	vld [tilespmem:s25+$0x14000];
	_ =	sdelay $0x4  }
0x95: {  	v1 =	vand.u32 $0xFFFF, v0;
	v0 =	vshrl.u32 v0, $0x10  }
0x96: {  	[tilespmem:$0x16970] =	vst v1  }
0x97: {  	[tilespmem:$0x169F0] =	vst v0  }
0x98: {  	[tilespmem:s17], [sflag:$0x2] =	stream.indirect.gather [hbm4b:s4+s13], $0x80, s16, s13, $0xb8;
	[tilespmem:$0x1EA00] =	vst v63  }
0x99: {  	_ =	swait.ge [sflag:s20], $0x4000  }
0x9a: {  	[sflag:s20] =	ssyncset.done $0x0  }
0x9b: {  	[sflag:s20] =	ssyncadd.s32 $0xFFFFC000  }
0x9c: {  	[spmem:s2] =	stream.indirect.scatter.add.f32 [tilespmem:s17], [sflag:$0x4], $0x80, s21, s13, $0xb8;
	[tilespmem:$0x1EA00] =	vst v63  }
0x9d: {  	_ =	swait.ge [sflag:s22], $0x4000  }
0x9e: {  	[sflag:s22] =	ssyncset.done $0x0  }
0x9f: {  	s25 =	sshra.s32 s28, $0x2;
	[sflag:s22] =	ssyncadd.s32 $0xFFFFC000  }
0xa0: {  	v0 =	vld [tilespmem:s25+$0x13F10];
	_ =	sdelay $0x4  }
0xa1: {  	v1 =	vand.u32 $0xFFFF, v0;
	v0 =	vshrl.u32 v0, $0x10  }
0xa2: {  	[tilespmem:$0x16800] =	vst v1  }
0xa3: {  	[tilespmem:$0x16880] =	vst v0  }
0xa4: {  	v0 =	vld [tilespmem:s25+$0x13F20];
	_ =	sdelay $0x4  }
0xa5: {  	v1 =	vand.u32 $0xFFFF, v0;
	v0 =	vshrl.u32 v0, $0x10  }
0xa6: {  	[tilespmem:$0x16810] =	vst v1  }
0xa7: {  	[tilespmem:$0x16890] =	vst v0  }
0xa8: {  	v0 =	vld [tilespmem:s25+$0x13F30];
	_ =	sdelay $0x4  }
0xa9: {  	v1 =	vand.u32 $0xFFFF, v0;
	v0 =	vshrl.u32 v0, $0x10  }
0xaa: {  	[tilespmem:$0x16820] =	vst v1  }
0xab: {  	[tilespmem:$0x168A0] =	vst v0  }
0xac: {  	v0 =	vld [tilespmem:s25+$0x13F40];
	_ =	sdelay $0x4  }
0xad: {  	v1 =	vand.u32 $0xFFFF, v0;
	v0 =	vshrl.u32 v0, $0x10  }
0xae: {  	[tilespmem:$0x16830] =	vst v1  }
0xaf: {  	[tilespmem:$0x168B0] =	vst v0  }
0xb0: {  	v0 =	vld [tilespmem:s25+$0x13F50];
	_ =	sdelay $0x4  }
0xb1: {  	v1 =	vand.u32 $0xFFFF, v0;
	v0 =	vshrl.u32 v0, $0x10  }
0xb2: {  	[tilespmem:$0x16840] =	vst v1  }
0xb3: {  	[tilespmem:$0x168C0] =	vst v0  }
0xb4: {  	v0 =	vld [tilespmem:s25+$0x13F60];
	_ =	sdelay $0x4  }
0xb5: {  	v1 =	vand.u32 $0xFFFF, v0;
	v0 =	vshrl.u32 v0, $0x10  }
0xb6: {  	[tilespmem:$0x16850] =	vst v1  }
0xb7: {  	[tilespmem:$0x168D0] =	vst v0  }
0xb8: {  	v0 =	vld [tilespmem:s25+$0x13F70];
	_ =	sdelay $0x4  }
0xb9: {  	v1 =	vand.u32 $0xFFFF, v0;
	v0 =	vshrl.u32 v0, $0x10  }
0xba: {  	[tilespmem:$0x16860] =	vst v1  }
0xbb: {  	[tilespmem:$0x168E0] =	vst v0  }
0xbc: {  	v0 =	vld [tilespmem:s25+$0x13F80];
	_ =	sdelay $0x4  }
0xbd: {  	v1 =	vand.u32 $0xFFFF, v0;
	v0 =	vshrl.u32 v0, $0x10  }
0xbe: {  	[tilespmem:$0x16870] =	vst v1  }
0xbf: {  	[tilespmem:$0x168F0] =	vst v0  }
0xc0: {  	[tilespmem:s15], [sflag:$0x1] =	stream.indirect.gather [hbm4b:s4+s13], $0x80, s14, s13, $0xb8;
	[tilespmem:$0x1EA00] =	vst v63  }
0xc1: {  	_ =	swait.ge [sflag:s18], $0x4000  }
0xc2: {  	[sflag:s18] =	ssyncset.done $0x0  }
0xc3: {  	[sflag:s18] =	ssyncadd.s32 $0xFFFFC000  }
0xc4: {  	[spmem:s2] =	stream.indirect.scatter.add.f32 [tilespmem:s15], [sflag:$0x3], $0x80, s19, s13, $0xb8;
	[tilespmem:$0x1EA00] =	vst v63  }
0xc5: {  	_ =	swait.ge [sflag:s23], $0x4000  }
0xc6: {  	[sflag:s23] =	ssyncset.done $0x0  }
0xc7: {  	[sflag:s23] =	ssyncadd.s32 $0xFFFFC000  }
0xc8: {  	v0 =	vld [tilespmem:s25+$0x13F90];
	_ =	sdelay $0x4  }
0xc9: {  	v1 =	vand.u32 $0xFFFF, v0;
	v0 =	vshrl.u32 v0, $0x10  }
0xca: {  	[tilespmem:$0x16900] =	vst v1  }
0xcb: {  	[tilespmem:$0x16980] =	vst v0  }
0xcc: {  	v0 =	vld [tilespmem:s25+$0x13FA0];
	_ =	sdelay $0x4  }
0xcd: {  	v1 =	vand.u32 $0xFFFF, v0;
	v0 =	vshrl.u32 v0, $0x10  }
0xce: {  	[tilespmem:$0x16910] =	vst v1  }
0xcf: {  	[tilespmem:$0x16990] =	vst v0  }
0xd0: {  	v0 =	vld [tilespmem:s25+$0x13FB0];
	_ =	sdelay $0x4  }
0xd1: {  	v1 =	vand.u32 $0xFFFF, v0;
	v0 =	vshrl.u32 v0, $0x10  }
0xd2: {  	[tilespmem:$0x16920] =	vst v1  }
0xd3: {  	[tilespmem:$0x169A0] =	vst v0  }
0xd4: {  	v0 =	vld [tilespmem:s25+$0x13FC0];
	_ =	sdelay $0x4  }
0xd5: {  	v1 =	vand.u32 $0xFFFF, v0;
	v0 =	vshrl.u32 v0, $0x10  }
0xd6: {  	[tilespmem:$0x16930] =	vst v1  }
0xd7: {  	[tilespmem:$0x169B0] =	vst v0  }
0xd8: {  	v0 =	vld [tilespmem:s25+$0x13FD0];
	_ =	sdelay $0x4  }
0xd9: {  	v1 =	vand.u32 $0xFFFF, v0;
	v0 =	vshrl.u32 v0, $0x10  }
0xda: {  	[tilespmem:$0x16940] =	vst v1  }
0xdb: {  	[tilespmem:$0x169C0] =	vst v0  }
0xdc: {  	v0 =	vld [tilespmem:s25+$0x13FE0];
	_ =	sdelay $0x2  }
.Ltmp0:
0xdd: {  	(pc) =	sbr.rel @p0 .LBB2_2-.Ltmp0, $4  }
0xde: {  	_ = 	snop  }
0xdf: {  	v1 =	vand.u32 $0xFFFF, v0;
	v0 =	vshrl.u32 v0, $0x10  }
0xe0: {  	[tilespmem:$0x16950] =	vst v1  }
0xe1: {  	[tilespmem:$0x169D0] =	vst v0  }
0xe2: {  	v0 =	vld [tilespmem:s25+$0x13FF0];
	_ =	sdelay $0x4  }
0xe3: {  	v1 =	vand.u32 $0xFFFF, v0  }
0xe4: {  	v0 =	vshrl.u32 v0, $0x10;
	[tilespmem:$0x16960] =	vst v1  }
0xe5: {  	[tilespmem:$0x169E0] =	vst v0  }
0xe6: {  	v0 =	vld [tilespmem:s25+$0x14000];
	_ =	sdelay $0x4  }
0xe7: {  	v63 =	vand.u32 $0xFFFF, v0  }
0xe8: {  	v0 =	vshrl.u32 v0, $0x10;
	[tilespmem:$0x16970] =	vst v63  }
0xe9: {  	[tilespmem:$0x169F0] =	vst v0  }
0xea: {  	[tilespmem:s17], [sflag:$0x2] =	stream.indirect.gather [hbm4b:s4+s13], $0x80, s16, s13, $0xb8;
	[tilespmem:$0x1EA00] =	vst v63  }
0xeb: {  	_ =	swait.ge [sflag:s20], $0x4000  }
0xec: {  	[sflag:s20] =	ssyncset.done $0x0  }
0xed: {  	[sflag:s20] =	ssyncadd.s32 $0xFFFFC000  }
0xee: {  	[spmem:s2] =	stream.indirect.scatter.add.f32 [tilespmem:s17], [sflag:$0x4], $0x80, s21, s13, $0xb8;
	[tilespmem:$0x1EA00] =	vst v63  }
0xef: {  	_ =	swait.ge [sflag:s22], $0x4000  }
0xf0: {  	[sflag:s22] =	ssyncset.done $0x0  }
0xf1: {  	[sflag:s22] =	ssyncadd.s32 $0xFFFFC000  }
0xf2: {  	_ =	swait.ge [sflag:s23], $0x4000  }
0xf3: {  	s24 =	sadd.s32 $0x1, s24;
	[sflag:s23] =	ssyncset.done $0x0  }
0xf4: {  	p0 =	sne.s32 s24, s8;
	[sflag:s23] =	ssyncadd.s32 $0xFFFFC000  }
.Ltmp1:
0xf5: {  	[bflag:$0x0] =	sbarrier.arrive $0xFFFF;
	(pc) =	sbr.rel @p0 .LBB2_1-.Ltmp1, $4  }
0xf6: {  	[hbm:s7], [sflag:s11] =	dma.local [spmem:s12], $0x2800  }
0xf7: {  	_ =	swait.ge [sflag:s10], $0x2800  }
0xf8: {  	[sflag:s10] =	ssyncset.done $0x0  }
0xf9: {  	[sflag:s10] =	ssyncadd.s32 $0xFFFFD800  }
0xfa: {  	_ =	sfence.sel $0x180000  }
0xfb: {  	[bflag:$0x0] =	sbarrier.arrive $0xFFFF  }
0xfc: {  	p0 =	sne.s32 s0, $0x0;
	_ =	strace $0x90000050  }
0xfd: {  	s0 =	sadd.s32 @!p0 $0x100000, s1;
	[bflag:$0x2] =	sbarrier.arrive $0xFFFF  }
0xfe: {  	[sflag:s0] =	ssyncadd.tile.s32 @!p0 $0x1;
	_ =	shalt  }
.Lfunc_end2:
_tile_overlayer_lowered:
.L_overlay_start_2:
0xff: {  	(tag) =	ssettag $0x2  }
0x100: {  	s0 =	rddreg [dreg:$0x0];
	s2 =	stileid.u32  }
0x101: {  	s1 =	rddreg [dreg:$0x1];
	p0 =	sne.s32 s2, $0x0  }
0x102: {  	s3 =	rddreg [dreg:$0x2];
	[bflag:$0x3] =	sbarrier.arrive $0xFFFF;
	s2 =	simm.s32 @!p0 $0x1C05  }
0x103: {  	[timem:s3], [sflag:s2] =	dma.local @!p0 [hbm:s0], s1  }
0x104: {  	s0 =	simm.s32 @!p0 $0x5  }
0x105: {  	_ =	swait.ge @!p0 [sflag:s0], s1  }
0x106: {  	s1 =	ssub.s32 @!p0 $0x0, s1;
	[sflag:s0] =	ssyncset.done @!p0 $0x0  }
0x107: {  	[sflag:s0] =	ssyncadd.s32 @!p0 s1  }
0x108: {  	[bflag:$0x3] =	sbarrier.arrive $0xFFFF  }
0x109: {  	_ =	shalt  }

</sc_bundles>
